<compile_context>
chip_gen: v7x
topology: tpu7x:2x2x1
jax: 0.10.2.dev20260603
libtpu: 0.0.44.dev20260713+nightly
codegen_flags: <defaults>
</compile_context>

<pallas_src>
import functools

import jax
import jax.numpy as jnp
from jax import lax
from jax.experimental import pallas as pl
from jax.experimental.pallas import tpu as pltpu
from jax.experimental.pallas import tpu_sc as plsc

B = 16384
F = 26
H = 16
V = 1000000
OUT = F + H
NC, NS, L = 2, 16, 16
NW = NC * NS
BPW = B // NW
C = 128
NCHUNK = BPW // C

W = 16384
_TGRID = (V + W - 1) // W
VP = _TGRID * W


M8 = W // 8
_LOG_M8 = M8.bit_length() - 1


def _tp_body(in_ref, o_ref):
    t = in_ref[...].T
    o_ref[...] = jnp.concatenate(
        [t[m * M8:(m + 1) * M8, :] for m in range(8)], axis=1)


_transpose_tc = pl.pallas_call(
    _tp_body,
    grid=(_TGRID,),
    in_specs=[pl.BlockSpec((H, W), lambda i: (0, i))],
    out_specs=pl.BlockSpec((W * H // 128, 128), lambda i: (i, 0)),
    out_shape=jax.ShapeDtypeStruct((VP * H // 128, 128), jnp.float32),
)

_mesh = plsc.VectorSubcoreMesh(core_axis_name="c", subcore_axis_name="s")


@functools.partial(
    pl.kernel,
    out_type=jax.ShapeDtypeStruct((OUT, B), jnp.float32),
    mesh=_mesh,
    compiler_params=pltpu.CompilerParams(needs_layout_passes=False,
                                         use_tc_tiling_on_sc=False),
    scratch_types=[
        pltpu.VMEM((F * C,), jnp.int32),
        pltpu.VMEM((F * C,), jnp.int32),
        pltpu.VMEM((F * C,), jnp.float32),
        pltpu.VMEM((F * C, H), jnp.float32),
        pltpu.VMEM((F * C,), jnp.float32),
        pltpu.VMEM((OUT, C), jnp.float32),
        pltpu.SemaphoreType.DMA,
        pltpu.SemaphoreType.DMA,
    ],
)
def _fm_sc(valT_hbm, idxT_hbm, tab_hbm, wtab_hbm, outT_hbm,
           idx_v, idxp_v, val_v, rows_v, w_v, out_v, sem_g, sem_io):
    wid = lax.axis_index("s") * NC + lax.axis_index("c")
    rowidx = F + lax.iota(jnp.int32, L)

    def chunk_body(chunk, _):
        b0 = wid * BPW + chunk * C
        stage_cps = [pltpu.async_copy(idxT_hbm.at[f, pl.ds(b0, C)],
                                      idx_v.at[pl.ds(f * C, C)], sem_io)
                     for f in range(F)]
        stage_cps += [pltpu.async_copy(valT_hbm.at[f, pl.ds(b0, C)],
                                       val_v.at[pl.ds(f * C, C)], sem_io)
                      for f in range(F)]
        for cp in stage_cps:
            cp.wait()

        def perm_body(i, _):
            v = idx_v[pl.ds(i * L, L)]
            idxp_v[pl.ds(i * L, L)] = ((v & ~(W - 1))
                                       | ((v & (M8 - 1)) << 3)
                                       | ((v >> _LOG_M8) & 7))
            return 0

        lax.fori_loop(0, (F * C) // L, perm_body, 0)
        cp_rows = pltpu.async_copy(tab_hbm.at[idxp_v], rows_v, sem_g)
        cp_w = pltpu.async_copy(wtab_hbm.at[idx_v], w_v, sem_io)
        cp_rows.wait()
        cp_w.wait()

        def fm1_body(i, _):
            f = i // (C // L)
            c0 = (i % (C // L)) * L
            p0 = f * C + c0
            out_v[f, pl.ds(c0, L)] = w_v[pl.ds(p0, L)] * val_v[pl.ds(p0, L)]
            return 0

        lax.fori_loop(0, F * (C // L), fm1_body, 0)

        def fm2_body(q, _):
            cb = q * 4
            accs = [jnp.zeros((L,), jnp.float32) for _ in range(4)]
            acc2s = [jnp.zeros((L,), jnp.float32) for _ in range(4)]
            for f in range(F):
                for j in range(4):
                    p = f * C + cb + j
                    vv = plsc.load_gather(val_v, [jnp.full((L,), p, jnp.int32)])
                    ep = rows_v[p, :] * vv
                    accs[j] = accs[j] + ep
                    acc2s[j] = acc2s[j] + ep * ep
            for j in range(4):
                fm2 = 0.5 * (accs[j] * accs[j] - acc2s[j])
                plsc.store_scatter(out_v, [rowidx,
                                           jnp.full((L,), cb + j, jnp.int32)],
                                   fm2)
            return 0

        lax.fori_loop(0, C // 4, fm2_body, 0)
        pltpu.sync_copy(out_v, outT_hbm.at[:, pl.ds(b0, C)])
        return 0

    lax.fori_loop(0, NCHUNK, chunk_body, 0)


def kernel(feat_value, feat_index, embed_table, fm_1_weight_table):
    idxT = feat_index.astype(jnp.int32).T
    valT = feat_value.T
    tab_rm = _transpose_tc(embed_table.T).reshape(VP, H)
    outT = _fm_sc(valT, idxT, tab_rm, fm_1_weight_table)
    return outT.T

# --- scband reference (transcript-rebuilt; emitter-appended) ---
"""Pipeline reference for scband-fmlayer-76673756168556 (READ-ONLY COPY).

The authoritative reference and input builder live on the scoring server;
editing this copy changes nothing except your own understanding.
"""

import jax, jax.numpy as jnp
import numpy as np

VOCAB = 1000000
HIDDEN = 16
BATCH = 16384
FIELDS = 26


def setup_inputs(seed: int = 0) -> dict:
    key = jax.random.key(seed)
    k1, k2, k3, k4 = jax.random.split(key, 4)
    feat_value = jax.random.uniform(k1, (BATCH, FIELDS), dtype=jnp.float32)
    feat_index = jax.random.randint(k2, (BATCH, FIELDS), 0, VOCAB, dtype=jnp.int64)
    # Embedding table: keras 'uniform' initializer is U(-0.05, 0.05)
    embed_table = jax.random.uniform(k3, (VOCAB, HIDDEN), dtype=jnp.float32, minval=-0.05, maxval=0.05)
    # First-order weight table: random_normal mean 0 std 1
    fm_1_weight_table = jax.random.normal(k4, (VOCAB,), dtype=jnp.float32)
    return {
        "feat_value": feat_value,
        "feat_index": feat_index,
        "embed_table": embed_table,
        "fm_1_weight_table": fm_1_weight_table,
    }


def reference(feat_value, feat_index, embed_table, fm_1_weight_table):
    # First-order term: gather scalar weights and multiply elementwise
    fm_1_weight = jnp.take(fm_1_weight_table, feat_index, axis=0)  # [B, F]
    fm_1_factor = fm_1_weight * feat_value  # [B, F]

    # Second-order term
    embed = jnp.take(embed_table, feat_index, axis=0)  # [B, F, H]
    tmp = jnp.reshape(feat_value, (-1, feat_value.shape[-1], 1))  # [B, F, 1]
    embed_part = embed * tmp  # [B, F, H]
    second_factor_sum = jnp.sum(embed_part, axis=1)  # [B, H]
    second_factor_sum_square = jnp.square(second_factor_sum)  # [B, H]
    second_factor_square = jnp.square(embed_part)  # [B, F, H]
    second_factor_square_sum = jnp.sum(second_factor_square, axis=1)  # [B, H]
    fm_2_factor = 0.5 * (second_factor_sum_square - second_factor_square_sum)  # [B, H]

    return jnp.concatenate([fm_1_factor, fm_2_factor], axis=-1)  # [B, F+H]

if __name__ == "__main__":
    import jax
    _d = setup_inputs()
    print(jax.jit(kernel)(*tuple(_d.values())))

</pallas_src>

<mosaic_0001>
#map = affine_map<(d0, d1) -> (0, 0)>
#map1 = affine_map<(d0, d1) -> (0)>
module attributes {stable_mosaic.version = 14 : i64} {
  func.func @_fm_sc(%arg0: i32, %arg1: i32, %arg2: memref<26x16384xf32, #tpu.memory_space<hbm>>, %arg3: memref<26x16384xi32, #tpu.memory_space<hbm>>, %arg4: memref<1015808x16xf32, #tpu.memory_space<hbm>>, %arg5: memref<1000000xf32, #tpu.memory_space<hbm>>, %arg6: memref<42x16384xf32, #tpu.memory_space<hbm>>, %arg7: memref<3328xi32, #tpu.memory_space<vmem>>, %arg8: memref<3328xi32, #tpu.memory_space<vmem>>, %arg9: memref<3328xf32, #tpu.memory_space<vmem>>, %arg10: memref<3328x16xf32, #tpu.memory_space<vmem>>, %arg11: memref<3328xf32, #tpu.memory_space<vmem>>, %arg12: memref<42x128xf32, #tpu.memory_space<vmem>>, %arg13: memref<!tpu.dma_semaphore, #tpu.memory_space<semaphore_mem>>, %arg14: memref<!tpu.dma_semaphore, #tpu.memory_space<semaphore_mem>>) attributes {dimension_semantics = [#tpu.dimension_semantics<core_parallel>, #tpu.dimension_semantics<subcore_parallel>], iteration_bounds = array<i64: 2, 16>, scalar_prefetch = 0 : i64, scratch_operands = 8 : i64, tpu.core_type = #tpu.core_type<sc_vector_subcore>, window_params = [{transform_indices = #map}, {transform_indices = #map}, {transform_indices = #map}, {transform_indices = #map1}, {transform_indices = #map}]} {
    %mul3A = arith.constant 2 : i32
    %mul3A_0 = arith.muli %arg1, %mul3A : i32
    %add3A = arith.addi %mul3A_0, %arg0 : i32
    %iota3A = tpu.iota {dimensions = array<i32: 0>} : vector<16xi32>
    %add3A_1 = arith.constant 26 : i32
    %add3A_2 = vector.broadcast %add3A_1 : i32 to vector<16xi32>
    %add3A_3 = arith.addi %add3A_2, %iota3A : vector<16xi32>
    %scan3A = arith.constant 0 : i32
    %scan3A_4 = arith.constant 0 : i32
    %scan3A_5 = arith.constant 4 : i32
    %scan3A_6 = arith.addi %scan3A_4, %scan3A_5 : i32
    %scan3A_7 = arith.constant 1 : i32
    %scan3A_8 = scf.for %scan3A_10 = %scan3A_4 to %scan3A_6 step %scan3A_7 iter_args(%scan3A_11 = %scan3A) -> (i32)  : i32 {
      %mul3A_12 = arith.constant 512 : i32
      %mul3A_13 = arith.muli %add3A, %mul3A_12 : i32
      %mul3A_14 = arith.constant 128 : i32
      %mul3A_15 = arith.muli %scan3A_10, %mul3A_14 : i32
      %add3A_16 = arith.addi %mul3A_13, %mul3A_15 : i32
      %dma_start3A = arith.constant 0 : i32
      %dma_start3A_17 = arith.constant 0 : i32
      %dma_start3A_18 = tpu.memref_slice %arg7[%dma_start3A_17] : memref<3328xi32, #tpu.memory_space<vmem>> -> memref<128xi32, #tpu.memory_space<vmem>>
      %dma_start3A_19 = tpu.memref_slice %arg3[%dma_start3A, %add3A_16] : memref<26x16384xi32, #tpu.memory_space<hbm>> -> memref<1x128xi32, #tpu.memory_space<hbm>>
      %dma_start3A_20 = tpu.memref_squeeze %dma_start3A_19 : memref<1x128xi32, #tpu.memory_space<hbm>> -> memref<128xi32, #tpu.memory_space<hbm>>
      %dma_start3A_21 = arith.constant 0 : i32
      %dma_start3A_22 = tpu.memref_slice %arg7[%dma_start3A_21] : memref<3328xi32, #tpu.memory_space<vmem>> -> memref<128xi32, #tpu.memory_space<vmem>>
      %dma_start3A_23 = tpu.memref_slice %arg3[%dma_start3A, %add3A_16] : memref<26x16384xi32, #tpu.memory_space<hbm>> -> memref<1x128xi32, #tpu.memory_space<hbm>>
      %dma_start3A_24 = tpu.memref_squeeze %dma_start3A_23 : memref<1x128xi32, #tpu.memory_space<hbm>> -> memref<128xi32, #tpu.memory_space<hbm>>
      tpu.enqueue_dma source(%dma_start3A_24 : memref<128xi32, #tpu.memory_space<hbm>>) target(%dma_start3A_22 : memref<128xi32, #tpu.memory_space<vmem>>) target_semaphore(%arg14 : memref<!tpu.dma_semaphore, #tpu.memory_space<semaphore_mem>>)
      %dma_start3A_25 = arith.constant 1 : i32
      %dma_start3A_26 = arith.constant 128 : i32
      %dma_start3A_27 = tpu.memref_slice %arg7[%dma_start3A_26] : memref<3328xi32, #tpu.memory_space<vmem>> -> memref<128xi32, #tpu.memory_space<vmem>>
      %dma_start3A_28 = tpu.memref_slice %arg3[%dma_start3A_25, %add3A_16] : memref<26x16384xi32, #tpu.memory_space<hbm>> -> memref<1x128xi32, #tpu.memory_space<hbm>>
      %dma_start3A_29 = tpu.memref_squeeze %dma_start3A_28 : memref<1x128xi32, #tpu.memory_space<hbm>> -> memref<128xi32, #tpu.memory_space<hbm>>
      %dma_start3A_30 = arith.constant 128 : i32
      %dma_start3A_31 = tpu.memref_slice %arg7[%dma_start3A_30] : memref<3328xi32, #tpu.memory_space<vmem>> -> memref<128xi32, #tpu.memory_space<vmem>>
      %dma_start3A_32 = tpu.memref_slice %arg3[%dma_start3A_25, %add3A_16] : memref<26x16384xi32, #tpu.memory_space<hbm>> -> memref<1x128xi32, #tpu.memory_space<hbm>>
      %dma_start3A_33 = tpu.memref_squeeze %dma_start3A_32 : memref<1x128xi32, #tpu.memory_space<hbm>> -> memref<128xi32, #tpu.memory_space<hbm>>
      tpu.enqueue_dma source(%dma_start3A_33 : memref<128xi32, #tpu.memory_space<hbm>>) target(%dma_start3A_31 : memref<128xi32, #tpu.memory_space<vmem>>) target_semaphore(%arg14 : memref<!tpu.dma_semaphore, #tpu.memory_space<semaphore_mem>>)
      %dma_start3A_34 = arith.constant 2 : i32
      %dma_start3A_35 = arith.constant 256 : i32
      %dma_start3A_36 = tpu.memref_slice %arg7[%dma_start3A_35] : memref<3328xi32, #tpu.memory_space<vmem>> -> memref<128xi32, #tpu.memory_space<vmem>>
      %dma_start3A_37 = tpu.memref_slice %arg3[%dma_start3A_34, %add3A_16] : memref<26x16384xi32, #tpu.memory_space<hbm>> -> memref<1x128xi32, #tpu.memory_space<hbm>>
      %dma_start3A_38 = tpu.memref_squeeze %dma_start3A_37 : memref<1x128xi32, #tpu.memory_space<hbm>> -> memref<128xi32, #tpu.memory_space<hbm>>
      %dma_start3A_39 = arith.constant 256 : i32
      %dma_start3A_40 = tpu.memref_slice %arg7[%dma_start3A_39] : memref<3328xi32, #tpu.memory_space<vmem>> -> memref<128xi32, #tpu.memory_space<vmem>>
      %dma_start3A_41 = tpu.memref_slice %arg3[%dma_start3A_34, %add3A_16] : memref<26x16384xi32, #tpu.memory_space<hbm>> -> memref<1x128xi32, #tpu.memory_space<hbm>>
      %dma_start3A_42 = tpu.memref_squeeze %dma_start3A_41 : memref<1x128xi32, #tpu.memory_space<hbm>> -> memref<128xi32, #tpu.memory_space<hbm>>
      tpu.enqueue_dma source(%dma_start3A_42 : memref<128xi32, #tpu.memory_space<hbm>>) target(%dma_start3A_40 : memref<128xi32, #tpu.memory_space<vmem>>) target_semaphore(%arg14 : memref<!tpu.dma_semaphore, #tpu.memory_space<semaphore_mem>>)
      %dma_start3A_43 = arith.constant 3 : i32
      %dma_start3A_44 = arith.constant 384 : i32
      %dma_start3A_45 = tpu.memref_slice %arg7[%dma_start3A_44] : memref<3328xi32, #tpu.memory_space<vmem>> -> memref<128xi32, #tpu.memory_space<vmem>>
      %dma_start3A_46 = tpu.memref_slice %arg3[%dma_start3A_43, %add3A_16] : memref<26x16384xi32, #tpu.memory_space<hbm>> -> memref<1x128xi32, #tpu.memory_space<hbm>>
      %dma_start3A_47 = tpu.memref_squeeze %dma_start3A_46 : memref<1x128xi32, #tpu.memory_space<hbm>> -> memref<128xi32, #tpu.memory_space<hbm>>
      %dma_start3A_48 = arith.constant 384 : i32
      %dma_start3A_49 = tpu.memref_slice %arg7[%dma_start3A_48] : memref<3328xi32, #tpu.memory_space<vmem>> -> memref<128xi32, #tpu.memory_space<vmem>>
      %dma_start3A_50 = tpu.memref_slice %arg3[%dma_start3A_43, %add3A_16] : memref<26x16384xi32, #tpu.memory_space<hbm>> -> memref<1x128xi32, #tpu.memory_space<hbm>>
      %dma_start3A_51 = tpu.memref_squeeze %dma_start3A_50 : memref<1x128xi32, #tpu.memory_space<hbm>> -> memref<128xi32, #tpu.memory_space<hbm>>
      tpu.enqueue_dma source(%dma_start3A_51 : memref<128xi32, #tpu.memory_space<hbm>>) target(%dma_start3A_49 : memref<128xi32, #tpu.memory_space<vmem>>) target_semaphore(%arg14 : memref<!tpu.dma_semaphore, #tpu.memory_space<semaphore_mem>>)
      %dma_start3A_52 = arith.constant 4 : i32
      %dma_start3A_53 = arith.constant 512 : i32
      %dma_start3A_54 = tpu.memref_slice %arg7[%dma_start3A_53] : memref<3328xi32, #tpu.memory_space<vmem>> -> memref<128xi32, #tpu.memory_space<vmem>>
      %dma_start3A_55 = tpu.memref_slice %arg3[%dma_start3A_52, %add3A_16] : memref<26x16384xi32, #tpu.memory_space<hbm>> -> memref<1x128xi32, #tpu.memory_space<hbm>>
      %dma_start3A_56 = tpu.memref_squeeze %dma_start3A_55 : memref<1x128xi32, #tpu.memory_space<hbm>> -> memref<128xi32, #tpu.memory_space<hbm>>
      %dma_start3A_57 = arith.constant 512 : i32
      %dma_start3A_58 = tpu.memref_slice %arg7[%dma_start3A_57] : memref<3328xi32, #tpu.memory_space<vmem>> -> memref<128xi32, #tpu.memory_space<vmem>>
      %dma_start3A_59 = tpu.memref_slice %arg3[%dma_start3A_52, %add3A_16] : memref<26x16384xi32, #tpu.memory_space<hbm>> -> memref<1x128xi32, #tpu.memory_space<hbm>>
      %dma_start3A_60 = tpu.memref_squeeze %dma_start3A_59 : memref<1x128xi32, #tpu.memory_space<hbm>> -> memref<128xi32, #tpu.memory_space<hbm>>
      tpu.enqueue_dma source(%dma_start3A_60 : memref<128xi32, #tpu.memory_space<hbm>>) target(%dma_start3A_58 : memref<128xi32, #tpu.memory_space<vmem>>) target_semaphore(%arg14 : memref<!tpu.dma_semaphore, #tpu.memory_space<semaphore_mem>>)
      %dma_start3A_61 = arith.constant 5 : i32
      %dma_start3A_62 = arith.constant 640 : i32
      %dma_start3A_63 = tpu.memref_slice %arg7[%dma_start3A_62] : memref<3328xi32, #tpu.memory_space<vmem>> -> memref<128xi32, #tpu.memory_space<vmem>>
      %dma_start3A_64 = tpu.memref_slice %arg3[%dma_start3A_61, %add3A_16] : memref<26x16384xi32, #tpu.memory_space<hbm>> -> memref<1x128xi32, #tpu.memory_space<hbm>>
      %dma_start3A_65 = tpu.memref_squeeze %dma_start3A_64 : memref<1x128xi32, #tpu.memory_space<hbm>> -> memref<128xi32, #tpu.memory_space<hbm>>
      %dma_start3A_66 = arith.constant 640 : i32
      %dma_start3A_67 = tpu.memref_slice %arg7[%dma_start3A_66] : memref<3328xi32, #tpu.memory_space<vmem>> -> memref<128xi32, #tpu.memory_space<vmem>>
      %dma_start3A_68 = tpu.memref_slice %arg3[%dma_start3A_61, %add3A_16] : memref<26x16384xi32, #tpu.memory_space<hbm>> -> memref<1x128xi32, #tpu.memory_space<hbm>>
      %dma_start3A_69 = tpu.memref_squeeze %dma_start3A_68 : memref<1x128xi32, #tpu.memory_space<hbm>> -> memref<128xi32, #tpu.memory_space<hbm>>
      tpu.enqueue_dma source(%dma_start3A_69 : memref<128xi32, #tpu.memory_space<hbm>>) target(%dma_start3A_67 : memref<128xi32, #tpu.memory_space<vmem>>) target_semaphore(%arg14 : memref<!tpu.dma_semaphore, #tpu.memory_space<semaphore_mem>>)
      %dma_start3A_70 = arith.constant 6 : i32
      %dma_start3A_71 = arith.constant 768 : i32
      %dma_start3A_72 = tpu.memref_slice %arg7[%dma_start3A_71] : memref<3328xi32, #tpu.memory_space<vmem>> -> memref<128xi32, #tpu.memory_space<vmem>>
      %dma_start3A_73 = tpu.memref_slice %arg3[%dma_start3A_70, %add3A_16] : memref<26x16384xi32, #tpu.memory_space<hbm>> -> memref<1x128xi32, #tpu.memory_space<hbm>>
      %dma_start3A_74 = tpu.memref_squeeze %dma_start3A_73 : memref<1x128xi32, #tpu.memory_space<hbm>> -> memref<128xi32, #tpu.memory_space<hbm>>
      %dma_start3A_75 = arith.constant 768 : i32
      %dma_start3A_76 = tpu.memref_slice %arg7[%dma_start3A_75] : memref<3328xi32, #tpu.memory_space<vmem>> -> memref<128xi32, #tpu.memory_space<vmem>>
      %dma_start3A_77 = tpu.memref_slice %arg3[%dma_start3A_70, %add3A_16] : memref<26x16384xi32, #tpu.memory_space<hbm>> -> memref<1x128xi32, #tpu.memory_space<hbm>>
      %dma_start3A_78 = tpu.memref_squeeze %dma_start3A_77 : memref<1x128xi32, #tpu.memory_space<hbm>> -> memref<128xi32, #tpu.memory_space<hbm>>
      tpu.enqueue_dma source(%dma_start3A_78 : memref<128xi32, #tpu.memory_space<hbm>>) target(%dma_start3A_76 : memref<128xi32, #tpu.memory_space<vmem>>) target_semaphore(%arg14 : memref<!tpu.dma_semaphore, #tpu.memory_space<semaphore_mem>>)
      %dma_start3A_79 = arith.constant 7 : i32
      %dma_start3A_80 = arith.constant 896 : i32
      %dma_start3A_81 = tpu.memref_slice %arg7[%dma_start3A_80] : memref<3328xi32, #tpu.memory_space<vmem>> -> memref<128xi32, #tpu.memory_space<vmem>>
      %dma_start3A_82 = tpu.memref_slice %arg3[%dma_start3A_79, %add3A_16] : memref<26x16384xi32, #tpu.memory_space<hbm>> -> memref<1x128xi32, #tpu.memory_space<hbm>>
      %dma_start3A_83 = tpu.memref_squeeze %dma_start3A_82 : memref<1x128xi32, #tpu.memory_space<hbm>> -> memref<128xi32, #tpu.memory_space<hbm>>
      %dma_start3A_84 = arith.constant 896 : i32
      %dma_start3A_85 = tpu.memref_slice %arg7[%dma_start3A_84] : memref<3328xi32, #tpu.memory_space<vmem>> -> memref<128xi32, #tpu.memory_space<vmem>>
      %dma_start3A_86 = tpu.memref_slice %arg3[%dma_start3A_79, %add3A_16] : memref<26x16384xi32, #tpu.memory_space<hbm>> -> memref<1x128xi32, #tpu.memory_space<hbm>>
      %dma_start3A_87 = tpu.memref_squeeze %dma_start3A_86 : memref<1x128xi32, #tpu.memory_space<hbm>> -> memref<128xi32, #tpu.memory_space<hbm>>
      tpu.enqueue_dma source(%dma_start3A_87 : memref<128xi32, #tpu.memory_space<hbm>>) target(%dma_start3A_85 : memref<128xi32, #tpu.memory_space<vmem>>) target_semaphore(%arg14 : memref<!tpu.dma_semaphore, #tpu.memory_space<semaphore_mem>>)
      %dma_start3A_88 = arith.constant 8 : i32
      %dma_start3A_89 = arith.constant 1024 : i32
      %dma_start3A_90 = tpu.memref_slice %arg7[%dma_start3A_89] : memref<3328xi32, #tpu.memory_space<vmem>> -> memref<128xi32, #tpu.memory_space<vmem>>
      %dma_start3A_91 = tpu.memref_slice %arg3[%dma_start3A_88, %add3A_16] : memref<26x16384xi32, #tpu.memory_space<hbm>> -> memref<1x128xi32, #tpu.memory_space<hbm>>
      %dma_start3A_92 = tpu.memref_squeeze %dma_start3A_91 : memref<1x128xi32, #tpu.memory_space<hbm>> -> memref<128xi32, #tpu.memory_space<hbm>>
      %dma_start3A_93 = arith.constant 1024 : i32
      %dma_start3A_94 = tpu.memref_slice %arg7[%dma_start3A_93] : memref<3328xi32, #tpu.memory_space<vmem>> -> memref<128xi32, #tpu.memory_space<vmem>>
      %dma_start3A_95 = tpu.memref_slice %arg3[%dma_start3A_88, %add3A_16] : memref<26x16384xi32, #tpu.memory_space<hbm>> -> memref<1x128xi32, #tpu.memory_space<hbm>>
      %dma_start3A_96 = tpu.memref_squeeze %dma_start3A_95 : memref<1x128xi32, #tpu.memory_space<hbm>> -> memref<128xi32, #tpu.memory_space<hbm>>
      tpu.enqueue_dma source(%dma_start3A_96 : memref<128xi32, #tpu.memory_space<hbm>>) target(%dma_start3A_94 : memref<128xi32, #tpu.memory_space<vmem>>) target_semaphore(%arg14 : memref<!tpu.dma_semaphore, #tpu.memory_space<semaphore_mem>>)
      %dma_start3A_97 = arith.constant 9 : i32
      %dma_start3A_98 = arith.constant 1152 : i32
      %dma_start3A_99 = tpu.memref_slice %arg7[%dma_start3A_98] : memref<3328xi32, #tpu.memory_space<vmem>> -> memref<128xi32, #tpu.memory_space<vmem>>
      %dma_start3A_100 = tpu.memref_slice %arg3[%dma_start3A_97, %add3A_16] : memref<26x16384xi32, #tpu.memory_space<hbm>> -> memref<1x128xi32, #tpu.memory_space<hbm>>
      %dma_start3A_101 = tpu.memref_squeeze %dma_start3A_100 : memref<1x128xi32, #tpu.memory_space<hbm>> -> memref<128xi32, #tpu.memory_space<hbm>>
      %dma_start3A_102 = arith.constant 1152 : i32
      %dma_start3A_103 = tpu.memref_slice %arg7[%dma_start3A_102] : memref<3328xi32, #tpu.memory_space<vmem>> -> memref<128xi32, #tpu.memory_space<vmem>>
      %dma_start3A_104 = tpu.memref_slice %arg3[%dma_start3A_97, %add3A_16] : memref<26x16384xi32, #tpu.memory_space<hbm>> -> memref<1x128xi32, #tpu.memory_space<hbm>>
      %dma_start3A_105 = tpu.memref_squeeze %dma_start3A_104 : memref<1x128xi32, #tpu.memory_space<hbm>> -> memref<128xi32, #tpu.memory_space<hbm>>
      tpu.enqueue_dma source(%dma_start3A_105 : memref<128xi32, #tpu.memory_space<hbm>>) target(%dma_start3A_103 : memref<128xi32, #tpu.memory_space<vmem>>) target_semaphore(%arg14 : memref<!tpu.dma_semaphore, #tpu.memory_space<semaphore_mem>>)
      %dma_start3A_106 = arith.constant 10 : i32
      %dma_start3A_107 = arith.constant 1280 : i32
      %dma_start3A_108 = tpu.memref_slice %arg7[%dma_start3A_107] : memref<3328xi32, #tpu.memory_space<vmem>> -> memref<128xi32, #tpu.memory_space<vmem>>
      %dma_start3A_109 = tpu.memref_slice %arg3[%dma_start3A_106, %add3A_16] : memref<26x16384xi32, #tpu.memory_space<hbm>> -> memref<1x128xi32, #tpu.memory_space<hbm>>
      %dma_start3A_110 = tpu.memref_squeeze %dma_start3A_109 : memref<1x128xi32, #tpu.memory_space<hbm>> -> memref<128xi32, #tpu.memory_space<hbm>>
      %dma_start3A_111 = arith.constant 1280 : i32
      %dma_start3A_112 = tpu.memref_slice %arg7[%dma_start3A_111] : memref<3328xi32, #tpu.memory_space<vmem>> -> memref<128xi32, #tpu.memory_space<vmem>>
      %dma_start3A_113 = tpu.memref_slice %arg3[%dma_start3A_106, %add3A_16] : memref<26x16384xi32, #tpu.memory_space<hbm>> -> memref<1x128xi32, #tpu.memory_space<hbm>>
      %dma_start3A_114 = tpu.memref_squeeze %dma_start3A_113 : memref<1x128xi32, #tpu.memory_space<hbm>> -> memref<128xi32, #tpu.memory_space<hbm>>
      tpu.enqueue_dma source(%dma_start3A_114 : memref<128xi32, #tpu.memory_space<hbm>>) target(%dma_start3A_112 : memref<128xi32, #tpu.memory_space<vmem>>) target_semaphore(%arg14 : memref<!tpu.dma_semaphore, #tpu.memory_space<semaphore_mem>>)
      %dma_start3A_115 = arith.constant 11 : i32
      %dma_start3A_116 = arith.constant 1408 : i32
      %dma_start3A_117 = tpu.memref_slice %arg7[%dma_start3A_116] : memref<3328xi32, #tpu.memory_space<vmem>> -> memref<128xi32, #tpu.memory_space<vmem>>
      %dma_start3A_118 = tpu.memref_slice %arg3[%dma_start3A_115, %add3A_16] : memref<26x16384xi32, #tpu.memory_space<hbm>> -> memref<1x128xi32, #tpu.memory_space<hbm>>
      %dma_start3A_119 = tpu.memref_squeeze %dma_start3A_118 : memref<1x128xi32, #tpu.memory_space<hbm>> -> memref<128xi32, #tpu.memory_space<hbm>>
      %dma_start3A_120 = arith.constant 1408 : i32
      %dma_start3A_121 = tpu.memref_slice %arg7[%dma_start3A_120] : memref<3328xi32, #tpu.memory_space<vmem>> -> memref<128xi32, #tpu.memory_space<vmem>>
      %dma_start3A_122 = tpu.memref_slice %arg3[%dma_start3A_115, %add3A_16] : memref<26x16384xi32, #tpu.memory_space<hbm>> -> memref<1x128xi32, #tpu.memory_space<hbm>>
      %dma_start3A_123 = tpu.memref_squeeze %dma_start3A_122 : memref<1x128xi32, #tpu.memory_space<hbm>> -> memref<128xi32, #tpu.memory_space<hbm>>
      tpu.enqueue_dma source(%dma_start3A_123 : memref<128xi32, #tpu.memory_space<hbm>>) target(%dma_start3A_121 : memref<128xi32, #tpu.memory_space<vmem>>) target_semaphore(%arg14 : memref<!tpu.dma_semaphore, #tpu.memory_space<semaphore_mem>>)
      %dma_start3A_124 = arith.constant 12 : i32
      %dma_start3A_125 = arith.constant 1536 : i32
      %dma_start3A_126 = tpu.memref_slice %arg7[%dma_start3A_125] : memref<3328xi32, #tpu.memory_space<vmem>> -> memref<128xi32, #tpu.memory_space<vmem>>
      %dma_start3A_127 = tpu.memref_slice %arg3[%dma_start3A_124, %add3A_16] : memref<26x16384xi32, #tpu.memory_space<hbm>> -> memref<1x128xi32, #tpu.memory_space<hbm>>
      %dma_start3A_128 = tpu.memref_squeeze %dma_start3A_127 : memref<1x128xi32, #tpu.memory_space<hbm>> -> memref<128xi32, #tpu.memory_space<hbm>>
      %dma_start3A_129 = arith.constant 1536 : i32
      %dma_start3A_130 = tpu.memref_slice %arg7[%dma_start3A_129] : memref<3328xi32, #tpu.memory_space<vmem>> -> memref<128xi32, #tpu.memory_space<vmem>>
      %dma_start3A_131 = tpu.memref_slice %arg3[%dma_start3A_124, %add3A_16] : memref<26x16384xi32, #tpu.memory_space<hbm>> -> memref<1x128xi32, #tpu.memory_space<hbm>>
      %dma_start3A_132 = tpu.memref_squeeze %dma_start3A_131 : memref<1x128xi32, #tpu.memory_space<hbm>> -> memref<128xi32, #tpu.memory_space<hbm>>
      tpu.enqueue_dma source(%dma_start3A_132 : memref<128xi32, #tpu.memory_space<hbm>>) target(%dma_start3A_130 : memref<128xi32, #tpu.memory_space<vmem>>) target_semaphore(%arg14 : memref<!tpu.dma_semaphore, #tpu.memory_space<semaphore_mem>>)
      %dma_start3A_133 = arith.constant 13 : i32
      %dma_start3A_134 = arith.constant 1664 : i32
      %dma_start3A_135 = tpu.memref_slice %arg7[%dma_start3A_134] : memref<3328xi32, #tpu.memory_space<vmem>> -> memref<128xi32, #tpu.memory_space<vmem>>
      %dma_start3A_136 = tpu.memref_slice %arg3[%dma_start3A_133, %add3A_16] : memref<26x16384xi32, #tpu.memory_space<hbm>> -> memref<1x128xi32, #tpu.memory_space<hbm>>
      %dma_start3A_137 = tpu.memref_squeeze %dma_start3A_136 : memref<1x128xi32, #tpu.memory_space<hbm>> -> memref<128xi32, #tpu.memory_space<hbm>>
      %dma_start3A_138 = arith.constant 1664 : i32
      %dma_start3A_139 = tpu.memref_slice %arg7[%dma_start3A_138] : memref<3328xi32, #tpu.memory_space<vmem>> -> memref<128xi32, #tpu.memory_space<vmem>>
      %dma_start3A_140 = tpu.memref_slice %arg3[%dma_start3A_133, %add3A_16] : memref<26x16384xi32, #tpu.memory_space<hbm>> -> memref<1x128xi32, #tpu.memory_space<hbm>>
      %dma_start3A_141 = tpu.memref_squeeze %dma_start3A_140 : memref<1x128xi32, #tpu.memory_space<hbm>> -> memref<128xi32, #tpu.memory_space<hbm>>
      tpu.enqueue_dma source(%dma_start3A_141 : memref<128xi32, #tpu.memory_space<hbm>>) target(%dma_start3A_139 : memref<128xi32, #tpu.memory_space<vmem>>) target_semaphore(%arg14 : memref<!tpu.dma_semaphore, #tpu.memory_space<semaphore_mem>>)
      %dma_start3A_142 = arith.constant 14 : i32
      %dma_start3A_143 = arith.constant 1792 : i32
      %dma_start3A_144 = tpu.memref_slice %arg7[%dma_start3A_143] : memref<3328xi32, #tpu.memory_space<vmem>> -> memref<128xi32, #tpu.memory_space<vmem>>
      %dma_start3A_145 = tpu.memref_slice %arg3[%dma_start3A_142, %add3A_16] : memref<26x16384xi32, #tpu.memory_space<hbm>> -> memref<1x128xi32, #tpu.memory_space<hbm>>
      %dma_start3A_146 = tpu.memref_squeeze %dma_start3A_145 : memref<1x128xi32, #tpu.memory_space<hbm>> -> memref<128xi32, #tpu.memory_space<hbm>>
      %dma_start3A_147 = arith.constant 1792 : i32
      %dma_start3A_148 = tpu.memref_slice %arg7[%dma_start3A_147] : memref<3328xi32, #tpu.memory_space<vmem>> -> memref<128xi32, #tpu.memory_space<vmem>>
      %dma_start3A_149 = tpu.memref_slice %arg3[%dma_start3A_142, %add3A_16] : memref<26x16384xi32, #tpu.memory_space<hbm>> -> memref<1x128xi32, #tpu.memory_space<hbm>>
      %dma_start3A_150 = tpu.memref_squeeze %dma_start3A_149 : memref<1x128xi32, #tpu.memory_space<hbm>> -> memref<128xi32, #tpu.memory_space<hbm>>
      tpu.enqueue_dma source(%dma_start3A_150 : memref<128xi32, #tpu.memory_space<hbm>>) target(%dma_start3A_148 : memref<128xi32, #tpu.memory_space<vmem>>) target_semaphore(%arg14 : memref<!tpu.dma_semaphore, #tpu.memory_space<semaphore_mem>>)
      %dma_start3A_151 = arith.constant 15 : i32
      %dma_start3A_152 = arith.constant 1920 : i32
      %dma_start3A_153 = tpu.memref_slice %arg7[%dma_start3A_152] : memref<3328xi32, #tpu.memory_space<vmem>> -> memref<128xi32, #tpu.memory_space<vmem>>
      %dma_start3A_154 = tpu.memref_slice %arg3[%dma_start3A_151, %add3A_16] : memref<26x16384xi32, #tpu.memory_space<hbm>> -> memref<1x128xi32, #tpu.memory_space<hbm>>
      %dma_start3A_155 = tpu.memref_squeeze %dma_start3A_154 : memref<1x128xi32, #tpu.memory_space<hbm>> -> memref<128xi32, #tpu.memory_space<hbm>>
      %dma_start3A_156 = arith.constant 1920 : i32
      %dma_start3A_157 = tpu.memref_slice %arg7[%dma_start3A_156] : memref<3328xi32, #tpu.memory_space<vmem>> -> memref<128xi32, #tpu.memory_space<vmem>>
      %dma_start3A_158 = tpu.memref_slice %arg3[%dma_start3A_151, %add3A_16] : memref<26x16384xi32, #tpu.memory_space<hbm>> -> memref<1x128xi32, #tpu.memory_space<hbm>>
      %dma_start3A_159 = tpu.memref_squeeze %dma_start3A_158 : memref<1x128xi32, #tpu.memory_space<hbm>> -> memref<128xi32, #tpu.memory_space<hbm>>
      tpu.enqueue_dma source(%dma_start3A_159 : memref<128xi32, #tpu.memory_space<hbm>>) target(%dma_start3A_157 : memref<128xi32, #tpu.memory_space<vmem>>) target_semaphore(%arg14 : memref<!tpu.dma_semaphore, #tpu.memory_space<semaphore_mem>>)
      %dma_start3A_160 = arith.constant 16 : i32
      %dma_start3A_161 = arith.constant 2048 : i32
      %dma_start3A_162 = tpu.memref_slice %arg7[%dma_start3A_161] : memref<3328xi32, #tpu.memory_space<vmem>> -> memref<128xi32, #tpu.memory_space<vmem>>
      %dma_start3A_163 = tpu.memref_slice %arg3[%dma_start3A_160, %add3A_16] : memref<26x16384xi32, #tpu.memory_space<hbm>> -> memref<1x128xi32, #tpu.memory_space<hbm>>
      %dma_start3A_164 = tpu.memref_squeeze %dma_start3A_163 : memref<1x128xi32, #tpu.memory_space<hbm>> -> memref<128xi32, #tpu.memory_space<hbm>>
      %dma_start3A_165 = arith.constant 2048 : i32
      %dma_start3A_166 = tpu.memref_slice %arg7[%dma_start3A_165] : memref<3328xi32, #tpu.memory_space<vmem>> -> memref<128xi32, #tpu.memory_space<vmem>>
      %dma_start3A_167 = tpu.memref_slice %arg3[%dma_start3A_160, %add3A_16] : memref<26x16384xi32, #tpu.memory_space<hbm>> -> memref<1x128xi32, #tpu.memory_space<hbm>>
      %dma_start3A_168 = tpu.memref_squeeze %dma_start3A_167 : memref<1x128xi32, #tpu.memory_space<hbm>> -> memref<128xi32, #tpu.memory_space<hbm>>
      tpu.enqueue_dma source(%dma_start3A_168 : memref<128xi32, #tpu.memory_space<hbm>>) target(%dma_start3A_166 : memref<128xi32, #tpu.memory_space<vmem>>) target_semaphore(%arg14 : memref<!tpu.dma_semaphore, #tpu.memory_space<semaphore_mem>>)
      %dma_start3A_169 = arith.constant 17 : i32
      %dma_start3A_170 = arith.constant 2176 : i32
      %dma_start3A_171 = tpu.memref_slice %arg7[%dma_start3A_170] : memref<3328xi32, #tpu.memory_space<vmem>> -> memref<128xi32, #tpu.memory_space<vmem>>
      %dma_start3A_172 = tpu.memref_slice %arg3[%dma_start3A_169, %add3A_16] : memref<26x16384xi32, #tpu.memory_space<hbm>> -> memref<1x128xi32, #tpu.memory_space<hbm>>
      %dma_start3A_173 = tpu.memref_squeeze %dma_start3A_172 : memref<1x128xi32, #tpu.memory_space<hbm>> -> memref<128xi32, #tpu.memory_space<hbm>>
      %dma_start3A_174 = arith.constant 2176 : i32
      %dma_start3A_175 = tpu.memref_slice %arg7[%dma_start3A_174] : memref<3328xi32, #tpu.memory_space<vmem>> -> memref<128xi32, #tpu.memory_space<vmem>>
      %dma_start3A_176 = tpu.memref_slice %arg3[%dma_start3A_169, %add3A_16] : memref<26x16384xi32, #tpu.memory_space<hbm>> -> memref<1x128xi32, #tpu.memory_space<hbm>>
      %dma_start3A_177 = tpu.memref_squeeze %dma_start3A_176 : memref<1x128xi32, #tpu.memory_space<hbm>> -> memref<128xi32, #tpu.memory_space<hbm>>
      tpu.enqueue_dma source(%dma_start3A_177 : memref<128xi32, #tpu.memory_space<hbm>>) target(%dma_start3A_175 : memref<128xi32, #tpu.memory_space<vmem>>) target_semaphore(%arg14 : memref<!tpu.dma_semaphore, #tpu.memory_space<semaphore_mem>>)
      %dma_start3A_178 = arith.constant 18 : i32
      %dma_start3A_179 = arith.constant 2304 : i32
      %dma_start3A_180 = tpu.memref_slice %arg7[%dma_start3A_179] : memref<3328xi32, #tpu.memory_space<vmem>> -> memref<128xi32, #tpu.memory_space<vmem>>
      %dma_start3A_181 = tpu.memref_slice %arg3[%dma_start3A_178, %add3A_16] : memref<26x16384xi32, #tpu.memory_space<hbm>> -> memref<1x128xi32, #tpu.memory_space<hbm>>
      %dma_start3A_182 = tpu.memref_squeeze %dma_start3A_181 : memref<1x128xi32, #tpu.memory_space<hbm>> -> memref<128xi32, #tpu.memory_space<hbm>>
      %dma_start3A_183 = arith.constant 2304 : i32
      %dma_start3A_184 = tpu.memref_slice %arg7[%dma_start3A_183] : memref<3328xi32, #tpu.memory_space<vmem>> -> memref<128xi32, #tpu.memory_space<vmem>>
      %dma_start3A_185 = tpu.memref_slice %arg3[%dma_start3A_178, %add3A_16] : memref<26x16384xi32, #tpu.memory_space<hbm>> -> memref<1x128xi32, #tpu.memory_space<hbm>>
      %dma_start3A_186 = tpu.memref_squeeze %dma_start3A_185 : memref<1x128xi32, #tpu.memory_space<hbm>> -> memref<128xi32, #tpu.memory_space<hbm>>
      tpu.enqueue_dma source(%dma_start3A_186 : memref<128xi32, #tpu.memory_space<hbm>>) target(%dma_start3A_184 : memref<128xi32, #tpu.memory_space<vmem>>) target_semaphore(%arg14 : memref<!tpu.dma_semaphore, #tpu.memory_space<semaphore_mem>>)
      %dma_start3A_187 = arith.constant 19 : i32
      %dma_start3A_188 = arith.constant 2432 : i32
      %dma_start3A_189 = tpu.memref_slice %arg7[%dma_start3A_188] : memref<3328xi32, #tpu.memory_space<vmem>> -> memref<128xi32, #tpu.memory_space<vmem>>
      %dma_start3A_190 = tpu.memref_slice %arg3[%dma_start3A_187, %add3A_16] : memref<26x16384xi32, #tpu.memory_space<hbm>> -> memref<1x128xi32, #tpu.memory_space<hbm>>
      %dma_start3A_191 = tpu.memref_squeeze %dma_start3A_190 : memref<1x128xi32, #tpu.memory_space<hbm>> -> memref<128xi32, #tpu.memory_space<hbm>>
      %dma_start3A_192 = arith.constant 2432 : i32
      %dma_start3A_193 = tpu.memref_slice %arg7[%dma_start3A_192] : memref<3328xi32, #tpu.memory_space<vmem>> -> memref<128xi32, #tpu.memory_space<vmem>>
      %dma_start3A_194 = tpu.memref_slice %arg3[%dma_start3A_187, %add3A_16] : memref<26x16384xi32, #tpu.memory_space<hbm>> -> memref<1x128xi32, #tpu.memory_space<hbm>>
      %dma_start3A_195 = tpu.memref_squeeze %dma_start3A_194 : memref<1x128xi32, #tpu.memory_space<hbm>> -> memref<128xi32, #tpu.memory_space<hbm>>
      tpu.enqueue_dma source(%dma_start3A_195 : memref<128xi32, #tpu.memory_space<hbm>>) target(%dma_start3A_193 : memref<128xi32, #tpu.memory_space<vmem>>) target_semaphore(%arg14 : memref<!tpu.dma_semaphore, #tpu.memory_space<semaphore_mem>>)
      %dma_start3A_196 = arith.constant 20 : i32
      %dma_start3A_197 = arith.constant 2560 : i32
      %dma_start3A_198 = tpu.memref_slice %arg7[%dma_start3A_197] : memref<3328xi32, #tpu.memory_space<vmem>> -> memref<128xi32, #tpu.memory_space<vmem>>
      %dma_start3A_199 = tpu.memref_slice %arg3[%dma_start3A_196, %add3A_16] : memref<26x16384xi32, #tpu.memory_space<hbm>> -> memref<1x128xi32, #tpu.memory_space<hbm>>
      %dma_start3A_200 = tpu.memref_squeeze %dma_start3A_199 : memref<1x128xi32, #tpu.memory_space<hbm>> -> memref<128xi32, #tpu.memory_space<hbm>>
      %dma_start3A_201 = arith.constant 2560 : i32
      %dma_start3A_202 = tpu.memref_slice %arg7[%dma_start3A_201] : memref<3328xi32, #tpu.memory_space<vmem>> -> memref<128xi32, #tpu.memory_space<vmem>>
      %dma_start3A_203 = tpu.memref_slice %arg3[%dma_start3A_196, %add3A_16] : memref<26x16384xi32, #tpu.memory_space<hbm>> -> memref<1x128xi32, #tpu.memory_space<hbm>>
      %dma_start3A_204 = tpu.memref_squeeze %dma_start3A_203 : memref<1x128xi32, #tpu.memory_space<hbm>> -> memref<128xi32, #tpu.memory_space<hbm>>
      tpu.enqueue_dma source(%dma_start3A_204 : memref<128xi32, #tpu.memory_space<hbm>>) target(%dma_start3A_202 : memref<128xi32, #tpu.memory_space<vmem>>) target_semaphore(%arg14 : memref<!tpu.dma_semaphore, #tpu.memory_space<semaphore_mem>>)
      %dma_start3A_205 = arith.constant 21 : i32
      %dma_start3A_206 = arith.constant 2688 : i32
      %dma_start3A_207 = tpu.memref_slice %arg7[%dma_start3A_206] : memref<3328xi32, #tpu.memory_space<vmem>> -> memref<128xi32, #tpu.memory_space<vmem>>
      %dma_start3A_208 = tpu.memref_slice %arg3[%dma_start3A_205, %add3A_16] : memref<26x16384xi32, #tpu.memory_space<hbm>> -> memref<1x128xi32, #tpu.memory_space<hbm>>
      %dma_start3A_209 = tpu.memref_squeeze %dma_start3A_208 : memref<1x128xi32, #tpu.memory_space<hbm>> -> memref<128xi32, #tpu.memory_space<hbm>>
      %dma_start3A_210 = arith.constant 2688 : i32
      %dma_start3A_211 = tpu.memref_slice %arg7[%dma_start3A_210] : memref<3328xi32, #tpu.memory_space<vmem>> -> memref<128xi32, #tpu.memory_space<vmem>>
      %dma_start3A_212 = tpu.memref_slice %arg3[%dma_start3A_205, %add3A_16] : memref<26x16384xi32, #tpu.memory_space<hbm>> -> memref<1x128xi32, #tpu.memory_space<hbm>>
      %dma_start3A_213 = tpu.memref_squeeze %dma_start3A_212 : memref<1x128xi32, #tpu.memory_space<hbm>> -> memref<128xi32, #tpu.memory_space<hbm>>
      tpu.enqueue_dma source(%dma_start3A_213 : memref<128xi32, #tpu.memory_space<hbm>>) target(%dma_start3A_211 : memref<128xi32, #tpu.memory_space<vmem>>) target_semaphore(%arg14 : memref<!tpu.dma_semaphore, #tpu.memory_space<semaphore_mem>>)
      %dma_start3A_214 = arith.constant 22 : i32
      %dma_start3A_215 = arith.constant 2816 : i32
      %dma_start3A_216 = tpu.memref_slice %arg7[%dma_start3A_215] : memref<3328xi32, #tpu.memory_space<vmem>> -> memref<128xi32, #tpu.memory_space<vmem>>
      %dma_start3A_217 = tpu.memref_slice %arg3[%dma_start3A_214, %add3A_16] : memref<26x16384xi32, #tpu.memory_space<hbm>> -> memref<1x128xi32, #tpu.memory_space<hbm>>
      %dma_start3A_218 = tpu.memref_squeeze %dma_start3A_217 : memref<1x128xi32, #tpu.memory_space<hbm>> -> memref<128xi32, #tpu.memory_space<hbm>>
      %dma_start3A_219 = arith.constant 2816 : i32
      %dma_start3A_220 = tpu.memref_slice %arg7[%dma_start3A_219] : memref<3328xi32, #tpu.memory_space<vmem>> -> memref<128xi32, #tpu.memory_space<vmem>>
      %dma_start3A_221 = tpu.memref_slice %arg3[%dma_start3A_214, %add3A_16] : memref<26x16384xi32, #tpu.memory_space<hbm>> -> memref<1x128xi32, #tpu.memory_space<hbm>>
      %dma_start3A_222 = tpu.memref_squeeze %dma_start3A_221 : memref<1x128xi32, #tpu.memory_space<hbm>> -> memref<128xi32, #tpu.memory_space<hbm>>
      tpu.enqueue_dma source(%dma_start3A_222 : memref<128xi32, #tpu.memory_space<hbm>>) target(%dma_start3A_220 : memref<128xi32, #tpu.memory_space<vmem>>) target_semaphore(%arg14 : memref<!tpu.dma_semaphore, #tpu.memory_space<semaphore_mem>>)
      %dma_start3A_223 = arith.constant 23 : i32
      %dma_start3A_224 = arith.constant 2944 : i32
      %dma_start3A_225 = tpu.memref_slice %arg7[%dma_start3A_224] : memref<3328xi32, #tpu.memory_space<vmem>> -> memref<128xi32, #tpu.memory_space<vmem>>
      %dma_start3A_226 = tpu.memref_slice %arg3[%dma_start3A_223, %add3A_16] : memref<26x16384xi32, #tpu.memory_space<hbm>> -> memref<1x128xi32, #tpu.memory_space<hbm>>
      %dma_start3A_227 = tpu.memref_squeeze %dma_start3A_226 : memref<1x128xi32, #tpu.memory_space<hbm>> -> memref<128xi32, #tpu.memory_space<hbm>>
      %dma_start3A_228 = arith.constant 2944 : i32
      %dma_start3A_229 = tpu.memref_slice %arg7[%dma_start3A_228] : memref<3328xi32, #tpu.memory_space<vmem>> -> memref<128xi32, #tpu.memory_space<vmem>>
      %dma_start3A_230 = tpu.memref_slice %arg3[%dma_start3A_223, %add3A_16] : memref<26x16384xi32, #tpu.memory_space<hbm>> -> memref<1x128xi32, #tpu.memory_space<hbm>>
      %dma_start3A_231 = tpu.memref_squeeze %dma_start3A_230 : memref<1x128xi32, #tpu.memory_space<hbm>> -> memref<128xi32, #tpu.memory_space<hbm>>
      tpu.enqueue_dma source(%dma_start3A_231 : memref<128xi32, #tpu.memory_space<hbm>>) target(%dma_start3A_229 : memref<128xi32, #tpu.memory_space<vmem>>) target_semaphore(%arg14 : memref<!tpu.dma_semaphore, #tpu.memory_space<semaphore_mem>>)
      %dma_start3A_232 = arith.constant 24 : i32
      %dma_start3A_233 = arith.constant 3072 : i32
      %dma_start3A_234 = tpu.memref_slice %arg7[%dma_start3A_233] : memref<3328xi32, #tpu.memory_space<vmem>> -> memref<128xi32, #tpu.memory_space<vmem>>
      %dma_start3A_235 = tpu.memref_slice %arg3[%dma_start3A_232, %add3A_16] : memref<26x16384xi32, #tpu.memory_space<hbm>> -> memref<1x128xi32, #tpu.memory_space<hbm>>
      %dma_start3A_236 = tpu.memref_squeeze %dma_start3A_235 : memref<1x128xi32, #tpu.memory_space<hbm>> -> memref<128xi32, #tpu.memory_space<hbm>>
      %dma_start3A_237 = arith.constant 3072 : i32
      %dma_start3A_238 = tpu.memref_slice %arg7[%dma_start3A_237] : memref<3328xi32, #tpu.memory_space<vmem>> -> memref<128xi32, #tpu.memory_space<vmem>>
      %dma_start3A_239 = tpu.memref_slice %arg3[%dma_start3A_232, %add3A_16] : memref<26x16384xi32, #tpu.memory_space<hbm>> -> memref<1x128xi32, #tpu.memory_space<hbm>>
      %dma_start3A_240 = tpu.memref_squeeze %dma_start3A_239 : memref<1x128xi32, #tpu.memory_space<hbm>> -> memref<128xi32, #tpu.memory_space<hbm>>
      tpu.enqueue_dma source(%dma_start3A_240 : memref<128xi32, #tpu.memory_space<hbm>>) target(%dma_start3A_238 : memref<128xi32, #tpu.memory_space<vmem>>) target_semaphore(%arg14 : memref<!tpu.dma_semaphore, #tpu.memory_space<semaphore_mem>>)
      %dma_start3A_241 = arith.constant 25 : i32
      %dma_start3A_242 = arith.constant 3200 : i32
      %dma_start3A_243 = tpu.memref_slice %arg7[%dma_start3A_242] : memref<3328xi32, #tpu.memory_space<vmem>> -> memref<128xi32, #tpu.memory_space<vmem>>
      %dma_start3A_244 = tpu.memref_slice %arg3[%dma_start3A_241, %add3A_16] : memref<26x16384xi32, #tpu.memory_space<hbm>> -> memref<1x128xi32, #tpu.memory_space<hbm>>
      %dma_start3A_245 = tpu.memref_squeeze %dma_start3A_244 : memref<1x128xi32, #tpu.memory_space<hbm>> -> memref<128xi32, #tpu.memory_space<hbm>>
      %dma_start3A_246 = arith.constant 3200 : i32
      %dma_start3A_247 = tpu.memref_slice %arg7[%dma_start3A_246] : memref<3328xi32, #tpu.memory_space<vmem>> -> memref<128xi32, #tpu.memory_space<vmem>>
      %dma_start3A_248 = tpu.memref_slice %arg3[%dma_start3A_241, %add3A_16] : memref<26x16384xi32, #tpu.memory_space<hbm>> -> memref<1x128xi32, #tpu.memory_space<hbm>>
      %dma_start3A_249 = tpu.memref_squeeze %dma_start3A_248 : memref<1x128xi32, #tpu.memory_space<hbm>> -> memref<128xi32, #tpu.memory_space<hbm>>
      tpu.enqueue_dma source(%dma_start3A_249 : memref<128xi32, #tpu.memory_space<hbm>>) target(%dma_start3A_247 : memref<128xi32, #tpu.memory_space<vmem>>) target_semaphore(%arg14 : memref<!tpu.dma_semaphore, #tpu.memory_space<semaphore_mem>>)
      %dma_start3A_250 = arith.constant 0 : i32
      %dma_start3A_251 = arith.constant 0 : i32
      %dma_start3A_252 = tpu.memref_slice %arg9[%dma_start3A_251] : memref<3328xf32, #tpu.memory_space<vmem>> -> memref<128xf32, #tpu.memory_space<vmem>>
      %dma_start3A_253 = tpu.memref_slice %arg2[%dma_start3A_250, %add3A_16] : memref<26x16384xf32, #tpu.memory_space<hbm>> -> memref<1x128xf32, #tpu.memory_space<hbm>>
      %dma_start3A_254 = tpu.memref_squeeze %dma_start3A_253 : memref<1x128xf32, #tpu.memory_space<hbm>> -> memref<128xf32, #tpu.memory_space<hbm>>
      %dma_start3A_255 = arith.constant 0 : i32
      %dma_start3A_256 = tpu.memref_slice %arg9[%dma_start3A_255] : memref<3328xf32, #tpu.memory_space<vmem>> -> memref<128xf32, #tpu.memory_space<vmem>>
      %dma_start3A_257 = tpu.memref_slice %arg2[%dma_start3A_250, %add3A_16] : memref<26x16384xf32, #tpu.memory_space<hbm>> -> memref<1x128xf32, #tpu.memory_space<hbm>>
      %dma_start3A_258 = tpu.memref_squeeze %dma_start3A_257 : memref<1x128xf32, #tpu.memory_space<hbm>> -> memref<128xf32, #tpu.memory_space<hbm>>
      tpu.enqueue_dma source(%dma_start3A_258 : memref<128xf32, #tpu.memory_space<hbm>>) target(%dma_start3A_256 : memref<128xf32, #tpu.memory_space<vmem>>) target_semaphore(%arg14 : memref<!tpu.dma_semaphore, #tpu.memory_space<semaphore_mem>>)
      %dma_start3A_259 = arith.constant 1 : i32
      %dma_start3A_260 = arith.constant 128 : i32
      %dma_start3A_261 = tpu.memref_slice %arg9[%dma_start3A_260] : memref<3328xf32, #tpu.memory_space<vmem>> -> memref<128xf32, #tpu.memory_space<vmem>>
      %dma_start3A_262 = tpu.memref_slice %arg2[%dma_start3A_259, %add3A_16] : memref<26x16384xf32, #tpu.memory_space<hbm>> -> memref<1x128xf32, #tpu.memory_space<hbm>>
      %dma_start3A_263 = tpu.memref_squeeze %dma_start3A_262 : memref<1x128xf32, #tpu.memory_space<hbm>> -> memref<128xf32, #tpu.memory_space<hbm>>
      %dma_start3A_264 = arith.constant 128 : i32
      %dma_start3A_265 = tpu.memref_slice %arg9[%dma_start3A_264] : memref<3328xf32, #tpu.memory_space<vmem>> -> memref<128xf32, #tpu.memory_space<vmem>>
      %dma_start3A_266 = tpu.memref_slice %arg2[%dma_start3A_259, %add3A_16] : memref<26x16384xf32, #tpu.memory_space<hbm>> -> memref<1x128xf32, #tpu.memory_space<hbm>>
      %dma_start3A_267 = tpu.memref_squeeze %dma_start3A_266 : memref<1x128xf32, #tpu.memory_space<hbm>> -> memref<128xf32, #tpu.memory_space<hbm>>
      tpu.enqueue_dma source(%dma_start3A_267 : memref<128xf32, #tpu.memory_space<hbm>>) target(%dma_start3A_265 : memref<128xf32, #tpu.memory_space<vmem>>) target_semaphore(%arg14 : memref<!tpu.dma_semaphore, #tpu.memory_space<semaphore_mem>>)
      %dma_start3A_268 = arith.constant 2 : i32
      %dma_start3A_269 = arith.constant 256 : i32
      %dma_start3A_270 = tpu.memref_slice %arg9[%dma_start3A_269] : memref<3328xf32, #tpu.memory_space<vmem>> -> memref<128xf32, #tpu.memory_space<vmem>>
      %dma_start3A_271 = tpu.memref_slice %arg2[%dma_start3A_268, %add3A_16] : memref<26x16384xf32, #tpu.memory_space<hbm>> -> memref<1x128xf32, #tpu.memory_space<hbm>>
      %dma_start3A_272 = tpu.memref_squeeze %dma_start3A_271 : memref<1x128xf32, #tpu.memory_space<hbm>> -> memref<128xf32, #tpu.memory_space<hbm>>
      %dma_start3A_273 = arith.constant 256 : i32
      %dma_start3A_274 = tpu.memref_slice %arg9[%dma_start3A_273] : memref<3328xf32, #tpu.memory_space<vmem>> -> memref<128xf32, #tpu.memory_space<vmem>>
      %dma_start3A_275 = tpu.memref_slice %arg2[%dma_start3A_268, %add3A_16] : memref<26x16384xf32, #tpu.memory_space<hbm>> -> memref<1x128xf32, #tpu.memory_space<hbm>>
      %dma_start3A_276 = tpu.memref_squeeze %dma_start3A_275 : memref<1x128xf32, #tpu.memory_space<hbm>> -> memref<128xf32, #tpu.memory_space<hbm>>
      tpu.enqueue_dma source(%dma_start3A_276 : memref<128xf32, #tpu.memory_space<hbm>>) target(%dma_start3A_274 : memref<128xf32, #tpu.memory_space<vmem>>) target_semaphore(%arg14 : memref<!tpu.dma_semaphore, #tpu.memory_space<semaphore_mem>>)
      %dma_start3A_277 = arith.constant 3 : i32
      %dma_start3A_278 = arith.constant 384 : i32
      %dma_start3A_279 = tpu.memref_slice %arg9[%dma_start3A_278] : memref<3328xf32, #tpu.memory_space<vmem>> -> memref<128xf32, #tpu.memory_space<vmem>>
      %dma_start3A_280 = tpu.memref_slice %arg2[%dma_start3A_277, %add3A_16] : memref<26x16384xf32, #tpu.memory_space<hbm>> -> memref<1x128xf32, #tpu.memory_space<hbm>>
      %dma_start3A_281 = tpu.memref_squeeze %dma_start3A_280 : memref<1x128xf32, #tpu.memory_space<hbm>> -> memref<128xf32, #tpu.memory_space<hbm>>
      %dma_start3A_282 = arith.constant 384 : i32
      %dma_start3A_283 = tpu.memref_slice %arg9[%dma_start3A_282] : memref<3328xf32, #tpu.memory_space<vmem>> -> memref<128xf32, #tpu.memory_space<vmem>>
      %dma_start3A_284 = tpu.memref_slice %arg2[%dma_start3A_277, %add3A_16] : memref<26x16384xf32, #tpu.memory_space<hbm>> -> memref<1x128xf32, #tpu.memory_space<hbm>>
      %dma_start3A_285 = tpu.memref_squeeze %dma_start3A_284 : memref<1x128xf32, #tpu.memory_space<hbm>> -> memref<128xf32, #tpu.memory_space<hbm>>
      tpu.enqueue_dma source(%dma_start3A_285 : memref<128xf32, #tpu.memory_space<hbm>>) target(%dma_start3A_283 : memref<128xf32, #tpu.memory_space<vmem>>) target_semaphore(%arg14 : memref<!tpu.dma_semaphore, #tpu.memory_space<semaphore_mem>>)
      %dma_start3A_286 = arith.constant 4 : i32
      %dma_start3A_287 = arith.constant 512 : i32
      %dma_start3A_288 = tpu.memref_slice %arg9[%dma_start3A_287] : memref<3328xf32, #tpu.memory_space<vmem>> -> memref<128xf32, #tpu.memory_space<vmem>>
      %dma_start3A_289 = tpu.memref_slice %arg2[%dma_start3A_286, %add3A_16] : memref<26x16384xf32, #tpu.memory_space<hbm>> -> memref<1x128xf32, #tpu.memory_space<hbm>>
      %dma_start3A_290 = tpu.memref_squeeze %dma_start3A_289 : memref<1x128xf32, #tpu.memory_space<hbm>> -> memref<128xf32, #tpu.memory_space<hbm>>
      %dma_start3A_291 = arith.constant 512 : i32
      %dma_start3A_292 = tpu.memref_slice %arg9[%dma_start3A_291] : memref<3328xf32, #tpu.memory_space<vmem>> -> memref<128xf32, #tpu.memory_space<vmem>>
      %dma_start3A_293 = tpu.memref_slice %arg2[%dma_start3A_286, %add3A_16] : memref<26x16384xf32, #tpu.memory_space<hbm>> -> memref<1x128xf32, #tpu.memory_space<hbm>>
      %dma_start3A_294 = tpu.memref_squeeze %dma_start3A_293 : memref<1x128xf32, #tpu.memory_space<hbm>> -> memref<128xf32, #tpu.memory_space<hbm>>
      tpu.enqueue_dma source(%dma_start3A_294 : memref<128xf32, #tpu.memory_space<hbm>>) target(%dma_start3A_292 : memref<128xf32, #tpu.memory_space<vmem>>) target_semaphore(%arg14 : memref<!tpu.dma_semaphore, #tpu.memory_space<semaphore_mem>>)
      %dma_start3A_295 = arith.constant 5 : i32
      %dma_start3A_296 = arith.constant 640 : i32
      %dma_start3A_297 = tpu.memref_slice %arg9[%dma_start3A_296] : memref<3328xf32, #tpu.memory_space<vmem>> -> memref<128xf32, #tpu.memory_space<vmem>>
      %dma_start3A_298 = tpu.memref_slice %arg2[%dma_start3A_295, %add3A_16] : memref<26x16384xf32, #tpu.memory_space<hbm>> -> memref<1x128xf32, #tpu.memory_space<hbm>>
      %dma_start3A_299 = tpu.memref_squeeze %dma_start3A_298 : memref<1x128xf32, #tpu.memory_space<hbm>> -> memref<128xf32, #tpu.memory_space<hbm>>
      %dma_start3A_300 = arith.constant 640 : i32
      %dma_start3A_301 = tpu.memref_slice %arg9[%dma_start3A_300] : memref<3328xf32, #tpu.memory_space<vmem>> -> memref<128xf32, #tpu.memory_space<vmem>>
      %dma_start3A_302 = tpu.memref_slice %arg2[%dma_start3A_295, %add3A_16] : memref<26x16384xf32, #tpu.memory_space<hbm>> -> memref<1x128xf32, #tpu.memory_space<hbm>>
      %dma_start3A_303 = tpu.memref_squeeze %dma_start3A_302 : memref<1x128xf32, #tpu.memory_space<hbm>> -> memref<128xf32, #tpu.memory_space<hbm>>
      tpu.enqueue_dma source(%dma_start3A_303 : memref<128xf32, #tpu.memory_space<hbm>>) target(%dma_start3A_301 : memref<128xf32, #tpu.memory_space<vmem>>) target_semaphore(%arg14 : memref<!tpu.dma_semaphore, #tpu.memory_space<semaphore_mem>>)
      %dma_start3A_304 = arith.constant 6 : i32
      %dma_start3A_305 = arith.constant 768 : i32
      %dma_start3A_306 = tpu.memref_slice %arg9[%dma_start3A_305] : memref<3328xf32, #tpu.memory_space<vmem>> -> memref<128xf32, #tpu.memory_space<vmem>>
      %dma_start3A_307 = tpu.memref_slice %arg2[%dma_start3A_304, %add3A_16] : memref<26x16384xf32, #tpu.memory_space<hbm>> -> memref<1x128xf32, #tpu.memory_space<hbm>>
      %dma_start3A_308 = tpu.memref_squeeze %dma_start3A_307 : memref<1x128xf32, #tpu.memory_space<hbm>> -> memref<128xf32, #tpu.memory_space<hbm>>
      %dma_start3A_309 = arith.constant 768 : i32
      %dma_start3A_310 = tpu.memref_slice %arg9[%dma_start3A_309] : memref<3328xf32, #tpu.memory_space<vmem>> -> memref<128xf32, #tpu.memory_space<vmem>>
      %dma_start3A_311 = tpu.memref_slice %arg2[%dma_start3A_304, %add3A_16] : memref<26x16384xf32, #tpu.memory_space<hbm>> -> memref<1x128xf32, #tpu.memory_space<hbm>>
      %dma_start3A_312 = tpu.memref_squeeze %dma_start3A_311 : memref<1x128xf32, #tpu.memory_space<hbm>> -> memref<128xf32, #tpu.memory_space<hbm>>
      tpu.enqueue_dma source(%dma_start3A_312 : memref<128xf32, #tpu.memory_space<hbm>>) target(%dma_start3A_310 : memref<128xf32, #tpu.memory_space<vmem>>) target_semaphore(%arg14 : memref<!tpu.dma_semaphore, #tpu.memory_space<semaphore_mem>>)
      %dma_start3A_313 = arith.constant 7 : i32
      %dma_start3A_314 = arith.constant 896 : i32
      %dma_start3A_315 = tpu.memref_slice %arg9[%dma_start3A_314] : memref<3328xf32, #tpu.memory_space<vmem>> -> memref<128xf32, #tpu.memory_space<vmem>>
      %dma_start3A_316 = tpu.memref_slice %arg2[%dma_start3A_313, %add3A_16] : memref<26x16384xf32, #tpu.memory_space<hbm>> -> memref<1x128xf32, #tpu.memory_space<hbm>>
      %dma_start3A_317 = tpu.memref_squeeze %dma_start3A_316 : memref<1x128xf32, #tpu.memory_space<hbm>> -> memref<128xf32, #tpu.memory_space<hbm>>
      %dma_start3A_318 = arith.constant 896 : i32
      %dma_start3A_319 = tpu.memref_slice %arg9[%dma_start3A_318] : memref<3328xf32, #tpu.memory_space<vmem>> -> memref<128xf32, #tpu.memory_space<vmem>>
      %dma_start3A_320 = tpu.memref_slice %arg2[%dma_start3A_313, %add3A_16] : memref<26x16384xf32, #tpu.memory_space<hbm>> -> memref<1x128xf32, #tpu.memory_space<hbm>>
      %dma_start3A_321 = tpu.memref_squeeze %dma_start3A_320 : memref<1x128xf32, #tpu.memory_space<hbm>> -> memref<128xf32, #tpu.memory_space<hbm>>
      tpu.enqueue_dma source(%dma_start3A_321 : memref<128xf32, #tpu.memory_space<hbm>>) target(%dma_start3A_319 : memref<128xf32, #tpu.memory_space<vmem>>) target_semaphore(%arg14 : memref<!tpu.dma_semaphore, #tpu.memory_space<semaphore_mem>>)
      %dma_start3A_322 = arith.constant 8 : i32
      %dma_start3A_323 = arith.constant 1024 : i32
      %dma_start3A_324 = tpu.memref_slice %arg9[%dma_start3A_323] : memref<3328xf32, #tpu.memory_space<vmem>> -> memref<128xf32, #tpu.memory_space<vmem>>
      %dma_start3A_325 = tpu.memref_slice %arg2[%dma_start3A_322, %add3A_16] : memref<26x16384xf32, #tpu.memory_space<hbm>> -> memref<1x128xf32, #tpu.memory_space<hbm>>
      %dma_start3A_326 = tpu.memref_squeeze %dma_start3A_325 : memref<1x128xf32, #tpu.memory_space<hbm>> -> memref<128xf32, #tpu.memory_space<hbm>>
      %dma_start3A_327 = arith.constant 1024 : i32
      %dma_start3A_328 = tpu.memref_slice %arg9[%dma_start3A_327] : memref<3328xf32, #tpu.memory_space<vmem>> -> memref<128xf32, #tpu.memory_space<vmem>>
      %dma_start3A_329 = tpu.memref_slice %arg2[%dma_start3A_322, %add3A_16] : memref<26x16384xf32, #tpu.memory_space<hbm>> -> memref<1x128xf32, #tpu.memory_space<hbm>>
      %dma_start3A_330 = tpu.memref_squeeze %dma_start3A_329 : memref<1x128xf32, #tpu.memory_space<hbm>> -> memref<128xf32, #tpu.memory_space<hbm>>
      tpu.enqueue_dma source(%dma_start3A_330 : memref<128xf32, #tpu.memory_space<hbm>>) target(%dma_start3A_328 : memref<128xf32, #tpu.memory_space<vmem>>) target_semaphore(%arg14 : memref<!tpu.dma_semaphore, #tpu.memory_space<semaphore_mem>>)
      %dma_start3A_331 = arith.constant 9 : i32
      %dma_start3A_332 = arith.constant 1152 : i32
      %dma_start3A_333 = tpu.memref_slice %arg9[%dma_start3A_332] : memref<3328xf32, #tpu.memory_space<vmem>> -> memref<128xf32, #tpu.memory_space<vmem>>
      %dma_start3A_334 = tpu.memref_slice %arg2[%dma_start3A_331, %add3A_16] : memref<26x16384xf32, #tpu.memory_space<hbm>> -> memref<1x128xf32, #tpu.memory_space<hbm>>
      %dma_start3A_335 = tpu.memref_squeeze %dma_start3A_334 : memref<1x128xf32, #tpu.memory_space<hbm>> -> memref<128xf32, #tpu.memory_space<hbm>>
      %dma_start3A_336 = arith.constant 1152 : i32
      %dma_start3A_337 = tpu.memref_slice %arg9[%dma_start3A_336] : memref<3328xf32, #tpu.memory_space<vmem>> -> memref<128xf32, #tpu.memory_space<vmem>>
      %dma_start3A_338 = tpu.memref_slice %arg2[%dma_start3A_331, %add3A_16] : memref<26x16384xf32, #tpu.memory_space<hbm>> -> memref<1x128xf32, #tpu.memory_space<hbm>>
      %dma_start3A_339 = tpu.memref_squeeze %dma_start3A_338 : memref<1x128xf32, #tpu.memory_space<hbm>> -> memref<128xf32, #tpu.memory_space<hbm>>
      tpu.enqueue_dma source(%dma_start3A_339 : memref<128xf32, #tpu.memory_space<hbm>>) target(%dma_start3A_337 : memref<128xf32, #tpu.memory_space<vmem>>) target_semaphore(%arg14 : memref<!tpu.dma_semaphore, #tpu.memory_space<semaphore_mem>>)
      %dma_start3A_340 = arith.constant 10 : i32
      %dma_start3A_341 = arith.constant 1280 : i32
      %dma_start3A_342 = tpu.memref_slice %arg9[%dma_start3A_341] : memref<3328xf32, #tpu.memory_space<vmem>> -> memref<128xf32, #tpu.memory_space<vmem>>
      %dma_start3A_343 = tpu.memref_slice %arg2[%dma_start3A_340, %add3A_16] : memref<26x16384xf32, #tpu.memory_space<hbm>> -> memref<1x128xf32, #tpu.memory_space<hbm>>
      %dma_start3A_344 = tpu.memref_squeeze %dma_start3A_343 : memref<1x128xf32, #tpu.memory_space<hbm>> -> memref<128xf32, #tpu.memory_space<hbm>>
      %dma_start3A_345 = arith.constant 1280 : i32
      %dma_start3A_346 = tpu.memref_slice %arg9[%dma_start3A_345] : memref<3328xf32, #tpu.memory_space<vmem>> -> memref<128xf32, #tpu.memory_space<vmem>>
      %dma_start3A_347 = tpu.memref_slice %arg2[%dma_start3A_340, %add3A_16] : memref<26x16384xf32, #tpu.memory_space<hbm>> -> memref<1x128xf32, #tpu.memory_space<hbm>>
      %dma_start3A_348 = tpu.memref_squeeze %dma_start3A_347 : memref<1x128xf32, #tpu.memory_space<hbm>> -> memref<128xf32, #tpu.memory_space<hbm>>
      tpu.enqueue_dma source(%dma_start3A_348 : memref<128xf32, #tpu.memory_space<hbm>>) target(%dma_start3A_346 : memref<128xf32, #tpu.memory_space<vmem>>) target_semaphore(%arg14 : memref<!tpu.dma_semaphore, #tpu.memory_space<semaphore_mem>>)
      %dma_start3A_349 = arith.constant 11 : i32
      %dma_start3A_350 = arith.constant 1408 : i32
      %dma_start3A_351 = tpu.memref_slice %arg9[%dma_start3A_350] : memref<3328xf32, #tpu.memory_space<vmem>> -> memref<128xf32, #tpu.memory_space<vmem>>
      %dma_start3A_352 = tpu.memref_slice %arg2[%dma_start3A_349, %add3A_16] : memref<26x16384xf32, #tpu.memory_space<hbm>> -> memref<1x128xf32, #tpu.memory_space<hbm>>
      %dma_start3A_353 = tpu.memref_squeeze %dma_start3A_352 : memref<1x128xf32, #tpu.memory_space<hbm>> -> memref<128xf32, #tpu.memory_space<hbm>>
      %dma_start3A_354 = arith.constant 1408 : i32
      %dma_start3A_355 = tpu.memref_slice %arg9[%dma_start3A_354] : memref<3328xf32, #tpu.memory_space<vmem>> -> memref<128xf32, #tpu.memory_space<vmem>>
      %dma_start3A_356 = tpu.memref_slice %arg2[%dma_start3A_349, %add3A_16] : memref<26x16384xf32, #tpu.memory_space<hbm>> -> memref<1x128xf32, #tpu.memory_space<hbm>>
      %dma_start3A_357 = tpu.memref_squeeze %dma_start3A_356 : memref<1x128xf32, #tpu.memory_space<hbm>> -> memref<128xf32, #tpu.memory_space<hbm>>
      tpu.enqueue_dma source(%dma_start3A_357 : memref<128xf32, #tpu.memory_space<hbm>>) target(%dma_start3A_355 : memref<128xf32, #tpu.memory_space<vmem>>) target_semaphore(%arg14 : memref<!tpu.dma_semaphore, #tpu.memory_space<semaphore_mem>>)
      %dma_start3A_358 = arith.constant 12 : i32
      %dma_start3A_359 = arith.constant 1536 : i32
      %dma_start3A_360 = tpu.memref_slice %arg9[%dma_start3A_359] : memref<3328xf32, #tpu.memory_space<vmem>> -> memref<128xf32, #tpu.memory_space<vmem>>
      %dma_start3A_361 = tpu.memref_slice %arg2[%dma_start3A_358, %add3A_16] : memref<26x16384xf32, #tpu.memory_space<hbm>> -> memref<1x128xf32, #tpu.memory_space<hbm>>
      %dma_start3A_362 = tpu.memref_squeeze %dma_start3A_361 : memref<1x128xf32, #tpu.memory_space<hbm>> -> memref<128xf32, #tpu.memory_space<hbm>>
      %dma_start3A_363 = arith.constant 1536 : i32
      %dma_start3A_364 = tpu.memref_slice %arg9[%dma_start3A_363] : memref<3328xf32, #tpu.memory_space<vmem>> -> memref<128xf32, #tpu.memory_space<vmem>>
      %dma_start3A_365 = tpu.memref_slice %arg2[%dma_start3A_358, %add3A_16] : memref<26x16384xf32, #tpu.memory_space<hbm>> -> memref<1x128xf32, #tpu.memory_space<hbm>>
      %dma_start3A_366 = tpu.memref_squeeze %dma_start3A_365 : memref<1x128xf32, #tpu.memory_space<hbm>> -> memref<128xf32, #tpu.memory_space<hbm>>
      tpu.enqueue_dma source(%dma_start3A_366 : memref<128xf32, #tpu.memory_space<hbm>>) target(%dma_start3A_364 : memref<128xf32, #tpu.memory_space<vmem>>) target_semaphore(%arg14 : memref<!tpu.dma_semaphore, #tpu.memory_space<semaphore_mem>>)
      %dma_start3A_367 = arith.constant 13 : i32
      %dma_start3A_368 = arith.constant 1664 : i32
      %dma_start3A_369 = tpu.memref_slice %arg9[%dma_start3A_368] : memref<3328xf32, #tpu.memory_space<vmem>> -> memref<128xf32, #tpu.memory_space<vmem>>
      %dma_start3A_370 = tpu.memref_slice %arg2[%dma_start3A_367, %add3A_16] : memref<26x16384xf32, #tpu.memory_space<hbm>> -> memref<1x128xf32, #tpu.memory_space<hbm>>
      %dma_start3A_371 = tpu.memref_squeeze %dma_start3A_370 : memref<1x128xf32, #tpu.memory_space<hbm>> -> memref<128xf32, #tpu.memory_space<hbm>>
      %dma_start3A_372 = arith.constant 1664 : i32
      %dma_start3A_373 = tpu.memref_slice %arg9[%dma_start3A_372] : memref<3328xf32, #tpu.memory_space<vmem>> -> memref<128xf32, #tpu.memory_space<vmem>>
      %dma_start3A_374 = tpu.memref_slice %arg2[%dma_start3A_367, %add3A_16] : memref<26x16384xf32, #tpu.memory_space<hbm>> -> memref<1x128xf32, #tpu.memory_space<hbm>>
      %dma_start3A_375 = tpu.memref_squeeze %dma_start3A_374 : memref<1x128xf32, #tpu.memory_space<hbm>> -> memref<128xf32, #tpu.memory_space<hbm>>
      tpu.enqueue_dma source(%dma_start3A_375 : memref<128xf32, #tpu.memory_space<hbm>>) target(%dma_start3A_373 : memref<128xf32, #tpu.memory_space<vmem>>) target_semaphore(%arg14 : memref<!tpu.dma_semaphore, #tpu.memory_space<semaphore_mem>>)
      %dma_start3A_376 = arith.constant 14 : i32
      %dma_start3A_377 = arith.constant 1792 : i32
      %dma_start3A_378 = tpu.memref_slice %arg9[%dma_start3A_377] : memref<3328xf32, #tpu.memory_space<vmem>> -> memref<128xf32, #tpu.memory_space<vmem>>
      %dma_start3A_379 = tpu.memref_slice %arg2[%dma_start3A_376, %add3A_16] : memref<26x16384xf32, #tpu.memory_space<hbm>> -> memref<1x128xf32, #tpu.memory_space<hbm>>
      %dma_start3A_380 = tpu.memref_squeeze %dma_start3A_379 : memref<1x128xf32, #tpu.memory_space<hbm>> -> memref<128xf32, #tpu.memory_space<hbm>>
      %dma_start3A_381 = arith.constant 1792 : i32
      %dma_start3A_382 = tpu.memref_slice %arg9[%dma_start3A_381] : memref<3328xf32, #tpu.memory_space<vmem>> -> memref<128xf32, #tpu.memory_space<vmem>>
      %dma_start3A_383 = tpu.memref_slice %arg2[%dma_start3A_376, %add3A_16] : memref<26x16384xf32, #tpu.memory_space<hbm>> -> memref<1x128xf32, #tpu.memory_space<hbm>>
      %dma_start3A_384 = tpu.memref_squeeze %dma_start3A_383 : memref<1x128xf32, #tpu.memory_space<hbm>> -> memref<128xf32, #tpu.memory_space<hbm>>
      tpu.enqueue_dma source(%dma_start3A_384 : memref<128xf32, #tpu.memory_space<hbm>>) target(%dma_start3A_382 : memref<128xf32, #tpu.memory_space<vmem>>) target_semaphore(%arg14 : memref<!tpu.dma_semaphore, #tpu.memory_space<semaphore_mem>>)
      %dma_start3A_385 = arith.constant 15 : i32
      %dma_start3A_386 = arith.constant 1920 : i32
      %dma_start3A_387 = tpu.memref_slice %arg9[%dma_start3A_386] : memref<3328xf32, #tpu.memory_space<vmem>> -> memref<128xf32, #tpu.memory_space<vmem>>
      %dma_start3A_388 = tpu.memref_slice %arg2[%dma_start3A_385, %add3A_16] : memref<26x16384xf32, #tpu.memory_space<hbm>> -> memref<1x128xf32, #tpu.memory_space<hbm>>
      %dma_start3A_389 = tpu.memref_squeeze %dma_start3A_388 : memref<1x128xf32, #tpu.memory_space<hbm>> -> memref<128xf32, #tpu.memory_space<hbm>>
      %dma_start3A_390 = arith.constant 1920 : i32
      %dma_start3A_391 = tpu.memref_slice %arg9[%dma_start3A_390] : memref<3328xf32, #tpu.memory_space<vmem>> -> memref<128xf32, #tpu.memory_space<vmem>>
      %dma_start3A_392 = tpu.memref_slice %arg2[%dma_start3A_385, %add3A_16] : memref<26x16384xf32, #tpu.memory_space<hbm>> -> memref<1x128xf32, #tpu.memory_space<hbm>>
      %dma_start3A_393 = tpu.memref_squeeze %dma_start3A_392 : memref<1x128xf32, #tpu.memory_space<hbm>> -> memref<128xf32, #tpu.memory_space<hbm>>
      tpu.enqueue_dma source(%dma_start3A_393 : memref<128xf32, #tpu.memory_space<hbm>>) target(%dma_start3A_391 : memref<128xf32, #tpu.memory_space<vmem>>) target_semaphore(%arg14 : memref<!tpu.dma_semaphore, #tpu.memory_space<semaphore_mem>>)
      %dma_start3A_394 = arith.constant 16 : i32
      %dma_start3A_395 = arith.constant 2048 : i32
      %dma_start3A_396 = tpu.memref_slice %arg9[%dma_start3A_395] : memref<3328xf32, #tpu.memory_space<vmem>> -> memref<128xf32, #tpu.memory_space<vmem>>
      %dma_start3A_397 = tpu.memref_slice %arg2[%dma_start3A_394, %add3A_16] : memref<26x16384xf32, #tpu.memory_space<hbm>> -> memref<1x128xf32, #tpu.memory_space<hbm>>
      %dma_start3A_398 = tpu.memref_squeeze %dma_start3A_397 : memref<1x128xf32, #tpu.memory_space<hbm>> -> memref<128xf32, #tpu.memory_space<hbm>>
      %dma_start3A_399 = arith.constant 2048 : i32
      %dma_start3A_400 = tpu.memref_slice %arg9[%dma_start3A_399] : memref<3328xf32, #tpu.memory_space<vmem>> -> memref<128xf32, #tpu.memory_space<vmem>>
      %dma_start3A_401 = tpu.memref_slice %arg2[%dma_start3A_394, %add3A_16] : memref<26x16384xf32, #tpu.memory_space<hbm>> -> memref<1x128xf32, #tpu.memory_space<hbm>>
      %dma_start3A_402 = tpu.memref_squeeze %dma_start3A_401 : memref<1x128xf32, #tpu.memory_space<hbm>> -> memref<128xf32, #tpu.memory_space<hbm>>
      tpu.enqueue_dma source(%dma_start3A_402 : memref<128xf32, #tpu.memory_space<hbm>>) target(%dma_start3A_400 : memref<128xf32, #tpu.memory_space<vmem>>) target_semaphore(%arg14 : memref<!tpu.dma_semaphore, #tpu.memory_space<semaphore_mem>>)
      %dma_start3A_403 = arith.constant 17 : i32
      %dma_start3A_404 = arith.constant 2176 : i32
      %dma_start3A_405 = tpu.memref_slice %arg9[%dma_start3A_404] : memref<3328xf32, #tpu.memory_space<vmem>> -> memref<128xf32, #tpu.memory_space<vmem>>
      %dma_start3A_406 = tpu.memref_slice %arg2[%dma_start3A_403, %add3A_16] : memref<26x16384xf32, #tpu.memory_space<hbm>> -> memref<1x128xf32, #tpu.memory_space<hbm>>
      %dma_start3A_407 = tpu.memref_squeeze %dma_start3A_406 : memref<1x128xf32, #tpu.memory_space<hbm>> -> memref<128xf32, #tpu.memory_space<hbm>>
      %dma_start3A_408 = arith.constant 2176 : i32
      %dma_start3A_409 = tpu.memref_slice %arg9[%dma_start3A_408] : memref<3328xf32, #tpu.memory_space<vmem>> -> memref<128xf32, #tpu.memory_space<vmem>>
      %dma_start3A_410 = tpu.memref_slice %arg2[%dma_start3A_403, %add3A_16] : memref<26x16384xf32, #tpu.memory_space<hbm>> -> memref<1x128xf32, #tpu.memory_space<hbm>>
      %dma_start3A_411 = tpu.memref_squeeze %dma_start3A_410 : memref<1x128xf32, #tpu.memory_space<hbm>> -> memref<128xf32, #tpu.memory_space<hbm>>
      tpu.enqueue_dma source(%dma_start3A_411 : memref<128xf32, #tpu.memory_space<hbm>>) target(%dma_start3A_409 : memref<128xf32, #tpu.memory_space<vmem>>) target_semaphore(%arg14 : memref<!tpu.dma_semaphore, #tpu.memory_space<semaphore_mem>>)
      %dma_start3A_412 = arith.constant 18 : i32
      %dma_start3A_413 = arith.constant 2304 : i32
      %dma_start3A_414 = tpu.memref_slice %arg9[%dma_start3A_413] : memref<3328xf32, #tpu.memory_space<vmem>> -> memref<128xf32, #tpu.memory_space<vmem>>
      %dma_start3A_415 = tpu.memref_slice %arg2[%dma_start3A_412, %add3A_16] : memref<26x16384xf32, #tpu.memory_space<hbm>> -> memref<1x128xf32, #tpu.memory_space<hbm>>
      %dma_start3A_416 = tpu.memref_squeeze %dma_start3A_415 : memref<1x128xf32, #tpu.memory_space<hbm>> -> memref<128xf32, #tpu.memory_space<hbm>>
      %dma_start3A_417 = arith.constant 2304 : i32
      %dma_start3A_418 = tpu.memref_slice %arg9[%dma_start3A_417] : memref<3328xf32, #tpu.memory_space<vmem>> -> memref<128xf32, #tpu.memory_space<vmem>>
      %dma_start3A_419 = tpu.memref_slice %arg2[%dma_start3A_412, %add3A_16] : memref<26x16384xf32, #tpu.memory_space<hbm>> -> memref<1x128xf32, #tpu.memory_space<hbm>>
      %dma_start3A_420 = tpu.memref_squeeze %dma_start3A_419 : memref<1x128xf32, #tpu.memory_space<hbm>> -> memref<128xf32, #tpu.memory_space<hbm>>
      tpu.enqueue_dma source(%dma_start3A_420 : memref<128xf32, #tpu.memory_space<hbm>>) target(%dma_start3A_418 : memref<128xf32, #tpu.memory_space<vmem>>) target_semaphore(%arg14 : memref<!tpu.dma_semaphore, #tpu.memory_space<semaphore_mem>>)
      %dma_start3A_421 = arith.constant 19 : i32
      %dma_start3A_422 = arith.constant 2432 : i32
      %dma_start3A_423 = tpu.memref_slice %arg9[%dma_start3A_422] : memref<3328xf32, #tpu.memory_space<vmem>> -> memref<128xf32, #tpu.memory_space<vmem>>
      %dma_start3A_424 = tpu.memref_slice %arg2[%dma_start3A_421, %add3A_16] : memref<26x16384xf32, #tpu.memory_space<hbm>> -> memref<1x128xf32, #tpu.memory_space<hbm>>
      %dma_start3A_425 = tpu.memref_squeeze %dma_start3A_424 : memref<1x128xf32, #tpu.memory_space<hbm>> -> memref<128xf32, #tpu.memory_space<hbm>>
      %dma_start3A_426 = arith.constant 2432 : i32
      %dma_start3A_427 = tpu.memref_slice %arg9[%dma_start3A_426] : memref<3328xf32, #tpu.memory_space<vmem>> -> memref<128xf32, #tpu.memory_space<vmem>>
      %dma_start3A_428 = tpu.memref_slice %arg2[%dma_start3A_421, %add3A_16] : memref<26x16384xf32, #tpu.memory_space<hbm>> -> memref<1x128xf32, #tpu.memory_space<hbm>>
      %dma_start3A_429 = tpu.memref_squeeze %dma_start3A_428 : memref<1x128xf32, #tpu.memory_space<hbm>> -> memref<128xf32, #tpu.memory_space<hbm>>
      tpu.enqueue_dma source(%dma_start3A_429 : memref<128xf32, #tpu.memory_space<hbm>>) target(%dma_start3A_427 : memref<128xf32, #tpu.memory_space<vmem>>) target_semaphore(%arg14 : memref<!tpu.dma_semaphore, #tpu.memory_space<semaphore_mem>>)
      %dma_start3A_430 = arith.constant 20 : i32
      %dma_start3A_431 = arith.constant 2560 : i32
      %dma_start3A_432 = tpu.memref_slice %arg9[%dma_start3A_431] : memref<3328xf32, #tpu.memory_space<vmem>> -> memref<128xf32, #tpu.memory_space<vmem>>
      %dma_start3A_433 = tpu.memref_slice %arg2[%dma_start3A_430, %add3A_16] : memref<26x16384xf32, #tpu.memory_space<hbm>> -> memref<1x128xf32, #tpu.memory_space<hbm>>
      %dma_start3A_434 = tpu.memref_squeeze %dma_start3A_433 : memref<1x128xf32, #tpu.memory_space<hbm>> -> memref<128xf32, #tpu.memory_space<hbm>>
      %dma_start3A_435 = arith.constant 2560 : i32
      %dma_start3A_436 = tpu.memref_slice %arg9[%dma_start3A_435] : memref<3328xf32, #tpu.memory_space<vmem>> -> memref<128xf32, #tpu.memory_space<vmem>>
      %dma_start3A_437 = tpu.memref_slice %arg2[%dma_start3A_430, %add3A_16] : memref<26x16384xf32, #tpu.memory_space<hbm>> -> memref<1x128xf32, #tpu.memory_space<hbm>>
      %dma_start3A_438 = tpu.memref_squeeze %dma_start3A_437 : memref<1x128xf32, #tpu.memory_space<hbm>> -> memref<128xf32, #tpu.memory_space<hbm>>
      tpu.enqueue_dma source(%dma_start3A_438 : memref<128xf32, #tpu.memory_space<hbm>>) target(%dma_start3A_436 : memref<128xf32, #tpu.memory_space<vmem>>) target_semaphore(%arg14 : memref<!tpu.dma_semaphore, #tpu.memory_space<semaphore_mem>>)
      %dma_start3A_439 = arith.constant 21 : i32
      %dma_start3A_440 = arith.constant 2688 : i32
      %dma_start3A_441 = tpu.memref_slice %arg9[%dma_start3A_440] : memref<3328xf32, #tpu.memory_space<vmem>> -> memref<128xf32, #tpu.memory_space<vmem>>
      %dma_start3A_442 = tpu.memref_slice %arg2[%dma_start3A_439, %add3A_16] : memref<26x16384xf32, #tpu.memory_space<hbm>> -> memref<1x128xf32, #tpu.memory_space<hbm>>
      %dma_start3A_443 = tpu.memref_squeeze %dma_start3A_442 : memref<1x128xf32, #tpu.memory_space<hbm>> -> memref<128xf32, #tpu.memory_space<hbm>>
      %dma_start3A_444 = arith.constant 2688 : i32
      %dma_start3A_445 = tpu.memref_slice %arg9[%dma_start3A_444] : memref<3328xf32, #tpu.memory_space<vmem>> -> memref<128xf32, #tpu.memory_space<vmem>>
      %dma_start3A_446 = tpu.memref_slice %arg2[%dma_start3A_439, %add3A_16] : memref<26x16384xf32, #tpu.memory_space<hbm>> -> memref<1x128xf32, #tpu.memory_space<hbm>>
      %dma_start3A_447 = tpu.memref_squeeze %dma_start3A_446 : memref<1x128xf32, #tpu.memory_space<hbm>> -> memref<128xf32, #tpu.memory_space<hbm>>
      tpu.enqueue_dma source(%dma_start3A_447 : memref<128xf32, #tpu.memory_space<hbm>>) target(%dma_start3A_445 : memref<128xf32, #tpu.memory_space<vmem>>) target_semaphore(%arg14 : memref<!tpu.dma_semaphore, #tpu.memory_space<semaphore_mem>>)
      %dma_start3A_448 = arith.constant 22 : i32
      %dma_start3A_449 = arith.constant 2816 : i32
      %dma_start3A_450 = tpu.memref_slice %arg9[%dma_start3A_449] : memref<3328xf32, #tpu.memory_space<vmem>> -> memref<128xf32, #tpu.memory_space<vmem>>
      %dma_start3A_451 = tpu.memref_slice %arg2[%dma_start3A_448, %add3A_16] : memref<26x16384xf32, #tpu.memory_space<hbm>> -> memref<1x128xf32, #tpu.memory_space<hbm>>
      %dma_start3A_452 = tpu.memref_squeeze %dma_start3A_451 : memref<1x128xf32, #tpu.memory_space<hbm>> -> memref<128xf32, #tpu.memory_space<hbm>>
      %dma_start3A_453 = arith.constant 2816 : i32
      %dma_start3A_454 = tpu.memref_slice %arg9[%dma_start3A_453] : memref<3328xf32, #tpu.memory_space<vmem>> -> memref<128xf32, #tpu.memory_space<vmem>>
      %dma_start3A_455 = tpu.memref_slice %arg2[%dma_start3A_448, %add3A_16] : memref<26x16384xf32, #tpu.memory_space<hbm>> -> memref<1x128xf32, #tpu.memory_space<hbm>>
      %dma_start3A_456 = tpu.memref_squeeze %dma_start3A_455 : memref<1x128xf32, #tpu.memory_space<hbm>> -> memref<128xf32, #tpu.memory_space<hbm>>
      tpu.enqueue_dma source(%dma_start3A_456 : memref<128xf32, #tpu.memory_space<hbm>>) target(%dma_start3A_454 : memref<128xf32, #tpu.memory_space<vmem>>) target_semaphore(%arg14 : memref<!tpu.dma_semaphore, #tpu.memory_space<semaphore_mem>>)
      %dma_start3A_457 = arith.constant 23 : i32
      %dma_start3A_458 = arith.constant 2944 : i32
      %dma_start3A_459 = tpu.memref_slice %arg9[%dma_start3A_458] : memref<3328xf32, #tpu.memory_space<vmem>> -> memref<128xf32, #tpu.memory_space<vmem>>
      %dma_start3A_460 = tpu.memref_slice %arg2[%dma_start3A_457, %add3A_16] : memref<26x16384xf32, #tpu.memory_space<hbm>> -> memref<1x128xf32, #tpu.memory_space<hbm>>
      %dma_start3A_461 = tpu.memref_squeeze %dma_start3A_460 : memref<1x128xf32, #tpu.memory_space<hbm>> -> memref<128xf32, #tpu.memory_space<hbm>>
      %dma_start3A_462 = arith.constant 2944 : i32
      %dma_start3A_463 = tpu.memref_slice %arg9[%dma_start3A_462] : memref<3328xf32, #tpu.memory_space<vmem>> -> memref<128xf32, #tpu.memory_space<vmem>>
      %dma_start3A_464 = tpu.memref_slice %arg2[%dma_start3A_457, %add3A_16] : memref<26x16384xf32, #tpu.memory_space<hbm>> -> memref<1x128xf32, #tpu.memory_space<hbm>>
      %dma_start3A_465 = tpu.memref_squeeze %dma_start3A_464 : memref<1x128xf32, #tpu.memory_space<hbm>> -> memref<128xf32, #tpu.memory_space<hbm>>
      tpu.enqueue_dma source(%dma_start3A_465 : memref<128xf32, #tpu.memory_space<hbm>>) target(%dma_start3A_463 : memref<128xf32, #tpu.memory_space<vmem>>) target_semaphore(%arg14 : memref<!tpu.dma_semaphore, #tpu.memory_space<semaphore_mem>>)
      %dma_start3A_466 = arith.constant 24 : i32
      %dma_start3A_467 = arith.constant 3072 : i32
      %dma_start3A_468 = tpu.memref_slice %arg9[%dma_start3A_467] : memref<3328xf32, #tpu.memory_space<vmem>> -> memref<128xf32, #tpu.memory_space<vmem>>
      %dma_start3A_469 = tpu.memref_slice %arg2[%dma_start3A_466, %add3A_16] : memref<26x16384xf32, #tpu.memory_space<hbm>> -> memref<1x128xf32, #tpu.memory_space<hbm>>
      %dma_start3A_470 = tpu.memref_squeeze %dma_start3A_469 : memref<1x128xf32, #tpu.memory_space<hbm>> -> memref<128xf32, #tpu.memory_space<hbm>>
      %dma_start3A_471 = arith.constant 3072 : i32
      %dma_start3A_472 = tpu.memref_slice %arg9[%dma_start3A_471] : memref<3328xf32, #tpu.memory_space<vmem>> -> memref<128xf32, #tpu.memory_space<vmem>>
      %dma_start3A_473 = tpu.memref_slice %arg2[%dma_start3A_466, %add3A_16] : memref<26x16384xf32, #tpu.memory_space<hbm>> -> memref<1x128xf32, #tpu.memory_space<hbm>>
      %dma_start3A_474 = tpu.memref_squeeze %dma_start3A_473 : memref<1x128xf32, #tpu.memory_space<hbm>> -> memref<128xf32, #tpu.memory_space<hbm>>
      tpu.enqueue_dma source(%dma_start3A_474 : memref<128xf32, #tpu.memory_space<hbm>>) target(%dma_start3A_472 : memref<128xf32, #tpu.memory_space<vmem>>) target_semaphore(%arg14 : memref<!tpu.dma_semaphore, #tpu.memory_space<semaphore_mem>>)
      %dma_start3A_475 = arith.constant 25 : i32
      %dma_start3A_476 = arith.constant 3200 : i32
      %dma_start3A_477 = tpu.memref_slice %arg9[%dma_start3A_476] : memref<3328xf32, #tpu.memory_space<vmem>> -> memref<128xf32, #tpu.memory_space<vmem>>
      %dma_start3A_478 = tpu.memref_slice %arg2[%dma_start3A_475, %add3A_16] : memref<26x16384xf32, #tpu.memory_space<hbm>> -> memref<1x128xf32, #tpu.memory_space<hbm>>
      %dma_start3A_479 = tpu.memref_squeeze %dma_start3A_478 : memref<1x128xf32, #tpu.memory_space<hbm>> -> memref<128xf32, #tpu.memory_space<hbm>>
      %dma_start3A_480 = arith.constant 3200 : i32
      %dma_start3A_481 = tpu.memref_slice %arg9[%dma_start3A_480] : memref<3328xf32, #tpu.memory_space<vmem>> -> memref<128xf32, #tpu.memory_space<vmem>>
      %dma_start3A_482 = tpu.memref_slice %arg2[%dma_start3A_475, %add3A_16] : memref<26x16384xf32, #tpu.memory_space<hbm>> -> memref<1x128xf32, #tpu.memory_space<hbm>>
      %dma_start3A_483 = tpu.memref_squeeze %dma_start3A_482 : memref<1x128xf32, #tpu.memory_space<hbm>> -> memref<128xf32, #tpu.memory_space<hbm>>
      tpu.enqueue_dma source(%dma_start3A_483 : memref<128xf32, #tpu.memory_space<hbm>>) target(%dma_start3A_481 : memref<128xf32, #tpu.memory_space<vmem>>) target_semaphore(%arg14 : memref<!tpu.dma_semaphore, #tpu.memory_space<semaphore_mem>>)
      %dma_wait3A = arith.constant 0 : i32
      %dma_wait3A_484 = arith.constant 0 : i32
      %dma_wait3A_485 = tpu.memref_slice %arg7[%dma_wait3A_484] : memref<3328xi32, #tpu.memory_space<vmem>> -> memref<128xi32, #tpu.memory_space<vmem>>
      %dma_wait3A_486 = tpu.memref_slice %arg3[%dma_wait3A, %add3A_16] : memref<26x16384xi32, #tpu.memory_space<hbm>> -> memref<1x128xi32, #tpu.memory_space<hbm>>
      %dma_wait3A_487 = tpu.memref_squeeze %dma_wait3A_486 : memref<1x128xi32, #tpu.memory_space<hbm>> -> memref<128xi32, #tpu.memory_space<hbm>>
      %dma_wait3A_488 = arith.constant 0 : i32
      %dma_wait3A_489 = tpu.memref_slice %arg7[%dma_wait3A_488] : memref<3328xi32, #tpu.memory_space<vmem>> -> memref<128xi32, #tpu.memory_space<vmem>>
      %dma_wait3A_490 = tpu.memref_slice %arg3[%dma_wait3A, %add3A_16] : memref<26x16384xi32, #tpu.memory_space<hbm>> -> memref<1x128xi32, #tpu.memory_space<hbm>>
      %dma_wait3A_491 = tpu.memref_squeeze %dma_wait3A_490 : memref<1x128xi32, #tpu.memory_space<hbm>> -> memref<128xi32, #tpu.memory_space<hbm>>
      tpu.wait_dma2 semaphore(%arg14 : memref<!tpu.dma_semaphore, #tpu.memory_space<semaphore_mem>>) src(%dma_wait3A_491 : memref<128xi32, #tpu.memory_space<hbm>>) dst(%dma_wait3A_489 : memref<128xi32, #tpu.memory_space<vmem>>)
      %dma_wait3A_492 = arith.constant 1 : i32
      %dma_wait3A_493 = arith.constant 128 : i32
      %dma_wait3A_494 = tpu.memref_slice %arg7[%dma_wait3A_493] : memref<3328xi32, #tpu.memory_space<vmem>> -> memref<128xi32, #tpu.memory_space<vmem>>
      %dma_wait3A_495 = tpu.memref_slice %arg3[%dma_wait3A_492, %add3A_16] : memref<26x16384xi32, #tpu.memory_space<hbm>> -> memref<1x128xi32, #tpu.memory_space<hbm>>
      %dma_wait3A_496 = tpu.memref_squeeze %dma_wait3A_495 : memref<1x128xi32, #tpu.memory_space<hbm>> -> memref<128xi32, #tpu.memory_space<hbm>>
      %dma_wait3A_497 = arith.constant 128 : i32
      %dma_wait3A_498 = tpu.memref_slice %arg7[%dma_wait3A_497] : memref<3328xi32, #tpu.memory_space<vmem>> -> memref<128xi32, #tpu.memory_space<vmem>>
      %dma_wait3A_499 = tpu.memref_slice %arg3[%dma_wait3A_492, %add3A_16] : memref<26x16384xi32, #tpu.memory_space<hbm>> -> memref<1x128xi32, #tpu.memory_space<hbm>>
      %dma_wait3A_500 = tpu.memref_squeeze %dma_wait3A_499 : memref<1x128xi32, #tpu.memory_space<hbm>> -> memref<128xi32, #tpu.memory_space<hbm>>
      tpu.wait_dma2 semaphore(%arg14 : memref<!tpu.dma_semaphore, #tpu.memory_space<semaphore_mem>>) src(%dma_wait3A_500 : memref<128xi32, #tpu.memory_space<hbm>>) dst(%dma_wait3A_498 : memref<128xi32, #tpu.memory_space<vmem>>)
      %dma_wait3A_501 = arith.constant 2 : i32
      %dma_wait3A_502 = arith.constant 256 : i32
      %dma_wait3A_503 = tpu.memref_slice %arg7[%dma_wait3A_502] : memref<3328xi32, #tpu.memory_space<vmem>> -> memref<128xi32, #tpu.memory_space<vmem>>
      %dma_wait3A_504 = tpu.memref_slice %arg3[%dma_wait3A_501, %add3A_16] : memref<26x16384xi32, #tpu.memory_space<hbm>> -> memref<1x128xi32, #tpu.memory_space<hbm>>
      %dma_wait3A_505 = tpu.memref_squeeze %dma_wait3A_504 : memref<1x128xi32, #tpu.memory_space<hbm>> -> memref<128xi32, #tpu.memory_space<hbm>>
      %dma_wait3A_506 = arith.constant 256 : i32
      %dma_wait3A_507 = tpu.memref_slice %arg7[%dma_wait3A_506] : memref<3328xi32, #tpu.memory_space<vmem>> -> memref<128xi32, #tpu.memory_space<vmem>>
      %dma_wait3A_508 = tpu.memref_slice %arg3[%dma_wait3A_501, %add3A_16] : memref<26x16384xi32, #tpu.memory_space<hbm>> -> memref<1x128xi32, #tpu.memory_space<hbm>>
      %dma_wait3A_509 = tpu.memref_squeeze %dma_wait3A_508 : memref<1x128xi32, #tpu.memory_space<hbm>> -> memref<128xi32, #tpu.memory_space<hbm>>
      tpu.wait_dma2 semaphore(%arg14 : memref<!tpu.dma_semaphore, #tpu.memory_space<semaphore_mem>>) src(%dma_wait3A_509 : memref<128xi32, #tpu.memory_space<hbm>>) dst(%dma_wait3A_507 : memref<128xi32, #tpu.memory_space<vmem>>)
      %dma_wait3A_510 = arith.constant 3 : i32
      %dma_wait3A_511 = arith.constant 384 : i32
      %dma_wait3A_512 = tpu.memref_slice %arg7[%dma_wait3A_511] : memref<3328xi32, #tpu.memory_space<vmem>> -> memref<128xi32, #tpu.memory_space<vmem>>
      %dma_wait3A_513 = tpu.memref_slice %arg3[%dma_wait3A_510, %add3A_16] : memref<26x16384xi32, #tpu.memory_space<hbm>> -> memref<1x128xi32, #tpu.memory_space<hbm>>
      %dma_wait3A_514 = tpu.memref_squeeze %dma_wait3A_513 : memref<1x128xi32, #tpu.memory_space<hbm>> -> memref<128xi32, #tpu.memory_space<hbm>>
      %dma_wait3A_515 = arith.constant 384 : i32
      %dma_wait3A_516 = tpu.memref_slice %arg7[%dma_wait3A_515] : memref<3328xi32, #tpu.memory_space<vmem>> -> memref<128xi32, #tpu.memory_space<vmem>>
      %dma_wait3A_517 = tpu.memref_slice %arg3[%dma_wait3A_510, %add3A_16] : memref<26x16384xi32, #tpu.memory_space<hbm>> -> memref<1x128xi32, #tpu.memory_space<hbm>>
      %dma_wait3A_518 = tpu.memref_squeeze %dma_wait3A_517 : memref<1x128xi32, #tpu.memory_space<hbm>> -> memref<128xi32, #tpu.memory_space<hbm>>
      tpu.wait_dma2 semaphore(%arg14 : memref<!tpu.dma_semaphore, #tpu.memory_space<semaphore_mem>>) src(%dma_wait3A_518 : memref<128xi32, #tpu.memory_space<hbm>>) dst(%dma_wait3A_516 : memref<128xi32, #tpu.memory_space<vmem>>)
      %dma_wait3A_519 = arith.constant 4 : i32
      %dma_wait3A_520 = arith.constant 512 : i32
      %dma_wait3A_521 = tpu.memref_slice %arg7[%dma_wait3A_520] : memref<3328xi32, #tpu.memory_space<vmem>> -> memref<128xi32, #tpu.memory_space<vmem>>
      %dma_wait3A_522 = tpu.memref_slice %arg3[%dma_wait3A_519, %add3A_16] : memref<26x16384xi32, #tpu.memory_space<hbm>> -> memref<1x128xi32, #tpu.memory_space<hbm>>
      %dma_wait3A_523 = tpu.memref_squeeze %dma_wait3A_522 : memref<1x128xi32, #tpu.memory_space<hbm>> -> memref<128xi32, #tpu.memory_space<hbm>>
      %dma_wait3A_524 = arith.constant 512 : i32
      %dma_wait3A_525 = tpu.memref_slice %arg7[%dma_wait3A_524] : memref<3328xi32, #tpu.memory_space<vmem>> -> memref<128xi32, #tpu.memory_space<vmem>>
      %dma_wait3A_526 = tpu.memref_slice %arg3[%dma_wait3A_519, %add3A_16] : memref<26x16384xi32, #tpu.memory_space<hbm>> -> memref<1x128xi32, #tpu.memory_space<hbm>>
      %dma_wait3A_527 = tpu.memref_squeeze %dma_wait3A_526 : memref<1x128xi32, #tpu.memory_space<hbm>> -> memref<128xi32, #tpu.memory_space<hbm>>
      tpu.wait_dma2 semaphore(%arg14 : memref<!tpu.dma_semaphore, #tpu.memory_space<semaphore_mem>>) src(%dma_wait3A_527 : memref<128xi32, #tpu.memory_space<hbm>>) dst(%dma_wait3A_525 : memref<128xi32, #tpu.memory_space<vmem>>)
      %dma_wait3A_528 = arith.constant 5 : i32
      %dma_wait3A_529 = arith.constant 640 : i32
      %dma_wait3A_530 = tpu.memref_slice %arg7[%dma_wait3A_529] : memref<3328xi32, #tpu.memory_space<vmem>> -> memref<128xi32, #tpu.memory_space<vmem>>
      %dma_wait3A_531 = tpu.memref_slice %arg3[%dma_wait3A_528, %add3A_16] : memref<26x16384xi32, #tpu.memory_space<hbm>> -> memref<1x128xi32, #tpu.memory_space<hbm>>
      %dma_wait3A_532 = tpu.memref_squeeze %dma_wait3A_531 : memref<1x128xi32, #tpu.memory_space<hbm>> -> memref<128xi32, #tpu.memory_space<hbm>>
      %dma_wait3A_533 = arith.constant 640 : i32
      %dma_wait3A_534 = tpu.memref_slice %arg7[%dma_wait3A_533] : memref<3328xi32, #tpu.memory_space<vmem>> -> memref<128xi32, #tpu.memory_space<vmem>>
      %dma_wait3A_535 = tpu.memref_slice %arg3[%dma_wait3A_528, %add3A_16] : memref<26x16384xi32, #tpu.memory_space<hbm>> -> memref<1x128xi32, #tpu.memory_space<hbm>>
      %dma_wait3A_536 = tpu.memref_squeeze %dma_wait3A_535 : memref<1x128xi32, #tpu.memory_space<hbm>> -> memref<128xi32, #tpu.memory_space<hbm>>
      tpu.wait_dma2 semaphore(%arg14 : memref<!tpu.dma_semaphore, #tpu.memory_space<semaphore_mem>>) src(%dma_wait3A_536 : memref<128xi32, #tpu.memory_space<hbm>>) dst(%dma_wait3A_534 : memref<128xi32, #tpu.memory_space<vmem>>)
      %dma_wait3A_537 = arith.constant 6 : i32
      %dma_wait3A_538 = arith.constant 768 : i32
      %dma_wait3A_539 = tpu.memref_slice %arg7[%dma_wait3A_538] : memref<3328xi32, #tpu.memory_space<vmem>> -> memref<128xi32, #tpu.memory_space<vmem>>
      %dma_wait3A_540 = tpu.memref_slice %arg3[%dma_wait3A_537, %add3A_16] : memref<26x16384xi32, #tpu.memory_space<hbm>> -> memref<1x128xi32, #tpu.memory_space<hbm>>
      %dma_wait3A_541 = tpu.memref_squeeze %dma_wait3A_540 : memref<1x128xi32, #tpu.memory_space<hbm>> -> memref<128xi32, #tpu.memory_space<hbm>>
      %dma_wait3A_542 = arith.constant 768 : i32
      %dma_wait3A_543 = tpu.memref_slice %arg7[%dma_wait3A_542] : memref<3328xi32, #tpu.memory_space<vmem>> -> memref<128xi32, #tpu.memory_space<vmem>>
      %dma_wait3A_544 = tpu.memref_slice %arg3[%dma_wait3A_537, %add3A_16] : memref<26x16384xi32, #tpu.memory_space<hbm>> -> memref<1x128xi32, #tpu.memory_space<hbm>>
      %dma_wait3A_545 = tpu.memref_squeeze %dma_wait3A_544 : memref<1x128xi32, #tpu.memory_space<hbm>> -> memref<128xi32, #tpu.memory_space<hbm>>
      tpu.wait_dma2 semaphore(%arg14 : memref<!tpu.dma_semaphore, #tpu.memory_space<semaphore_mem>>) src(%dma_wait3A_545 : memref<128xi32, #tpu.memory_space<hbm>>) dst(%dma_wait3A_543 : memref<128xi32, #tpu.memory_space<vmem>>)
      %dma_wait3A_546 = arith.constant 7 : i32
      %dma_wait3A_547 = arith.constant 896 : i32
      %dma_wait3A_548 = tpu.memref_slice %arg7[%dma_wait3A_547] : memref<3328xi32, #tpu.memory_space<vmem>> -> memref<128xi32, #tpu.memory_space<vmem>>
      %dma_wait3A_549 = tpu.memref_slice %arg3[%dma_wait3A_546, %add3A_16] : memref<26x16384xi32, #tpu.memory_space<hbm>> -> memref<1x128xi32, #tpu.memory_space<hbm>>
      %dma_wait3A_550 = tpu.memref_squeeze %dma_wait3A_549 : memref<1x128xi32, #tpu.memory_space<hbm>> -> memref<128xi32, #tpu.memory_space<hbm>>
      %dma_wait3A_551 = arith.constant 896 : i32
      %dma_wait3A_552 = tpu.memref_slice %arg7[%dma_wait3A_551] : memref<3328xi32, #tpu.memory_space<vmem>> -> memref<128xi32, #tpu.memory_space<vmem>>
      %dma_wait3A_553 = tpu.memref_slice %arg3[%dma_wait3A_546, %add3A_16] : memref<26x16384xi32, #tpu.memory_space<hbm>> -> memref<1x128xi32, #tpu.memory_space<hbm>>
      %dma_wait3A_554 = tpu.memref_squeeze %dma_wait3A_553 : memref<1x128xi32, #tpu.memory_space<hbm>> -> memref<128xi32, #tpu.memory_space<hbm>>
      tpu.wait_dma2 semaphore(%arg14 : memref<!tpu.dma_semaphore, #tpu.memory_space<semaphore_mem>>) src(%dma_wait3A_554 : memref<128xi32, #tpu.memory_space<hbm>>) dst(%dma_wait3A_552 : memref<128xi32, #tpu.memory_space<vmem>>)
      %dma_wait3A_555 = arith.constant 8 : i32
      %dma_wait3A_556 = arith.constant 1024 : i32
      %dma_wait3A_557 = tpu.memref_slice %arg7[%dma_wait3A_556] : memref<3328xi32, #tpu.memory_space<vmem>> -> memref<128xi32, #tpu.memory_space<vmem>>
      %dma_wait3A_558 = tpu.memref_slice %arg3[%dma_wait3A_555, %add3A_16] : memref<26x16384xi32, #tpu.memory_space<hbm>> -> memref<1x128xi32, #tpu.memory_space<hbm>>
      %dma_wait3A_559 = tpu.memref_squeeze %dma_wait3A_558 : memref<1x128xi32, #tpu.memory_space<hbm>> -> memref<128xi32, #tpu.memory_space<hbm>>
      %dma_wait3A_560 = arith.constant 1024 : i32
      %dma_wait3A_561 = tpu.memref_slice %arg7[%dma_wait3A_560] : memref<3328xi32, #tpu.memory_space<vmem>> -> memref<128xi32, #tpu.memory_space<vmem>>
      %dma_wait3A_562 = tpu.memref_slice %arg3[%dma_wait3A_555, %add3A_16] : memref<26x16384xi32, #tpu.memory_space<hbm>> -> memref<1x128xi32, #tpu.memory_space<hbm>>
      %dma_wait3A_563 = tpu.memref_squeeze %dma_wait3A_562 : memref<1x128xi32, #tpu.memory_space<hbm>> -> memref<128xi32, #tpu.memory_space<hbm>>
      tpu.wait_dma2 semaphore(%arg14 : memref<!tpu.dma_semaphore, #tpu.memory_space<semaphore_mem>>) src(%dma_wait3A_563 : memref<128xi32, #tpu.memory_space<hbm>>) dst(%dma_wait3A_561 : memref<128xi32, #tpu.memory_space<vmem>>)
      %dma_wait3A_564 = arith.constant 9 : i32
      %dma_wait3A_565 = arith.constant 1152 : i32
      %dma_wait3A_566 = tpu.memref_slice %arg7[%dma_wait3A_565] : memref<3328xi32, #tpu.memory_space<vmem>> -> memref<128xi32, #tpu.memory_space<vmem>>
      %dma_wait3A_567 = tpu.memref_slice %arg3[%dma_wait3A_564, %add3A_16] : memref<26x16384xi32, #tpu.memory_space<hbm>> -> memref<1x128xi32, #tpu.memory_space<hbm>>
      %dma_wait3A_568 = tpu.memref_squeeze %dma_wait3A_567 : memref<1x128xi32, #tpu.memory_space<hbm>> -> memref<128xi32, #tpu.memory_space<hbm>>
      %dma_wait3A_569 = arith.constant 1152 : i32
      %dma_wait3A_570 = tpu.memref_slice %arg7[%dma_wait3A_569] : memref<3328xi32, #tpu.memory_space<vmem>> -> memref<128xi32, #tpu.memory_space<vmem>>
      %dma_wait3A_571 = tpu.memref_slice %arg3[%dma_wait3A_564, %add3A_16] : memref<26x16384xi32, #tpu.memory_space<hbm>> -> memref<1x128xi32, #tpu.memory_space<hbm>>
      %dma_wait3A_572 = tpu.memref_squeeze %dma_wait3A_571 : memref<1x128xi32, #tpu.memory_space<hbm>> -> memref<128xi32, #tpu.memory_space<hbm>>
      tpu.wait_dma2 semaphore(%arg14 : memref<!tpu.dma_semaphore, #tpu.memory_space<semaphore_mem>>) src(%dma_wait3A_572 : memref<128xi32, #tpu.memory_space<hbm>>) dst(%dma_wait3A_570 : memref<128xi32, #tpu.memory_space<vmem>>)
      %dma_wait3A_573 = arith.constant 10 : i32
      %dma_wait3A_574 = arith.constant 1280 : i32
      %dma_wait3A_575 = tpu.memref_slice %arg7[%dma_wait3A_574] : memref<3328xi32, #tpu.memory_space<vmem>> -> memref<128xi32, #tpu.memory_space<vmem>>
      %dma_wait3A_576 = tpu.memref_slice %arg3[%dma_wait3A_573, %add3A_16] : memref<26x16384xi32, #tpu.memory_space<hbm>> -> memref<1x128xi32, #tpu.memory_space<hbm>>
      %dma_wait3A_577 = tpu.memref_squeeze %dma_wait3A_576 : memref<1x128xi32, #tpu.memory_space<hbm>> -> memref<128xi32, #tpu.memory_space<hbm>>
      %dma_wait3A_578 = arith.constant 1280 : i32
      %dma_wait3A_579 = tpu.memref_slice %arg7[%dma_wait3A_578] : memref<3328xi32, #tpu.memory_space<vmem>> -> memref<128xi32, #tpu.memory_space<vmem>>
      %dma_wait3A_580 = tpu.memref_slice %arg3[%dma_wait3A_573, %add3A_16] : memref<26x16384xi32, #tpu.memory_space<hbm>> -> memref<1x128xi32, #tpu.memory_space<hbm>>
      %dma_wait3A_581 = tpu.memref_squeeze %dma_wait3A_580 : memref<1x128xi32, #tpu.memory_space<hbm>> -> memref<128xi32, #tpu.memory_space<hbm>>
      tpu.wait_dma2 semaphore(%arg14 : memref<!tpu.dma_semaphore, #tpu.memory_space<semaphore_mem>>) src(%dma_wait3A_581 : memref<128xi32, #tpu.memory_space<hbm>>) dst(%dma_wait3A_579 : memref<128xi32, #tpu.memory_space<vmem>>)
      %dma_wait3A_582 = arith.constant 11 : i32
      %dma_wait3A_583 = arith.constant 1408 : i32
      %dma_wait3A_584 = tpu.memref_slice %arg7[%dma_wait3A_583] : memref<3328xi32, #tpu.memory_space<vmem>> -> memref<128xi32, #tpu.memory_space<vmem>>
      %dma_wait3A_585 = tpu.memref_slice %arg3[%dma_wait3A_582, %add3A_16] : memref<26x16384xi32, #tpu.memory_space<hbm>> -> memref<1x128xi32, #tpu.memory_space<hbm>>
      %dma_wait3A_586 = tpu.memref_squeeze %dma_wait3A_585 : memref<1x128xi32, #tpu.memory_space<hbm>> -> memref<128xi32, #tpu.memory_space<hbm>>
      %dma_wait3A_587 = arith.constant 1408 : i32
      %dma_wait3A_588 = tpu.memref_slice %arg7[%dma_wait3A_587] : memref<3328xi32, #tpu.memory_space<vmem>> -> memref<128xi32, #tpu.memory_space<vmem>>
      %dma_wait3A_589 = tpu.memref_slice %arg3[%dma_wait3A_582, %add3A_16] : memref<26x16384xi32, #tpu.memory_space<hbm>> -> memref<1x128xi32, #tpu.memory_space<hbm>>
      %dma_wait3A_590 = tpu.memref_squeeze %dma_wait3A_589 : memref<1x128xi32, #tpu.memory_space<hbm>> -> memref<128xi32, #tpu.memory_space<hbm>>
      tpu.wait_dma2 semaphore(%arg14 : memref<!tpu.dma_semaphore, #tpu.memory_space<semaphore_mem>>) src(%dma_wait3A_590 : memref<128xi32, #tpu.memory_space<hbm>>) dst(%dma_wait3A_588 : memref<128xi32, #tpu.memory_space<vmem>>)
      %dma_wait3A_591 = arith.constant 12 : i32
      %dma_wait3A_592 = arith.constant 1536 : i32
      %dma_wait3A_593 = tpu.memref_slice %arg7[%dma_wait3A_592] : memref<3328xi32, #tpu.memory_space<vmem>> -> memref<128xi32, #tpu.memory_space<vmem>>
      %dma_wait3A_594 = tpu.memref_slice %arg3[%dma_wait3A_591, %add3A_16] : memref<26x16384xi32, #tpu.memory_space<hbm>> -> memref<1x128xi32, #tpu.memory_space<hbm>>
      %dma_wait3A_595 = tpu.memref_squeeze %dma_wait3A_594 : memref<1x128xi32, #tpu.memory_space<hbm>> -> memref<128xi32, #tpu.memory_space<hbm>>
      %dma_wait3A_596 = arith.constant 1536 : i32
      %dma_wait3A_597 = tpu.memref_slice %arg7[%dma_wait3A_596] : memref<3328xi32, #tpu.memory_space<vmem>> -> memref<128xi32, #tpu.memory_space<vmem>>
      %dma_wait3A_598 = tpu.memref_slice %arg3[%dma_wait3A_591, %add3A_16] : memref<26x16384xi32, #tpu.memory_space<hbm>> -> memref<1x128xi32, #tpu.memory_space<hbm>>
      %dma_wait3A_599 = tpu.memref_squeeze %dma_wait3A_598 : memref<1x128xi32, #tpu.memory_space<hbm>> -> memref<128xi32, #tpu.memory_space<hbm>>
      tpu.wait_dma2 semaphore(%arg14 : memref<!tpu.dma_semaphore, #tpu.memory_space<semaphore_mem>>) src(%dma_wait3A_599 : memref<128xi32, #tpu.memory_space<hbm>>) dst(%dma_wait3A_597 : memref<128xi32, #tpu.memory_space<vmem>>)
      %dma_wait3A_600 = arith.constant 13 : i32
      %dma_wait3A_601 = arith.constant 1664 : i32
      %dma_wait3A_602 = tpu.memref_slice %arg7[%dma_wait3A_601] : memref<3328xi32, #tpu.memory_space<vmem>> -> memref<128xi32, #tpu.memory_space<vmem>>
      %dma_wait3A_603 = tpu.memref_slice %arg3[%dma_wait3A_600, %add3A_16] : memref<26x16384xi32, #tpu.memory_space<hbm>> -> memref<1x128xi32, #tpu.memory_space<hbm>>
      %dma_wait3A_604 = tpu.memref_squeeze %dma_wait3A_603 : memref<1x128xi32, #tpu.memory_space<hbm>> -> memref<128xi32, #tpu.memory_space<hbm>>
      %dma_wait3A_605 = arith.constant 1664 : i32
      %dma_wait3A_606 = tpu.memref_slice %arg7[%dma_wait3A_605] : memref<3328xi32, #tpu.memory_space<vmem>> -> memref<128xi32, #tpu.memory_space<vmem>>
      %dma_wait3A_607 = tpu.memref_slice %arg3[%dma_wait3A_600, %add3A_16] : memref<26x16384xi32, #tpu.memory_space<hbm>> -> memref<1x128xi32, #tpu.memory_space<hbm>>
      %dma_wait3A_608 = tpu.memref_squeeze %dma_wait3A_607 : memref<1x128xi32, #tpu.memory_space<hbm>> -> memref<128xi32, #tpu.memory_space<hbm>>
      tpu.wait_dma2 semaphore(%arg14 : memref<!tpu.dma_semaphore, #tpu.memory_space<semaphore_mem>>) src(%dma_wait3A_608 : memref<128xi32, #tpu.memory_space<hbm>>) dst(%dma_wait3A_606 : memref<128xi32, #tpu.memory_space<vmem>>)
      %dma_wait3A_609 = arith.constant 14 : i32
      %dma_wait3A_610 = arith.constant 1792 : i32
      %dma_wait3A_611 = tpu.memref_slice %arg7[%dma_wait3A_610] : memref<3328xi32, #tpu.memory_space<vmem>> -> memref<128xi32, #tpu.memory_space<vmem>>
      %dma_wait3A_612 = tpu.memref_slice %arg3[%dma_wait3A_609, %add3A_16] : memref<26x16384xi32, #tpu.memory_space<hbm>> -> memref<1x128xi32, #tpu.memory_space<hbm>>
      %dma_wait3A_613 = tpu.memref_squeeze %dma_wait3A_612 : memref<1x128xi32, #tpu.memory_space<hbm>> -> memref<128xi32, #tpu.memory_space<hbm>>
      %dma_wait3A_614 = arith.constant 1792 : i32
      %dma_wait3A_615 = tpu.memref_slice %arg7[%dma_wait3A_614] : memref<3328xi32, #tpu.memory_space<vmem>> -> memref<128xi32, #tpu.memory_space<vmem>>
      %dma_wait3A_616 = tpu.memref_slice %arg3[%dma_wait3A_609, %add3A_16] : memref<26x16384xi32, #tpu.memory_space<hbm>> -> memref<1x128xi32, #tpu.memory_space<hbm>>
      %dma_wait3A_617 = tpu.memref_squeeze %dma_wait3A_616 : memref<1x128xi32, #tpu.memory_space<hbm>> -> memref<128xi32, #tpu.memory_space<hbm>>
      tpu.wait_dma2 semaphore(%arg14 : memref<!tpu.dma_semaphore, #tpu.memory_space<semaphore_mem>>) src(%dma_wait3A_617 : memref<128xi32, #tpu.memory_space<hbm>>) dst(%dma_wait3A_615 : memref<128xi32, #tpu.memory_space<vmem>>)
      %dma_wait3A_618 = arith.constant 15 : i32
      %dma_wait3A_619 = arith.constant 1920 : i32
      %dma_wait3A_620 = tpu.memref_slice %arg7[%dma_wait3A_619] : memref<3328xi32, #tpu.memory_space<vmem>> -> memref<128xi32, #tpu.memory_space<vmem>>
      %dma_wait3A_621 = tpu.memref_slice %arg3[%dma_wait3A_618, %add3A_16] : memref<26x16384xi32, #tpu.memory_space<hbm>> -> memref<1x128xi32, #tpu.memory_space<hbm>>
      %dma_wait3A_622 = tpu.memref_squeeze %dma_wait3A_621 : memref<1x128xi32, #tpu.memory_space<hbm>> -> memref<128xi32, #tpu.memory_space<hbm>>
      %dma_wait3A_623 = arith.constant 1920 : i32
      %dma_wait3A_624 = tpu.memref_slice %arg7[%dma_wait3A_623] : memref<3328xi32, #tpu.memory_space<vmem>> -> memref<128xi32, #tpu.memory_space<vmem>>
      %dma_wait3A_625 = tpu.memref_slice %arg3[%dma_wait3A_618, %add3A_16] : memref<26x16384xi32, #tpu.memory_space<hbm>> -> memref<1x128xi32, #tpu.memory_space<hbm>>
      %dma_wait3A_626 = tpu.memref_squeeze %dma_wait3A_625 : memref<1x128xi32, #tpu.memory_space<hbm>> -> memref<128xi32, #tpu.memory_space<hbm>>
      tpu.wait_dma2 semaphore(%arg14 : memref<!tpu.dma_semaphore, #tpu.memory_space<semaphore_mem>>) src(%dma_wait3A_626 : memref<128xi32, #tpu.memory_space<hbm>>) dst(%dma_wait3A_624 : memref<128xi32, #tpu.memory_space<vmem>>)
      %dma_wait3A_627 = arith.constant 16 : i32
      %dma_wait3A_628 = arith.constant 2048 : i32
      %dma_wait3A_629 = tpu.memref_slice %arg7[%dma_wait3A_628] : memref<3328xi32, #tpu.memory_space<vmem>> -> memref<128xi32, #tpu.memory_space<vmem>>
      %dma_wait3A_630 = tpu.memref_slice %arg3[%dma_wait3A_627, %add3A_16] : memref<26x16384xi32, #tpu.memory_space<hbm>> -> memref<1x128xi32, #tpu.memory_space<hbm>>
      %dma_wait3A_631 = tpu.memref_squeeze %dma_wait3A_630 : memref<1x128xi32, #tpu.memory_space<hbm>> -> memref<128xi32, #tpu.memory_space<hbm>>
      %dma_wait3A_632 = arith.constant 2048 : i32
      %dma_wait3A_633 = tpu.memref_slice %arg7[%dma_wait3A_632] : memref<3328xi32, #tpu.memory_space<vmem>> -> memref<128xi32, #tpu.memory_space<vmem>>
      %dma_wait3A_634 = tpu.memref_slice %arg3[%dma_wait3A_627, %add3A_16] : memref<26x16384xi32, #tpu.memory_space<hbm>> -> memref<1x128xi32, #tpu.memory_space<hbm>>
      %dma_wait3A_635 = tpu.memref_squeeze %dma_wait3A_634 : memref<1x128xi32, #tpu.memory_space<hbm>> -> memref<128xi32, #tpu.memory_space<hbm>>
      tpu.wait_dma2 semaphore(%arg14 : memref<!tpu.dma_semaphore, #tpu.memory_space<semaphore_mem>>) src(%dma_wait3A_635 : memref<128xi32, #tpu.memory_space<hbm>>) dst(%dma_wait3A_633 : memref<128xi32, #tpu.memory_space<vmem>>)
      %dma_wait3A_636 = arith.constant 17 : i32
      %dma_wait3A_637 = arith.constant 2176 : i32
      %dma_wait3A_638 = tpu.memref_slice %arg7[%dma_wait3A_637] : memref<3328xi32, #tpu.memory_space<vmem>> -> memref<128xi32, #tpu.memory_space<vmem>>
      %dma_wait3A_639 = tpu.memref_slice %arg3[%dma_wait3A_636, %add3A_16] : memref<26x16384xi32, #tpu.memory_space<hbm>> -> memref<1x128xi32, #tpu.memory_space<hbm>>
      %dma_wait3A_640 = tpu.memref_squeeze %dma_wait3A_639 : memref<1x128xi32, #tpu.memory_space<hbm>> -> memref<128xi32, #tpu.memory_space<hbm>>
      %dma_wait3A_641 = arith.constant 2176 : i32
      %dma_wait3A_642 = tpu.memref_slice %arg7[%dma_wait3A_641] : memref<3328xi32, #tpu.memory_space<vmem>> -> memref<128xi32, #tpu.memory_space<vmem>>
      %dma_wait3A_643 = tpu.memref_slice %arg3[%dma_wait3A_636, %add3A_16] : memref<26x16384xi32, #tpu.memory_space<hbm>> -> memref<1x128xi32, #tpu.memory_space<hbm>>
      %dma_wait3A_644 = tpu.memref_squeeze %dma_wait3A_643 : memref<1x128xi32, #tpu.memory_space<hbm>> -> memref<128xi32, #tpu.memory_space<hbm>>
      tpu.wait_dma2 semaphore(%arg14 : memref<!tpu.dma_semaphore, #tpu.memory_space<semaphore_mem>>) src(%dma_wait3A_644 : memref<128xi32, #tpu.memory_space<hbm>>) dst(%dma_wait3A_642 : memref<128xi32, #tpu.memory_space<vmem>>)
      %dma_wait3A_645 = arith.constant 18 : i32
      %dma_wait3A_646 = arith.constant 2304 : i32
      %dma_wait3A_647 = tpu.memref_slice %arg7[%dma_wait3A_646] : memref<3328xi32, #tpu.memory_space<vmem>> -> memref<128xi32, #tpu.memory_space<vmem>>
      %dma_wait3A_648 = tpu.memref_slice %arg3[%dma_wait3A_645, %add3A_16] : memref<26x16384xi32, #tpu.memory_space<hbm>> -> memref<1x128xi32, #tpu.memory_space<hbm>>
      %dma_wait3A_649 = tpu.memref_squeeze %dma_wait3A_648 : memref<1x128xi32, #tpu.memory_space<hbm>> -> memref<128xi32, #tpu.memory_space<hbm>>
      %dma_wait3A_650 = arith.constant 2304 : i32
      %dma_wait3A_651 = tpu.memref_slice %arg7[%dma_wait3A_650] : memref<3328xi32, #tpu.memory_space<vmem>> -> memref<128xi32, #tpu.memory_space<vmem>>
      %dma_wait3A_652 = tpu.memref_slice %arg3[%dma_wait3A_645, %add3A_16] : memref<26x16384xi32, #tpu.memory_space<hbm>> -> memref<1x128xi32, #tpu.memory_space<hbm>>
      %dma_wait3A_653 = tpu.memref_squeeze %dma_wait3A_652 : memref<1x128xi32, #tpu.memory_space<hbm>> -> memref<128xi32, #tpu.memory_space<hbm>>
      tpu.wait_dma2 semaphore(%arg14 : memref<!tpu.dma_semaphore, #tpu.memory_space<semaphore_mem>>) src(%dma_wait3A_653 : memref<128xi32, #tpu.memory_space<hbm>>) dst(%dma_wait3A_651 : memref<128xi32, #tpu.memory_space<vmem>>)
      %dma_wait3A_654 = arith.constant 19 : i32
      %dma_wait3A_655 = arith.constant 2432 : i32
      %dma_wait3A_656 = tpu.memref_slice %arg7[%dma_wait3A_655] : memref<3328xi32, #tpu.memory_space<vmem>> -> memref<128xi32, #tpu.memory_space<vmem>>
      %dma_wait3A_657 = tpu.memref_slice %arg3[%dma_wait3A_654, %add3A_16] : memref<26x16384xi32, #tpu.memory_space<hbm>> -> memref<1x128xi32, #tpu.memory_space<hbm>>
      %dma_wait3A_658 = tpu.memref_squeeze %dma_wait3A_657 : memref<1x128xi32, #tpu.memory_space<hbm>> -> memref<128xi32, #tpu.memory_space<hbm>>
      %dma_wait3A_659 = arith.constant 2432 : i32
      %dma_wait3A_660 = tpu.memref_slice %arg7[%dma_wait3A_659] : memref<3328xi32, #tpu.memory_space<vmem>> -> memref<128xi32, #tpu.memory_space<vmem>>
      %dma_wait3A_661 = tpu.memref_slice %arg3[%dma_wait3A_654, %add3A_16] : memref<26x16384xi32, #tpu.memory_space<hbm>> -> memref<1x128xi32, #tpu.memory_space<hbm>>
      %dma_wait3A_662 = tpu.memref_squeeze %dma_wait3A_661 : memref<1x128xi32, #tpu.memory_space<hbm>> -> memref<128xi32, #tpu.memory_space<hbm>>
      tpu.wait_dma2 semaphore(%arg14 : memref<!tpu.dma_semaphore, #tpu.memory_space<semaphore_mem>>) src(%dma_wait3A_662 : memref<128xi32, #tpu.memory_space<hbm>>) dst(%dma_wait3A_660 : memref<128xi32, #tpu.memory_space<vmem>>)
      %dma_wait3A_663 = arith.constant 20 : i32
      %dma_wait3A_664 = arith.constant 2560 : i32
      %dma_wait3A_665 = tpu.memref_slice %arg7[%dma_wait3A_664] : memref<3328xi32, #tpu.memory_space<vmem>> -> memref<128xi32, #tpu.memory_space<vmem>>
      %dma_wait3A_666 = tpu.memref_slice %arg3[%dma_wait3A_663, %add3A_16] : memref<26x16384xi32, #tpu.memory_space<hbm>> -> memref<1x128xi32, #tpu.memory_space<hbm>>
      %dma_wait3A_667 = tpu.memref_squeeze %dma_wait3A_666 : memref<1x128xi32, #tpu.memory_space<hbm>> -> memref<128xi32, #tpu.memory_space<hbm>>
      %dma_wait3A_668 = arith.constant 2560 : i32
      %dma_wait3A_669 = tpu.memref_slice %arg7[%dma_wait3A_668] : memref<3328xi32, #tpu.memory_space<vmem>> -> memref<128xi32, #tpu.memory_space<vmem>>
      %dma_wait3A_670 = tpu.memref_slice %arg3[%dma_wait3A_663, %add3A_16] : memref<26x16384xi32, #tpu.memory_space<hbm>> -> memref<1x128xi32, #tpu.memory_space<hbm>>
      %dma_wait3A_671 = tpu.memref_squeeze %dma_wait3A_670 : memref<1x128xi32, #tpu.memory_space<hbm>> -> memref<128xi32, #tpu.memory_space<hbm>>
      tpu.wait_dma2 semaphore(%arg14 : memref<!tpu.dma_semaphore, #tpu.memory_space<semaphore_mem>>) src(%dma_wait3A_671 : memref<128xi32, #tpu.memory_space<hbm>>) dst(%dma_wait3A_669 : memref<128xi32, #tpu.memory_space<vmem>>)
      %dma_wait3A_672 = arith.constant 21 : i32
      %dma_wait3A_673 = arith.constant 2688 : i32
      %dma_wait3A_674 = tpu.memref_slice %arg7[%dma_wait3A_673] : memref<3328xi32, #tpu.memory_space<vmem>> -> memref<128xi32, #tpu.memory_space<vmem>>
      %dma_wait3A_675 = tpu.memref_slice %arg3[%dma_wait3A_672, %add3A_16] : memref<26x16384xi32, #tpu.memory_space<hbm>> -> memref<1x128xi32, #tpu.memory_space<hbm>>
      %dma_wait3A_676 = tpu.memref_squeeze %dma_wait3A_675 : memref<1x128xi32, #tpu.memory_space<hbm>> -> memref<128xi32, #tpu.memory_space<hbm>>
      %dma_wait3A_677 = arith.constant 2688 : i32
      %dma_wait3A_678 = tpu.memref_slice %arg7[%dma_wait3A_677] : memref<3328xi32, #tpu.memory_space<vmem>> -> memref<128xi32, #tpu.memory_space<vmem>>
      %dma_wait3A_679 = tpu.memref_slice %arg3[%dma_wait3A_672, %add3A_16] : memref<26x16384xi32, #tpu.memory_space<hbm>> -> memref<1x128xi32, #tpu.memory_space<hbm>>
      %dma_wait3A_680 = tpu.memref_squeeze %dma_wait3A_679 : memref<1x128xi32, #tpu.memory_space<hbm>> -> memref<128xi32, #tpu.memory_space<hbm>>
      tpu.wait_dma2 semaphore(%arg14 : memref<!tpu.dma_semaphore, #tpu.memory_space<semaphore_mem>>) src(%dma_wait3A_680 : memref<128xi32, #tpu.memory_space<hbm>>) dst(%dma_wait3A_678 : memref<128xi32, #tpu.memory_space<vmem>>)
      %dma_wait3A_681 = arith.constant 22 : i32
      %dma_wait3A_682 = arith.constant 2816 : i32
      %dma_wait3A_683 = tpu.memref_slice %arg7[%dma_wait3A_682] : memref<3328xi32, #tpu.memory_space<vmem>> -> memref<128xi32, #tpu.memory_space<vmem>>
      %dma_wait3A_684 = tpu.memref_slice %arg3[%dma_wait3A_681, %add3A_16] : memref<26x16384xi32, #tpu.memory_space<hbm>> -> memref<1x128xi32, #tpu.memory_space<hbm>>
      %dma_wait3A_685 = tpu.memref_squeeze %dma_wait3A_684 : memref<1x128xi32, #tpu.memory_space<hbm>> -> memref<128xi32, #tpu.memory_space<hbm>>
      %dma_wait3A_686 = arith.constant 2816 : i32
      %dma_wait3A_687 = tpu.memref_slice %arg7[%dma_wait3A_686] : memref<3328xi32, #tpu.memory_space<vmem>> -> memref<128xi32, #tpu.memory_space<vmem>>
      %dma_wait3A_688 = tpu.memref_slice %arg3[%dma_wait3A_681, %add3A_16] : memref<26x16384xi32, #tpu.memory_space<hbm>> -> memref<1x128xi32, #tpu.memory_space<hbm>>
      %dma_wait3A_689 = tpu.memref_squeeze %dma_wait3A_688 : memref<1x128xi32, #tpu.memory_space<hbm>> -> memref<128xi32, #tpu.memory_space<hbm>>
      tpu.wait_dma2 semaphore(%arg14 : memref<!tpu.dma_semaphore, #tpu.memory_space<semaphore_mem>>) src(%dma_wait3A_689 : memref<128xi32, #tpu.memory_space<hbm>>) dst(%dma_wait3A_687 : memref<128xi32, #tpu.memory_space<vmem>>)
      %dma_wait3A_690 = arith.constant 23 : i32
      %dma_wait3A_691 = arith.constant 2944 : i32
      %dma_wait3A_692 = tpu.memref_slice %arg7[%dma_wait3A_691] : memref<3328xi32, #tpu.memory_space<vmem>> -> memref<128xi32, #tpu.memory_space<vmem>>
      %dma_wait3A_693 = tpu.memref_slice %arg3[%dma_wait3A_690, %add3A_16] : memref<26x16384xi32, #tpu.memory_space<hbm>> -> memref<1x128xi32, #tpu.memory_space<hbm>>
      %dma_wait3A_694 = tpu.memref_squeeze %dma_wait3A_693 : memref<1x128xi32, #tpu.memory_space<hbm>> -> memref<128xi32, #tpu.memory_space<hbm>>
      %dma_wait3A_695 = arith.constant 2944 : i32
      %dma_wait3A_696 = tpu.memref_slice %arg7[%dma_wait3A_695] : memref<3328xi32, #tpu.memory_space<vmem>> -> memref<128xi32, #tpu.memory_space<vmem>>
      %dma_wait3A_697 = tpu.memref_slice %arg3[%dma_wait3A_690, %add3A_16] : memref<26x16384xi32, #tpu.memory_space<hbm>> -> memref<1x128xi32, #tpu.memory_space<hbm>>
      %dma_wait3A_698 = tpu.memref_squeeze %dma_wait3A_697 : memref<1x128xi32, #tpu.memory_space<hbm>> -> memref<128xi32, #tpu.memory_space<hbm>>
      tpu.wait_dma2 semaphore(%arg14 : memref<!tpu.dma_semaphore, #tpu.memory_space<semaphore_mem>>) src(%dma_wait3A_698 : memref<128xi32, #tpu.memory_space<hbm>>) dst(%dma_wait3A_696 : memref<128xi32, #tpu.memory_space<vmem>>)
      %dma_wait3A_699 = arith.constant 24 : i32
      %dma_wait3A_700 = arith.constant 3072 : i32
      %dma_wait3A_701 = tpu.memref_slice %arg7[%dma_wait3A_700] : memref<3328xi32, #tpu.memory_space<vmem>> -> memref<128xi32, #tpu.memory_space<vmem>>
      %dma_wait3A_702 = tpu.memref_slice %arg3[%dma_wait3A_699, %add3A_16] : memref<26x16384xi32, #tpu.memory_space<hbm>> -> memref<1x128xi32, #tpu.memory_space<hbm>>
      %dma_wait3A_703 = tpu.memref_squeeze %dma_wait3A_702 : memref<1x128xi32, #tpu.memory_space<hbm>> -> memref<128xi32, #tpu.memory_space<hbm>>
      %dma_wait3A_704 = arith.constant 3072 : i32
      %dma_wait3A_705 = tpu.memref_slice %arg7[%dma_wait3A_704] : memref<3328xi32, #tpu.memory_space<vmem>> -> memref<128xi32, #tpu.memory_space<vmem>>
      %dma_wait3A_706 = tpu.memref_slice %arg3[%dma_wait3A_699, %add3A_16] : memref<26x16384xi32, #tpu.memory_space<hbm>> -> memref<1x128xi32, #tpu.memory_space<hbm>>
      %dma_wait3A_707 = tpu.memref_squeeze %dma_wait3A_706 : memref<1x128xi32, #tpu.memory_space<hbm>> -> memref<128xi32, #tpu.memory_space<hbm>>
      tpu.wait_dma2 semaphore(%arg14 : memref<!tpu.dma_semaphore, #tpu.memory_space<semaphore_mem>>) src(%dma_wait3A_707 : memref<128xi32, #tpu.memory_space<hbm>>) dst(%dma_wait3A_705 : memref<128xi32, #tpu.memory_space<vmem>>)
      %dma_wait3A_708 = arith.constant 25 : i32
      %dma_wait3A_709 = arith.constant 3200 : i32
      %dma_wait3A_710 = tpu.memref_slice %arg7[%dma_wait3A_709] : memref<3328xi32, #tpu.memory_space<vmem>> -> memref<128xi32, #tpu.memory_space<vmem>>
      %dma_wait3A_711 = tpu.memref_slice %arg3[%dma_wait3A_708, %add3A_16] : memref<26x16384xi32, #tpu.memory_space<hbm>> -> memref<1x128xi32, #tpu.memory_space<hbm>>
      %dma_wait3A_712 = tpu.memref_squeeze %dma_wait3A_711 : memref<1x128xi32, #tpu.memory_space<hbm>> -> memref<128xi32, #tpu.memory_space<hbm>>
      %dma_wait3A_713 = arith.constant 3200 : i32
      %dma_wait3A_714 = tpu.memref_slice %arg7[%dma_wait3A_713] : memref<3328xi32, #tpu.memory_space<vmem>> -> memref<128xi32, #tpu.memory_space<vmem>>
      %dma_wait3A_715 = tpu.memref_slice %arg3[%dma_wait3A_708, %add3A_16] : memref<26x16384xi32, #tpu.memory_space<hbm>> -> memref<1x128xi32, #tpu.memory_space<hbm>>
      %dma_wait3A_716 = tpu.memref_squeeze %dma_wait3A_715 : memref<1x128xi32, #tpu.memory_space<hbm>> -> memref<128xi32, #tpu.memory_space<hbm>>
      tpu.wait_dma2 semaphore(%arg14 : memref<!tpu.dma_semaphore, #tpu.memory_space<semaphore_mem>>) src(%dma_wait3A_716 : memref<128xi32, #tpu.memory_space<hbm>>) dst(%dma_wait3A_714 : memref<128xi32, #tpu.memory_space<vmem>>)
      %dma_wait3A_717 = arith.constant 0 : i32
      %dma_wait3A_718 = arith.constant 0 : i32
      %dma_wait3A_719 = tpu.memref_slice %arg9[%dma_wait3A_718] : memref<3328xf32, #tpu.memory_space<vmem>> -> memref<128xf32, #tpu.memory_space<vmem>>
      %dma_wait3A_720 = tpu.memref_slice %arg2[%dma_wait3A_717, %add3A_16] : memref<26x16384xf32, #tpu.memory_space<hbm>> -> memref<1x128xf32, #tpu.memory_space<hbm>>
      %dma_wait3A_721 = tpu.memref_squeeze %dma_wait3A_720 : memref<1x128xf32, #tpu.memory_space<hbm>> -> memref<128xf32, #tpu.memory_space<hbm>>
      %dma_wait3A_722 = arith.constant 0 : i32
      %dma_wait3A_723 = tpu.memref_slice %arg9[%dma_wait3A_722] : memref<3328xf32, #tpu.memory_space<vmem>> -> memref<128xf32, #tpu.memory_space<vmem>>
      %dma_wait3A_724 = tpu.memref_slice %arg2[%dma_wait3A_717, %add3A_16] : memref<26x16384xf32, #tpu.memory_space<hbm>> -> memref<1x128xf32, #tpu.memory_space<hbm>>
      %dma_wait3A_725 = tpu.memref_squeeze %dma_wait3A_724 : memref<1x128xf32, #tpu.memory_space<hbm>> -> memref<128xf32, #tpu.memory_space<hbm>>
      tpu.wait_dma2 semaphore(%arg14 : memref<!tpu.dma_semaphore, #tpu.memory_space<semaphore_mem>>) src(%dma_wait3A_725 : memref<128xf32, #tpu.memory_space<hbm>>) dst(%dma_wait3A_723 : memref<128xf32, #tpu.memory_space<vmem>>)
      %dma_wait3A_726 = arith.constant 1 : i32
      %dma_wait3A_727 = arith.constant 128 : i32
      %dma_wait3A_728 = tpu.memref_slice %arg9[%dma_wait3A_727] : memref<3328xf32, #tpu.memory_space<vmem>> -> memref<128xf32, #tpu.memory_space<vmem>>
      %dma_wait3A_729 = tpu.memref_slice %arg2[%dma_wait3A_726, %add3A_16] : memref<26x16384xf32, #tpu.memory_space<hbm>> -> memref<1x128xf32, #tpu.memory_space<hbm>>
      %dma_wait3A_730 = tpu.memref_squeeze %dma_wait3A_729 : memref<1x128xf32, #tpu.memory_space<hbm>> -> memref<128xf32, #tpu.memory_space<hbm>>
      %dma_wait3A_731 = arith.constant 128 : i32
      %dma_wait3A_732 = tpu.memref_slice %arg9[%dma_wait3A_731] : memref<3328xf32, #tpu.memory_space<vmem>> -> memref<128xf32, #tpu.memory_space<vmem>>
      %dma_wait3A_733 = tpu.memref_slice %arg2[%dma_wait3A_726, %add3A_16] : memref<26x16384xf32, #tpu.memory_space<hbm>> -> memref<1x128xf32, #tpu.memory_space<hbm>>
      %dma_wait3A_734 = tpu.memref_squeeze %dma_wait3A_733 : memref<1x128xf32, #tpu.memory_space<hbm>> -> memref<128xf32, #tpu.memory_space<hbm>>
      tpu.wait_dma2 semaphore(%arg14 : memref<!tpu.dma_semaphore, #tpu.memory_space<semaphore_mem>>) src(%dma_wait3A_734 : memref<128xf32, #tpu.memory_space<hbm>>) dst(%dma_wait3A_732 : memref<128xf32, #tpu.memory_space<vmem>>)
      %dma_wait3A_735 = arith.constant 2 : i32
      %dma_wait3A_736 = arith.constant 256 : i32
      %dma_wait3A_737 = tpu.memref_slice %arg9[%dma_wait3A_736] : memref<3328xf32, #tpu.memory_space<vmem>> -> memref<128xf32, #tpu.memory_space<vmem>>
      %dma_wait3A_738 = tpu.memref_slice %arg2[%dma_wait3A_735, %add3A_16] : memref<26x16384xf32, #tpu.memory_space<hbm>> -> memref<1x128xf32, #tpu.memory_space<hbm>>
      %dma_wait3A_739 = tpu.memref_squeeze %dma_wait3A_738 : memref<1x128xf32, #tpu.memory_space<hbm>> -> memref<128xf32, #tpu.memory_space<hbm>>
      %dma_wait3A_740 = arith.constant 256 : i32
      %dma_wait3A_741 = tpu.memref_slice %arg9[%dma_wait3A_740] : memref<3328xf32, #tpu.memory_space<vmem>> -> memref<128xf32, #tpu.memory_space<vmem>>
      %dma_wait3A_742 = tpu.memref_slice %arg2[%dma_wait3A_735, %add3A_16] : memref<26x16384xf32, #tpu.memory_space<hbm>> -> memref<1x128xf32, #tpu.memory_space<hbm>>
      %dma_wait3A_743 = tpu.memref_squeeze %dma_wait3A_742 : memref<1x128xf32, #tpu.memory_space<hbm>> -> memref<128xf32, #tpu.memory_space<hbm>>
      tpu.wait_dma2 semaphore(%arg14 : memref<!tpu.dma_semaphore, #tpu.memory_space<semaphore_mem>>) src(%dma_wait3A_743 : memref<128xf32, #tpu.memory_space<hbm>>) dst(%dma_wait3A_741 : memref<128xf32, #tpu.memory_space<vmem>>)
      %dma_wait3A_744 = arith.constant 3 : i32
      %dma_wait3A_745 = arith.constant 384 : i32
      %dma_wait3A_746 = tpu.memref_slice %arg9[%dma_wait3A_745] : memref<3328xf32, #tpu.memory_space<vmem>> -> memref<128xf32, #tpu.memory_space<vmem>>
      %dma_wait3A_747 = tpu.memref_slice %arg2[%dma_wait3A_744, %add3A_16] : memref<26x16384xf32, #tpu.memory_space<hbm>> -> memref<1x128xf32, #tpu.memory_space<hbm>>
      %dma_wait3A_748 = tpu.memref_squeeze %dma_wait3A_747 : memref<1x128xf32, #tpu.memory_space<hbm>> -> memref<128xf32, #tpu.memory_space<hbm>>
      %dma_wait3A_749 = arith.constant 384 : i32
      %dma_wait3A_750 = tpu.memref_slice %arg9[%dma_wait3A_749] : memref<3328xf32, #tpu.memory_space<vmem>> -> memref<128xf32, #tpu.memory_space<vmem>>
      %dma_wait3A_751 = tpu.memref_slice %arg2[%dma_wait3A_744, %add3A_16] : memref<26x16384xf32, #tpu.memory_space<hbm>> -> memref<1x128xf32, #tpu.memory_space<hbm>>
      %dma_wait3A_752 = tpu.memref_squeeze %dma_wait3A_751 : memref<1x128xf32, #tpu.memory_space<hbm>> -> memref<128xf32, #tpu.memory_space<hbm>>
      tpu.wait_dma2 semaphore(%arg14 : memref<!tpu.dma_semaphore, #tpu.memory_space<semaphore_mem>>) src(%dma_wait3A_752 : memref<128xf32, #tpu.memory_space<hbm>>) dst(%dma_wait3A_750 : memref<128xf32, #tpu.memory_space<vmem>>)
      %dma_wait3A_753 = arith.constant 4 : i32
      %dma_wait3A_754 = arith.constant 512 : i32
      %dma_wait3A_755 = tpu.memref_slice %arg9[%dma_wait3A_754] : memref<3328xf32, #tpu.memory_space<vmem>> -> memref<128xf32, #tpu.memory_space<vmem>>
      %dma_wait3A_756 = tpu.memref_slice %arg2[%dma_wait3A_753, %add3A_16] : memref<26x16384xf32, #tpu.memory_space<hbm>> -> memref<1x128xf32, #tpu.memory_space<hbm>>
      %dma_wait3A_757 = tpu.memref_squeeze %dma_wait3A_756 : memref<1x128xf32, #tpu.memory_space<hbm>> -> memref<128xf32, #tpu.memory_space<hbm>>
      %dma_wait3A_758 = arith.constant 512 : i32
      %dma_wait3A_759 = tpu.memref_slice %arg9[%dma_wait3A_758] : memref<3328xf32, #tpu.memory_space<vmem>> -> memref<128xf32, #tpu.memory_space<vmem>>
      %dma_wait3A_760 = tpu.memref_slice %arg2[%dma_wait3A_753, %add3A_16] : memref<26x16384xf32, #tpu.memory_space<hbm>> -> memref<1x128xf32, #tpu.memory_space<hbm>>
      %dma_wait3A_761 = tpu.memref_squeeze %dma_wait3A_760 : memref<1x128xf32, #tpu.memory_space<hbm>> -> memref<128xf32, #tpu.memory_space<hbm>>
      tpu.wait_dma2 semaphore(%arg14 : memref<!tpu.dma_semaphore, #tpu.memory_space<semaphore_mem>>) src(%dma_wait3A_761 : memref<128xf32, #tpu.memory_space<hbm>>) dst(%dma_wait3A_759 : memref<128xf32, #tpu.memory_space<vmem>>)
      %dma_wait3A_762 = arith.constant 5 : i32
      %dma_wait3A_763 = arith.constant 640 : i32
      %dma_wait3A_764 = tpu.memref_slice %arg9[%dma_wait3A_763] : memref<3328xf32, #tpu.memory_space<vmem>> -> memref<128xf32, #tpu.memory_space<vmem>>
      %dma_wait3A_765 = tpu.memref_slice %arg2[%dma_wait3A_762, %add3A_16] : memref<26x16384xf32, #tpu.memory_space<hbm>> -> memref<1x128xf32, #tpu.memory_space<hbm>>
      %dma_wait3A_766 = tpu.memref_squeeze %dma_wait3A_765 : memref<1x128xf32, #tpu.memory_space<hbm>> -> memref<128xf32, #tpu.memory_space<hbm>>
      %dma_wait3A_767 = arith.constant 640 : i32
      %dma_wait3A_768 = tpu.memref_slice %arg9[%dma_wait3A_767] : memref<3328xf32, #tpu.memory_space<vmem>> -> memref<128xf32, #tpu.memory_space<vmem>>
      %dma_wait3A_769 = tpu.memref_slice %arg2[%dma_wait3A_762, %add3A_16] : memref<26x16384xf32, #tpu.memory_space<hbm>> -> memref<1x128xf32, #tpu.memory_space<hbm>>
      %dma_wait3A_770 = tpu.memref_squeeze %dma_wait3A_769 : memref<1x128xf32, #tpu.memory_space<hbm>> -> memref<128xf32, #tpu.memory_space<hbm>>
      tpu.wait_dma2 semaphore(%arg14 : memref<!tpu.dma_semaphore, #tpu.memory_space<semaphore_mem>>) src(%dma_wait3A_770 : memref<128xf32, #tpu.memory_space<hbm>>) dst(%dma_wait3A_768 : memref<128xf32, #tpu.memory_space<vmem>>)
      %dma_wait3A_771 = arith.constant 6 : i32
      %dma_wait3A_772 = arith.constant 768 : i32
      %dma_wait3A_773 = tpu.memref_slice %arg9[%dma_wait3A_772] : memref<3328xf32, #tpu.memory_space<vmem>> -> memref<128xf32, #tpu.memory_space<vmem>>
      %dma_wait3A_774 = tpu.memref_slice %arg2[%dma_wait3A_771, %add3A_16] : memref<26x16384xf32, #tpu.memory_space<hbm>> -> memref<1x128xf32, #tpu.memory_space<hbm>>
      %dma_wait3A_775 = tpu.memref_squeeze %dma_wait3A_774 : memref<1x128xf32, #tpu.memory_space<hbm>> -> memref<128xf32, #tpu.memory_space<hbm>>
      %dma_wait3A_776 = arith.constant 768 : i32
      %dma_wait3A_777 = tpu.memref_slice %arg9[%dma_wait3A_776] : memref<3328xf32, #tpu.memory_space<vmem>> -> memref<128xf32, #tpu.memory_space<vmem>>
      %dma_wait3A_778 = tpu.memref_slice %arg2[%dma_wait3A_771, %add3A_16] : memref<26x16384xf32, #tpu.memory_space<hbm>> -> memref<1x128xf32, #tpu.memory_space<hbm>>
      %dma_wait3A_779 = tpu.memref_squeeze %dma_wait3A_778 : memref<1x128xf32, #tpu.memory_space<hbm>> -> memref<128xf32, #tpu.memory_space<hbm>>
      tpu.wait_dma2 semaphore(%arg14 : memref<!tpu.dma_semaphore, #tpu.memory_space<semaphore_mem>>) src(%dma_wait3A_779 : memref<128xf32, #tpu.memory_space<hbm>>) dst(%dma_wait3A_777 : memref<128xf32, #tpu.memory_space<vmem>>)
      %dma_wait3A_780 = arith.constant 7 : i32
      %dma_wait3A_781 = arith.constant 896 : i32
      %dma_wait3A_782 = tpu.memref_slice %arg9[%dma_wait3A_781] : memref<3328xf32, #tpu.memory_space<vmem>> -> memref<128xf32, #tpu.memory_space<vmem>>
      %dma_wait3A_783 = tpu.memref_slice %arg2[%dma_wait3A_780, %add3A_16] : memref<26x16384xf32, #tpu.memory_space<hbm>> -> memref<1x128xf32, #tpu.memory_space<hbm>>
      %dma_wait3A_784 = tpu.memref_squeeze %dma_wait3A_783 : memref<1x128xf32, #tpu.memory_space<hbm>> -> memref<128xf32, #tpu.memory_space<hbm>>
      %dma_wait3A_785 = arith.constant 896 : i32
      %dma_wait3A_786 = tpu.memref_slice %arg9[%dma_wait3A_785] : memref<3328xf32, #tpu.memory_space<vmem>> -> memref<128xf32, #tpu.memory_space<vmem>>
      %dma_wait3A_787 = tpu.memref_slice %arg2[%dma_wait3A_780, %add3A_16] : memref<26x16384xf32, #tpu.memory_space<hbm>> -> memref<1x128xf32, #tpu.memory_space<hbm>>
      %dma_wait3A_788 = tpu.memref_squeeze %dma_wait3A_787 : memref<1x128xf32, #tpu.memory_space<hbm>> -> memref<128xf32, #tpu.memory_space<hbm>>
      tpu.wait_dma2 semaphore(%arg14 : memref<!tpu.dma_semaphore, #tpu.memory_space<semaphore_mem>>) src(%dma_wait3A_788 : memref<128xf32, #tpu.memory_space<hbm>>) dst(%dma_wait3A_786 : memref<128xf32, #tpu.memory_space<vmem>>)
      %dma_wait3A_789 = arith.constant 8 : i32
      %dma_wait3A_790 = arith.constant 1024 : i32
      %dma_wait3A_791 = tpu.memref_slice %arg9[%dma_wait3A_790] : memref<3328xf32, #tpu.memory_space<vmem>> -> memref<128xf32, #tpu.memory_space<vmem>>
      %dma_wait3A_792 = tpu.memref_slice %arg2[%dma_wait3A_789, %add3A_16] : memref<26x16384xf32, #tpu.memory_space<hbm>> -> memref<1x128xf32, #tpu.memory_space<hbm>>
      %dma_wait3A_793 = tpu.memref_squeeze %dma_wait3A_792 : memref<1x128xf32, #tpu.memory_space<hbm>> -> memref<128xf32, #tpu.memory_space<hbm>>
      %dma_wait3A_794 = arith.constant 1024 : i32
      %dma_wait3A_795 = tpu.memref_slice %arg9[%dma_wait3A_794] : memref<3328xf32, #tpu.memory_space<vmem>> -> memref<128xf32, #tpu.memory_space<vmem>>
      %dma_wait3A_796 = tpu.memref_slice %arg2[%dma_wait3A_789, %add3A_16] : memref<26x16384xf32, #tpu.memory_space<hbm>> -> memref<1x128xf32, #tpu.memory_space<hbm>>
      %dma_wait3A_797 = tpu.memref_squeeze %dma_wait3A_796 : memref<1x128xf32, #tpu.memory_space<hbm>> -> memref<128xf32, #tpu.memory_space<hbm>>
      tpu.wait_dma2 semaphore(%arg14 : memref<!tpu.dma_semaphore, #tpu.memory_space<semaphore_mem>>) src(%dma_wait3A_797 : memref<128xf32, #tpu.memory_space<hbm>>) dst(%dma_wait3A_795 : memref<128xf32, #tpu.memory_space<vmem>>)
      %dma_wait3A_798 = arith.constant 9 : i32
      %dma_wait3A_799 = arith.constant 1152 : i32
      %dma_wait3A_800 = tpu.memref_slice %arg9[%dma_wait3A_799] : memref<3328xf32, #tpu.memory_space<vmem>> -> memref<128xf32, #tpu.memory_space<vmem>>
      %dma_wait3A_801 = tpu.memref_slice %arg2[%dma_wait3A_798, %add3A_16] : memref<26x16384xf32, #tpu.memory_space<hbm>> -> memref<1x128xf32, #tpu.memory_space<hbm>>
      %dma_wait3A_802 = tpu.memref_squeeze %dma_wait3A_801 : memref<1x128xf32, #tpu.memory_space<hbm>> -> memref<128xf32, #tpu.memory_space<hbm>>
      %dma_wait3A_803 = arith.constant 1152 : i32
      %dma_wait3A_804 = tpu.memref_slice %arg9[%dma_wait3A_803] : memref<3328xf32, #tpu.memory_space<vmem>> -> memref<128xf32, #tpu.memory_space<vmem>>
      %dma_wait3A_805 = tpu.memref_slice %arg2[%dma_wait3A_798, %add3A_16] : memref<26x16384xf32, #tpu.memory_space<hbm>> -> memref<1x128xf32, #tpu.memory_space<hbm>>
      %dma_wait3A_806 = tpu.memref_squeeze %dma_wait3A_805 : memref<1x128xf32, #tpu.memory_space<hbm>> -> memref<128xf32, #tpu.memory_space<hbm>>
      tpu.wait_dma2 semaphore(%arg14 : memref<!tpu.dma_semaphore, #tpu.memory_space<semaphore_mem>>) src(%dma_wait3A_806 : memref<128xf32, #tpu.memory_space<hbm>>) dst(%dma_wait3A_804 : memref<128xf32, #tpu.memory_space<vmem>>)
      %dma_wait3A_807 = arith.constant 10 : i32
      %dma_wait3A_808 = arith.constant 1280 : i32
      %dma_wait3A_809 = tpu.memref_slice %arg9[%dma_wait3A_808] : memref<3328xf32, #tpu.memory_space<vmem>> -> memref<128xf32, #tpu.memory_space<vmem>>
      %dma_wait3A_810 = tpu.memref_slice %arg2[%dma_wait3A_807, %add3A_16] : memref<26x16384xf32, #tpu.memory_space<hbm>> -> memref<1x128xf32, #tpu.memory_space<hbm>>
      %dma_wait3A_811 = tpu.memref_squeeze %dma_wait3A_810 : memref<1x128xf32, #tpu.memory_space<hbm>> -> memref<128xf32, #tpu.memory_space<hbm>>
      %dma_wait3A_812 = arith.constant 1280 : i32
      %dma_wait3A_813 = tpu.memref_slice %arg9[%dma_wait3A_812] : memref<3328xf32, #tpu.memory_space<vmem>> -> memref<128xf32, #tpu.memory_space<vmem>>
      %dma_wait3A_814 = tpu.memref_slice %arg2[%dma_wait3A_807, %add3A_16] : memref<26x16384xf32, #tpu.memory_space<hbm>> -> memref<1x128xf32, #tpu.memory_space<hbm>>
      %dma_wait3A_815 = tpu.memref_squeeze %dma_wait3A_814 : memref<1x128xf32, #tpu.memory_space<hbm>> -> memref<128xf32, #tpu.memory_space<hbm>>
      tpu.wait_dma2 semaphore(%arg14 : memref<!tpu.dma_semaphore, #tpu.memory_space<semaphore_mem>>) src(%dma_wait3A_815 : memref<128xf32, #tpu.memory_space<hbm>>) dst(%dma_wait3A_813 : memref<128xf32, #tpu.memory_space<vmem>>)
      %dma_wait3A_816 = arith.constant 11 : i32
      %dma_wait3A_817 = arith.constant 1408 : i32
      %dma_wait3A_818 = tpu.memref_slice %arg9[%dma_wait3A_817] : memref<3328xf32, #tpu.memory_space<vmem>> -> memref<128xf32, #tpu.memory_space<vmem>>
      %dma_wait3A_819 = tpu.memref_slice %arg2[%dma_wait3A_816, %add3A_16] : memref<26x16384xf32, #tpu.memory_space<hbm>> -> memref<1x128xf32, #tpu.memory_space<hbm>>
      %dma_wait3A_820 = tpu.memref_squeeze %dma_wait3A_819 : memref<1x128xf32, #tpu.memory_space<hbm>> -> memref<128xf32, #tpu.memory_space<hbm>>
      %dma_wait3A_821 = arith.constant 1408 : i32
      %dma_wait3A_822 = tpu.memref_slice %arg9[%dma_wait3A_821] : memref<3328xf32, #tpu.memory_space<vmem>> -> memref<128xf32, #tpu.memory_space<vmem>>
      %dma_wait3A_823 = tpu.memref_slice %arg2[%dma_wait3A_816, %add3A_16] : memref<26x16384xf32, #tpu.memory_space<hbm>> -> memref<1x128xf32, #tpu.memory_space<hbm>>
      %dma_wait3A_824 = tpu.memref_squeeze %dma_wait3A_823 : memref<1x128xf32, #tpu.memory_space<hbm>> -> memref<128xf32, #tpu.memory_space<hbm>>
      tpu.wait_dma2 semaphore(%arg14 : memref<!tpu.dma_semaphore, #tpu.memory_space<semaphore_mem>>) src(%dma_wait3A_824 : memref<128xf32, #tpu.memory_space<hbm>>) dst(%dma_wait3A_822 : memref<128xf32, #tpu.memory_space<vmem>>)
      %dma_wait3A_825 = arith.constant 12 : i32
      %dma_wait3A_826 = arith.constant 1536 : i32
      %dma_wait3A_827 = tpu.memref_slice %arg9[%dma_wait3A_826] : memref<3328xf32, #tpu.memory_space<vmem>> -> memref<128xf32, #tpu.memory_space<vmem>>
      %dma_wait3A_828 = tpu.memref_slice %arg2[%dma_wait3A_825, %add3A_16] : memref<26x16384xf32, #tpu.memory_space<hbm>> -> memref<1x128xf32, #tpu.memory_space<hbm>>
      %dma_wait3A_829 = tpu.memref_squeeze %dma_wait3A_828 : memref<1x128xf32, #tpu.memory_space<hbm>> -> memref<128xf32, #tpu.memory_space<hbm>>
      %dma_wait3A_830 = arith.constant 1536 : i32
      %dma_wait3A_831 = tpu.memref_slice %arg9[%dma_wait3A_830] : memref<3328xf32, #tpu.memory_space<vmem>> -> memref<128xf32, #tpu.memory_space<vmem>>
      %dma_wait3A_832 = tpu.memref_slice %arg2[%dma_wait3A_825, %add3A_16] : memref<26x16384xf32, #tpu.memory_space<hbm>> -> memref<1x128xf32, #tpu.memory_space<hbm>>
      %dma_wait3A_833 = tpu.memref_squeeze %dma_wait3A_832 : memref<1x128xf32, #tpu.memory_space<hbm>> -> memref<128xf32, #tpu.memory_space<hbm>>
      tpu.wait_dma2 semaphore(%arg14 : memref<!tpu.dma_semaphore, #tpu.memory_space<semaphore_mem>>) src(%dma_wait3A_833 : memref<128xf32, #tpu.memory_space<hbm>>) dst(%dma_wait3A_831 : memref<128xf32, #tpu.memory_space<vmem>>)
      %dma_wait3A_834 = arith.constant 13 : i32
      %dma_wait3A_835 = arith.constant 1664 : i32
      %dma_wait3A_836 = tpu.memref_slice %arg9[%dma_wait3A_835] : memref<3328xf32, #tpu.memory_space<vmem>> -> memref<128xf32, #tpu.memory_space<vmem>>
      %dma_wait3A_837 = tpu.memref_slice %arg2[%dma_wait3A_834, %add3A_16] : memref<26x16384xf32, #tpu.memory_space<hbm>> -> memref<1x128xf32, #tpu.memory_space<hbm>>
      %dma_wait3A_838 = tpu.memref_squeeze %dma_wait3A_837 : memref<1x128xf32, #tpu.memory_space<hbm>> -> memref<128xf32, #tpu.memory_space<hbm>>
      %dma_wait3A_839 = arith.constant 1664 : i32
      %dma_wait3A_840 = tpu.memref_slice %arg9[%dma_wait3A_839] : memref<3328xf32, #tpu.memory_space<vmem>> -> memref<128xf32, #tpu.memory_space<vmem>>
      %dma_wait3A_841 = tpu.memref_slice %arg2[%dma_wait3A_834, %add3A_16] : memref<26x16384xf32, #tpu.memory_space<hbm>> -> memref<1x128xf32, #tpu.memory_space<hbm>>
      %dma_wait3A_842 = tpu.memref_squeeze %dma_wait3A_841 : memref<1x128xf32, #tpu.memory_space<hbm>> -> memref<128xf32, #tpu.memory_space<hbm>>
      tpu.wait_dma2 semaphore(%arg14 : memref<!tpu.dma_semaphore, #tpu.memory_space<semaphore_mem>>) src(%dma_wait3A_842 : memref<128xf32, #tpu.memory_space<hbm>>) dst(%dma_wait3A_840 : memref<128xf32, #tpu.memory_space<vmem>>)
      %dma_wait3A_843 = arith.constant 14 : i32
      %dma_wait3A_844 = arith.constant 1792 : i32
      %dma_wait3A_845 = tpu.memref_slice %arg9[%dma_wait3A_844] : memref<3328xf32, #tpu.memory_space<vmem>> -> memref<128xf32, #tpu.memory_space<vmem>>
      %dma_wait3A_846 = tpu.memref_slice %arg2[%dma_wait3A_843, %add3A_16] : memref<26x16384xf32, #tpu.memory_space<hbm>> -> memref<1x128xf32, #tpu.memory_space<hbm>>
      %dma_wait3A_847 = tpu.memref_squeeze %dma_wait3A_846 : memref<1x128xf32, #tpu.memory_space<hbm>> -> memref<128xf32, #tpu.memory_space<hbm>>
      %dma_wait3A_848 = arith.constant 1792 : i32
      %dma_wait3A_849 = tpu.memref_slice %arg9[%dma_wait3A_848] : memref<3328xf32, #tpu.memory_space<vmem>> -> memref<128xf32, #tpu.memory_space<vmem>>
      %dma_wait3A_850 = tpu.memref_slice %arg2[%dma_wait3A_843, %add3A_16] : memref<26x16384xf32, #tpu.memory_space<hbm>> -> memref<1x128xf32, #tpu.memory_space<hbm>>
      %dma_wait3A_851 = tpu.memref_squeeze %dma_wait3A_850 : memref<1x128xf32, #tpu.memory_space<hbm>> -> memref<128xf32, #tpu.memory_space<hbm>>
      tpu.wait_dma2 semaphore(%arg14 : memref<!tpu.dma_semaphore, #tpu.memory_space<semaphore_mem>>) src(%dma_wait3A_851 : memref<128xf32, #tpu.memory_space<hbm>>) dst(%dma_wait3A_849 : memref<128xf32, #tpu.memory_space<vmem>>)
      %dma_wait3A_852 = arith.constant 15 : i32
      %dma_wait3A_853 = arith.constant 1920 : i32
      %dma_wait3A_854 = tpu.memref_slice %arg9[%dma_wait3A_853] : memref<3328xf32, #tpu.memory_space<vmem>> -> memref<128xf32, #tpu.memory_space<vmem>>
      %dma_wait3A_855 = tpu.memref_slice %arg2[%dma_wait3A_852, %add3A_16] : memref<26x16384xf32, #tpu.memory_space<hbm>> -> memref<1x128xf32, #tpu.memory_space<hbm>>
      %dma_wait3A_856 = tpu.memref_squeeze %dma_wait3A_855 : memref<1x128xf32, #tpu.memory_space<hbm>> -> memref<128xf32, #tpu.memory_space<hbm>>
      %dma_wait3A_857 = arith.constant 1920 : i32
      %dma_wait3A_858 = tpu.memref_slice %arg9[%dma_wait3A_857] : memref<3328xf32, #tpu.memory_space<vmem>> -> memref<128xf32, #tpu.memory_space<vmem>>
      %dma_wait3A_859 = tpu.memref_slice %arg2[%dma_wait3A_852, %add3A_16] : memref<26x16384xf32, #tpu.memory_space<hbm>> -> memref<1x128xf32, #tpu.memory_space<hbm>>
      %dma_wait3A_860 = tpu.memref_squeeze %dma_wait3A_859 : memref<1x128xf32, #tpu.memory_space<hbm>> -> memref<128xf32, #tpu.memory_space<hbm>>
      tpu.wait_dma2 semaphore(%arg14 : memref<!tpu.dma_semaphore, #tpu.memory_space<semaphore_mem>>) src(%dma_wait3A_860 : memref<128xf32, #tpu.memory_space<hbm>>) dst(%dma_wait3A_858 : memref<128xf32, #tpu.memory_space<vmem>>)
      %dma_wait3A_861 = arith.constant 16 : i32
      %dma_wait3A_862 = arith.constant 2048 : i32
      %dma_wait3A_863 = tpu.memref_slice %arg9[%dma_wait3A_862] : memref<3328xf32, #tpu.memory_space<vmem>> -> memref<128xf32, #tpu.memory_space<vmem>>
      %dma_wait3A_864 = tpu.memref_slice %arg2[%dma_wait3A_861, %add3A_16] : memref<26x16384xf32, #tpu.memory_space<hbm>> -> memref<1x128xf32, #tpu.memory_space<hbm>>
      %dma_wait3A_865 = tpu.memref_squeeze %dma_wait3A_864 : memref<1x128xf32, #tpu.memory_space<hbm>> -> memref<128xf32, #tpu.memory_space<hbm>>
      %dma_wait3A_866 = arith.constant 2048 : i32
      %dma_wait3A_867 = tpu.memref_slice %arg9[%dma_wait3A_866] : memref<3328xf32, #tpu.memory_space<vmem>> -> memref<128xf32, #tpu.memory_space<vmem>>
      %dma_wait3A_868 = tpu.memref_slice %arg2[%dma_wait3A_861, %add3A_16] : memref<26x16384xf32, #tpu.memory_space<hbm>> -> memref<1x128xf32, #tpu.memory_space<hbm>>
      %dma_wait3A_869 = tpu.memref_squeeze %dma_wait3A_868 : memref<1x128xf32, #tpu.memory_space<hbm>> -> memref<128xf32, #tpu.memory_space<hbm>>
      tpu.wait_dma2 semaphore(%arg14 : memref<!tpu.dma_semaphore, #tpu.memory_space<semaphore_mem>>) src(%dma_wait3A_869 : memref<128xf32, #tpu.memory_space<hbm>>) dst(%dma_wait3A_867 : memref<128xf32, #tpu.memory_space<vmem>>)
      %dma_wait3A_870 = arith.constant 17 : i32
      %dma_wait3A_871 = arith.constant 2176 : i32
      %dma_wait3A_872 = tpu.memref_slice %arg9[%dma_wait3A_871] : memref<3328xf32, #tpu.memory_space<vmem>> -> memref<128xf32, #tpu.memory_space<vmem>>
      %dma_wait3A_873 = tpu.memref_slice %arg2[%dma_wait3A_870, %add3A_16] : memref<26x16384xf32, #tpu.memory_space<hbm>> -> memref<1x128xf32, #tpu.memory_space<hbm>>
      %dma_wait3A_874 = tpu.memref_squeeze %dma_wait3A_873 : memref<1x128xf32, #tpu.memory_space<hbm>> -> memref<128xf32, #tpu.memory_space<hbm>>
      %dma_wait3A_875 = arith.constant 2176 : i32
      %dma_wait3A_876 = tpu.memref_slice %arg9[%dma_wait3A_875] : memref<3328xf32, #tpu.memory_space<vmem>> -> memref<128xf32, #tpu.memory_space<vmem>>
      %dma_wait3A_877 = tpu.memref_slice %arg2[%dma_wait3A_870, %add3A_16] : memref<26x16384xf32, #tpu.memory_space<hbm>> -> memref<1x128xf32, #tpu.memory_space<hbm>>
      %dma_wait3A_878 = tpu.memref_squeeze %dma_wait3A_877 : memref<1x128xf32, #tpu.memory_space<hbm>> -> memref<128xf32, #tpu.memory_space<hbm>>
      tpu.wait_dma2 semaphore(%arg14 : memref<!tpu.dma_semaphore, #tpu.memory_space<semaphore_mem>>) src(%dma_wait3A_878 : memref<128xf32, #tpu.memory_space<hbm>>) dst(%dma_wait3A_876 : memref<128xf32, #tpu.memory_space<vmem>>)
      %dma_wait3A_879 = arith.constant 18 : i32
      %dma_wait3A_880 = arith.constant 2304 : i32
      %dma_wait3A_881 = tpu.memref_slice %arg9[%dma_wait3A_880] : memref<3328xf32, #tpu.memory_space<vmem>> -> memref<128xf32, #tpu.memory_space<vmem>>
      %dma_wait3A_882 = tpu.memref_slice %arg2[%dma_wait3A_879, %add3A_16] : memref<26x16384xf32, #tpu.memory_space<hbm>> -> memref<1x128xf32, #tpu.memory_space<hbm>>
      %dma_wait3A_883 = tpu.memref_squeeze %dma_wait3A_882 : memref<1x128xf32, #tpu.memory_space<hbm>> -> memref<128xf32, #tpu.memory_space<hbm>>
      %dma_wait3A_884 = arith.constant 2304 : i32
      %dma_wait3A_885 = tpu.memref_slice %arg9[%dma_wait3A_884] : memref<3328xf32, #tpu.memory_space<vmem>> -> memref<128xf32, #tpu.memory_space<vmem>>
      %dma_wait3A_886 = tpu.memref_slice %arg2[%dma_wait3A_879, %add3A_16] : memref<26x16384xf32, #tpu.memory_space<hbm>> -> memref<1x128xf32, #tpu.memory_space<hbm>>
      %dma_wait3A_887 = tpu.memref_squeeze %dma_wait3A_886 : memref<1x128xf32, #tpu.memory_space<hbm>> -> memref<128xf32, #tpu.memory_space<hbm>>
      tpu.wait_dma2 semaphore(%arg14 : memref<!tpu.dma_semaphore, #tpu.memory_space<semaphore_mem>>) src(%dma_wait3A_887 : memref<128xf32, #tpu.memory_space<hbm>>) dst(%dma_wait3A_885 : memref<128xf32, #tpu.memory_space<vmem>>)
      %dma_wait3A_888 = arith.constant 19 : i32
      %dma_wait3A_889 = arith.constant 2432 : i32
      %dma_wait3A_890 = tpu.memref_slice %arg9[%dma_wait3A_889] : memref<3328xf32, #tpu.memory_space<vmem>> -> memref<128xf32, #tpu.memory_space<vmem>>
      %dma_wait3A_891 = tpu.memref_slice %arg2[%dma_wait3A_888, %add3A_16] : memref<26x16384xf32, #tpu.memory_space<hbm>> -> memref<1x128xf32, #tpu.memory_space<hbm>>
      %dma_wait3A_892 = tpu.memref_squeeze %dma_wait3A_891 : memref<1x128xf32, #tpu.memory_space<hbm>> -> memref<128xf32, #tpu.memory_space<hbm>>
      %dma_wait3A_893 = arith.constant 2432 : i32
      %dma_wait3A_894 = tpu.memref_slice %arg9[%dma_wait3A_893] : memref<3328xf32, #tpu.memory_space<vmem>> -> memref<128xf32, #tpu.memory_space<vmem>>
      %dma_wait3A_895 = tpu.memref_slice %arg2[%dma_wait3A_888, %add3A_16] : memref<26x16384xf32, #tpu.memory_space<hbm>> -> memref<1x128xf32, #tpu.memory_space<hbm>>
      %dma_wait3A_896 = tpu.memref_squeeze %dma_wait3A_895 : memref<1x128xf32, #tpu.memory_space<hbm>> -> memref<128xf32, #tpu.memory_space<hbm>>
      tpu.wait_dma2 semaphore(%arg14 : memref<!tpu.dma_semaphore, #tpu.memory_space<semaphore_mem>>) src(%dma_wait3A_896 : memref<128xf32, #tpu.memory_space<hbm>>) dst(%dma_wait3A_894 : memref<128xf32, #tpu.memory_space<vmem>>)
      %dma_wait3A_897 = arith.constant 20 : i32
      %dma_wait3A_898 = arith.constant 2560 : i32
      %dma_wait3A_899 = tpu.memref_slice %arg9[%dma_wait3A_898] : memref<3328xf32, #tpu.memory_space<vmem>> -> memref<128xf32, #tpu.memory_space<vmem>>
      %dma_wait3A_900 = tpu.memref_slice %arg2[%dma_wait3A_897, %add3A_16] : memref<26x16384xf32, #tpu.memory_space<hbm>> -> memref<1x128xf32, #tpu.memory_space<hbm>>
      %dma_wait3A_901 = tpu.memref_squeeze %dma_wait3A_900 : memref<1x128xf32, #tpu.memory_space<hbm>> -> memref<128xf32, #tpu.memory_space<hbm>>
      %dma_wait3A_902 = arith.constant 2560 : i32
      %dma_wait3A_903 = tpu.memref_slice %arg9[%dma_wait3A_902] : memref<3328xf32, #tpu.memory_space<vmem>> -> memref<128xf32, #tpu.memory_space<vmem>>
      %dma_wait3A_904 = tpu.memref_slice %arg2[%dma_wait3A_897, %add3A_16] : memref<26x16384xf32, #tpu.memory_space<hbm>> -> memref<1x128xf32, #tpu.memory_space<hbm>>
      %dma_wait3A_905 = tpu.memref_squeeze %dma_wait3A_904 : memref<1x128xf32, #tpu.memory_space<hbm>> -> memref<128xf32, #tpu.memory_space<hbm>>
      tpu.wait_dma2 semaphore(%arg14 : memref<!tpu.dma_semaphore, #tpu.memory_space<semaphore_mem>>) src(%dma_wait3A_905 : memref<128xf32, #tpu.memory_space<hbm>>) dst(%dma_wait3A_903 : memref<128xf32, #tpu.memory_space<vmem>>)
      %dma_wait3A_906 = arith.constant 21 : i32
      %dma_wait3A_907 = arith.constant 2688 : i32
      %dma_wait3A_908 = tpu.memref_slice %arg9[%dma_wait3A_907] : memref<3328xf32, #tpu.memory_space<vmem>> -> memref<128xf32, #tpu.memory_space<vmem>>
      %dma_wait3A_909 = tpu.memref_slice %arg2[%dma_wait3A_906, %add3A_16] : memref<26x16384xf32, #tpu.memory_space<hbm>> -> memref<1x128xf32, #tpu.memory_space<hbm>>
      %dma_wait3A_910 = tpu.memref_squeeze %dma_wait3A_909 : memref<1x128xf32, #tpu.memory_space<hbm>> -> memref<128xf32, #tpu.memory_space<hbm>>
      %dma_wait3A_911 = arith.constant 2688 : i32
      %dma_wait3A_912 = tpu.memref_slice %arg9[%dma_wait3A_911] : memref<3328xf32, #tpu.memory_space<vmem>> -> memref<128xf32, #tpu.memory_space<vmem>>
      %dma_wait3A_913 = tpu.memref_slice %arg2[%dma_wait3A_906, %add3A_16] : memref<26x16384xf32, #tpu.memory_space<hbm>> -> memref<1x128xf32, #tpu.memory_space<hbm>>
      %dma_wait3A_914 = tpu.memref_squeeze %dma_wait3A_913 : memref<1x128xf32, #tpu.memory_space<hbm>> -> memref<128xf32, #tpu.memory_space<hbm>>
      tpu.wait_dma2 semaphore(%arg14 : memref<!tpu.dma_semaphore, #tpu.memory_space<semaphore_mem>>) src(%dma_wait3A_914 : memref<128xf32, #tpu.memory_space<hbm>>) dst(%dma_wait3A_912 : memref<128xf32, #tpu.memory_space<vmem>>)
      %dma_wait3A_915 = arith.constant 22 : i32
      %dma_wait3A_916 = arith.constant 2816 : i32
      %dma_wait3A_917 = tpu.memref_slice %arg9[%dma_wait3A_916] : memref<3328xf32, #tpu.memory_space<vmem>> -> memref<128xf32, #tpu.memory_space<vmem>>
      %dma_wait3A_918 = tpu.memref_slice %arg2[%dma_wait3A_915, %add3A_16] : memref<26x16384xf32, #tpu.memory_space<hbm>> -> memref<1x128xf32, #tpu.memory_space<hbm>>
      %dma_wait3A_919 = tpu.memref_squeeze %dma_wait3A_918 : memref<1x128xf32, #tpu.memory_space<hbm>> -> memref<128xf32, #tpu.memory_space<hbm>>
      %dma_wait3A_920 = arith.constant 2816 : i32
      %dma_wait3A_921 = tpu.memref_slice %arg9[%dma_wait3A_920] : memref<3328xf32, #tpu.memory_space<vmem>> -> memref<128xf32, #tpu.memory_space<vmem>>
      %dma_wait3A_922 = tpu.memref_slice %arg2[%dma_wait3A_915, %add3A_16] : memref<26x16384xf32, #tpu.memory_space<hbm>> -> memref<1x128xf32, #tpu.memory_space<hbm>>
      %dma_wait3A_923 = tpu.memref_squeeze %dma_wait3A_922 : memref<1x128xf32, #tpu.memory_space<hbm>> -> memref<128xf32, #tpu.memory_space<hbm>>
      tpu.wait_dma2 semaphore(%arg14 : memref<!tpu.dma_semaphore, #tpu.memory_space<semaphore_mem>>) src(%dma_wait3A_923 : memref<128xf32, #tpu.memory_space<hbm>>) dst(%dma_wait3A_921 : memref<128xf32, #tpu.memory_space<vmem>>)
      %dma_wait3A_924 = arith.constant 23 : i32
      %dma_wait3A_925 = arith.constant 2944 : i32
      %dma_wait3A_926 = tpu.memref_slice %arg9[%dma_wait3A_925] : memref<3328xf32, #tpu.memory_space<vmem>> -> memref<128xf32, #tpu.memory_space<vmem>>
      %dma_wait3A_927 = tpu.memref_slice %arg2[%dma_wait3A_924, %add3A_16] : memref<26x16384xf32, #tpu.memory_space<hbm>> -> memref<1x128xf32, #tpu.memory_space<hbm>>
      %dma_wait3A_928 = tpu.memref_squeeze %dma_wait3A_927 : memref<1x128xf32, #tpu.memory_space<hbm>> -> memref<128xf32, #tpu.memory_space<hbm>>
      %dma_wait3A_929 = arith.constant 2944 : i32
      %dma_wait3A_930 = tpu.memref_slice %arg9[%dma_wait3A_929] : memref<3328xf32, #tpu.memory_space<vmem>> -> memref<128xf32, #tpu.memory_space<vmem>>
      %dma_wait3A_931 = tpu.memref_slice %arg2[%dma_wait3A_924, %add3A_16] : memref<26x16384xf32, #tpu.memory_space<hbm>> -> memref<1x128xf32, #tpu.memory_space<hbm>>
      %dma_wait3A_932 = tpu.memref_squeeze %dma_wait3A_931 : memref<1x128xf32, #tpu.memory_space<hbm>> -> memref<128xf32, #tpu.memory_space<hbm>>
      tpu.wait_dma2 semaphore(%arg14 : memref<!tpu.dma_semaphore, #tpu.memory_space<semaphore_mem>>) src(%dma_wait3A_932 : memref<128xf32, #tpu.memory_space<hbm>>) dst(%dma_wait3A_930 : memref<128xf32, #tpu.memory_space<vmem>>)
      %dma_wait3A_933 = arith.constant 24 : i32
      %dma_wait3A_934 = arith.constant 3072 : i32
      %dma_wait3A_935 = tpu.memref_slice %arg9[%dma_wait3A_934] : memref<3328xf32, #tpu.memory_space<vmem>> -> memref<128xf32, #tpu.memory_space<vmem>>
      %dma_wait3A_936 = tpu.memref_slice %arg2[%dma_wait3A_933, %add3A_16] : memref<26x16384xf32, #tpu.memory_space<hbm>> -> memref<1x128xf32, #tpu.memory_space<hbm>>
      %dma_wait3A_937 = tpu.memref_squeeze %dma_wait3A_936 : memref<1x128xf32, #tpu.memory_space<hbm>> -> memref<128xf32, #tpu.memory_space<hbm>>
      %dma_wait3A_938 = arith.constant 3072 : i32
      %dma_wait3A_939 = tpu.memref_slice %arg9[%dma_wait3A_938] : memref<3328xf32, #tpu.memory_space<vmem>> -> memref<128xf32, #tpu.memory_space<vmem>>
      %dma_wait3A_940 = tpu.memref_slice %arg2[%dma_wait3A_933, %add3A_16] : memref<26x16384xf32, #tpu.memory_space<hbm>> -> memref<1x128xf32, #tpu.memory_space<hbm>>
      %dma_wait3A_941 = tpu.memref_squeeze %dma_wait3A_940 : memref<1x128xf32, #tpu.memory_space<hbm>> -> memref<128xf32, #tpu.memory_space<hbm>>
      tpu.wait_dma2 semaphore(%arg14 : memref<!tpu.dma_semaphore, #tpu.memory_space<semaphore_mem>>) src(%dma_wait3A_941 : memref<128xf32, #tpu.memory_space<hbm>>) dst(%dma_wait3A_939 : memref<128xf32, #tpu.memory_space<vmem>>)
      %dma_wait3A_942 = arith.constant 25 : i32
      %dma_wait3A_943 = arith.constant 3200 : i32
      %dma_wait3A_944 = tpu.memref_slice %arg9[%dma_wait3A_943] : memref<3328xf32, #tpu.memory_space<vmem>> -> memref<128xf32, #tpu.memory_space<vmem>>
      %dma_wait3A_945 = tpu.memref_slice %arg2[%dma_wait3A_942, %add3A_16] : memref<26x16384xf32, #tpu.memory_space<hbm>> -> memref<1x128xf32, #tpu.memory_space<hbm>>
      %dma_wait3A_946 = tpu.memref_squeeze %dma_wait3A_945 : memref<1x128xf32, #tpu.memory_space<hbm>> -> memref<128xf32, #tpu.memory_space<hbm>>
      %dma_wait3A_947 = arith.constant 3200 : i32
      %dma_wait3A_948 = tpu.memref_slice %arg9[%dma_wait3A_947] : memref<3328xf32, #tpu.memory_space<vmem>> -> memref<128xf32, #tpu.memory_space<vmem>>
      %dma_wait3A_949 = tpu.memref_slice %arg2[%dma_wait3A_942, %add3A_16] : memref<26x16384xf32, #tpu.memory_space<hbm>> -> memref<1x128xf32, #tpu.memory_space<hbm>>
      %dma_wait3A_950 = tpu.memref_squeeze %dma_wait3A_949 : memref<1x128xf32, #tpu.memory_space<hbm>> -> memref<128xf32, #tpu.memory_space<hbm>>
      tpu.wait_dma2 semaphore(%arg14 : memref<!tpu.dma_semaphore, #tpu.memory_space<semaphore_mem>>) src(%dma_wait3A_950 : memref<128xf32, #tpu.memory_space<hbm>>) dst(%dma_wait3A_948 : memref<128xf32, #tpu.memory_space<vmem>>)
      %scan3A_951 = arith.constant 0 : i32
      %scan3A_952 = arith.constant 0 : i32
      %scan3A_953 = arith.constant 208 : i32
      %scan3A_954 = arith.addi %scan3A_952, %scan3A_953 : i32
      %scan3A_955 = arith.constant 1 : i32
      %scan3A_956 = scf.for %scan3A_983 = %scan3A_952 to %scan3A_954 step %scan3A_955 iter_args(%scan3A_984 = %scan3A_951) -> (i32)  : i32 {
        %mul3A_985 = arith.constant 16 : i32
        %mul3A_986 = arith.muli %scan3A_983, %mul3A_985 : i32
        %get3A = arith.index_cast %mul3A_986 : i32 to index
        %get3A_987 = tpu.vector_load %arg7[%get3A] {strides = array<i32>} : memref<3328xi32, #tpu.memory_space<vmem>>, vector<16xi32>,
        %and3A = arith.constant -16384 : i32
        %and3A_988 = vector.broadcast %and3A : i32 to vector<16xi32>
        %and3A_989 = arith.andi %get3A_987, %and3A_988 : vector<16xi32>
        %and3A_990 = arith.constant 2047 : i32
        %and3A_991 = vector.broadcast %and3A_990 : i32 to vector<16xi32>
        %and3A_992 = arith.andi %get3A_987, %and3A_991 : vector<16xi32>
        %shift_left3A = arith.constant 3 : i32
        %shift_left3A_993 = vector.broadcast %shift_left3A : i32 to vector<16xi32>
        %shift_left3A_994 = arith.shli %and3A_992, %shift_left3A_993 : vector<16xi32>
        %or3A = arith.ori %and3A_989, %shift_left3A_994 : vector<16xi32>
        %shift_right_arithmetic3A = arith.constant 11 : i32
        %shift_right_arithmetic3A_995 = vector.broadcast %shift_right_arithmetic3A : i32 to vector<16xi32>
        %shift_right_arithmetic3A_996 = arith.shrsi %get3A_987, %shift_right_arithmetic3A_995 : vector<16xi32>
        %and3A_997 = arith.constant 7 : i32
        %and3A_998 = vector.broadcast %and3A_997 : i32 to vector<16xi32>
        %and3A_999 = arith.andi %shift_right_arithmetic3A_996, %and3A_998 : vector<16xi32>
        %or3A_1000 = arith.ori %or3A, %and3A_999 : vector<16xi32>
        %mul3A_1001 = arith.constant 16 : i32
        %mul3A_1002 = arith.muli %scan3A_983, %mul3A_1001 : i32
        %swap3A = arith.index_cast %mul3A_1002 : i32 to index
        %swap3A_1003 = tpu.vector_load %arg8[%swap3A] {strides = array<i32>} : memref<3328xi32, #tpu.memory_space<vmem>>, vector<16xi32>,
        tpu.vector_store %arg8[%swap3A], %or3A_1000 {strides = array<i32>} : memref<3328xi32, #tpu.memory_space<vmem>>, vector<16xi32>,
        %scan3A_1004 = arith.constant 0 : i32
        scf.yield %scan3A_1004 : i32
      }
      %scan3A_957 = arith.constant 208 : i32
      %dma_start3A_958 = arith.constant 0 : i32
      %dma_start3A_959 = arith.constant 0 : i32
      %dma_start3A_960 = tpu.memref_slice %arg4[%dma_start3A_958, %dma_start3A_959] : memref<1015808x16xf32, #tpu.memory_space<hbm>> -> memref<1015808x16xf32, #tpu.memory_space<hbm>>
      tpu.enqueue_indirect_dma source(%dma_start3A_960 : memref<1015808x16xf32, #tpu.memory_space<hbm>>) target(%arg10 : memref<3328x16xf32, #tpu.memory_space<vmem>>) offsets(%arg8 : memref<3328xi32, #tpu.memory_space<vmem>>) semaphore(%arg13 : memref<!tpu.dma_semaphore, #tpu.memory_space<semaphore_mem>>)
      %dma_start3A_961 = arith.constant 0 : i32
      %dma_start3A_962 = tpu.memref_slice %arg5[%dma_start3A_961] : memref<1000000xf32, #tpu.memory_space<hbm>> -> memref<1000000xf32, #tpu.memory_space<hbm>>
      tpu.enqueue_indirect_dma source(%dma_start3A_962 : memref<1000000xf32, #tpu.memory_space<hbm>>) target(%arg11 : memref<3328xf32, #tpu.memory_space<vmem>>) offsets(%arg7 : memref<3328xi32, #tpu.memory_space<vmem>>) semaphore(%arg14 : memref<!tpu.dma_semaphore, #tpu.memory_space<semaphore_mem>>)
      %dma_wait3A_963 = arith.constant 0 : i32
      %dma_wait3A_964 = arith.constant 0 : i32
      %dma_wait3A_965 = tpu.memref_slice %arg4[%dma_wait3A_963, %dma_wait3A_964] : memref<1015808x16xf32, #tpu.memory_space<hbm>> -> memref<1015808x16xf32, #tpu.memory_space<hbm>>
      tpu.wait_indirect_dma semaphore(%arg13 : memref<!tpu.dma_semaphore, #tpu.memory_space<semaphore_mem>>) src(%dma_wait3A_965 : memref<1015808x16xf32, #tpu.memory_space<hbm>>) dst(%arg10 : memref<3328x16xf32, #tpu.memory_space<vmem>>)
      %dma_wait3A_966 = arith.constant 0 : i32
      %dma_wait3A_967 = tpu.memref_slice %arg5[%dma_wait3A_966] : memref<1000000xf32, #tpu.memory_space<hbm>> -> memref<1000000xf32, #tpu.memory_space<hbm>>
      tpu.wait_indirect_dma semaphore(%arg14 : memref<!tpu.dma_semaphore, #tpu.memory_space<semaphore_mem>>) src(%dma_wait3A_967 : memref<1000000xf32, #tpu.memory_space<hbm>>) dst(%arg11 : memref<3328xf32, #tpu.memory_space<vmem>>)
      %scan3A_968 = arith.constant 0 : i32
      %scan3A_969 = arith.constant 0 : i32
      %scan3A_970 = arith.constant 208 : i32
      %scan3A_971 = arith.addi %scan3A_969, %scan3A_970 : i32
      %scan3A_972 = arith.constant 1 : i32
      %scan3A_973 = scf.for %scan3A_983 = %scan3A_969 to %scan3A_971 step %scan3A_972 iter_args(%scan3A_984 = %scan3A_968) -> (i32)  : i32 {
        %jit3A = arith.constant 8 : i32
        %div3A = arith.divsi %scan3A_983, %jit3A : i32
        %sign3A = arith.constant 0 : i32
        %sign3A_985 = arith.cmpi sgt, %scan3A_983, %sign3A : i32
        %sign3A_986 = arith.extui %sign3A_985 : i1 to i32
        %sign3A_987 = arith.constant 0 : i32
        %sign3A_988 = arith.cmpi slt, %scan3A_983, %sign3A_987 : i32
        %sign3A_989 = arith.extui %sign3A_988 : i1 to i32
        %sign3A_990 = arith.subi %sign3A_986, %sign3A_989 : i32
        %sign3A_991 = arith.constant 0 : i32
        %sign3A_992 = arith.cmpi sgt, %jit3A, %sign3A_991 : i32
        %sign3A_993 = arith.extui %sign3A_992 : i1 to i32
        %sign3A_994 = arith.constant 0 : i32
        %sign3A_995 = arith.cmpi slt, %jit3A, %sign3A_994 : i32
        %sign3A_996 = arith.extui %sign3A_995 : i1 to i32
        %sign3A_997 = arith.subi %sign3A_993, %sign3A_996 : i32
        %ne3A = arith.cmpi ne, %sign3A_990, %sign3A_997 : i32
        %rem3A = arith.remsi %scan3A_983, %jit3A : i32
        %ne3A_998 = arith.constant 0 : i32
        %ne3A_999 = arith.cmpi ne, %rem3A, %ne3A_998 : i32
        %and3A = arith.andi %ne3A, %ne3A_999 : i1
        %sub3A = arith.constant 1 : i32
        %sub3A_1000 = arith.subi %div3A, %sub3A : i32
        %select_n3A = arith.select %and3A, %sub3A_1000, %div3A : i32
        %jit3A_1001 = arith.constant 8 : i32
        %eq3A = arith.constant 0 : i32
        %eq3A_1002 = arith.cmpi eq, %jit3A_1001, %eq3A : i32
        %jit3A_1003 = arith.constant 1 : i32
        %select_n3A_1004 = arith.select %eq3A_1002, %jit3A_1003, %jit3A_1001 : i32
        %rem3A_1005 = arith.remsi %scan3A_983, %select_n3A_1004 : i32
        %ne3A_1006 = arith.constant 0 : i32
        %ne3A_1007 = arith.cmpi ne, %rem3A_1005, %ne3A_1006 : i32
        %lt3A = arith.constant 0 : i32
        %lt3A_1008 = arith.cmpi slt, %rem3A_1005, %lt3A : i32
        %lt3A_1009 = arith.constant 0 : i32
        %lt3A_1010 = arith.cmpi slt, %select_n3A_1004, %lt3A_1009 : i32
        %ne3A_1011 = arith.xori %lt3A_1008, %lt3A_1010 : i1
        %and3A_1012 = arith.andi %ne3A_1011, %ne3A_1007 : i1
        %add3A_1013 = arith.addi %rem3A_1005, %select_n3A_1004 : i32
        %select_n3A_1014 = arith.select %and3A_1012, %add3A_1013, %rem3A_1005 : i32
        %mul3A_1015 = arith.constant 16 : i32
        %mul3A_1016 = arith.muli %select_n3A_1014, %mul3A_1015 : i32
        %mul3A_1017 = arith.constant 128 : i32
        %mul3A_1018 = arith.muli %select_n3A, %mul3A_1017 : i32
        %add3A_1019 = arith.addi %mul3A_1018, %mul3A_1016 : i32
        %get3A = arith.index_cast %add3A_1019 : i32 to index
        %get3A_1020 = tpu.vector_load %arg11[%get3A] {strides = array<i32>} : memref<3328xf32, #tpu.memory_space<vmem>>, vector<16xf32>,
        %get3A_1021 = arith.index_cast %add3A_1019 : i32 to index
        %get3A_1022 = tpu.vector_load %arg9[%get3A_1021] {strides = array<i32>} : memref<3328xf32, #tpu.memory_space<vmem>>, vector<16xf32>,
        %mul3A_1023 = arith.mulf %get3A_1020, %get3A_1022 : vector<16xf32>
        %swap3A = arith.index_cast %select_n3A : i32 to index
        %swap3A_1024 = arith.index_cast %mul3A_1016 : i32 to index
        %swap3A_1025 = tpu.vector_load %arg12[%swap3A, %swap3A_1024] {strides = array<i32>} : memref<42x128xf32, #tpu.memory_space<vmem>>, vector<16xf32>,
        tpu.vector_store %arg12[%swap3A, %swap3A_1024], %mul3A_1023 {strides = array<i32>} : memref<42x128xf32, #tpu.memory_space<vmem>>, vector<16xf32>,
        %scan3A_1026 = arith.constant 0 : i32
        scf.yield %scan3A_1026 : i32
      }
      %scan3A_974 = arith.constant 208 : i32
      %scan3A_975 = arith.constant 0 : i32
      %scan3A_976 = arith.constant 0 : i32
      %scan3A_977 = arith.constant 32 : i32
      %scan3A_978 = arith.addi %scan3A_976, %scan3A_977 : i32
      %scan3A_979 = arith.constant 1 : i32
      %scan3A_980 = scf.for %scan3A_983 = %scan3A_976 to %scan3A_978 step %scan3A_979 iter_args(%scan3A_984 = %scan3A_975) -> (i32)  : i32 {
        %mul3A_985 = arith.constant 4 : i32
        %mul3A_986 = arith.muli %scan3A_983, %mul3A_985 : i32
        %broadcast_in_dim3A = arith.constant 0.000000e+00 : f32
        %broadcast_in_dim3A_987 = vector.broadcast %broadcast_in_dim3A : f32 to vector<16xf32>
        %broadcast_in_dim3A_988 = arith.constant 0.000000e+00 : f32
        %broadcast_in_dim3A_989 = vector.broadcast %broadcast_in_dim3A_988 : f32 to vector<16xf32>
        %broadcast_in_dim3A_990 = arith.constant 0.000000e+00 : f32
        %broadcast_in_dim3A_991 = vector.broadcast %broadcast_in_dim3A_990 : f32 to vector<16xf32>
        %broadcast_in_dim3A_992 = arith.constant 0.000000e+00 : f32
        %broadcast_in_dim3A_993 = vector.broadcast %broadcast_in_dim3A_992 : f32 to vector<16xf32>
        %broadcast_in_dim3A_994 = arith.constant 0.000000e+00 : f32
        %broadcast_in_dim3A_995 = vector.broadcast %broadcast_in_dim3A_994 : f32 to vector<16xf32>
        %broadcast_in_dim3A_996 = arith.constant 0.000000e+00 : f32
        %broadcast_in_dim3A_997 = vector.broadcast %broadcast_in_dim3A_996 : f32 to vector<16xf32>
        %broadcast_in_dim3A_998 = arith.constant 0.000000e+00 : f32
        %broadcast_in_dim3A_999 = vector.broadcast %broadcast_in_dim3A_998 : f32 to vector<16xf32>
        %broadcast_in_dim3A_1000 = arith.constant 0.000000e+00 : f32
        %broadcast_in_dim3A_1001 = vector.broadcast %broadcast_in_dim3A_1000 : f32 to vector<16xf32>
        %add3A_1002 = arith.constant 0 : i32
        %add3A_1003 = arith.addi %add3A_1002, %mul3A_986 : i32
        %add3A_1004 = arith.constant 0 : i32
        %add3A_1005 = arith.addi %add3A_1003, %add3A_1004 : i32
        %broadcast_in_dim3A_1006 = vector.broadcast %add3A_1005 : i32 to vector<16xi32>
        %gather3A = tpu.vector_load_idx %arg9[%broadcast_in_dim3A_1006] : memref<3328xf32, #tpu.memory_space<vmem>>[vector<16xi32>], vector<16xf32>,
        %get3A = arith.index_cast %add3A_1005 : i32 to index
        %get3A_1007 = arith.constant 0 : index
        %get3A_1008 = tpu.vector_load %arg10[%get3A, %get3A_1007] {strides = array<i32>} : memref<3328x16xf32, #tpu.memory_space<vmem>>, vector<16xf32>,
        %mul3A_1009 = arith.mulf %get3A_1008, %gather3A : vector<16xf32>
        %add3A_1010 = arith.addf %broadcast_in_dim3A_987, %mul3A_1009 : vector<16xf32>
        %mul3A_1011 = arith.mulf %mul3A_1009, %mul3A_1009 : vector<16xf32>
        %add3A_1012 = arith.addf %broadcast_in_dim3A_995, %mul3A_1011 : vector<16xf32>
        %add3A_1013 = arith.constant 0 : i32
        %add3A_1014 = arith.addi %add3A_1013, %mul3A_986 : i32
        %add3A_1015 = arith.constant 1 : i32
        %add3A_1016 = arith.addi %add3A_1014, %add3A_1015 : i32
        %broadcast_in_dim3A_1017 = vector.broadcast %add3A_1016 : i32 to vector<16xi32>
        %gather3A_1018 = tpu.vector_load_idx %arg9[%broadcast_in_dim3A_1017] : memref<3328xf32, #tpu.memory_space<vmem>>[vector<16xi32>], vector<16xf32>,
        %get3A_1019 = arith.index_cast %add3A_1016 : i32 to index
        %get3A_1020 = arith.constant 0 : index
        %get3A_1021 = tpu.vector_load %arg10[%get3A_1019, %get3A_1020] {strides = array<i32>} : memref<3328x16xf32, #tpu.memory_space<vmem>>, vector<16xf32>,
        %mul3A_1022 = arith.mulf %get3A_1021, %gather3A_1018 : vector<16xf32>
        %add3A_1023 = arith.addf %broadcast_in_dim3A_989, %mul3A_1022 : vector<16xf32>
        %mul3A_1024 = arith.mulf %mul3A_1022, %mul3A_1022 : vector<16xf32>
        %add3A_1025 = arith.addf %broadcast_in_dim3A_997, %mul3A_1024 : vector<16xf32>
        %add3A_1026 = arith.constant 0 : i32
        %add3A_1027 = arith.addi %add3A_1026, %mul3A_986 : i32
        %add3A_1028 = arith.constant 2 : i32
        %add3A_1029 = arith.addi %add3A_1027, %add3A_1028 : i32
        %broadcast_in_dim3A_1030 = vector.broadcast %add3A_1029 : i32 to vector<16xi32>
        %gather3A_1031 = tpu.vector_load_idx %arg9[%broadcast_in_dim3A_1030] : memref<3328xf32, #tpu.memory_space<vmem>>[vector<16xi32>], vector<16xf32>,
        %get3A_1032 = arith.index_cast %add3A_1029 : i32 to index
        %get3A_1033 = arith.constant 0 : index
        %get3A_1034 = tpu.vector_load %arg10[%get3A_1032, %get3A_1033] {strides = array<i32>} : memref<3328x16xf32, #tpu.memory_space<vmem>>, vector<16xf32>,
        %mul3A_1035 = arith.mulf %get3A_1034, %gather3A_1031 : vector<16xf32>
        %add3A_1036 = arith.addf %broadcast_in_dim3A_991, %mul3A_1035 : vector<16xf32>
        %mul3A_1037 = arith.mulf %mul3A_1035, %mul3A_1035 : vector<16xf32>
        %add3A_1038 = arith.addf %broadcast_in_dim3A_999, %mul3A_1037 : vector<16xf32>
        %add3A_1039 = arith.constant 0 : i32
        %add3A_1040 = arith.addi %add3A_1039, %mul3A_986 : i32
        %add3A_1041 = arith.constant 3 : i32
        %add3A_1042 = arith.addi %add3A_1040, %add3A_1041 : i32
        %broadcast_in_dim3A_1043 = vector.broadcast %add3A_1042 : i32 to vector<16xi32>
        %gather3A_1044 = tpu.vector_load_idx %arg9[%broadcast_in_dim3A_1043] : memref<3328xf32, #tpu.memory_space<vmem>>[vector<16xi32>], vector<16xf32>,
        %get3A_1045 = arith.index_cast %add3A_1042 : i32 to index
        %get3A_1046 = arith.constant 0 : index
        %get3A_1047 = tpu.vector_load %arg10[%get3A_1045, %get3A_1046] {strides = array<i32>} : memref<3328x16xf32, #tpu.memory_space<vmem>>, vector<16xf32>,
        %mul3A_1048 = arith.mulf %get3A_1047, %gather3A_1044 : vector<16xf32>
        %add3A_1049 = arith.addf %broadcast_in_dim3A_993, %mul3A_1048 : vector<16xf32>
        %mul3A_1050 = arith.mulf %mul3A_1048, %mul3A_1048 : vector<16xf32>
        %add3A_1051 = arith.addf %broadcast_in_dim3A_1001, %mul3A_1050 : vector<16xf32>
        %add3A_1052 = arith.constant 128 : i32
        %add3A_1053 = arith.addi %add3A_1052, %mul3A_986 : i32
        %add3A_1054 = arith.constant 0 : i32
        %add3A_1055 = arith.addi %add3A_1053, %add3A_1054 : i32
        %broadcast_in_dim3A_1056 = vector.broadcast %add3A_1055 : i32 to vector<16xi32>
        %gather3A_1057 = tpu.vector_load_idx %arg9[%broadcast_in_dim3A_1056] : memref<3328xf32, #tpu.memory_space<vmem>>[vector<16xi32>], vector<16xf32>,
        %get3A_1058 = arith.index_cast %add3A_1055 : i32 to index
        %get3A_1059 = arith.constant 0 : index
        %get3A_1060 = tpu.vector_load %arg10[%get3A_1058, %get3A_1059] {strides = array<i32>} : memref<3328x16xf32, #tpu.memory_space<vmem>>, vector<16xf32>,
        %mul3A_1061 = arith.mulf %get3A_1060, %gather3A_1057 : vector<16xf32>
        %add3A_1062 = arith.addf %add3A_1010, %mul3A_1061 : vector<16xf32>
        %mul3A_1063 = arith.mulf %mul3A_1061, %mul3A_1061 : vector<16xf32>
        %add3A_1064 = arith.addf %add3A_1012, %mul3A_1063 : vector<16xf32>
        %add3A_1065 = arith.constant 128 : i32
        %add3A_1066 = arith.addi %add3A_1065, %mul3A_986 : i32
        %add3A_1067 = arith.constant 1 : i32
        %add3A_1068 = arith.addi %add3A_1066, %add3A_1067 : i32
        %broadcast_in_dim3A_1069 = vector.broadcast %add3A_1068 : i32 to vector<16xi32>
        %gather3A_1070 = tpu.vector_load_idx %arg9[%broadcast_in_dim3A_1069] : memref<3328xf32, #tpu.memory_space<vmem>>[vector<16xi32>], vector<16xf32>,
        %get3A_1071 = arith.index_cast %add3A_1068 : i32 to index
        %get3A_1072 = arith.constant 0 : index
        %get3A_1073 = tpu.vector_load %arg10[%get3A_1071, %get3A_1072] {strides = array<i32>} : memref<3328x16xf32, #tpu.memory_space<vmem>>, vector<16xf32>,
        %mul3A_1074 = arith.mulf %get3A_1073, %gather3A_1070 : vector<16xf32>
        %add3A_1075 = arith.addf %add3A_1023, %mul3A_1074 : vector<16xf32>
        %mul3A_1076 = arith.mulf %mul3A_1074, %mul3A_1074 : vector<16xf32>
        %add3A_1077 = arith.addf %add3A_1025, %mul3A_1076 : vector<16xf32>
        %add3A_1078 = arith.constant 128 : i32
        %add3A_1079 = arith.addi %add3A_1078, %mul3A_986 : i32
        %add3A_1080 = arith.constant 2 : i32
        %add3A_1081 = arith.addi %add3A_1079, %add3A_1080 : i32
        %broadcast_in_dim3A_1082 = vector.broadcast %add3A_1081 : i32 to vector<16xi32>
        %gather3A_1083 = tpu.vector_load_idx %arg9[%broadcast_in_dim3A_1082] : memref<3328xf32, #tpu.memory_space<vmem>>[vector<16xi32>], vector<16xf32>,
        %get3A_1084 = arith.index_cast %add3A_1081 : i32 to index
        %get3A_1085 = arith.constant 0 : index
        %get3A_1086 = tpu.vector_load %arg10[%get3A_1084, %get3A_1085] {strides = array<i32>} : memref<3328x16xf32, #tpu.memory_space<vmem>>, vector<16xf32>,
        %mul3A_1087 = arith.mulf %get3A_1086, %gather3A_1083 : vector<16xf32>
        %add3A_1088 = arith.addf %add3A_1036, %mul3A_1087 : vector<16xf32>
        %mul3A_1089 = arith.mulf %mul3A_1087, %mul3A_1087 : vector<16xf32>
        %add3A_1090 = arith.addf %add3A_1038, %mul3A_1089 : vector<16xf32>
        %add3A_1091 = arith.constant 128 : i32
        %add3A_1092 = arith.addi %add3A_1091, %mul3A_986 : i32
        %add3A_1093 = arith.constant 3 : i32
        %add3A_1094 = arith.addi %add3A_1092, %add3A_1093 : i32
        %broadcast_in_dim3A_1095 = vector.broadcast %add3A_1094 : i32 to vector<16xi32>
        %gather3A_1096 = tpu.vector_load_idx %arg9[%broadcast_in_dim3A_1095] : memref<3328xf32, #tpu.memory_space<vmem>>[vector<16xi32>], vector<16xf32>,
        %get3A_1097 = arith.index_cast %add3A_1094 : i32 to index
        %get3A_1098 = arith.constant 0 : index
        %get3A_1099 = tpu.vector_load %arg10[%get3A_1097, %get3A_1098] {strides = array<i32>} : memref<3328x16xf32, #tpu.memory_space<vmem>>, vector<16xf32>,
        %mul3A_1100 = arith.mulf %get3A_1099, %gather3A_1096 : vector<16xf32>
        %add3A_1101 = arith.addf %add3A_1049, %mul3A_1100 : vector<16xf32>
        %mul3A_1102 = arith.mulf %mul3A_1100, %mul3A_1100 : vector<16xf32>
        %add3A_1103 = arith.addf %add3A_1051, %mul3A_1102 : vector<16xf32>
        %add3A_1104 = arith.constant 256 : i32
        %add3A_1105 = arith.addi %add3A_1104, %mul3A_986 : i32
        %add3A_1106 = arith.constant 0 : i32
        %add3A_1107 = arith.addi %add3A_1105, %add3A_1106 : i32
        %broadcast_in_dim3A_1108 = vector.broadcast %add3A_1107 : i32 to vector<16xi32>
        %gather3A_1109 = tpu.vector_load_idx %arg9[%broadcast_in_dim3A_1108] : memref<3328xf32, #tpu.memory_space<vmem>>[vector<16xi32>], vector<16xf32>,
        %get3A_1110 = arith.index_cast %add3A_1107 : i32 to index
        %get3A_1111 = arith.constant 0 : index
        %get3A_1112 = tpu.vector_load %arg10[%get3A_1110, %get3A_1111] {strides = array<i32>} : memref<3328x16xf32, #tpu.memory_space<vmem>>, vector<16xf32>,
        %mul3A_1113 = arith.mulf %get3A_1112, %gather3A_1109 : vector<16xf32>
        %add3A_1114 = arith.addf %add3A_1062, %mul3A_1113 : vector<16xf32>
        %mul3A_1115 = arith.mulf %mul3A_1113, %mul3A_1113 : vector<16xf32>
        %add3A_1116 = arith.addf %add3A_1064, %mul3A_1115 : vector<16xf32>
        %add3A_1117 = arith.constant 256 : i32
        %add3A_1118 = arith.addi %add3A_1117, %mul3A_986 : i32
        %add3A_1119 = arith.constant 1 : i32
        %add3A_1120 = arith.addi %add3A_1118, %add3A_1119 : i32
        %broadcast_in_dim3A_1121 = vector.broadcast %add3A_1120 : i32 to vector<16xi32>
        %gather3A_1122 = tpu.vector_load_idx %arg9[%broadcast_in_dim3A_1121] : memref<3328xf32, #tpu.memory_space<vmem>>[vector<16xi32>], vector<16xf32>,
        %get3A_1123 = arith.index_cast %add3A_1120 : i32 to index
        %get3A_1124 = arith.constant 0 : index
        %get3A_1125 = tpu.vector_load %arg10[%get3A_1123, %get3A_1124] {strides = array<i32>} : memref<3328x16xf32, #tpu.memory_space<vmem>>, vector<16xf32>,
        %mul3A_1126 = arith.mulf %get3A_1125, %gather3A_1122 : vector<16xf32>
        %add3A_1127 = arith.addf %add3A_1075, %mul3A_1126 : vector<16xf32>
        %mul3A_1128 = arith.mulf %mul3A_1126, %mul3A_1126 : vector<16xf32>
        %add3A_1129 = arith.addf %add3A_1077, %mul3A_1128 : vector<16xf32>
        %add3A_1130 = arith.constant 256 : i32
        %add3A_1131 = arith.addi %add3A_1130, %mul3A_986 : i32
        %add3A_1132 = arith.constant 2 : i32
        %add3A_1133 = arith.addi %add3A_1131, %add3A_1132 : i32
        %broadcast_in_dim3A_1134 = vector.broadcast %add3A_1133 : i32 to vector<16xi32>
        %gather3A_1135 = tpu.vector_load_idx %arg9[%broadcast_in_dim3A_1134] : memref<3328xf32, #tpu.memory_space<vmem>>[vector<16xi32>], vector<16xf32>,
        %get3A_1136 = arith.index_cast %add3A_1133 : i32 to index
        %get3A_1137 = arith.constant 0 : index
        %get3A_1138 = tpu.vector_load %arg10[%get3A_1136, %get3A_1137] {strides = array<i32>} : memref<3328x16xf32, #tpu.memory_space<vmem>>, vector<16xf32>,
        %mul3A_1139 = arith.mulf %get3A_1138, %gather3A_1135 : vector<16xf32>
        %add3A_1140 = arith.addf %add3A_1088, %mul3A_1139 : vector<16xf32>
        %mul3A_1141 = arith.mulf %mul3A_1139, %mul3A_1139 : vector<16xf32>
        %add3A_1142 = arith.addf %add3A_1090, %mul3A_1141 : vector<16xf32>
        %add3A_1143 = arith.constant 256 : i32
        %add3A_1144 = arith.addi %add3A_1143, %mul3A_986 : i32
        %add3A_1145 = arith.constant 3 : i32
        %add3A_1146 = arith.addi %add3A_1144, %add3A_1145 : i32
        %broadcast_in_dim3A_1147 = vector.broadcast %add3A_1146 : i32 to vector<16xi32>
        %gather3A_1148 = tpu.vector_load_idx %arg9[%broadcast_in_dim3A_1147] : memref<3328xf32, #tpu.memory_space<vmem>>[vector<16xi32>], vector<16xf32>,
        %get3A_1149 = arith.index_cast %add3A_1146 : i32 to index
        %get3A_1150 = arith.constant 0 : index
        %get3A_1151 = tpu.vector_load %arg10[%get3A_1149, %get3A_1150] {strides = array<i32>} : memref<3328x16xf32, #tpu.memory_space<vmem>>, vector<16xf32>,
        %mul3A_1152 = arith.mulf %get3A_1151, %gather3A_1148 : vector<16xf32>
        %add3A_1153 = arith.addf %add3A_1101, %mul3A_1152 : vector<16xf32>
        %mul3A_1154 = arith.mulf %mul3A_1152, %mul3A_1152 : vector<16xf32>
        %add3A_1155 = arith.addf %add3A_1103, %mul3A_1154 : vector<16xf32>
        %add3A_1156 = arith.constant 384 : i32
        %add3A_1157 = arith.addi %add3A_1156, %mul3A_986 : i32
        %add3A_1158 = arith.constant 0 : i32
        %add3A_1159 = arith.addi %add3A_1157, %add3A_1158 : i32
        %broadcast_in_dim3A_1160 = vector.broadcast %add3A_1159 : i32 to vector<16xi32>
        %gather3A_1161 = tpu.vector_load_idx %arg9[%broadcast_in_dim3A_1160] : memref<3328xf32, #tpu.memory_space<vmem>>[vector<16xi32>], vector<16xf32>,
        %get3A_1162 = arith.index_cast %add3A_1159 : i32 to index
        %get3A_1163 = arith.constant 0 : index
        %get3A_1164 = tpu.vector_load %arg10[%get3A_1162, %get3A_1163] {strides = array<i32>} : memref<3328x16xf32, #tpu.memory_space<vmem>>, vector<16xf32>,
        %mul3A_1165 = arith.mulf %get3A_1164, %gather3A_1161 : vector<16xf32>
        %add3A_1166 = arith.addf %add3A_1114, %mul3A_1165 : vector<16xf32>
        %mul3A_1167 = arith.mulf %mul3A_1165, %mul3A_1165 : vector<16xf32>
        %add3A_1168 = arith.addf %add3A_1116, %mul3A_1167 : vector<16xf32>
        %add3A_1169 = arith.constant 384 : i32
        %add3A_1170 = arith.addi %add3A_1169, %mul3A_986 : i32
        %add3A_1171 = arith.constant 1 : i32
        %add3A_1172 = arith.addi %add3A_1170, %add3A_1171 : i32
        %broadcast_in_dim3A_1173 = vector.broadcast %add3A_1172 : i32 to vector<16xi32>
        %gather3A_1174 = tpu.vector_load_idx %arg9[%broadcast_in_dim3A_1173] : memref<3328xf32, #tpu.memory_space<vmem>>[vector<16xi32>], vector<16xf32>,
        %get3A_1175 = arith.index_cast %add3A_1172 : i32 to index
        %get3A_1176 = arith.constant 0 : index
        %get3A_1177 = tpu.vector_load %arg10[%get3A_1175, %get3A_1176] {strides = array<i32>} : memref<3328x16xf32, #tpu.memory_space<vmem>>, vector<16xf32>,
        %mul3A_1178 = arith.mulf %get3A_1177, %gather3A_1174 : vector<16xf32>
        %add3A_1179 = arith.addf %add3A_1127, %mul3A_1178 : vector<16xf32>
        %mul3A_1180 = arith.mulf %mul3A_1178, %mul3A_1178 : vector<16xf32>
        %add3A_1181 = arith.addf %add3A_1129, %mul3A_1180 : vector<16xf32>
        %add3A_1182 = arith.constant 384 : i32
        %add3A_1183 = arith.addi %add3A_1182, %mul3A_986 : i32
        %add3A_1184 = arith.constant 2 : i32
        %add3A_1185 = arith.addi %add3A_1183, %add3A_1184 : i32
        %broadcast_in_dim3A_1186 = vector.broadcast %add3A_1185 : i32 to vector<16xi32>
        %gather3A_1187 = tpu.vector_load_idx %arg9[%broadcast_in_dim3A_1186] : memref<3328xf32, #tpu.memory_space<vmem>>[vector<16xi32>], vector<16xf32>,
        %get3A_1188 = arith.index_cast %add3A_1185 : i32 to index
        %get3A_1189 = arith.constant 0 : index
        %get3A_1190 = tpu.vector_load %arg10[%get3A_1188, %get3A_1189] {strides = array<i32>} : memref<3328x16xf32, #tpu.memory_space<vmem>>, vector<16xf32>,
        %mul3A_1191 = arith.mulf %get3A_1190, %gather3A_1187 : vector<16xf32>
        %add3A_1192 = arith.addf %add3A_1140, %mul3A_1191 : vector<16xf32>
        %mul3A_1193 = arith.mulf %mul3A_1191, %mul3A_1191 : vector<16xf32>
        %add3A_1194 = arith.addf %add3A_1142, %mul3A_1193 : vector<16xf32>
        %add3A_1195 = arith.constant 384 : i32
        %add3A_1196 = arith.addi %add3A_1195, %mul3A_986 : i32
        %add3A_1197 = arith.constant 3 : i32
        %add3A_1198 = arith.addi %add3A_1196, %add3A_1197 : i32
        %broadcast_in_dim3A_1199 = vector.broadcast %add3A_1198 : i32 to vector<16xi32>
        %gather3A_1200 = tpu.vector_load_idx %arg9[%broadcast_in_dim3A_1199] : memref<3328xf32, #tpu.memory_space<vmem>>[vector<16xi32>], vector<16xf32>,
        %get3A_1201 = arith.index_cast %add3A_1198 : i32 to index
        %get3A_1202 = arith.constant 0 : index
        %get3A_1203 = tpu.vector_load %arg10[%get3A_1201, %get3A_1202] {strides = array<i32>} : memref<3328x16xf32, #tpu.memory_space<vmem>>, vector<16xf32>,
        %mul3A_1204 = arith.mulf %get3A_1203, %gather3A_1200 : vector<16xf32>
        %add3A_1205 = arith.addf %add3A_1153, %mul3A_1204 : vector<16xf32>
        %mul3A_1206 = arith.mulf %mul3A_1204, %mul3A_1204 : vector<16xf32>
        %add3A_1207 = arith.addf %add3A_1155, %mul3A_1206 : vector<16xf32>
        %add3A_1208 = arith.constant 512 : i32
        %add3A_1209 = arith.addi %add3A_1208, %mul3A_986 : i32
        %add3A_1210 = arith.constant 0 : i32
        %add3A_1211 = arith.addi %add3A_1209, %add3A_1210 : i32
        %broadcast_in_dim3A_1212 = vector.broadcast %add3A_1211 : i32 to vector<16xi32>
        %gather3A_1213 = tpu.vector_load_idx %arg9[%broadcast_in_dim3A_1212] : memref<3328xf32, #tpu.memory_space<vmem>>[vector<16xi32>], vector<16xf32>,
        %get3A_1214 = arith.index_cast %add3A_1211 : i32 to index
        %get3A_1215 = arith.constant 0 : index
        %get3A_1216 = tpu.vector_load %arg10[%get3A_1214, %get3A_1215] {strides = array<i32>} : memref<3328x16xf32, #tpu.memory_space<vmem>>, vector<16xf32>,
        %mul3A_1217 = arith.mulf %get3A_1216, %gather3A_1213 : vector<16xf32>
        %add3A_1218 = arith.addf %add3A_1166, %mul3A_1217 : vector<16xf32>
        %mul3A_1219 = arith.mulf %mul3A_1217, %mul3A_1217 : vector<16xf32>
        %add3A_1220 = arith.addf %add3A_1168, %mul3A_1219 : vector<16xf32>
        %add3A_1221 = arith.constant 512 : i32
        %add3A_1222 = arith.addi %add3A_1221, %mul3A_986 : i32
        %add3A_1223 = arith.constant 1 : i32
        %add3A_1224 = arith.addi %add3A_1222, %add3A_1223 : i32
        %broadcast_in_dim3A_1225 = vector.broadcast %add3A_1224 : i32 to vector<16xi32>
        %gather3A_1226 = tpu.vector_load_idx %arg9[%broadcast_in_dim3A_1225] : memref<3328xf32, #tpu.memory_space<vmem>>[vector<16xi32>], vector<16xf32>,
        %get3A_1227 = arith.index_cast %add3A_1224 : i32 to index
        %get3A_1228 = arith.constant 0 : index
        %get3A_1229 = tpu.vector_load %arg10[%get3A_1227, %get3A_1228] {strides = array<i32>} : memref<3328x16xf32, #tpu.memory_space<vmem>>, vector<16xf32>,
        %mul3A_1230 = arith.mulf %get3A_1229, %gather3A_1226 : vector<16xf32>
        %add3A_1231 = arith.addf %add3A_1179, %mul3A_1230 : vector<16xf32>
        %mul3A_1232 = arith.mulf %mul3A_1230, %mul3A_1230 : vector<16xf32>
        %add3A_1233 = arith.addf %add3A_1181, %mul3A_1232 : vector<16xf32>
        %add3A_1234 = arith.constant 512 : i32
        %add3A_1235 = arith.addi %add3A_1234, %mul3A_986 : i32
        %add3A_1236 = arith.constant 2 : i32
        %add3A_1237 = arith.addi %add3A_1235, %add3A_1236 : i32
        %broadcast_in_dim3A_1238 = vector.broadcast %add3A_1237 : i32 to vector<16xi32>
        %gather3A_1239 = tpu.vector_load_idx %arg9[%broadcast_in_dim3A_1238] : memref<3328xf32, #tpu.memory_space<vmem>>[vector<16xi32>], vector<16xf32>,
        %get3A_1240 = arith.index_cast %add3A_1237 : i32 to index
        %get3A_1241 = arith.constant 0 : index
        %get3A_1242 = tpu.vector_load %arg10[%get3A_1240, %get3A_1241] {strides = array<i32>} : memref<3328x16xf32, #tpu.memory_space<vmem>>, vector<16xf32>,
        %mul3A_1243 = arith.mulf %get3A_1242, %gather3A_1239 : vector<16xf32>
        %add3A_1244 = arith.addf %add3A_1192, %mul3A_1243 : vector<16xf32>
        %mul3A_1245 = arith.mulf %mul3A_1243, %mul3A_1243 : vector<16xf32>
        %add3A_1246 = arith.addf %add3A_1194, %mul3A_1245 : vector<16xf32>
        %add3A_1247 = arith.constant 512 : i32
        %add3A_1248 = arith.addi %add3A_1247, %mul3A_986 : i32
        %add3A_1249 = arith.constant 3 : i32
        %add3A_1250 = arith.addi %add3A_1248, %add3A_1249 : i32
        %broadcast_in_dim3A_1251 = vector.broadcast %add3A_1250 : i32 to vector<16xi32>
        %gather3A_1252 = tpu.vector_load_idx %arg9[%broadcast_in_dim3A_1251] : memref<3328xf32, #tpu.memory_space<vmem>>[vector<16xi32>], vector<16xf32>,
        %get3A_1253 = arith.index_cast %add3A_1250 : i32 to index
        %get3A_1254 = arith.constant 0 : index
        %get3A_1255 = tpu.vector_load %arg10[%get3A_1253, %get3A_1254] {strides = array<i32>} : memref<3328x16xf32, #tpu.memory_space<vmem>>, vector<16xf32>,
        %mul3A_1256 = arith.mulf %get3A_1255, %gather3A_1252 : vector<16xf32>
        %add3A_1257 = arith.addf %add3A_1205, %mul3A_1256 : vector<16xf32>
        %mul3A_1258 = arith.mulf %mul3A_1256, %mul3A_1256 : vector<16xf32>
        %add3A_1259 = arith.addf %add3A_1207, %mul3A_1258 : vector<16xf32>
        %add3A_1260 = arith.constant 640 : i32
        %add3A_1261 = arith.addi %add3A_1260, %mul3A_986 : i32
        %add3A_1262 = arith.constant 0 : i32
        %add3A_1263 = arith.addi %add3A_1261, %add3A_1262 : i32
        %broadcast_in_dim3A_1264 = vector.broadcast %add3A_1263 : i32 to vector<16xi32>
        %gather3A_1265 = tpu.vector_load_idx %arg9[%broadcast_in_dim3A_1264] : memref<3328xf32, #tpu.memory_space<vmem>>[vector<16xi32>], vector<16xf32>,
        %get3A_1266 = arith.index_cast %add3A_1263 : i32 to index
        %get3A_1267 = arith.constant 0 : index
        %get3A_1268 = tpu.vector_load %arg10[%get3A_1266, %get3A_1267] {strides = array<i32>} : memref<3328x16xf32, #tpu.memory_space<vmem>>, vector<16xf32>,
        %mul3A_1269 = arith.mulf %get3A_1268, %gather3A_1265 : vector<16xf32>
        %add3A_1270 = arith.addf %add3A_1218, %mul3A_1269 : vector<16xf32>
        %mul3A_1271 = arith.mulf %mul3A_1269, %mul3A_1269 : vector<16xf32>
        %add3A_1272 = arith.addf %add3A_1220, %mul3A_1271 : vector<16xf32>
        %add3A_1273 = arith.constant 640 : i32
        %add3A_1274 = arith.addi %add3A_1273, %mul3A_986 : i32
        %add3A_1275 = arith.constant 1 : i32
        %add3A_1276 = arith.addi %add3A_1274, %add3A_1275 : i32
        %broadcast_in_dim3A_1277 = vector.broadcast %add3A_1276 : i32 to vector<16xi32>
        %gather3A_1278 = tpu.vector_load_idx %arg9[%broadcast_in_dim3A_1277] : memref<3328xf32, #tpu.memory_space<vmem>>[vector<16xi32>], vector<16xf32>,
        %get3A_1279 = arith.index_cast %add3A_1276 : i32 to index
        %get3A_1280 = arith.constant 0 : index
        %get3A_1281 = tpu.vector_load %arg10[%get3A_1279, %get3A_1280] {strides = array<i32>} : memref<3328x16xf32, #tpu.memory_space<vmem>>, vector<16xf32>,
        %mul3A_1282 = arith.mulf %get3A_1281, %gather3A_1278 : vector<16xf32>
        %add3A_1283 = arith.addf %add3A_1231, %mul3A_1282 : vector<16xf32>
        %mul3A_1284 = arith.mulf %mul3A_1282, %mul3A_1282 : vector<16xf32>
        %add3A_1285 = arith.addf %add3A_1233, %mul3A_1284 : vector<16xf32>
        %add3A_1286 = arith.constant 640 : i32
        %add3A_1287 = arith.addi %add3A_1286, %mul3A_986 : i32
        %add3A_1288 = arith.constant 2 : i32
        %add3A_1289 = arith.addi %add3A_1287, %add3A_1288 : i32
        %broadcast_in_dim3A_1290 = vector.broadcast %add3A_1289 : i32 to vector<16xi32>
        %gather3A_1291 = tpu.vector_load_idx %arg9[%broadcast_in_dim3A_1290] : memref<3328xf32, #tpu.memory_space<vmem>>[vector<16xi32>], vector<16xf32>,
        %get3A_1292 = arith.index_cast %add3A_1289 : i32 to index
        %get3A_1293 = arith.constant 0 : index
        %get3A_1294 = tpu.vector_load %arg10[%get3A_1292, %get3A_1293] {strides = array<i32>} : memref<3328x16xf32, #tpu.memory_space<vmem>>, vector<16xf32>,
        %mul3A_1295 = arith.mulf %get3A_1294, %gather3A_1291 : vector<16xf32>
        %add3A_1296 = arith.addf %add3A_1244, %mul3A_1295 : vector<16xf32>
        %mul3A_1297 = arith.mulf %mul3A_1295, %mul3A_1295 : vector<16xf32>
        %add3A_1298 = arith.addf %add3A_1246, %mul3A_1297 : vector<16xf32>
        %add3A_1299 = arith.constant 640 : i32
        %add3A_1300 = arith.addi %add3A_1299, %mul3A_986 : i32
        %add3A_1301 = arith.constant 3 : i32
        %add3A_1302 = arith.addi %add3A_1300, %add3A_1301 : i32
        %broadcast_in_dim3A_1303 = vector.broadcast %add3A_1302 : i32 to vector<16xi32>
        %gather3A_1304 = tpu.vector_load_idx %arg9[%broadcast_in_dim3A_1303] : memref<3328xf32, #tpu.memory_space<vmem>>[vector<16xi32>], vector<16xf32>,
        %get3A_1305 = arith.index_cast %add3A_1302 : i32 to index
        %get3A_1306 = arith.constant 0 : index
        %get3A_1307 = tpu.vector_load %arg10[%get3A_1305, %get3A_1306] {strides = array<i32>} : memref<3328x16xf32, #tpu.memory_space<vmem>>, vector<16xf32>,
        %mul3A_1308 = arith.mulf %get3A_1307, %gather3A_1304 : vector<16xf32>
        %add3A_1309 = arith.addf %add3A_1257, %mul3A_1308 : vector<16xf32>
        %mul3A_1310 = arith.mulf %mul3A_1308, %mul3A_1308 : vector<16xf32>
        %add3A_1311 = arith.addf %add3A_1259, %mul3A_1310 : vector<16xf32>
        %add3A_1312 = arith.constant 768 : i32
        %add3A_1313 = arith.addi %add3A_1312, %mul3A_986 : i32
        %add3A_1314 = arith.constant 0 : i32
        %add3A_1315 = arith.addi %add3A_1313, %add3A_1314 : i32
        %broadcast_in_dim3A_1316 = vector.broadcast %add3A_1315 : i32 to vector<16xi32>
        %gather3A_1317 = tpu.vector_load_idx %arg9[%broadcast_in_dim3A_1316] : memref<3328xf32, #tpu.memory_space<vmem>>[vector<16xi32>], vector<16xf32>,
        %get3A_1318 = arith.index_cast %add3A_1315 : i32 to index
        %get3A_1319 = arith.constant 0 : index
        %get3A_1320 = tpu.vector_load %arg10[%get3A_1318, %get3A_1319] {strides = array<i32>} : memref<3328x16xf32, #tpu.memory_space<vmem>>, vector<16xf32>,
        %mul3A_1321 = arith.mulf %get3A_1320, %gather3A_1317 : vector<16xf32>
        %add3A_1322 = arith.addf %add3A_1270, %mul3A_1321 : vector<16xf32>
        %mul3A_1323 = arith.mulf %mul3A_1321, %mul3A_1321 : vector<16xf32>
        %add3A_1324 = arith.addf %add3A_1272, %mul3A_1323 : vector<16xf32>
        %add3A_1325 = arith.constant 768 : i32
        %add3A_1326 = arith.addi %add3A_1325, %mul3A_986 : i32
        %add3A_1327 = arith.constant 1 : i32
        %add3A_1328 = arith.addi %add3A_1326, %add3A_1327 : i32
        %broadcast_in_dim3A_1329 = vector.broadcast %add3A_1328 : i32 to vector<16xi32>
        %gather3A_1330 = tpu.vector_load_idx %arg9[%broadcast_in_dim3A_1329] : memref<3328xf32, #tpu.memory_space<vmem>>[vector<16xi32>], vector<16xf32>,
        %get3A_1331 = arith.index_cast %add3A_1328 : i32 to index
        %get3A_1332 = arith.constant 0 : index
        %get3A_1333 = tpu.vector_load %arg10[%get3A_1331, %get3A_1332] {strides = array<i32>} : memref<3328x16xf32, #tpu.memory_space<vmem>>, vector<16xf32>,
        %mul3A_1334 = arith.mulf %get3A_1333, %gather3A_1330 : vector<16xf32>
        %add3A_1335 = arith.addf %add3A_1283, %mul3A_1334 : vector<16xf32>
        %mul3A_1336 = arith.mulf %mul3A_1334, %mul3A_1334 : vector<16xf32>
        %add3A_1337 = arith.addf %add3A_1285, %mul3A_1336 : vector<16xf32>
        %add3A_1338 = arith.constant 768 : i32
        %add3A_1339 = arith.addi %add3A_1338, %mul3A_986 : i32
        %add3A_1340 = arith.constant 2 : i32
        %add3A_1341 = arith.addi %add3A_1339, %add3A_1340 : i32
        %broadcast_in_dim3A_1342 = vector.broadcast %add3A_1341 : i32 to vector<16xi32>
        %gather3A_1343 = tpu.vector_load_idx %arg9[%broadcast_in_dim3A_1342] : memref<3328xf32, #tpu.memory_space<vmem>>[vector<16xi32>], vector<16xf32>,
        %get3A_1344 = arith.index_cast %add3A_1341 : i32 to index
        %get3A_1345 = arith.constant 0 : index
        %get3A_1346 = tpu.vector_load %arg10[%get3A_1344, %get3A_1345] {strides = array<i32>} : memref<3328x16xf32, #tpu.memory_space<vmem>>, vector<16xf32>,
        %mul3A_1347 = arith.mulf %get3A_1346, %gather3A_1343 : vector<16xf32>
        %add3A_1348 = arith.addf %add3A_1296, %mul3A_1347 : vector<16xf32>
        %mul3A_1349 = arith.mulf %mul3A_1347, %mul3A_1347 : vector<16xf32>
        %add3A_1350 = arith.addf %add3A_1298, %mul3A_1349 : vector<16xf32>
        %add3A_1351 = arith.constant 768 : i32
        %add3A_1352 = arith.addi %add3A_1351, %mul3A_986 : i32
        %add3A_1353 = arith.constant 3 : i32
        %add3A_1354 = arith.addi %add3A_1352, %add3A_1353 : i32
        %broadcast_in_dim3A_1355 = vector.broadcast %add3A_1354 : i32 to vector<16xi32>
        %gather3A_1356 = tpu.vector_load_idx %arg9[%broadcast_in_dim3A_1355] : memref<3328xf32, #tpu.memory_space<vmem>>[vector<16xi32>], vector<16xf32>,
        %get3A_1357 = arith.index_cast %add3A_1354 : i32 to index
        %get3A_1358 = arith.constant 0 : index
        %get3A_1359 = tpu.vector_load %arg10[%get3A_1357, %get3A_1358] {strides = array<i32>} : memref<3328x16xf32, #tpu.memory_space<vmem>>, vector<16xf32>,
        %mul3A_1360 = arith.mulf %get3A_1359, %gather3A_1356 : vector<16xf32>
        %add3A_1361 = arith.addf %add3A_1309, %mul3A_1360 : vector<16xf32>
        %mul3A_1362 = arith.mulf %mul3A_1360, %mul3A_1360 : vector<16xf32>
        %add3A_1363 = arith.addf %add3A_1311, %mul3A_1362 : vector<16xf32>
        %add3A_1364 = arith.constant 896 : i32
        %add3A_1365 = arith.addi %add3A_1364, %mul3A_986 : i32
        %add3A_1366 = arith.constant 0 : i32
        %add3A_1367 = arith.addi %add3A_1365, %add3A_1366 : i32
        %broadcast_in_dim3A_1368 = vector.broadcast %add3A_1367 : i32 to vector<16xi32>
        %gather3A_1369 = tpu.vector_load_idx %arg9[%broadcast_in_dim3A_1368] : memref<3328xf32, #tpu.memory_space<vmem>>[vector<16xi32>], vector<16xf32>,
        %get3A_1370 = arith.index_cast %add3A_1367 : i32 to index
        %get3A_1371 = arith.constant 0 : index
        %get3A_1372 = tpu.vector_load %arg10[%get3A_1370, %get3A_1371] {strides = array<i32>} : memref<3328x16xf32, #tpu.memory_space<vmem>>, vector<16xf32>,
        %mul3A_1373 = arith.mulf %get3A_1372, %gather3A_1369 : vector<16xf32>
        %add3A_1374 = arith.addf %add3A_1322, %mul3A_1373 : vector<16xf32>
        %mul3A_1375 = arith.mulf %mul3A_1373, %mul3A_1373 : vector<16xf32>
        %add3A_1376 = arith.addf %add3A_1324, %mul3A_1375 : vector<16xf32>
        %add3A_1377 = arith.constant 896 : i32
        %add3A_1378 = arith.addi %add3A_1377, %mul3A_986 : i32
        %add3A_1379 = arith.constant 1 : i32
        %add3A_1380 = arith.addi %add3A_1378, %add3A_1379 : i32
        %broadcast_in_dim3A_1381 = vector.broadcast %add3A_1380 : i32 to vector<16xi32>
        %gather3A_1382 = tpu.vector_load_idx %arg9[%broadcast_in_dim3A_1381] : memref<3328xf32, #tpu.memory_space<vmem>>[vector<16xi32>], vector<16xf32>,
        %get3A_1383 = arith.index_cast %add3A_1380 : i32 to index
        %get3A_1384 = arith.constant 0 : index
        %get3A_1385 = tpu.vector_load %arg10[%get3A_1383, %get3A_1384] {strides = array<i32>} : memref<3328x16xf32, #tpu.memory_space<vmem>>, vector<16xf32>,
        %mul3A_1386 = arith.mulf %get3A_1385, %gather3A_1382 : vector<16xf32>
        %add3A_1387 = arith.addf %add3A_1335, %mul3A_1386 : vector<16xf32>
        %mul3A_1388 = arith.mulf %mul3A_1386, %mul3A_1386 : vector<16xf32>
        %add3A_1389 = arith.addf %add3A_1337, %mul3A_1388 : vector<16xf32>
        %add3A_1390 = arith.constant 896 : i32
        %add3A_1391 = arith.addi %add3A_1390, %mul3A_986 : i32
        %add3A_1392 = arith.constant 2 : i32
        %add3A_1393 = arith.addi %add3A_1391, %add3A_1392 : i32
        %broadcast_in_dim3A_1394 = vector.broadcast %add3A_1393 : i32 to vector<16xi32>
        %gather3A_1395 = tpu.vector_load_idx %arg9[%broadcast_in_dim3A_1394] : memref<3328xf32, #tpu.memory_space<vmem>>[vector<16xi32>], vector<16xf32>,
        %get3A_1396 = arith.index_cast %add3A_1393 : i32 to index
        %get3A_1397 = arith.constant 0 : index
        %get3A_1398 = tpu.vector_load %arg10[%get3A_1396, %get3A_1397] {strides = array<i32>} : memref<3328x16xf32, #tpu.memory_space<vmem>>, vector<16xf32>,
        %mul3A_1399 = arith.mulf %get3A_1398, %gather3A_1395 : vector<16xf32>
        %add3A_1400 = arith.addf %add3A_1348, %mul3A_1399 : vector<16xf32>
        %mul3A_1401 = arith.mulf %mul3A_1399, %mul3A_1399 : vector<16xf32>
        %add3A_1402 = arith.addf %add3A_1350, %mul3A_1401 : vector<16xf32>
        %add3A_1403 = arith.constant 896 : i32
        %add3A_1404 = arith.addi %add3A_1403, %mul3A_986 : i32
        %add3A_1405 = arith.constant 3 : i32
        %add3A_1406 = arith.addi %add3A_1404, %add3A_1405 : i32
        %broadcast_in_dim3A_1407 = vector.broadcast %add3A_1406 : i32 to vector<16xi32>
        %gather3A_1408 = tpu.vector_load_idx %arg9[%broadcast_in_dim3A_1407] : memref<3328xf32, #tpu.memory_space<vmem>>[vector<16xi32>], vector<16xf32>,
        %get3A_1409 = arith.index_cast %add3A_1406 : i32 to index
        %get3A_1410 = arith.constant 0 : index
        %get3A_1411 = tpu.vector_load %arg10[%get3A_1409, %get3A_1410] {strides = array<i32>} : memref<3328x16xf32, #tpu.memory_space<vmem>>, vector<16xf32>,
        %mul3A_1412 = arith.mulf %get3A_1411, %gather3A_1408 : vector<16xf32>
        %add3A_1413 = arith.addf %add3A_1361, %mul3A_1412 : vector<16xf32>
        %mul3A_1414 = arith.mulf %mul3A_1412, %mul3A_1412 : vector<16xf32>
        %add3A_1415 = arith.addf %add3A_1363, %mul3A_1414 : vector<16xf32>
        %add3A_1416 = arith.constant 1024 : i32
        %add3A_1417 = arith.addi %add3A_1416, %mul3A_986 : i32
        %add3A_1418 = arith.constant 0 : i32
        %add3A_1419 = arith.addi %add3A_1417, %add3A_1418 : i32
        %broadcast_in_dim3A_1420 = vector.broadcast %add3A_1419 : i32 to vector<16xi32>
        %gather3A_1421 = tpu.vector_load_idx %arg9[%broadcast_in_dim3A_1420] : memref<3328xf32, #tpu.memory_space<vmem>>[vector<16xi32>], vector<16xf32>,
        %get3A_1422 = arith.index_cast %add3A_1419 : i32 to index
        %get3A_1423 = arith.constant 0 : index
        %get3A_1424 = tpu.vector_load %arg10[%get3A_1422, %get3A_1423] {strides = array<i32>} : memref<3328x16xf32, #tpu.memory_space<vmem>>, vector<16xf32>,
        %mul3A_1425 = arith.mulf %get3A_1424, %gather3A_1421 : vector<16xf32>
        %add3A_1426 = arith.addf %add3A_1374, %mul3A_1425 : vector<16xf32>
        %mul3A_1427 = arith.mulf %mul3A_1425, %mul3A_1425 : vector<16xf32>
        %add3A_1428 = arith.addf %add3A_1376, %mul3A_1427 : vector<16xf32>
        %add3A_1429 = arith.constant 1024 : i32
        %add3A_1430 = arith.addi %add3A_1429, %mul3A_986 : i32
        %add3A_1431 = arith.constant 1 : i32
        %add3A_1432 = arith.addi %add3A_1430, %add3A_1431 : i32
        %broadcast_in_dim3A_1433 = vector.broadcast %add3A_1432 : i32 to vector<16xi32>
        %gather3A_1434 = tpu.vector_load_idx %arg9[%broadcast_in_dim3A_1433] : memref<3328xf32, #tpu.memory_space<vmem>>[vector<16xi32>], vector<16xf32>,
        %get3A_1435 = arith.index_cast %add3A_1432 : i32 to index
        %get3A_1436 = arith.constant 0 : index
        %get3A_1437 = tpu.vector_load %arg10[%get3A_1435, %get3A_1436] {strides = array<i32>} : memref<3328x16xf32, #tpu.memory_space<vmem>>, vector<16xf32>,
        %mul3A_1438 = arith.mulf %get3A_1437, %gather3A_1434 : vector<16xf32>
        %add3A_1439 = arith.addf %add3A_1387, %mul3A_1438 : vector<16xf32>
        %mul3A_1440 = arith.mulf %mul3A_1438, %mul3A_1438 : vector<16xf32>
        %add3A_1441 = arith.addf %add3A_1389, %mul3A_1440 : vector<16xf32>
        %add3A_1442 = arith.constant 1024 : i32
        %add3A_1443 = arith.addi %add3A_1442, %mul3A_986 : i32
        %add3A_1444 = arith.constant 2 : i32
        %add3A_1445 = arith.addi %add3A_1443, %add3A_1444 : i32
        %broadcast_in_dim3A_1446 = vector.broadcast %add3A_1445 : i32 to vector<16xi32>
        %gather3A_1447 = tpu.vector_load_idx %arg9[%broadcast_in_dim3A_1446] : memref<3328xf32, #tpu.memory_space<vmem>>[vector<16xi32>], vector<16xf32>,
        %get3A_1448 = arith.index_cast %add3A_1445 : i32 to index
        %get3A_1449 = arith.constant 0 : index
        %get3A_1450 = tpu.vector_load %arg10[%get3A_1448, %get3A_1449] {strides = array<i32>} : memref<3328x16xf32, #tpu.memory_space<vmem>>, vector<16xf32>,
        %mul3A_1451 = arith.mulf %get3A_1450, %gather3A_1447 : vector<16xf32>
        %add3A_1452 = arith.addf %add3A_1400, %mul3A_1451 : vector<16xf32>
        %mul3A_1453 = arith.mulf %mul3A_1451, %mul3A_1451 : vector<16xf32>
        %add3A_1454 = arith.addf %add3A_1402, %mul3A_1453 : vector<16xf32>
        %add3A_1455 = arith.constant 1024 : i32
        %add3A_1456 = arith.addi %add3A_1455, %mul3A_986 : i32
        %add3A_1457 = arith.constant 3 : i32
        %add3A_1458 = arith.addi %add3A_1456, %add3A_1457 : i32
        %broadcast_in_dim3A_1459 = vector.broadcast %add3A_1458 : i32 to vector<16xi32>
        %gather3A_1460 = tpu.vector_load_idx %arg9[%broadcast_in_dim3A_1459] : memref<3328xf32, #tpu.memory_space<vmem>>[vector<16xi32>], vector<16xf32>,
        %get3A_1461 = arith.index_cast %add3A_1458 : i32 to index
        %get3A_1462 = arith.constant 0 : index
        %get3A_1463 = tpu.vector_load %arg10[%get3A_1461, %get3A_1462] {strides = array<i32>} : memref<3328x16xf32, #tpu.memory_space<vmem>>, vector<16xf32>,
        %mul3A_1464 = arith.mulf %get3A_1463, %gather3A_1460 : vector<16xf32>
        %add3A_1465 = arith.addf %add3A_1413, %mul3A_1464 : vector<16xf32>
        %mul3A_1466 = arith.mulf %mul3A_1464, %mul3A_1464 : vector<16xf32>
        %add3A_1467 = arith.addf %add3A_1415, %mul3A_1466 : vector<16xf32>
        %add3A_1468 = arith.constant 1152 : i32
        %add3A_1469 = arith.addi %add3A_1468, %mul3A_986 : i32
        %add3A_1470 = arith.constant 0 : i32
        %add3A_1471 = arith.addi %add3A_1469, %add3A_1470 : i32
        %broadcast_in_dim3A_1472 = vector.broadcast %add3A_1471 : i32 to vector<16xi32>
        %gather3A_1473 = tpu.vector_load_idx %arg9[%broadcast_in_dim3A_1472] : memref<3328xf32, #tpu.memory_space<vmem>>[vector<16xi32>], vector<16xf32>,
        %get3A_1474 = arith.index_cast %add3A_1471 : i32 to index
        %get3A_1475 = arith.constant 0 : index
        %get3A_1476 = tpu.vector_load %arg10[%get3A_1474, %get3A_1475] {strides = array<i32>} : memref<3328x16xf32, #tpu.memory_space<vmem>>, vector<16xf32>,
        %mul3A_1477 = arith.mulf %get3A_1476, %gather3A_1473 : vector<16xf32>
        %add3A_1478 = arith.addf %add3A_1426, %mul3A_1477 : vector<16xf32>
        %mul3A_1479 = arith.mulf %mul3A_1477, %mul3A_1477 : vector<16xf32>
        %add3A_1480 = arith.addf %add3A_1428, %mul3A_1479 : vector<16xf32>
        %add3A_1481 = arith.constant 1152 : i32
        %add3A_1482 = arith.addi %add3A_1481, %mul3A_986 : i32
        %add3A_1483 = arith.constant 1 : i32
        %add3A_1484 = arith.addi %add3A_1482, %add3A_1483 : i32
        %broadcast_in_dim3A_1485 = vector.broadcast %add3A_1484 : i32 to vector<16xi32>
        %gather3A_1486 = tpu.vector_load_idx %arg9[%broadcast_in_dim3A_1485] : memref<3328xf32, #tpu.memory_space<vmem>>[vector<16xi32>], vector<16xf32>,
        %get3A_1487 = arith.index_cast %add3A_1484 : i32 to index
        %get3A_1488 = arith.constant 0 : index
        %get3A_1489 = tpu.vector_load %arg10[%get3A_1487, %get3A_1488] {strides = array<i32>} : memref<3328x16xf32, #tpu.memory_space<vmem>>, vector<16xf32>,
        %mul3A_1490 = arith.mulf %get3A_1489, %gather3A_1486 : vector<16xf32>
        %add3A_1491 = arith.addf %add3A_1439, %mul3A_1490 : vector<16xf32>
        %mul3A_1492 = arith.mulf %mul3A_1490, %mul3A_1490 : vector<16xf32>
        %add3A_1493 = arith.addf %add3A_1441, %mul3A_1492 : vector<16xf32>
        %add3A_1494 = arith.constant 1152 : i32
        %add3A_1495 = arith.addi %add3A_1494, %mul3A_986 : i32
        %add3A_1496 = arith.constant 2 : i32
        %add3A_1497 = arith.addi %add3A_1495, %add3A_1496 : i32
        %broadcast_in_dim3A_1498 = vector.broadcast %add3A_1497 : i32 to vector<16xi32>
        %gather3A_1499 = tpu.vector_load_idx %arg9[%broadcast_in_dim3A_1498] : memref<3328xf32, #tpu.memory_space<vmem>>[vector<16xi32>], vector<16xf32>,
        %get3A_1500 = arith.index_cast %add3A_1497 : i32 to index
        %get3A_1501 = arith.constant 0 : index
        %get3A_1502 = tpu.vector_load %arg10[%get3A_1500, %get3A_1501] {strides = array<i32>} : memref<3328x16xf32, #tpu.memory_space<vmem>>, vector<16xf32>,
        %mul3A_1503 = arith.mulf %get3A_1502, %gather3A_1499 : vector<16xf32>
        %add3A_1504 = arith.addf %add3A_1452, %mul3A_1503 : vector<16xf32>
        %mul3A_1505 = arith.mulf %mul3A_1503, %mul3A_1503 : vector<16xf32>
        %add3A_1506 = arith.addf %add3A_1454, %mul3A_1505 : vector<16xf32>
        %add3A_1507 = arith.constant 1152 : i32
        %add3A_1508 = arith.addi %add3A_1507, %mul3A_986 : i32
        %add3A_1509 = arith.constant 3 : i32
        %add3A_1510 = arith.addi %add3A_1508, %add3A_1509 : i32
        %broadcast_in_dim3A_1511 = vector.broadcast %add3A_1510 : i32 to vector<16xi32>
        %gather3A_1512 = tpu.vector_load_idx %arg9[%broadcast_in_dim3A_1511] : memref<3328xf32, #tpu.memory_space<vmem>>[vector<16xi32>], vector<16xf32>,
        %get3A_1513 = arith.index_cast %add3A_1510 : i32 to index
        %get3A_1514 = arith.constant 0 : index
        %get3A_1515 = tpu.vector_load %arg10[%get3A_1513, %get3A_1514] {strides = array<i32>} : memref<3328x16xf32, #tpu.memory_space<vmem>>, vector<16xf32>,
        %mul3A_1516 = arith.mulf %get3A_1515, %gather3A_1512 : vector<16xf32>
        %add3A_1517 = arith.addf %add3A_1465, %mul3A_1516 : vector<16xf32>
        %mul3A_1518 = arith.mulf %mul3A_1516, %mul3A_1516 : vector<16xf32>
        %add3A_1519 = arith.addf %add3A_1467, %mul3A_1518 : vector<16xf32>
        %add3A_1520 = arith.constant 1280 : i32
        %add3A_1521 = arith.addi %add3A_1520, %mul3A_986 : i32
        %add3A_1522 = arith.constant 0 : i32
        %add3A_1523 = arith.addi %add3A_1521, %add3A_1522 : i32
        %broadcast_in_dim3A_1524 = vector.broadcast %add3A_1523 : i32 to vector<16xi32>
        %gather3A_1525 = tpu.vector_load_idx %arg9[%broadcast_in_dim3A_1524] : memref<3328xf32, #tpu.memory_space<vmem>>[vector<16xi32>], vector<16xf32>,
        %get3A_1526 = arith.index_cast %add3A_1523 : i32 to index
        %get3A_1527 = arith.constant 0 : index
        %get3A_1528 = tpu.vector_load %arg10[%get3A_1526, %get3A_1527] {strides = array<i32>} : memref<3328x16xf32, #tpu.memory_space<vmem>>, vector<16xf32>,
        %mul3A_1529 = arith.mulf %get3A_1528, %gather3A_1525 : vector<16xf32>
        %add3A_1530 = arith.addf %add3A_1478, %mul3A_1529 : vector<16xf32>
        %mul3A_1531 = arith.mulf %mul3A_1529, %mul3A_1529 : vector<16xf32>
        %add3A_1532 = arith.addf %add3A_1480, %mul3A_1531 : vector<16xf32>
        %add3A_1533 = arith.constant 1280 : i32
        %add3A_1534 = arith.addi %add3A_1533, %mul3A_986 : i32
        %add3A_1535 = arith.constant 1 : i32
        %add3A_1536 = arith.addi %add3A_1534, %add3A_1535 : i32
        %broadcast_in_dim3A_1537 = vector.broadcast %add3A_1536 : i32 to vector<16xi32>
        %gather3A_1538 = tpu.vector_load_idx %arg9[%broadcast_in_dim3A_1537] : memref<3328xf32, #tpu.memory_space<vmem>>[vector<16xi32>], vector<16xf32>,
        %get3A_1539 = arith.index_cast %add3A_1536 : i32 to index
        %get3A_1540 = arith.constant 0 : index
        %get3A_1541 = tpu.vector_load %arg10[%get3A_1539, %get3A_1540] {strides = array<i32>} : memref<3328x16xf32, #tpu.memory_space<vmem>>, vector<16xf32>,
        %mul3A_1542 = arith.mulf %get3A_1541, %gather3A_1538 : vector<16xf32>
        %add3A_1543 = arith.addf %add3A_1491, %mul3A_1542 : vector<16xf32>
        %mul3A_1544 = arith.mulf %mul3A_1542, %mul3A_1542 : vector<16xf32>
        %add3A_1545 = arith.addf %add3A_1493, %mul3A_1544 : vector<16xf32>
        %add3A_1546 = arith.constant 1280 : i32
        %add3A_1547 = arith.addi %add3A_1546, %mul3A_986 : i32
        %add3A_1548 = arith.constant 2 : i32
        %add3A_1549 = arith.addi %add3A_1547, %add3A_1548 : i32
        %broadcast_in_dim3A_1550 = vector.broadcast %add3A_1549 : i32 to vector<16xi32>
        %gather3A_1551 = tpu.vector_load_idx %arg9[%broadcast_in_dim3A_1550] : memref<3328xf32, #tpu.memory_space<vmem>>[vector<16xi32>], vector<16xf32>,
        %get3A_1552 = arith.index_cast %add3A_1549 : i32 to index
        %get3A_1553 = arith.constant 0 : index
        %get3A_1554 = tpu.vector_load %arg10[%get3A_1552, %get3A_1553] {strides = array<i32>} : memref<3328x16xf32, #tpu.memory_space<vmem>>, vector<16xf32>,
        %mul3A_1555 = arith.mulf %get3A_1554, %gather3A_1551 : vector<16xf32>
        %add3A_1556 = arith.addf %add3A_1504, %mul3A_1555 : vector<16xf32>
        %mul3A_1557 = arith.mulf %mul3A_1555, %mul3A_1555 : vector<16xf32>
        %add3A_1558 = arith.addf %add3A_1506, %mul3A_1557 : vector<16xf32>
        %add3A_1559 = arith.constant 1280 : i32
        %add3A_1560 = arith.addi %add3A_1559, %mul3A_986 : i32
        %add3A_1561 = arith.constant 3 : i32
        %add3A_1562 = arith.addi %add3A_1560, %add3A_1561 : i32
        %broadcast_in_dim3A_1563 = vector.broadcast %add3A_1562 : i32 to vector<16xi32>
        %gather3A_1564 = tpu.vector_load_idx %arg9[%broadcast_in_dim3A_1563] : memref<3328xf32, #tpu.memory_space<vmem>>[vector<16xi32>], vector<16xf32>,
        %get3A_1565 = arith.index_cast %add3A_1562 : i32 to index
        %get3A_1566 = arith.constant 0 : index
        %get3A_1567 = tpu.vector_load %arg10[%get3A_1565, %get3A_1566] {strides = array<i32>} : memref<3328x16xf32, #tpu.memory_space<vmem>>, vector<16xf32>,
        %mul3A_1568 = arith.mulf %get3A_1567, %gather3A_1564 : vector<16xf32>
        %add3A_1569 = arith.addf %add3A_1517, %mul3A_1568 : vector<16xf32>
        %mul3A_1570 = arith.mulf %mul3A_1568, %mul3A_1568 : vector<16xf32>
        %add3A_1571 = arith.addf %add3A_1519, %mul3A_1570 : vector<16xf32>
        %add3A_1572 = arith.constant 1408 : i32
        %add3A_1573 = arith.addi %add3A_1572, %mul3A_986 : i32
        %add3A_1574 = arith.constant 0 : i32
        %add3A_1575 = arith.addi %add3A_1573, %add3A_1574 : i32
        %broadcast_in_dim3A_1576 = vector.broadcast %add3A_1575 : i32 to vector<16xi32>
        %gather3A_1577 = tpu.vector_load_idx %arg9[%broadcast_in_dim3A_1576] : memref<3328xf32, #tpu.memory_space<vmem>>[vector<16xi32>], vector<16xf32>,
        %get3A_1578 = arith.index_cast %add3A_1575 : i32 to index
        %get3A_1579 = arith.constant 0 : index
        %get3A_1580 = tpu.vector_load %arg10[%get3A_1578, %get3A_1579] {strides = array<i32>} : memref<3328x16xf32, #tpu.memory_space<vmem>>, vector<16xf32>,
        %mul3A_1581 = arith.mulf %get3A_1580, %gather3A_1577 : vector<16xf32>
        %add3A_1582 = arith.addf %add3A_1530, %mul3A_1581 : vector<16xf32>
        %mul3A_1583 = arith.mulf %mul3A_1581, %mul3A_1581 : vector<16xf32>
        %add3A_1584 = arith.addf %add3A_1532, %mul3A_1583 : vector<16xf32>
        %add3A_1585 = arith.constant 1408 : i32
        %add3A_1586 = arith.addi %add3A_1585, %mul3A_986 : i32
        %add3A_1587 = arith.constant 1 : i32
        %add3A_1588 = arith.addi %add3A_1586, %add3A_1587 : i32
        %broadcast_in_dim3A_1589 = vector.broadcast %add3A_1588 : i32 to vector<16xi32>
        %gather3A_1590 = tpu.vector_load_idx %arg9[%broadcast_in_dim3A_1589] : memref<3328xf32, #tpu.memory_space<vmem>>[vector<16xi32>], vector<16xf32>,
        %get3A_1591 = arith.index_cast %add3A_1588 : i32 to index
        %get3A_1592 = arith.constant 0 : index
        %get3A_1593 = tpu.vector_load %arg10[%get3A_1591, %get3A_1592] {strides = array<i32>} : memref<3328x16xf32, #tpu.memory_space<vmem>>, vector<16xf32>,
        %mul3A_1594 = arith.mulf %get3A_1593, %gather3A_1590 : vector<16xf32>
        %add3A_1595 = arith.addf %add3A_1543, %mul3A_1594 : vector<16xf32>
        %mul3A_1596 = arith.mulf %mul3A_1594, %mul3A_1594 : vector<16xf32>
        %add3A_1597 = arith.addf %add3A_1545, %mul3A_1596 : vector<16xf32>
        %add3A_1598 = arith.constant 1408 : i32
        %add3A_1599 = arith.addi %add3A_1598, %mul3A_986 : i32
        %add3A_1600 = arith.constant 2 : i32
        %add3A_1601 = arith.addi %add3A_1599, %add3A_1600 : i32
        %broadcast_in_dim3A_1602 = vector.broadcast %add3A_1601 : i32 to vector<16xi32>
        %gather3A_1603 = tpu.vector_load_idx %arg9[%broadcast_in_dim3A_1602] : memref<3328xf32, #tpu.memory_space<vmem>>[vector<16xi32>], vector<16xf32>,
        %get3A_1604 = arith.index_cast %add3A_1601 : i32 to index
        %get3A_1605 = arith.constant 0 : index
        %get3A_1606 = tpu.vector_load %arg10[%get3A_1604, %get3A_1605] {strides = array<i32>} : memref<3328x16xf32, #tpu.memory_space<vmem>>, vector<16xf32>,
        %mul3A_1607 = arith.mulf %get3A_1606, %gather3A_1603 : vector<16xf32>
        %add3A_1608 = arith.addf %add3A_1556, %mul3A_1607 : vector<16xf32>
        %mul3A_1609 = arith.mulf %mul3A_1607, %mul3A_1607 : vector<16xf32>
        %add3A_1610 = arith.addf %add3A_1558, %mul3A_1609 : vector<16xf32>
        %add3A_1611 = arith.constant 1408 : i32
        %add3A_1612 = arith.addi %add3A_1611, %mul3A_986 : i32
        %add3A_1613 = arith.constant 3 : i32
        %add3A_1614 = arith.addi %add3A_1612, %add3A_1613 : i32
        %broadcast_in_dim3A_1615 = vector.broadcast %add3A_1614 : i32 to vector<16xi32>
        %gather3A_1616 = tpu.vector_load_idx %arg9[%broadcast_in_dim3A_1615] : memref<3328xf32, #tpu.memory_space<vmem>>[vector<16xi32>], vector<16xf32>,
        %get3A_1617 = arith.index_cast %add3A_1614 : i32 to index
        %get3A_1618 = arith.constant 0 : index
        %get3A_1619 = tpu.vector_load %arg10[%get3A_1617, %get3A_1618] {strides = array<i32>} : memref<3328x16xf32, #tpu.memory_space<vmem>>, vector<16xf32>,
        %mul3A_1620 = arith.mulf %get3A_1619, %gather3A_1616 : vector<16xf32>
        %add3A_1621 = arith.addf %add3A_1569, %mul3A_1620 : vector<16xf32>
        %mul3A_1622 = arith.mulf %mul3A_1620, %mul3A_1620 : vector<16xf32>
        %add3A_1623 = arith.addf %add3A_1571, %mul3A_1622 : vector<16xf32>
        %add3A_1624 = arith.constant 1536 : i32
        %add3A_1625 = arith.addi %add3A_1624, %mul3A_986 : i32
        %add3A_1626 = arith.constant 0 : i32
        %add3A_1627 = arith.addi %add3A_1625, %add3A_1626 : i32
        %broadcast_in_dim3A_1628 = vector.broadcast %add3A_1627 : i32 to vector<16xi32>
        %gather3A_1629 = tpu.vector_load_idx %arg9[%broadcast_in_dim3A_1628] : memref<3328xf32, #tpu.memory_space<vmem>>[vector<16xi32>], vector<16xf32>,
        %get3A_1630 = arith.index_cast %add3A_1627 : i32 to index
        %get3A_1631 = arith.constant 0 : index
        %get3A_1632 = tpu.vector_load %arg10[%get3A_1630, %get3A_1631] {strides = array<i32>} : memref<3328x16xf32, #tpu.memory_space<vmem>>, vector<16xf32>,
        %mul3A_1633 = arith.mulf %get3A_1632, %gather3A_1629 : vector<16xf32>
        %add3A_1634 = arith.addf %add3A_1582, %mul3A_1633 : vector<16xf32>
        %mul3A_1635 = arith.mulf %mul3A_1633, %mul3A_1633 : vector<16xf32>
        %add3A_1636 = arith.addf %add3A_1584, %mul3A_1635 : vector<16xf32>
        %add3A_1637 = arith.constant 1536 : i32
        %add3A_1638 = arith.addi %add3A_1637, %mul3A_986 : i32
        %add3A_1639 = arith.constant 1 : i32
        %add3A_1640 = arith.addi %add3A_1638, %add3A_1639 : i32
        %broadcast_in_dim3A_1641 = vector.broadcast %add3A_1640 : i32 to vector<16xi32>
        %gather3A_1642 = tpu.vector_load_idx %arg9[%broadcast_in_dim3A_1641] : memref<3328xf32, #tpu.memory_space<vmem>>[vector<16xi32>], vector<16xf32>,
        %get3A_1643 = arith.index_cast %add3A_1640 : i32 to index
        %get3A_1644 = arith.constant 0 : index
        %get3A_1645 = tpu.vector_load %arg10[%get3A_1643, %get3A_1644] {strides = array<i32>} : memref<3328x16xf32, #tpu.memory_space<vmem>>, vector<16xf32>,
        %mul3A_1646 = arith.mulf %get3A_1645, %gather3A_1642 : vector<16xf32>
        %add3A_1647 = arith.addf %add3A_1595, %mul3A_1646 : vector<16xf32>
        %mul3A_1648 = arith.mulf %mul3A_1646, %mul3A_1646 : vector<16xf32>
        %add3A_1649 = arith.addf %add3A_1597, %mul3A_1648 : vector<16xf32>
        %add3A_1650 = arith.constant 1536 : i32
        %add3A_1651 = arith.addi %add3A_1650, %mul3A_986 : i32
        %add3A_1652 = arith.constant 2 : i32
        %add3A_1653 = arith.addi %add3A_1651, %add3A_1652 : i32
        %broadcast_in_dim3A_1654 = vector.broadcast %add3A_1653 : i32 to vector<16xi32>
        %gather3A_1655 = tpu.vector_load_idx %arg9[%broadcast_in_dim3A_1654] : memref<3328xf32, #tpu.memory_space<vmem>>[vector<16xi32>], vector<16xf32>,
        %get3A_1656 = arith.index_cast %add3A_1653 : i32 to index
        %get3A_1657 = arith.constant 0 : index
        %get3A_1658 = tpu.vector_load %arg10[%get3A_1656, %get3A_1657] {strides = array<i32>} : memref<3328x16xf32, #tpu.memory_space<vmem>>, vector<16xf32>,
        %mul3A_1659 = arith.mulf %get3A_1658, %gather3A_1655 : vector<16xf32>
        %add3A_1660 = arith.addf %add3A_1608, %mul3A_1659 : vector<16xf32>
        %mul3A_1661 = arith.mulf %mul3A_1659, %mul3A_1659 : vector<16xf32>
        %add3A_1662 = arith.addf %add3A_1610, %mul3A_1661 : vector<16xf32>
        %add3A_1663 = arith.constant 1536 : i32
        %add3A_1664 = arith.addi %add3A_1663, %mul3A_986 : i32
        %add3A_1665 = arith.constant 3 : i32
        %add3A_1666 = arith.addi %add3A_1664, %add3A_1665 : i32
        %broadcast_in_dim3A_1667 = vector.broadcast %add3A_1666 : i32 to vector<16xi32>
        %gather3A_1668 = tpu.vector_load_idx %arg9[%broadcast_in_dim3A_1667] : memref<3328xf32, #tpu.memory_space<vmem>>[vector<16xi32>], vector<16xf32>,
        %get3A_1669 = arith.index_cast %add3A_1666 : i32 to index
        %get3A_1670 = arith.constant 0 : index
        %get3A_1671 = tpu.vector_load %arg10[%get3A_1669, %get3A_1670] {strides = array<i32>} : memref<3328x16xf32, #tpu.memory_space<vmem>>, vector<16xf32>,
        %mul3A_1672 = arith.mulf %get3A_1671, %gather3A_1668 : vector<16xf32>
        %add3A_1673 = arith.addf %add3A_1621, %mul3A_1672 : vector<16xf32>
        %mul3A_1674 = arith.mulf %mul3A_1672, %mul3A_1672 : vector<16xf32>
        %add3A_1675 = arith.addf %add3A_1623, %mul3A_1674 : vector<16xf32>
        %add3A_1676 = arith.constant 1664 : i32
        %add3A_1677 = arith.addi %add3A_1676, %mul3A_986 : i32
        %add3A_1678 = arith.constant 0 : i32
        %add3A_1679 = arith.addi %add3A_1677, %add3A_1678 : i32
        %broadcast_in_dim3A_1680 = vector.broadcast %add3A_1679 : i32 to vector<16xi32>
        %gather3A_1681 = tpu.vector_load_idx %arg9[%broadcast_in_dim3A_1680] : memref<3328xf32, #tpu.memory_space<vmem>>[vector<16xi32>], vector<16xf32>,
        %get3A_1682 = arith.index_cast %add3A_1679 : i32 to index
        %get3A_1683 = arith.constant 0 : index
        %get3A_1684 = tpu.vector_load %arg10[%get3A_1682, %get3A_1683] {strides = array<i32>} : memref<3328x16xf32, #tpu.memory_space<vmem>>, vector<16xf32>,
        %mul3A_1685 = arith.mulf %get3A_1684, %gather3A_1681 : vector<16xf32>
        %add3A_1686 = arith.addf %add3A_1634, %mul3A_1685 : vector<16xf32>
        %mul3A_1687 = arith.mulf %mul3A_1685, %mul3A_1685 : vector<16xf32>
        %add3A_1688 = arith.addf %add3A_1636, %mul3A_1687 : vector<16xf32>
        %add3A_1689 = arith.constant 1664 : i32
        %add3A_1690 = arith.addi %add3A_1689, %mul3A_986 : i32
        %add3A_1691 = arith.constant 1 : i32
        %add3A_1692 = arith.addi %add3A_1690, %add3A_1691 : i32
        %broadcast_in_dim3A_1693 = vector.broadcast %add3A_1692 : i32 to vector<16xi32>
        %gather3A_1694 = tpu.vector_load_idx %arg9[%broadcast_in_dim3A_1693] : memref<3328xf32, #tpu.memory_space<vmem>>[vector<16xi32>], vector<16xf32>,
        %get3A_1695 = arith.index_cast %add3A_1692 : i32 to index
        %get3A_1696 = arith.constant 0 : index
        %get3A_1697 = tpu.vector_load %arg10[%get3A_1695, %get3A_1696] {strides = array<i32>} : memref<3328x16xf32, #tpu.memory_space<vmem>>, vector<16xf32>,
        %mul3A_1698 = arith.mulf %get3A_1697, %gather3A_1694 : vector<16xf32>
        %add3A_1699 = arith.addf %add3A_1647, %mul3A_1698 : vector<16xf32>
        %mul3A_1700 = arith.mulf %mul3A_1698, %mul3A_1698 : vector<16xf32>
        %add3A_1701 = arith.addf %add3A_1649, %mul3A_1700 : vector<16xf32>
        %add3A_1702 = arith.constant 1664 : i32
        %add3A_1703 = arith.addi %add3A_1702, %mul3A_986 : i32
        %add3A_1704 = arith.constant 2 : i32
        %add3A_1705 = arith.addi %add3A_1703, %add3A_1704 : i32
        %broadcast_in_dim3A_1706 = vector.broadcast %add3A_1705 : i32 to vector<16xi32>
        %gather3A_1707 = tpu.vector_load_idx %arg9[%broadcast_in_dim3A_1706] : memref<3328xf32, #tpu.memory_space<vmem>>[vector<16xi32>], vector<16xf32>,
        %get3A_1708 = arith.index_cast %add3A_1705 : i32 to index
        %get3A_1709 = arith.constant 0 : index
        %get3A_1710 = tpu.vector_load %arg10[%get3A_1708, %get3A_1709] {strides = array<i32>} : memref<3328x16xf32, #tpu.memory_space<vmem>>, vector<16xf32>,
        %mul3A_1711 = arith.mulf %get3A_1710, %gather3A_1707 : vector<16xf32>
        %add3A_1712 = arith.addf %add3A_1660, %mul3A_1711 : vector<16xf32>
        %mul3A_1713 = arith.mulf %mul3A_1711, %mul3A_1711 : vector<16xf32>
        %add3A_1714 = arith.addf %add3A_1662, %mul3A_1713 : vector<16xf32>
        %add3A_1715 = arith.constant 1664 : i32
        %add3A_1716 = arith.addi %add3A_1715, %mul3A_986 : i32
        %add3A_1717 = arith.constant 3 : i32
        %add3A_1718 = arith.addi %add3A_1716, %add3A_1717 : i32
        %broadcast_in_dim3A_1719 = vector.broadcast %add3A_1718 : i32 to vector<16xi32>
        %gather3A_1720 = tpu.vector_load_idx %arg9[%broadcast_in_dim3A_1719] : memref<3328xf32, #tpu.memory_space<vmem>>[vector<16xi32>], vector<16xf32>,
        %get3A_1721 = arith.index_cast %add3A_1718 : i32 to index
        %get3A_1722 = arith.constant 0 : index
        %get3A_1723 = tpu.vector_load %arg10[%get3A_1721, %get3A_1722] {strides = array<i32>} : memref<3328x16xf32, #tpu.memory_space<vmem>>, vector<16xf32>,
        %mul3A_1724 = arith.mulf %get3A_1723, %gather3A_1720 : vector<16xf32>
        %add3A_1725 = arith.addf %add3A_1673, %mul3A_1724 : vector<16xf32>
        %mul3A_1726 = arith.mulf %mul3A_1724, %mul3A_1724 : vector<16xf32>
        %add3A_1727 = arith.addf %add3A_1675, %mul3A_1726 : vector<16xf32>
        %add3A_1728 = arith.constant 1792 : i32
        %add3A_1729 = arith.addi %add3A_1728, %mul3A_986 : i32
        %add3A_1730 = arith.constant 0 : i32
        %add3A_1731 = arith.addi %add3A_1729, %add3A_1730 : i32
        %broadcast_in_dim3A_1732 = vector.broadcast %add3A_1731 : i32 to vector<16xi32>
        %gather3A_1733 = tpu.vector_load_idx %arg9[%broadcast_in_dim3A_1732] : memref<3328xf32, #tpu.memory_space<vmem>>[vector<16xi32>], vector<16xf32>,
        %get3A_1734 = arith.index_cast %add3A_1731 : i32 to index
        %get3A_1735 = arith.constant 0 : index
        %get3A_1736 = tpu.vector_load %arg10[%get3A_1734, %get3A_1735] {strides = array<i32>} : memref<3328x16xf32, #tpu.memory_space<vmem>>, vector<16xf32>,
        %mul3A_1737 = arith.mulf %get3A_1736, %gather3A_1733 : vector<16xf32>
        %add3A_1738 = arith.addf %add3A_1686, %mul3A_1737 : vector<16xf32>
        %mul3A_1739 = arith.mulf %mul3A_1737, %mul3A_1737 : vector<16xf32>
        %add3A_1740 = arith.addf %add3A_1688, %mul3A_1739 : vector<16xf32>
        %add3A_1741 = arith.constant 1792 : i32
        %add3A_1742 = arith.addi %add3A_1741, %mul3A_986 : i32
        %add3A_1743 = arith.constant 1 : i32
        %add3A_1744 = arith.addi %add3A_1742, %add3A_1743 : i32
        %broadcast_in_dim3A_1745 = vector.broadcast %add3A_1744 : i32 to vector<16xi32>
        %gather3A_1746 = tpu.vector_load_idx %arg9[%broadcast_in_dim3A_1745] : memref<3328xf32, #tpu.memory_space<vmem>>[vector<16xi32>], vector<16xf32>,
        %get3A_1747 = arith.index_cast %add3A_1744 : i32 to index
        %get3A_1748 = arith.constant 0 : index
        %get3A_1749 = tpu.vector_load %arg10[%get3A_1747, %get3A_1748] {strides = array<i32>} : memref<3328x16xf32, #tpu.memory_space<vmem>>, vector<16xf32>,
        %mul3A_1750 = arith.mulf %get3A_1749, %gather3A_1746 : vector<16xf32>
        %add3A_1751 = arith.addf %add3A_1699, %mul3A_1750 : vector<16xf32>
        %mul3A_1752 = arith.mulf %mul3A_1750, %mul3A_1750 : vector<16xf32>
        %add3A_1753 = arith.addf %add3A_1701, %mul3A_1752 : vector<16xf32>
        %add3A_1754 = arith.constant 1792 : i32
        %add3A_1755 = arith.addi %add3A_1754, %mul3A_986 : i32
        %add3A_1756 = arith.constant 2 : i32
        %add3A_1757 = arith.addi %add3A_1755, %add3A_1756 : i32
        %broadcast_in_dim3A_1758 = vector.broadcast %add3A_1757 : i32 to vector<16xi32>
        %gather3A_1759 = tpu.vector_load_idx %arg9[%broadcast_in_dim3A_1758] : memref<3328xf32, #tpu.memory_space<vmem>>[vector<16xi32>], vector<16xf32>,
        %get3A_1760 = arith.index_cast %add3A_1757 : i32 to index
        %get3A_1761 = arith.constant 0 : index
        %get3A_1762 = tpu.vector_load %arg10[%get3A_1760, %get3A_1761] {strides = array<i32>} : memref<3328x16xf32, #tpu.memory_space<vmem>>, vector<16xf32>,
        %mul3A_1763 = arith.mulf %get3A_1762, %gather3A_1759 : vector<16xf32>
        %add3A_1764 = arith.addf %add3A_1712, %mul3A_1763 : vector<16xf32>
        %mul3A_1765 = arith.mulf %mul3A_1763, %mul3A_1763 : vector<16xf32>
        %add3A_1766 = arith.addf %add3A_1714, %mul3A_1765 : vector<16xf32>
        %add3A_1767 = arith.constant 1792 : i32
        %add3A_1768 = arith.addi %add3A_1767, %mul3A_986 : i32
        %add3A_1769 = arith.constant 3 : i32
        %add3A_1770 = arith.addi %add3A_1768, %add3A_1769 : i32
        %broadcast_in_dim3A_1771 = vector.broadcast %add3A_1770 : i32 to vector<16xi32>
        %gather3A_1772 = tpu.vector_load_idx %arg9[%broadcast_in_dim3A_1771] : memref<3328xf32, #tpu.memory_space<vmem>>[vector<16xi32>], vector<16xf32>,
        %get3A_1773 = arith.index_cast %add3A_1770 : i32 to index
        %get3A_1774 = arith.constant 0 : index
        %get3A_1775 = tpu.vector_load %arg10[%get3A_1773, %get3A_1774] {strides = array<i32>} : memref<3328x16xf32, #tpu.memory_space<vmem>>, vector<16xf32>,
        %mul3A_1776 = arith.mulf %get3A_1775, %gather3A_1772 : vector<16xf32>
        %add3A_1777 = arith.addf %add3A_1725, %mul3A_1776 : vector<16xf32>
        %mul3A_1778 = arith.mulf %mul3A_1776, %mul3A_1776 : vector<16xf32>
        %add3A_1779 = arith.addf %add3A_1727, %mul3A_1778 : vector<16xf32>
        %add3A_1780 = arith.constant 1920 : i32
        %add3A_1781 = arith.addi %add3A_1780, %mul3A_986 : i32
        %add3A_1782 = arith.constant 0 : i32
        %add3A_1783 = arith.addi %add3A_1781, %add3A_1782 : i32
        %broadcast_in_dim3A_1784 = vector.broadcast %add3A_1783 : i32 to vector<16xi32>
        %gather3A_1785 = tpu.vector_load_idx %arg9[%broadcast_in_dim3A_1784] : memref<3328xf32, #tpu.memory_space<vmem>>[vector<16xi32>], vector<16xf32>,
        %get3A_1786 = arith.index_cast %add3A_1783 : i32 to index
        %get3A_1787 = arith.constant 0 : index
        %get3A_1788 = tpu.vector_load %arg10[%get3A_1786, %get3A_1787] {strides = array<i32>} : memref<3328x16xf32, #tpu.memory_space<vmem>>, vector<16xf32>,
        %mul3A_1789 = arith.mulf %get3A_1788, %gather3A_1785 : vector<16xf32>
        %add3A_1790 = arith.addf %add3A_1738, %mul3A_1789 : vector<16xf32>
        %mul3A_1791 = arith.mulf %mul3A_1789, %mul3A_1789 : vector<16xf32>
        %add3A_1792 = arith.addf %add3A_1740, %mul3A_1791 : vector<16xf32>
        %add3A_1793 = arith.constant 1920 : i32
        %add3A_1794 = arith.addi %add3A_1793, %mul3A_986 : i32
        %add3A_1795 = arith.constant 1 : i32
        %add3A_1796 = arith.addi %add3A_1794, %add3A_1795 : i32
        %broadcast_in_dim3A_1797 = vector.broadcast %add3A_1796 : i32 to vector<16xi32>
        %gather3A_1798 = tpu.vector_load_idx %arg9[%broadcast_in_dim3A_1797] : memref<3328xf32, #tpu.memory_space<vmem>>[vector<16xi32>], vector<16xf32>,
        %get3A_1799 = arith.index_cast %add3A_1796 : i32 to index
        %get3A_1800 = arith.constant 0 : index
        %get3A_1801 = tpu.vector_load %arg10[%get3A_1799, %get3A_1800] {strides = array<i32>} : memref<3328x16xf32, #tpu.memory_space<vmem>>, vector<16xf32>,
        %mul3A_1802 = arith.mulf %get3A_1801, %gather3A_1798 : vector<16xf32>
        %add3A_1803 = arith.addf %add3A_1751, %mul3A_1802 : vector<16xf32>
        %mul3A_1804 = arith.mulf %mul3A_1802, %mul3A_1802 : vector<16xf32>
        %add3A_1805 = arith.addf %add3A_1753, %mul3A_1804 : vector<16xf32>
        %add3A_1806 = arith.constant 1920 : i32
        %add3A_1807 = arith.addi %add3A_1806, %mul3A_986 : i32
        %add3A_1808 = arith.constant 2 : i32
        %add3A_1809 = arith.addi %add3A_1807, %add3A_1808 : i32
        %broadcast_in_dim3A_1810 = vector.broadcast %add3A_1809 : i32 to vector<16xi32>
        %gather3A_1811 = tpu.vector_load_idx %arg9[%broadcast_in_dim3A_1810] : memref<3328xf32, #tpu.memory_space<vmem>>[vector<16xi32>], vector<16xf32>,
        %get3A_1812 = arith.index_cast %add3A_1809 : i32 to index
        %get3A_1813 = arith.constant 0 : index
        %get3A_1814 = tpu.vector_load %arg10[%get3A_1812, %get3A_1813] {strides = array<i32>} : memref<3328x16xf32, #tpu.memory_space<vmem>>, vector<16xf32>,
        %mul3A_1815 = arith.mulf %get3A_1814, %gather3A_1811 : vector<16xf32>
        %add3A_1816 = arith.addf %add3A_1764, %mul3A_1815 : vector<16xf32>
        %mul3A_1817 = arith.mulf %mul3A_1815, %mul3A_1815 : vector<16xf32>
        %add3A_1818 = arith.addf %add3A_1766, %mul3A_1817 : vector<16xf32>
        %add3A_1819 = arith.constant 1920 : i32
        %add3A_1820 = arith.addi %add3A_1819, %mul3A_986 : i32
        %add3A_1821 = arith.constant 3 : i32
        %add3A_1822 = arith.addi %add3A_1820, %add3A_1821 : i32
        %broadcast_in_dim3A_1823 = vector.broadcast %add3A_1822 : i32 to vector<16xi32>
        %gather3A_1824 = tpu.vector_load_idx %arg9[%broadcast_in_dim3A_1823] : memref<3328xf32, #tpu.memory_space<vmem>>[vector<16xi32>], vector<16xf32>,
        %get3A_1825 = arith.index_cast %add3A_1822 : i32 to index
        %get3A_1826 = arith.constant 0 : index
        %get3A_1827 = tpu.vector_load %arg10[%get3A_1825, %get3A_1826] {strides = array<i32>} : memref<3328x16xf32, #tpu.memory_space<vmem>>, vector<16xf32>,
        %mul3A_1828 = arith.mulf %get3A_1827, %gather3A_1824 : vector<16xf32>
        %add3A_1829 = arith.addf %add3A_1777, %mul3A_1828 : vector<16xf32>
        %mul3A_1830 = arith.mulf %mul3A_1828, %mul3A_1828 : vector<16xf32>
        %add3A_1831 = arith.addf %add3A_1779, %mul3A_1830 : vector<16xf32>
        %add3A_1832 = arith.constant 2048 : i32
        %add3A_1833 = arith.addi %add3A_1832, %mul3A_986 : i32
        %add3A_1834 = arith.constant 0 : i32
        %add3A_1835 = arith.addi %add3A_1833, %add3A_1834 : i32
        %broadcast_in_dim3A_1836 = vector.broadcast %add3A_1835 : i32 to vector<16xi32>
        %gather3A_1837 = tpu.vector_load_idx %arg9[%broadcast_in_dim3A_1836] : memref<3328xf32, #tpu.memory_space<vmem>>[vector<16xi32>], vector<16xf32>,
        %get3A_1838 = arith.index_cast %add3A_1835 : i32 to index
        %get3A_1839 = arith.constant 0 : index
        %get3A_1840 = tpu.vector_load %arg10[%get3A_1838, %get3A_1839] {strides = array<i32>} : memref<3328x16xf32, #tpu.memory_space<vmem>>, vector<16xf32>,
        %mul3A_1841 = arith.mulf %get3A_1840, %gather3A_1837 : vector<16xf32>
        %add3A_1842 = arith.addf %add3A_1790, %mul3A_1841 : vector<16xf32>
        %mul3A_1843 = arith.mulf %mul3A_1841, %mul3A_1841 : vector<16xf32>
        %add3A_1844 = arith.addf %add3A_1792, %mul3A_1843 : vector<16xf32>
        %add3A_1845 = arith.constant 2048 : i32
        %add3A_1846 = arith.addi %add3A_1845, %mul3A_986 : i32
        %add3A_1847 = arith.constant 1 : i32
        %add3A_1848 = arith.addi %add3A_1846, %add3A_1847 : i32
        %broadcast_in_dim3A_1849 = vector.broadcast %add3A_1848 : i32 to vector<16xi32>
        %gather3A_1850 = tpu.vector_load_idx %arg9[%broadcast_in_dim3A_1849] : memref<3328xf32, #tpu.memory_space<vmem>>[vector<16xi32>], vector<16xf32>,
        %get3A_1851 = arith.index_cast %add3A_1848 : i32 to index
        %get3A_1852 = arith.constant 0 : index
        %get3A_1853 = tpu.vector_load %arg10[%get3A_1851, %get3A_1852] {strides = array<i32>} : memref<3328x16xf32, #tpu.memory_space<vmem>>, vector<16xf32>,
        %mul3A_1854 = arith.mulf %get3A_1853, %gather3A_1850 : vector<16xf32>
        %add3A_1855 = arith.addf %add3A_1803, %mul3A_1854 : vector<16xf32>
        %mul3A_1856 = arith.mulf %mul3A_1854, %mul3A_1854 : vector<16xf32>
        %add3A_1857 = arith.addf %add3A_1805, %mul3A_1856 : vector<16xf32>
        %add3A_1858 = arith.constant 2048 : i32
        %add3A_1859 = arith.addi %add3A_1858, %mul3A_986 : i32
        %add3A_1860 = arith.constant 2 : i32
        %add3A_1861 = arith.addi %add3A_1859, %add3A_1860 : i32
        %broadcast_in_dim3A_1862 = vector.broadcast %add3A_1861 : i32 to vector<16xi32>
        %gather3A_1863 = tpu.vector_load_idx %arg9[%broadcast_in_dim3A_1862] : memref<3328xf32, #tpu.memory_space<vmem>>[vector<16xi32>], vector<16xf32>,
        %get3A_1864 = arith.index_cast %add3A_1861 : i32 to index
        %get3A_1865 = arith.constant 0 : index
        %get3A_1866 = tpu.vector_load %arg10[%get3A_1864, %get3A_1865] {strides = array<i32>} : memref<3328x16xf32, #tpu.memory_space<vmem>>, vector<16xf32>,
        %mul3A_1867 = arith.mulf %get3A_1866, %gather3A_1863 : vector<16xf32>
        %add3A_1868 = arith.addf %add3A_1816, %mul3A_1867 : vector<16xf32>
        %mul3A_1869 = arith.mulf %mul3A_1867, %mul3A_1867 : vector<16xf32>
        %add3A_1870 = arith.addf %add3A_1818, %mul3A_1869 : vector<16xf32>
        %add3A_1871 = arith.constant 2048 : i32
        %add3A_1872 = arith.addi %add3A_1871, %mul3A_986 : i32
        %add3A_1873 = arith.constant 3 : i32
        %add3A_1874 = arith.addi %add3A_1872, %add3A_1873 : i32
        %broadcast_in_dim3A_1875 = vector.broadcast %add3A_1874 : i32 to vector<16xi32>
        %gather3A_1876 = tpu.vector_load_idx %arg9[%broadcast_in_dim3A_1875] : memref<3328xf32, #tpu.memory_space<vmem>>[vector<16xi32>], vector<16xf32>,
        %get3A_1877 = arith.index_cast %add3A_1874 : i32 to index
        %get3A_1878 = arith.constant 0 : index
        %get3A_1879 = tpu.vector_load %arg10[%get3A_1877, %get3A_1878] {strides = array<i32>} : memref<3328x16xf32, #tpu.memory_space<vmem>>, vector<16xf32>,
        %mul3A_1880 = arith.mulf %get3A_1879, %gather3A_1876 : vector<16xf32>
        %add3A_1881 = arith.addf %add3A_1829, %mul3A_1880 : vector<16xf32>
        %mul3A_1882 = arith.mulf %mul3A_1880, %mul3A_1880 : vector<16xf32>
        %add3A_1883 = arith.addf %add3A_1831, %mul3A_1882 : vector<16xf32>
        %add3A_1884 = arith.constant 2176 : i32
        %add3A_1885 = arith.addi %add3A_1884, %mul3A_986 : i32
        %add3A_1886 = arith.constant 0 : i32
        %add3A_1887 = arith.addi %add3A_1885, %add3A_1886 : i32
        %broadcast_in_dim3A_1888 = vector.broadcast %add3A_1887 : i32 to vector<16xi32>
        %gather3A_1889 = tpu.vector_load_idx %arg9[%broadcast_in_dim3A_1888] : memref<3328xf32, #tpu.memory_space<vmem>>[vector<16xi32>], vector<16xf32>,
        %get3A_1890 = arith.index_cast %add3A_1887 : i32 to index
        %get3A_1891 = arith.constant 0 : index
        %get3A_1892 = tpu.vector_load %arg10[%get3A_1890, %get3A_1891] {strides = array<i32>} : memref<3328x16xf32, #tpu.memory_space<vmem>>, vector<16xf32>,
        %mul3A_1893 = arith.mulf %get3A_1892, %gather3A_1889 : vector<16xf32>
        %add3A_1894 = arith.addf %add3A_1842, %mul3A_1893 : vector<16xf32>
        %mul3A_1895 = arith.mulf %mul3A_1893, %mul3A_1893 : vector<16xf32>
        %add3A_1896 = arith.addf %add3A_1844, %mul3A_1895 : vector<16xf32>
        %add3A_1897 = arith.constant 2176 : i32
        %add3A_1898 = arith.addi %add3A_1897, %mul3A_986 : i32
        %add3A_1899 = arith.constant 1 : i32
        %add3A_1900 = arith.addi %add3A_1898, %add3A_1899 : i32
        %broadcast_in_dim3A_1901 = vector.broadcast %add3A_1900 : i32 to vector<16xi32>
        %gather3A_1902 = tpu.vector_load_idx %arg9[%broadcast_in_dim3A_1901] : memref<3328xf32, #tpu.memory_space<vmem>>[vector<16xi32>], vector<16xf32>,
        %get3A_1903 = arith.index_cast %add3A_1900 : i32 to index
        %get3A_1904 = arith.constant 0 : index
        %get3A_1905 = tpu.vector_load %arg10[%get3A_1903, %get3A_1904] {strides = array<i32>} : memref<3328x16xf32, #tpu.memory_space<vmem>>, vector<16xf32>,
        %mul3A_1906 = arith.mulf %get3A_1905, %gather3A_1902 : vector<16xf32>
        %add3A_1907 = arith.addf %add3A_1855, %mul3A_1906 : vector<16xf32>
        %mul3A_1908 = arith.mulf %mul3A_1906, %mul3A_1906 : vector<16xf32>
        %add3A_1909 = arith.addf %add3A_1857, %mul3A_1908 : vector<16xf32>
        %add3A_1910 = arith.constant 2176 : i32
        %add3A_1911 = arith.addi %add3A_1910, %mul3A_986 : i32
        %add3A_1912 = arith.constant 2 : i32
        %add3A_1913 = arith.addi %add3A_1911, %add3A_1912 : i32
        %broadcast_in_dim3A_1914 = vector.broadcast %add3A_1913 : i32 to vector<16xi32>
        %gather3A_1915 = tpu.vector_load_idx %arg9[%broadcast_in_dim3A_1914] : memref<3328xf32, #tpu.memory_space<vmem>>[vector<16xi32>], vector<16xf32>,
        %get3A_1916 = arith.index_cast %add3A_1913 : i32 to index
        %get3A_1917 = arith.constant 0 : index
        %get3A_1918 = tpu.vector_load %arg10[%get3A_1916, %get3A_1917] {strides = array<i32>} : memref<3328x16xf32, #tpu.memory_space<vmem>>, vector<16xf32>,
        %mul3A_1919 = arith.mulf %get3A_1918, %gather3A_1915 : vector<16xf32>
        %add3A_1920 = arith.addf %add3A_1868, %mul3A_1919 : vector<16xf32>
        %mul3A_1921 = arith.mulf %mul3A_1919, %mul3A_1919 : vector<16xf32>
        %add3A_1922 = arith.addf %add3A_1870, %mul3A_1921 : vector<16xf32>
        %add3A_1923 = arith.constant 2176 : i32
        %add3A_1924 = arith.addi %add3A_1923, %mul3A_986 : i32
        %add3A_1925 = arith.constant 3 : i32
        %add3A_1926 = arith.addi %add3A_1924, %add3A_1925 : i32
        %broadcast_in_dim3A_1927 = vector.broadcast %add3A_1926 : i32 to vector<16xi32>
        %gather3A_1928 = tpu.vector_load_idx %arg9[%broadcast_in_dim3A_1927] : memref<3328xf32, #tpu.memory_space<vmem>>[vector<16xi32>], vector<16xf32>,
        %get3A_1929 = arith.index_cast %add3A_1926 : i32 to index
        %get3A_1930 = arith.constant 0 : index
        %get3A_1931 = tpu.vector_load %arg10[%get3A_1929, %get3A_1930] {strides = array<i32>} : memref<3328x16xf32, #tpu.memory_space<vmem>>, vector<16xf32>,
        %mul3A_1932 = arith.mulf %get3A_1931, %gather3A_1928 : vector<16xf32>
        %add3A_1933 = arith.addf %add3A_1881, %mul3A_1932 : vector<16xf32>
        %mul3A_1934 = arith.mulf %mul3A_1932, %mul3A_1932 : vector<16xf32>
        %add3A_1935 = arith.addf %add3A_1883, %mul3A_1934 : vector<16xf32>
        %add3A_1936 = arith.constant 2304 : i32
        %add3A_1937 = arith.addi %add3A_1936, %mul3A_986 : i32
        %add3A_1938 = arith.constant 0 : i32
        %add3A_1939 = arith.addi %add3A_1937, %add3A_1938 : i32
        %broadcast_in_dim3A_1940 = vector.broadcast %add3A_1939 : i32 to vector<16xi32>
        %gather3A_1941 = tpu.vector_load_idx %arg9[%broadcast_in_dim3A_1940] : memref<3328xf32, #tpu.memory_space<vmem>>[vector<16xi32>], vector<16xf32>,
        %get3A_1942 = arith.index_cast %add3A_1939 : i32 to index
        %get3A_1943 = arith.constant 0 : index
        %get3A_1944 = tpu.vector_load %arg10[%get3A_1942, %get3A_1943] {strides = array<i32>} : memref<3328x16xf32, #tpu.memory_space<vmem>>, vector<16xf32>,
        %mul3A_1945 = arith.mulf %get3A_1944, %gather3A_1941 : vector<16xf32>
        %add3A_1946 = arith.addf %add3A_1894, %mul3A_1945 : vector<16xf32>
        %mul3A_1947 = arith.mulf %mul3A_1945, %mul3A_1945 : vector<16xf32>
        %add3A_1948 = arith.addf %add3A_1896, %mul3A_1947 : vector<16xf32>
        %add3A_1949 = arith.constant 2304 : i32
        %add3A_1950 = arith.addi %add3A_1949, %mul3A_986 : i32
        %add3A_1951 = arith.constant 1 : i32
        %add3A_1952 = arith.addi %add3A_1950, %add3A_1951 : i32
        %broadcast_in_dim3A_1953 = vector.broadcast %add3A_1952 : i32 to vector<16xi32>
        %gather3A_1954 = tpu.vector_load_idx %arg9[%broadcast_in_dim3A_1953] : memref<3328xf32, #tpu.memory_space<vmem>>[vector<16xi32>], vector<16xf32>,
        %get3A_1955 = arith.index_cast %add3A_1952 : i32 to index
        %get3A_1956 = arith.constant 0 : index
        %get3A_1957 = tpu.vector_load %arg10[%get3A_1955, %get3A_1956] {strides = array<i32>} : memref<3328x16xf32, #tpu.memory_space<vmem>>, vector<16xf32>,
        %mul3A_1958 = arith.mulf %get3A_1957, %gather3A_1954 : vector<16xf32>
        %add3A_1959 = arith.addf %add3A_1907, %mul3A_1958 : vector<16xf32>
        %mul3A_1960 = arith.mulf %mul3A_1958, %mul3A_1958 : vector<16xf32>
        %add3A_1961 = arith.addf %add3A_1909, %mul3A_1960 : vector<16xf32>
        %add3A_1962 = arith.constant 2304 : i32
        %add3A_1963 = arith.addi %add3A_1962, %mul3A_986 : i32
        %add3A_1964 = arith.constant 2 : i32
        %add3A_1965 = arith.addi %add3A_1963, %add3A_1964 : i32
        %broadcast_in_dim3A_1966 = vector.broadcast %add3A_1965 : i32 to vector<16xi32>
        %gather3A_1967 = tpu.vector_load_idx %arg9[%broadcast_in_dim3A_1966] : memref<3328xf32, #tpu.memory_space<vmem>>[vector<16xi32>], vector<16xf32>,
        %get3A_1968 = arith.index_cast %add3A_1965 : i32 to index
        %get3A_1969 = arith.constant 0 : index
        %get3A_1970 = tpu.vector_load %arg10[%get3A_1968, %get3A_1969] {strides = array<i32>} : memref<3328x16xf32, #tpu.memory_space<vmem>>, vector<16xf32>,
        %mul3A_1971 = arith.mulf %get3A_1970, %gather3A_1967 : vector<16xf32>
        %add3A_1972 = arith.addf %add3A_1920, %mul3A_1971 : vector<16xf32>
        %mul3A_1973 = arith.mulf %mul3A_1971, %mul3A_1971 : vector<16xf32>
        %add3A_1974 = arith.addf %add3A_1922, %mul3A_1973 : vector<16xf32>
        %add3A_1975 = arith.constant 2304 : i32
        %add3A_1976 = arith.addi %add3A_1975, %mul3A_986 : i32
        %add3A_1977 = arith.constant 3 : i32
        %add3A_1978 = arith.addi %add3A_1976, %add3A_1977 : i32
        %broadcast_in_dim3A_1979 = vector.broadcast %add3A_1978 : i32 to vector<16xi32>
        %gather3A_1980 = tpu.vector_load_idx %arg9[%broadcast_in_dim3A_1979] : memref<3328xf32, #tpu.memory_space<vmem>>[vector<16xi32>], vector<16xf32>,
        %get3A_1981 = arith.index_cast %add3A_1978 : i32 to index
        %get3A_1982 = arith.constant 0 : index
        %get3A_1983 = tpu.vector_load %arg10[%get3A_1981, %get3A_1982] {strides = array<i32>} : memref<3328x16xf32, #tpu.memory_space<vmem>>, vector<16xf32>,
        %mul3A_1984 = arith.mulf %get3A_1983, %gather3A_1980 : vector<16xf32>
        %add3A_1985 = arith.addf %add3A_1933, %mul3A_1984 : vector<16xf32>
        %mul3A_1986 = arith.mulf %mul3A_1984, %mul3A_1984 : vector<16xf32>
        %add3A_1987 = arith.addf %add3A_1935, %mul3A_1986 : vector<16xf32>
        %add3A_1988 = arith.constant 2432 : i32
        %add3A_1989 = arith.addi %add3A_1988, %mul3A_986 : i32
        %add3A_1990 = arith.constant 0 : i32
        %add3A_1991 = arith.addi %add3A_1989, %add3A_1990 : i32
        %broadcast_in_dim3A_1992 = vector.broadcast %add3A_1991 : i32 to vector<16xi32>
        %gather3A_1993 = tpu.vector_load_idx %arg9[%broadcast_in_dim3A_1992] : memref<3328xf32, #tpu.memory_space<vmem>>[vector<16xi32>], vector<16xf32>,
        %get3A_1994 = arith.index_cast %add3A_1991 : i32 to index
        %get3A_1995 = arith.constant 0 : index
        %get3A_1996 = tpu.vector_load %arg10[%get3A_1994, %get3A_1995] {strides = array<i32>} : memref<3328x16xf32, #tpu.memory_space<vmem>>, vector<16xf32>,
        %mul3A_1997 = arith.mulf %get3A_1996, %gather3A_1993 : vector<16xf32>
        %add3A_1998 = arith.addf %add3A_1946, %mul3A_1997 : vector<16xf32>
        %mul3A_1999 = arith.mulf %mul3A_1997, %mul3A_1997 : vector<16xf32>
        %add3A_2000 = arith.addf %add3A_1948, %mul3A_1999 : vector<16xf32>
        %add3A_2001 = arith.constant 2432 : i32
        %add3A_2002 = arith.addi %add3A_2001, %mul3A_986 : i32
        %add3A_2003 = arith.constant 1 : i32
        %add3A_2004 = arith.addi %add3A_2002, %add3A_2003 : i32
        %broadcast_in_dim3A_2005 = vector.broadcast %add3A_2004 : i32 to vector<16xi32>
        %gather3A_2006 = tpu.vector_load_idx %arg9[%broadcast_in_dim3A_2005] : memref<3328xf32, #tpu.memory_space<vmem>>[vector<16xi32>], vector<16xf32>,
        %get3A_2007 = arith.index_cast %add3A_2004 : i32 to index
        %get3A_2008 = arith.constant 0 : index
        %get3A_2009 = tpu.vector_load %arg10[%get3A_2007, %get3A_2008] {strides = array<i32>} : memref<3328x16xf32, #tpu.memory_space<vmem>>, vector<16xf32>,
        %mul3A_2010 = arith.mulf %get3A_2009, %gather3A_2006 : vector<16xf32>
        %add3A_2011 = arith.addf %add3A_1959, %mul3A_2010 : vector<16xf32>
        %mul3A_2012 = arith.mulf %mul3A_2010, %mul3A_2010 : vector<16xf32>
        %add3A_2013 = arith.addf %add3A_1961, %mul3A_2012 : vector<16xf32>
        %add3A_2014 = arith.constant 2432 : i32
        %add3A_2015 = arith.addi %add3A_2014, %mul3A_986 : i32
        %add3A_2016 = arith.constant 2 : i32
        %add3A_2017 = arith.addi %add3A_2015, %add3A_2016 : i32
        %broadcast_in_dim3A_2018 = vector.broadcast %add3A_2017 : i32 to vector<16xi32>
        %gather3A_2019 = tpu.vector_load_idx %arg9[%broadcast_in_dim3A_2018] : memref<3328xf32, #tpu.memory_space<vmem>>[vector<16xi32>], vector<16xf32>,
        %get3A_2020 = arith.index_cast %add3A_2017 : i32 to index
        %get3A_2021 = arith.constant 0 : index
        %get3A_2022 = tpu.vector_load %arg10[%get3A_2020, %get3A_2021] {strides = array<i32>} : memref<3328x16xf32, #tpu.memory_space<vmem>>, vector<16xf32>,
        %mul3A_2023 = arith.mulf %get3A_2022, %gather3A_2019 : vector<16xf32>
        %add3A_2024 = arith.addf %add3A_1972, %mul3A_2023 : vector<16xf32>
        %mul3A_2025 = arith.mulf %mul3A_2023, %mul3A_2023 : vector<16xf32>
        %add3A_2026 = arith.addf %add3A_1974, %mul3A_2025 : vector<16xf32>
        %add3A_2027 = arith.constant 2432 : i32
        %add3A_2028 = arith.addi %add3A_2027, %mul3A_986 : i32
        %add3A_2029 = arith.constant 3 : i32
        %add3A_2030 = arith.addi %add3A_2028, %add3A_2029 : i32
        %broadcast_in_dim3A_2031 = vector.broadcast %add3A_2030 : i32 to vector<16xi32>
        %gather3A_2032 = tpu.vector_load_idx %arg9[%broadcast_in_dim3A_2031] : memref<3328xf32, #tpu.memory_space<vmem>>[vector<16xi32>], vector<16xf32>,
        %get3A_2033 = arith.index_cast %add3A_2030 : i32 to index
        %get3A_2034 = arith.constant 0 : index
        %get3A_2035 = tpu.vector_load %arg10[%get3A_2033, %get3A_2034] {strides = array<i32>} : memref<3328x16xf32, #tpu.memory_space<vmem>>, vector<16xf32>,
        %mul3A_2036 = arith.mulf %get3A_2035, %gather3A_2032 : vector<16xf32>
        %add3A_2037 = arith.addf %add3A_1985, %mul3A_2036 : vector<16xf32>
        %mul3A_2038 = arith.mulf %mul3A_2036, %mul3A_2036 : vector<16xf32>
        %add3A_2039 = arith.addf %add3A_1987, %mul3A_2038 : vector<16xf32>
        %add3A_2040 = arith.constant 2560 : i32
        %add3A_2041 = arith.addi %add3A_2040, %mul3A_986 : i32
        %add3A_2042 = arith.constant 0 : i32
        %add3A_2043 = arith.addi %add3A_2041, %add3A_2042 : i32
        %broadcast_in_dim3A_2044 = vector.broadcast %add3A_2043 : i32 to vector<16xi32>
        %gather3A_2045 = tpu.vector_load_idx %arg9[%broadcast_in_dim3A_2044] : memref<3328xf32, #tpu.memory_space<vmem>>[vector<16xi32>], vector<16xf32>,
        %get3A_2046 = arith.index_cast %add3A_2043 : i32 to index
        %get3A_2047 = arith.constant 0 : index
        %get3A_2048 = tpu.vector_load %arg10[%get3A_2046, %get3A_2047] {strides = array<i32>} : memref<3328x16xf32, #tpu.memory_space<vmem>>, vector<16xf32>,
        %mul3A_2049 = arith.mulf %get3A_2048, %gather3A_2045 : vector<16xf32>
        %add3A_2050 = arith.addf %add3A_1998, %mul3A_2049 : vector<16xf32>
        %mul3A_2051 = arith.mulf %mul3A_2049, %mul3A_2049 : vector<16xf32>
        %add3A_2052 = arith.addf %add3A_2000, %mul3A_2051 : vector<16xf32>
        %add3A_2053 = arith.constant 2560 : i32
        %add3A_2054 = arith.addi %add3A_2053, %mul3A_986 : i32
        %add3A_2055 = arith.constant 1 : i32
        %add3A_2056 = arith.addi %add3A_2054, %add3A_2055 : i32
        %broadcast_in_dim3A_2057 = vector.broadcast %add3A_2056 : i32 to vector<16xi32>
        %gather3A_2058 = tpu.vector_load_idx %arg9[%broadcast_in_dim3A_2057] : memref<3328xf32, #tpu.memory_space<vmem>>[vector<16xi32>], vector<16xf32>,
        %get3A_2059 = arith.index_cast %add3A_2056 : i32 to index
        %get3A_2060 = arith.constant 0 : index
        %get3A_2061 = tpu.vector_load %arg10[%get3A_2059, %get3A_2060] {strides = array<i32>} : memref<3328x16xf32, #tpu.memory_space<vmem>>, vector<16xf32>,
        %mul3A_2062 = arith.mulf %get3A_2061, %gather3A_2058 : vector<16xf32>
        %add3A_2063 = arith.addf %add3A_2011, %mul3A_2062 : vector<16xf32>
        %mul3A_2064 = arith.mulf %mul3A_2062, %mul3A_2062 : vector<16xf32>
        %add3A_2065 = arith.addf %add3A_2013, %mul3A_2064 : vector<16xf32>
        %add3A_2066 = arith.constant 2560 : i32
        %add3A_2067 = arith.addi %add3A_2066, %mul3A_986 : i32
        %add3A_2068 = arith.constant 2 : i32
        %add3A_2069 = arith.addi %add3A_2067, %add3A_2068 : i32
        %broadcast_in_dim3A_2070 = vector.broadcast %add3A_2069 : i32 to vector<16xi32>
        %gather3A_2071 = tpu.vector_load_idx %arg9[%broadcast_in_dim3A_2070] : memref<3328xf32, #tpu.memory_space<vmem>>[vector<16xi32>], vector<16xf32>,
        %get3A_2072 = arith.index_cast %add3A_2069 : i32 to index
        %get3A_2073 = arith.constant 0 : index
        %get3A_2074 = tpu.vector_load %arg10[%get3A_2072, %get3A_2073] {strides = array<i32>} : memref<3328x16xf32, #tpu.memory_space<vmem>>, vector<16xf32>,
        %mul3A_2075 = arith.mulf %get3A_2074, %gather3A_2071 : vector<16xf32>
        %add3A_2076 = arith.addf %add3A_2024, %mul3A_2075 : vector<16xf32>
        %mul3A_2077 = arith.mulf %mul3A_2075, %mul3A_2075 : vector<16xf32>
        %add3A_2078 = arith.addf %add3A_2026, %mul3A_2077 : vector<16xf32>
        %add3A_2079 = arith.constant 2560 : i32
        %add3A_2080 = arith.addi %add3A_2079, %mul3A_986 : i32
        %add3A_2081 = arith.constant 3 : i32
        %add3A_2082 = arith.addi %add3A_2080, %add3A_2081 : i32
        %broadcast_in_dim3A_2083 = vector.broadcast %add3A_2082 : i32 to vector<16xi32>
        %gather3A_2084 = tpu.vector_load_idx %arg9[%broadcast_in_dim3A_2083] : memref<3328xf32, #tpu.memory_space<vmem>>[vector<16xi32>], vector<16xf32>,
        %get3A_2085 = arith.index_cast %add3A_2082 : i32 to index
        %get3A_2086 = arith.constant 0 : index
        %get3A_2087 = tpu.vector_load %arg10[%get3A_2085, %get3A_2086] {strides = array<i32>} : memref<3328x16xf32, #tpu.memory_space<vmem>>, vector<16xf32>,
        %mul3A_2088 = arith.mulf %get3A_2087, %gather3A_2084 : vector<16xf32>
        %add3A_2089 = arith.addf %add3A_2037, %mul3A_2088 : vector<16xf32>
        %mul3A_2090 = arith.mulf %mul3A_2088, %mul3A_2088 : vector<16xf32>
        %add3A_2091 = arith.addf %add3A_2039, %mul3A_2090 : vector<16xf32>
        %add3A_2092 = arith.constant 2688 : i32
        %add3A_2093 = arith.addi %add3A_2092, %mul3A_986 : i32
        %add3A_2094 = arith.constant 0 : i32
        %add3A_2095 = arith.addi %add3A_2093, %add3A_2094 : i32
        %broadcast_in_dim3A_2096 = vector.broadcast %add3A_2095 : i32 to vector<16xi32>
        %gather3A_2097 = tpu.vector_load_idx %arg9[%broadcast_in_dim3A_2096] : memref<3328xf32, #tpu.memory_space<vmem>>[vector<16xi32>], vector<16xf32>,
        %get3A_2098 = arith.index_cast %add3A_2095 : i32 to index
        %get3A_2099 = arith.constant 0 : index
        %get3A_2100 = tpu.vector_load %arg10[%get3A_2098, %get3A_2099] {strides = array<i32>} : memref<3328x16xf32, #tpu.memory_space<vmem>>, vector<16xf32>,
        %mul3A_2101 = arith.mulf %get3A_2100, %gather3A_2097 : vector<16xf32>
        %add3A_2102 = arith.addf %add3A_2050, %mul3A_2101 : vector<16xf32>
        %mul3A_2103 = arith.mulf %mul3A_2101, %mul3A_2101 : vector<16xf32>
        %add3A_2104 = arith.addf %add3A_2052, %mul3A_2103 : vector<16xf32>
        %add3A_2105 = arith.constant 2688 : i32
        %add3A_2106 = arith.addi %add3A_2105, %mul3A_986 : i32
        %add3A_2107 = arith.constant 1 : i32
        %add3A_2108 = arith.addi %add3A_2106, %add3A_2107 : i32
        %broadcast_in_dim3A_2109 = vector.broadcast %add3A_2108 : i32 to vector<16xi32>
        %gather3A_2110 = tpu.vector_load_idx %arg9[%broadcast_in_dim3A_2109] : memref<3328xf32, #tpu.memory_space<vmem>>[vector<16xi32>], vector<16xf32>,
        %get3A_2111 = arith.index_cast %add3A_2108 : i32 to index
        %get3A_2112 = arith.constant 0 : index
        %get3A_2113 = tpu.vector_load %arg10[%get3A_2111, %get3A_2112] {strides = array<i32>} : memref<3328x16xf32, #tpu.memory_space<vmem>>, vector<16xf32>,
        %mul3A_2114 = arith.mulf %get3A_2113, %gather3A_2110 : vector<16xf32>
        %add3A_2115 = arith.addf %add3A_2063, %mul3A_2114 : vector<16xf32>
        %mul3A_2116 = arith.mulf %mul3A_2114, %mul3A_2114 : vector<16xf32>
        %add3A_2117 = arith.addf %add3A_2065, %mul3A_2116 : vector<16xf32>
        %add3A_2118 = arith.constant 2688 : i32
        %add3A_2119 = arith.addi %add3A_2118, %mul3A_986 : i32
        %add3A_2120 = arith.constant 2 : i32
        %add3A_2121 = arith.addi %add3A_2119, %add3A_2120 : i32
        %broadcast_in_dim3A_2122 = vector.broadcast %add3A_2121 : i32 to vector<16xi32>
        %gather3A_2123 = tpu.vector_load_idx %arg9[%broadcast_in_dim3A_2122] : memref<3328xf32, #tpu.memory_space<vmem>>[vector<16xi32>], vector<16xf32>,
        %get3A_2124 = arith.index_cast %add3A_2121 : i32 to index
        %get3A_2125 = arith.constant 0 : index
        %get3A_2126 = tpu.vector_load %arg10[%get3A_2124, %get3A_2125] {strides = array<i32>} : memref<3328x16xf32, #tpu.memory_space<vmem>>, vector<16xf32>,
        %mul3A_2127 = arith.mulf %get3A_2126, %gather3A_2123 : vector<16xf32>
        %add3A_2128 = arith.addf %add3A_2076, %mul3A_2127 : vector<16xf32>
        %mul3A_2129 = arith.mulf %mul3A_2127, %mul3A_2127 : vector<16xf32>
        %add3A_2130 = arith.addf %add3A_2078, %mul3A_2129 : vector<16xf32>
        %add3A_2131 = arith.constant 2688 : i32
        %add3A_2132 = arith.addi %add3A_2131, %mul3A_986 : i32
        %add3A_2133 = arith.constant 3 : i32
        %add3A_2134 = arith.addi %add3A_2132, %add3A_2133 : i32
        %broadcast_in_dim3A_2135 = vector.broadcast %add3A_2134 : i32 to vector<16xi32>
        %gather3A_2136 = tpu.vector_load_idx %arg9[%broadcast_in_dim3A_2135] : memref<3328xf32, #tpu.memory_space<vmem>>[vector<16xi32>], vector<16xf32>,
        %get3A_2137 = arith.index_cast %add3A_2134 : i32 to index
        %get3A_2138 = arith.constant 0 : index
        %get3A_2139 = tpu.vector_load %arg10[%get3A_2137, %get3A_2138] {strides = array<i32>} : memref<3328x16xf32, #tpu.memory_space<vmem>>, vector<16xf32>,
        %mul3A_2140 = arith.mulf %get3A_2139, %gather3A_2136 : vector<16xf32>
        %add3A_2141 = arith.addf %add3A_2089, %mul3A_2140 : vector<16xf32>
        %mul3A_2142 = arith.mulf %mul3A_2140, %mul3A_2140 : vector<16xf32>
        %add3A_2143 = arith.addf %add3A_2091, %mul3A_2142 : vector<16xf32>
        %add3A_2144 = arith.constant 2816 : i32
        %add3A_2145 = arith.addi %add3A_2144, %mul3A_986 : i32
        %add3A_2146 = arith.constant 0 : i32
        %add3A_2147 = arith.addi %add3A_2145, %add3A_2146 : i32
        %broadcast_in_dim3A_2148 = vector.broadcast %add3A_2147 : i32 to vector<16xi32>
        %gather3A_2149 = tpu.vector_load_idx %arg9[%broadcast_in_dim3A_2148] : memref<3328xf32, #tpu.memory_space<vmem>>[vector<16xi32>], vector<16xf32>,
        %get3A_2150 = arith.index_cast %add3A_2147 : i32 to index
        %get3A_2151 = arith.constant 0 : index
        %get3A_2152 = tpu.vector_load %arg10[%get3A_2150, %get3A_2151] {strides = array<i32>} : memref<3328x16xf32, #tpu.memory_space<vmem>>, vector<16xf32>,
        %mul3A_2153 = arith.mulf %get3A_2152, %gather3A_2149 : vector<16xf32>
        %add3A_2154 = arith.addf %add3A_2102, %mul3A_2153 : vector<16xf32>
        %mul3A_2155 = arith.mulf %mul3A_2153, %mul3A_2153 : vector<16xf32>
        %add3A_2156 = arith.addf %add3A_2104, %mul3A_2155 : vector<16xf32>
        %add3A_2157 = arith.constant 2816 : i32
        %add3A_2158 = arith.addi %add3A_2157, %mul3A_986 : i32
        %add3A_2159 = arith.constant 1 : i32
        %add3A_2160 = arith.addi %add3A_2158, %add3A_2159 : i32
        %broadcast_in_dim3A_2161 = vector.broadcast %add3A_2160 : i32 to vector<16xi32>
        %gather3A_2162 = tpu.vector_load_idx %arg9[%broadcast_in_dim3A_2161] : memref<3328xf32, #tpu.memory_space<vmem>>[vector<16xi32>], vector<16xf32>,
        %get3A_2163 = arith.index_cast %add3A_2160 : i32 to index
        %get3A_2164 = arith.constant 0 : index
        %get3A_2165 = tpu.vector_load %arg10[%get3A_2163, %get3A_2164] {strides = array<i32>} : memref<3328x16xf32, #tpu.memory_space<vmem>>, vector<16xf32>,
        %mul3A_2166 = arith.mulf %get3A_2165, %gather3A_2162 : vector<16xf32>
        %add3A_2167 = arith.addf %add3A_2115, %mul3A_2166 : vector<16xf32>
        %mul3A_2168 = arith.mulf %mul3A_2166, %mul3A_2166 : vector<16xf32>
        %add3A_2169 = arith.addf %add3A_2117, %mul3A_2168 : vector<16xf32>
        %add3A_2170 = arith.constant 2816 : i32
        %add3A_2171 = arith.addi %add3A_2170, %mul3A_986 : i32
        %add3A_2172 = arith.constant 2 : i32
        %add3A_2173 = arith.addi %add3A_2171, %add3A_2172 : i32
        %broadcast_in_dim3A_2174 = vector.broadcast %add3A_2173 : i32 to vector<16xi32>
        %gather3A_2175 = tpu.vector_load_idx %arg9[%broadcast_in_dim3A_2174] : memref<3328xf32, #tpu.memory_space<vmem>>[vector<16xi32>], vector<16xf32>,
        %get3A_2176 = arith.index_cast %add3A_2173 : i32 to index
        %get3A_2177 = arith.constant 0 : index
        %get3A_2178 = tpu.vector_load %arg10[%get3A_2176, %get3A_2177] {strides = array<i32>} : memref<3328x16xf32, #tpu.memory_space<vmem>>, vector<16xf32>,
        %mul3A_2179 = arith.mulf %get3A_2178, %gather3A_2175 : vector<16xf32>
        %add3A_2180 = arith.addf %add3A_2128, %mul3A_2179 : vector<16xf32>
        %mul3A_2181 = arith.mulf %mul3A_2179, %mul3A_2179 : vector<16xf32>
        %add3A_2182 = arith.addf %add3A_2130, %mul3A_2181 : vector<16xf32>
        %add3A_2183 = arith.constant 2816 : i32
        %add3A_2184 = arith.addi %add3A_2183, %mul3A_986 : i32
        %add3A_2185 = arith.constant 3 : i32
        %add3A_2186 = arith.addi %add3A_2184, %add3A_2185 : i32
        %broadcast_in_dim3A_2187 = vector.broadcast %add3A_2186 : i32 to vector<16xi32>
        %gather3A_2188 = tpu.vector_load_idx %arg9[%broadcast_in_dim3A_2187] : memref<3328xf32, #tpu.memory_space<vmem>>[vector<16xi32>], vector<16xf32>,
        %get3A_2189 = arith.index_cast %add3A_2186 : i32 to index
        %get3A_2190 = arith.constant 0 : index
        %get3A_2191 = tpu.vector_load %arg10[%get3A_2189, %get3A_2190] {strides = array<i32>} : memref<3328x16xf32, #tpu.memory_space<vmem>>, vector<16xf32>,
        %mul3A_2192 = arith.mulf %get3A_2191, %gather3A_2188 : vector<16xf32>
        %add3A_2193 = arith.addf %add3A_2141, %mul3A_2192 : vector<16xf32>
        %mul3A_2194 = arith.mulf %mul3A_2192, %mul3A_2192 : vector<16xf32>
        %add3A_2195 = arith.addf %add3A_2143, %mul3A_2194 : vector<16xf32>
        %add3A_2196 = arith.constant 2944 : i32
        %add3A_2197 = arith.addi %add3A_2196, %mul3A_986 : i32
        %add3A_2198 = arith.constant 0 : i32
        %add3A_2199 = arith.addi %add3A_2197, %add3A_2198 : i32
        %broadcast_in_dim3A_2200 = vector.broadcast %add3A_2199 : i32 to vector<16xi32>
        %gather3A_2201 = tpu.vector_load_idx %arg9[%broadcast_in_dim3A_2200] : memref<3328xf32, #tpu.memory_space<vmem>>[vector<16xi32>], vector<16xf32>,
        %get3A_2202 = arith.index_cast %add3A_2199 : i32 to index
        %get3A_2203 = arith.constant 0 : index
        %get3A_2204 = tpu.vector_load %arg10[%get3A_2202, %get3A_2203] {strides = array<i32>} : memref<3328x16xf32, #tpu.memory_space<vmem>>, vector<16xf32>,
        %mul3A_2205 = arith.mulf %get3A_2204, %gather3A_2201 : vector<16xf32>
        %add3A_2206 = arith.addf %add3A_2154, %mul3A_2205 : vector<16xf32>
        %mul3A_2207 = arith.mulf %mul3A_2205, %mul3A_2205 : vector<16xf32>
        %add3A_2208 = arith.addf %add3A_2156, %mul3A_2207 : vector<16xf32>
        %add3A_2209 = arith.constant 2944 : i32
        %add3A_2210 = arith.addi %add3A_2209, %mul3A_986 : i32
        %add3A_2211 = arith.constant 1 : i32
        %add3A_2212 = arith.addi %add3A_2210, %add3A_2211 : i32
        %broadcast_in_dim3A_2213 = vector.broadcast %add3A_2212 : i32 to vector<16xi32>
        %gather3A_2214 = tpu.vector_load_idx %arg9[%broadcast_in_dim3A_2213] : memref<3328xf32, #tpu.memory_space<vmem>>[vector<16xi32>], vector<16xf32>,
        %get3A_2215 = arith.index_cast %add3A_2212 : i32 to index
        %get3A_2216 = arith.constant 0 : index
        %get3A_2217 = tpu.vector_load %arg10[%get3A_2215, %get3A_2216] {strides = array<i32>} : memref<3328x16xf32, #tpu.memory_space<vmem>>, vector<16xf32>,
        %mul3A_2218 = arith.mulf %get3A_2217, %gather3A_2214 : vector<16xf32>
        %add3A_2219 = arith.addf %add3A_2167, %mul3A_2218 : vector<16xf32>
        %mul3A_2220 = arith.mulf %mul3A_2218, %mul3A_2218 : vector<16xf32>
        %add3A_2221 = arith.addf %add3A_2169, %mul3A_2220 : vector<16xf32>
        %add3A_2222 = arith.constant 2944 : i32
        %add3A_2223 = arith.addi %add3A_2222, %mul3A_986 : i32
        %add3A_2224 = arith.constant 2 : i32
        %add3A_2225 = arith.addi %add3A_2223, %add3A_2224 : i32
        %broadcast_in_dim3A_2226 = vector.broadcast %add3A_2225 : i32 to vector<16xi32>
        %gather3A_2227 = tpu.vector_load_idx %arg9[%broadcast_in_dim3A_2226] : memref<3328xf32, #tpu.memory_space<vmem>>[vector<16xi32>], vector<16xf32>,
        %get3A_2228 = arith.index_cast %add3A_2225 : i32 to index
        %get3A_2229 = arith.constant 0 : index
        %get3A_2230 = tpu.vector_load %arg10[%get3A_2228, %get3A_2229] {strides = array<i32>} : memref<3328x16xf32, #tpu.memory_space<vmem>>, vector<16xf32>,
        %mul3A_2231 = arith.mulf %get3A_2230, %gather3A_2227 : vector<16xf32>
        %add3A_2232 = arith.addf %add3A_2180, %mul3A_2231 : vector<16xf32>
        %mul3A_2233 = arith.mulf %mul3A_2231, %mul3A_2231 : vector<16xf32>
        %add3A_2234 = arith.addf %add3A_2182, %mul3A_2233 : vector<16xf32>
        %add3A_2235 = arith.constant 2944 : i32
        %add3A_2236 = arith.addi %add3A_2235, %mul3A_986 : i32
        %add3A_2237 = arith.constant 3 : i32
        %add3A_2238 = arith.addi %add3A_2236, %add3A_2237 : i32
        %broadcast_in_dim3A_2239 = vector.broadcast %add3A_2238 : i32 to vector<16xi32>
        %gather3A_2240 = tpu.vector_load_idx %arg9[%broadcast_in_dim3A_2239] : memref<3328xf32, #tpu.memory_space<vmem>>[vector<16xi32>], vector<16xf32>,
        %get3A_2241 = arith.index_cast %add3A_2238 : i32 to index
        %get3A_2242 = arith.constant 0 : index
        %get3A_2243 = tpu.vector_load %arg10[%get3A_2241, %get3A_2242] {strides = array<i32>} : memref<3328x16xf32, #tpu.memory_space<vmem>>, vector<16xf32>,
        %mul3A_2244 = arith.mulf %get3A_2243, %gather3A_2240 : vector<16xf32>
        %add3A_2245 = arith.addf %add3A_2193, %mul3A_2244 : vector<16xf32>
        %mul3A_2246 = arith.mulf %mul3A_2244, %mul3A_2244 : vector<16xf32>
        %add3A_2247 = arith.addf %add3A_2195, %mul3A_2246 : vector<16xf32>
        %add3A_2248 = arith.constant 3072 : i32
        %add3A_2249 = arith.addi %add3A_2248, %mul3A_986 : i32
        %add3A_2250 = arith.constant 0 : i32
        %add3A_2251 = arith.addi %add3A_2249, %add3A_2250 : i32
        %broadcast_in_dim3A_2252 = vector.broadcast %add3A_2251 : i32 to vector<16xi32>
        %gather3A_2253 = tpu.vector_load_idx %arg9[%broadcast_in_dim3A_2252] : memref<3328xf32, #tpu.memory_space<vmem>>[vector<16xi32>], vector<16xf32>,
        %get3A_2254 = arith.index_cast %add3A_2251 : i32 to index
        %get3A_2255 = arith.constant 0 : index
        %get3A_2256 = tpu.vector_load %arg10[%get3A_2254, %get3A_2255] {strides = array<i32>} : memref<3328x16xf32, #tpu.memory_space<vmem>>, vector<16xf32>,
        %mul3A_2257 = arith.mulf %get3A_2256, %gather3A_2253 : vector<16xf32>
        %add3A_2258 = arith.addf %add3A_2206, %mul3A_2257 : vector<16xf32>
        %mul3A_2259 = arith.mulf %mul3A_2257, %mul3A_2257 : vector<16xf32>
        %add3A_2260 = arith.addf %add3A_2208, %mul3A_2259 : vector<16xf32>
        %add3A_2261 = arith.constant 3072 : i32
        %add3A_2262 = arith.addi %add3A_2261, %mul3A_986 : i32
        %add3A_2263 = arith.constant 1 : i32
        %add3A_2264 = arith.addi %add3A_2262, %add3A_2263 : i32
        %broadcast_in_dim3A_2265 = vector.broadcast %add3A_2264 : i32 to vector<16xi32>
        %gather3A_2266 = tpu.vector_load_idx %arg9[%broadcast_in_dim3A_2265] : memref<3328xf32, #tpu.memory_space<vmem>>[vector<16xi32>], vector<16xf32>,
        %get3A_2267 = arith.index_cast %add3A_2264 : i32 to index
        %get3A_2268 = arith.constant 0 : index
        %get3A_2269 = tpu.vector_load %arg10[%get3A_2267, %get3A_2268] {strides = array<i32>} : memref<3328x16xf32, #tpu.memory_space<vmem>>, vector<16xf32>,
        %mul3A_2270 = arith.mulf %get3A_2269, %gather3A_2266 : vector<16xf32>
        %add3A_2271 = arith.addf %add3A_2219, %mul3A_2270 : vector<16xf32>
        %mul3A_2272 = arith.mulf %mul3A_2270, %mul3A_2270 : vector<16xf32>
        %add3A_2273 = arith.addf %add3A_2221, %mul3A_2272 : vector<16xf32>
        %add3A_2274 = arith.constant 3072 : i32
        %add3A_2275 = arith.addi %add3A_2274, %mul3A_986 : i32
        %add3A_2276 = arith.constant 2 : i32
        %add3A_2277 = arith.addi %add3A_2275, %add3A_2276 : i32
        %broadcast_in_dim3A_2278 = vector.broadcast %add3A_2277 : i32 to vector<16xi32>
        %gather3A_2279 = tpu.vector_load_idx %arg9[%broadcast_in_dim3A_2278] : memref<3328xf32, #tpu.memory_space<vmem>>[vector<16xi32>], vector<16xf32>,
        %get3A_2280 = arith.index_cast %add3A_2277 : i32 to index
        %get3A_2281 = arith.constant 0 : index
        %get3A_2282 = tpu.vector_load %arg10[%get3A_2280, %get3A_2281] {strides = array<i32>} : memref<3328x16xf32, #tpu.memory_space<vmem>>, vector<16xf32>,
        %mul3A_2283 = arith.mulf %get3A_2282, %gather3A_2279 : vector<16xf32>
        %add3A_2284 = arith.addf %add3A_2232, %mul3A_2283 : vector<16xf32>
        %mul3A_2285 = arith.mulf %mul3A_2283, %mul3A_2283 : vector<16xf32>
        %add3A_2286 = arith.addf %add3A_2234, %mul3A_2285 : vector<16xf32>
        %add3A_2287 = arith.constant 3072 : i32
        %add3A_2288 = arith.addi %add3A_2287, %mul3A_986 : i32
        %add3A_2289 = arith.constant 3 : i32
        %add3A_2290 = arith.addi %add3A_2288, %add3A_2289 : i32
        %broadcast_in_dim3A_2291 = vector.broadcast %add3A_2290 : i32 to vector<16xi32>
        %gather3A_2292 = tpu.vector_load_idx %arg9[%broadcast_in_dim3A_2291] : memref<3328xf32, #tpu.memory_space<vmem>>[vector<16xi32>], vector<16xf32>,
        %get3A_2293 = arith.index_cast %add3A_2290 : i32 to index
        %get3A_2294 = arith.constant 0 : index
        %get3A_2295 = tpu.vector_load %arg10[%get3A_2293, %get3A_2294] {strides = array<i32>} : memref<3328x16xf32, #tpu.memory_space<vmem>>, vector<16xf32>,
        %mul3A_2296 = arith.mulf %get3A_2295, %gather3A_2292 : vector<16xf32>
        %add3A_2297 = arith.addf %add3A_2245, %mul3A_2296 : vector<16xf32>
        %mul3A_2298 = arith.mulf %mul3A_2296, %mul3A_2296 : vector<16xf32>
        %add3A_2299 = arith.addf %add3A_2247, %mul3A_2298 : vector<16xf32>
        %add3A_2300 = arith.constant 3200 : i32
        %add3A_2301 = arith.addi %add3A_2300, %mul3A_986 : i32
        %add3A_2302 = arith.constant 0 : i32
        %add3A_2303 = arith.addi %add3A_2301, %add3A_2302 : i32
        %broadcast_in_dim3A_2304 = vector.broadcast %add3A_2303 : i32 to vector<16xi32>
        %gather3A_2305 = tpu.vector_load_idx %arg9[%broadcast_in_dim3A_2304] : memref<3328xf32, #tpu.memory_space<vmem>>[vector<16xi32>], vector<16xf32>,
        %get3A_2306 = arith.index_cast %add3A_2303 : i32 to index
        %get3A_2307 = arith.constant 0 : index
        %get3A_2308 = tpu.vector_load %arg10[%get3A_2306, %get3A_2307] {strides = array<i32>} : memref<3328x16xf32, #tpu.memory_space<vmem>>, vector<16xf32>,
        %mul3A_2309 = arith.mulf %get3A_2308, %gather3A_2305 : vector<16xf32>
        %add3A_2310 = arith.addf %add3A_2258, %mul3A_2309 : vector<16xf32>
        %mul3A_2311 = arith.mulf %mul3A_2309, %mul3A_2309 : vector<16xf32>
        %add3A_2312 = arith.addf %add3A_2260, %mul3A_2311 : vector<16xf32>
        %add3A_2313 = arith.constant 3200 : i32
        %add3A_2314 = arith.addi %add3A_2313, %mul3A_986 : i32
        %add3A_2315 = arith.constant 1 : i32
        %add3A_2316 = arith.addi %add3A_2314, %add3A_2315 : i32
        %broadcast_in_dim3A_2317 = vector.broadcast %add3A_2316 : i32 to vector<16xi32>
        %gather3A_2318 = tpu.vector_load_idx %arg9[%broadcast_in_dim3A_2317] : memref<3328xf32, #tpu.memory_space<vmem>>[vector<16xi32>], vector<16xf32>,
        %get3A_2319 = arith.index_cast %add3A_2316 : i32 to index
        %get3A_2320 = arith.constant 0 : index
        %get3A_2321 = tpu.vector_load %arg10[%get3A_2319, %get3A_2320] {strides = array<i32>} : memref<3328x16xf32, #tpu.memory_space<vmem>>, vector<16xf32>,
        %mul3A_2322 = arith.mulf %get3A_2321, %gather3A_2318 : vector<16xf32>
        %add3A_2323 = arith.addf %add3A_2271, %mul3A_2322 : vector<16xf32>
        %mul3A_2324 = arith.mulf %mul3A_2322, %mul3A_2322 : vector<16xf32>
        %add3A_2325 = arith.addf %add3A_2273, %mul3A_2324 : vector<16xf32>
        %add3A_2326 = arith.constant 3200 : i32
        %add3A_2327 = arith.addi %add3A_2326, %mul3A_986 : i32
        %add3A_2328 = arith.constant 2 : i32
        %add3A_2329 = arith.addi %add3A_2327, %add3A_2328 : i32
        %broadcast_in_dim3A_2330 = vector.broadcast %add3A_2329 : i32 to vector<16xi32>
        %gather3A_2331 = tpu.vector_load_idx %arg9[%broadcast_in_dim3A_2330] : memref<3328xf32, #tpu.memory_space<vmem>>[vector<16xi32>], vector<16xf32>,
        %get3A_2332 = arith.index_cast %add3A_2329 : i32 to index
        %get3A_2333 = arith.constant 0 : index
        %get3A_2334 = tpu.vector_load %arg10[%get3A_2332, %get3A_2333] {strides = array<i32>} : memref<3328x16xf32, #tpu.memory_space<vmem>>, vector<16xf32>,
        %mul3A_2335 = arith.mulf %get3A_2334, %gather3A_2331 : vector<16xf32>
        %add3A_2336 = arith.addf %add3A_2284, %mul3A_2335 : vector<16xf32>
        %mul3A_2337 = arith.mulf %mul3A_2335, %mul3A_2335 : vector<16xf32>
        %add3A_2338 = arith.addf %add3A_2286, %mul3A_2337 : vector<16xf32>
        %add3A_2339 = arith.constant 3200 : i32
        %add3A_2340 = arith.addi %add3A_2339, %mul3A_986 : i32
        %add3A_2341 = arith.constant 3 : i32
        %add3A_2342 = arith.addi %add3A_2340, %add3A_2341 : i32
        %broadcast_in_dim3A_2343 = vector.broadcast %add3A_2342 : i32 to vector<16xi32>
        %gather3A_2344 = tpu.vector_load_idx %arg9[%broadcast_in_dim3A_2343] : memref<3328xf32, #tpu.memory_space<vmem>>[vector<16xi32>], vector<16xf32>,
        %get3A_2345 = arith.index_cast %add3A_2342 : i32 to index
        %get3A_2346 = arith.constant 0 : index
        %get3A_2347 = tpu.vector_load %arg10[%get3A_2345, %get3A_2346] {strides = array<i32>} : memref<3328x16xf32, #tpu.memory_space<vmem>>, vector<16xf32>,
        %mul3A_2348 = arith.mulf %get3A_2347, %gather3A_2344 : vector<16xf32>
        %add3A_2349 = arith.addf %add3A_2297, %mul3A_2348 : vector<16xf32>
        %mul3A_2350 = arith.mulf %mul3A_2348, %mul3A_2348 : vector<16xf32>
        %add3A_2351 = arith.addf %add3A_2299, %mul3A_2350 : vector<16xf32>
        %mul3A_2352 = arith.mulf %add3A_2310, %add3A_2310 : vector<16xf32>
        %sub3A = arith.subf %mul3A_2352, %add3A_2312 : vector<16xf32>
        %mul3A_2353 = arith.constant 5.000000e-01 : f32
        %mul3A_2354 = vector.broadcast %mul3A_2353 : f32 to vector<16xf32>
        %mul3A_2355 = arith.mulf %mul3A_2354, %sub3A : vector<16xf32>
        %add3A_2356 = arith.constant 0 : i32
        %add3A_2357 = arith.addi %mul3A_986, %add3A_2356 : i32
        %broadcast_in_dim3A_2358 = vector.broadcast %add3A_2357 : i32 to vector<16xi32>
        tpu.vector_store_idx %arg12[%add3A_3, %broadcast_in_dim3A_2358], %mul3A_2355 : memref<42x128xf32, #tpu.memory_space<vmem>>[vector<16xi32>, vector<16xi32>], vector<16xf32>,
        %mul3A_2359 = arith.mulf %add3A_2323, %add3A_2323 : vector<16xf32>
        %sub3A_2360 = arith.subf %mul3A_2359, %add3A_2325 : vector<16xf32>
        %mul3A_2361 = arith.constant 5.000000e-01 : f32
        %mul3A_2362 = vector.broadcast %mul3A_2361 : f32 to vector<16xf32>
        %mul3A_2363 = arith.mulf %mul3A_2362, %sub3A_2360 : vector<16xf32>
        %add3A_2364 = arith.constant 1 : i32
        %add3A_2365 = arith.addi %mul3A_986, %add3A_2364 : i32
        %broadcast_in_dim3A_2366 = vector.broadcast %add3A_2365 : i32 to vector<16xi32>
        tpu.vector_store_idx %arg12[%add3A_3, %broadcast_in_dim3A_2366], %mul3A_2363 : memref<42x128xf32, #tpu.memory_space<vmem>>[vector<16xi32>, vector<16xi32>], vector<16xf32>,
        %mul3A_2367 = arith.mulf %add3A_2336, %add3A_2336 : vector<16xf32>
        %sub3A_2368 = arith.subf %mul3A_2367, %add3A_2338 : vector<16xf32>
        %mul3A_2369 = arith.constant 5.000000e-01 : f32
        %mul3A_2370 = vector.broadcast %mul3A_2369 : f32 to vector<16xf32>
        %mul3A_2371 = arith.mulf %mul3A_2370, %sub3A_2368 : vector<16xf32>
        %add3A_2372 = arith.constant 2 : i32
        %add3A_2373 = arith.addi %mul3A_986, %add3A_2372 : i32
        %broadcast_in_dim3A_2374 = vector.broadcast %add3A_2373 : i32 to vector<16xi32>
        tpu.vector_store_idx %arg12[%add3A_3, %broadcast_in_dim3A_2374], %mul3A_2371 : memref<42x128xf32, #tpu.memory_space<vmem>>[vector<16xi32>, vector<16xi32>], vector<16xf32>,
        %mul3A_2375 = arith.mulf %add3A_2349, %add3A_2349 : vector<16xf32>
        %sub3A_2376 = arith.subf %mul3A_2375, %add3A_2351 : vector<16xf32>
        %mul3A_2377 = arith.constant 5.000000e-01 : f32
        %mul3A_2378 = vector.broadcast %mul3A_2377 : f32 to vector<16xf32>
        %mul3A_2379 = arith.mulf %mul3A_2378, %sub3A_2376 : vector<16xf32>
        %add3A_2380 = arith.constant 3 : i32
        %add3A_2381 = arith.addi %mul3A_986, %add3A_2380 : i32
        %broadcast_in_dim3A_2382 = vector.broadcast %add3A_2381 : i32 to vector<16xi32>
        tpu.vector_store_idx %arg12[%add3A_3, %broadcast_in_dim3A_2382], %mul3A_2379 : memref<42x128xf32, #tpu.memory_space<vmem>>[vector<16xi32>, vector<16xi32>], vector<16xf32>,
        %scan3A_2383 = arith.constant 0 : i32
        scf.yield %scan3A_2383 : i32
      }
      %scan3A_981 = arith.constant 32 : i32
      "tpu.region"() ({
        %run_scoped3A = tpu.sem_alloc : memref<!tpu.dma_semaphore, #tpu.memory_space<semaphore_mem>>
        %dma_start3A_983 = arith.constant 0 : i32
        %dma_start3A_984 = tpu.memref_slice %arg6[%dma_start3A_983, %add3A_16] : memref<42x16384xf32, #tpu.memory_space<hbm>> -> memref<42x128xf32, #tpu.memory_space<hbm>>
        %dma_start3A_985 = arith.constant 0 : i32
        %dma_start3A_986 = tpu.memref_slice %arg6[%dma_start3A_985, %add3A_16] : memref<42x16384xf32, #tpu.memory_space<hbm>> -> memref<42x128xf32, #tpu.memory_space<hbm>>
        tpu.enqueue_dma source(%arg12 : memref<42x128xf32, #tpu.memory_space<vmem>>) target(%dma_start3A_986 : memref<42x128xf32, #tpu.memory_space<hbm>>) target_semaphore(%run_scoped3A : memref<!tpu.dma_semaphore, #tpu.memory_space<semaphore_mem>>)
        %dma_wait3A_987 = arith.constant 0 : i32
        %dma_wait3A_988 = tpu.memref_slice %arg6[%dma_wait3A_987, %add3A_16] : memref<42x16384xf32, #tpu.memory_space<hbm>> -> memref<42x128xf32, #tpu.memory_space<hbm>>
        %dma_wait3A_989 = arith.constant 0 : i32
        %dma_wait3A_990 = tpu.memref_slice %arg6[%dma_wait3A_989, %add3A_16] : memref<42x16384xf32, #tpu.memory_space<hbm>> -> memref<42x128xf32, #tpu.memory_space<hbm>>
        tpu.wait_dma2 semaphore(%run_scoped3A : memref<!tpu.dma_semaphore, #tpu.memory_space<semaphore_mem>>) src(%arg12 : memref<42x128xf32, #tpu.memory_space<vmem>>) dst(%dma_wait3A_990 : memref<42x128xf32, #tpu.memory_space<hbm>>)
        tpu.yield
      }) : () -> ()
      %scan3A_982 = arith.constant 0 : i32
      scf.yield %scan3A_982 : i32
    }
    %scan3A_9 = arith.constant 4 : i32
    return
  }
}

module attributes {stable_mosaic.version = 14 : i64} {
  func.func @_tp_body(%arg0: i32, %arg1: memref<16x16384xf32, #tpu.memory_space<vmem>>, %arg2: memref<2048x128xf32, #tpu.memory_space<vmem>>) attributes {dimension_semantics = [#tpu.dimension_semantics<arbitrary>], iteration_bounds = array<i64: 62>, scalar_prefetch = 0 : i64, scratch_operands = 0 : i64, tpu.core_type = #tpu.core_type<tc>, window_params = [{transform_indices = @transform_0, window_bounds = array<i64: 16, 16384>}, {transform_indices = @transform_1, window_bounds = array<i64: 2048, 128>}]} {
    %get3A = arith.constant 0 : index
    %get3A_0 = arith.constant 0 : index
    %get3A_1 = vector.load %arg1[%get3A, %get3A_0] : memref<16x16384xf32, #tpu.memory_space<vmem>>, vector<16x16384xf32>
    %transpose3A = tpu.transpose %get3A_1, [1, 0] : vector<16x16384xf32> -> vector<16384x16xf32>
    %slice3A = vector.extract_strided_slice %transpose3A {offsets = [0, 0], sizes = [2048, 16], strides = [1, 1]} : vector<16384x16xf32> to vector<2048x16xf32>
    %slice3A_2 = vector.extract_strided_slice %transpose3A {offsets = [2048, 0], sizes = [2048, 16], strides = [1, 1]} : vector<16384x16xf32> to vector<2048x16xf32>
    %slice3A_3 = vector.extract_strided_slice %transpose3A {offsets = [4096, 0], sizes = [2048, 16], strides = [1, 1]} : vector<16384x16xf32> to vector<2048x16xf32>
    %slice3A_4 = vector.extract_strided_slice %transpose3A {offsets = [6144, 0], sizes = [2048, 16], strides = [1, 1]} : vector<16384x16xf32> to vector<2048x16xf32>
    %slice3A_5 = vector.extract_strided_slice %transpose3A {offsets = [8192, 0], sizes = [2048, 16], strides = [1, 1]} : vector<16384x16xf32> to vector<2048x16xf32>
    %slice3A_6 = vector.extract_strided_slice %transpose3A {offsets = [10240, 0], sizes = [2048, 16], strides = [1, 1]} : vector<16384x16xf32> to vector<2048x16xf32>
    %slice3A_7 = vector.extract_strided_slice %transpose3A {offsets = [12288, 0], sizes = [2048, 16], strides = [1, 1]} : vector<16384x16xf32> to vector<2048x16xf32>
    %slice3A_8 = vector.extract_strided_slice %transpose3A {offsets = [14336, 0], sizes = [2048, 16], strides = [1, 1]} : vector<16384x16xf32> to vector<2048x16xf32>
    %concatenate3A = tpu.concatenate %slice3A, %slice3A_2, %slice3A_3, %slice3A_4, %slice3A_5, %slice3A_6, %slice3A_7, %slice3A_8 in 1 : vector<2048x16xf32>, vector<2048x16xf32>, vector<2048x16xf32>, vector<2048x16xf32>, vector<2048x16xf32>, vector<2048x16xf32>, vector<2048x16xf32>, vector<2048x16xf32> -> vector<2048x128xf32>
    %swap3A = arith.constant 0 : index
    %swap3A_9 = arith.constant 0 : index
    %swap3A_10 = vector.load %arg2[%swap3A, %swap3A_9] : memref<2048x128xf32, #tpu.memory_space<vmem>>, vector<2048x128xf32>
    tpu.vector_store %arg2[%swap3A, %swap3A_9], %concatenate3A {strides = array<i32>} : memref<2048x128xf32, #tpu.memory_space<vmem>>, vector<2048x128xf32>,
    return
  }
  func.func @transform_0(%arg0: i32) -> (i32, i32) {
    %c0_i32 = arith.constant 0 : i32
    %c0_i32_0 = arith.constant 0 : i32
    return %c0_i32, %arg0 : i32, i32
  }
  func.func @transform_1(%arg0: i32) -> (i32, i32) {
    %c0_i32 = arith.constant 0 : i32
    %c0_i32_0 = arith.constant 0 : i32
    return %arg0, %c0_i32 : i32, i32
  }
}

</mosaic_0001>

<sc_bundles>
// kernel: kernel.4.cloned.1.call-start
scs
__scs_entry_jumppad:
0x0: {  	(pc) =	sbr.rel $0x88, $3  }
0x1: {  	(tag) =	ssettag $0x0;
	lr =	simm.s32 $0x1  }
0x2: {  	[smem:$0x3F9D] =	sst lr;
	_ =	strace $0xD0000000  }
0x3: {  	_ = 	snop  }
0x4: {  	_ = 	snop  }
0x5: {  	_ = 	snop  }
0x6: {  	_ = 	snop  }
0x7: {  	_ = 	snop  }
__scs_overlays_trampoline_lowered:
0x8: {  	[smem:$0x3FAC] =	sst s0  }
0x9: {  	[smem:$0x3FAD] =	sst s1  }
0xa: {  	[smem:$0x3FAE] =	sst s2  }
0xb: {  	[smem:$0x3FAF] =	sst s3  }
0xc: {  	[smem:$0x3FB0] =	sst s4  }
0xd: {  	[smem:$0x3FB1] =	sst s5  }
0xe: {  	[smem:$0x3FB2] =	sst s6  }
0xf: {  	[smem:$0x3FB3] =	sst s7  }
0x10: {  	[smem:$0x3FB4] =	sst s8  }
0x11: {  	[smem:$0x3FB5] =	sst s9;
	s0 =	simm.s32 @!p0 $0x0  }
0x12: {  	s1 =	sld [smem:$0x3F9B];
	s0 =	simm.s32 @p0 $0x1  }
0x13: {  	[smem:$0x3FB6] =	sst s0;
	s0 =	simm.s32 @!p1 $0x0  }
0x14: {  	s2 =	sld [smem:$0x3F9A];
	s0 =	simm.s32 @p1 $0x1  }
0x15: {  	[smem:$0x3FB7] =	sst s0;
	s0 =	simm.s32 @!p2 $0x0  }
0x16: {  	s3 =	sld [smem:$0x3FDB];
	s0 =	simm.s32 @p2 $0x1  }
0x17: {  	s4 =	simm.s32 $0x1BF5;
	[smem:$0x3FB9] =	sst s0  }
0x18: {  	s0 =	sld [smem:$0x3F9C];
	_ =	swait.ge [sflag:s4], $0x0  }
0x19: {  	s7 =	sld [smem:$0x3F9D]  }
0x1a: {  	s8 =	sadd.s32 $0xFFFFE003, lr  }
0x1b: {  	s9 =	sadd.s32 $0xFFFFFEF7, lr;
	s5 =	simm.s32 $0xFFFFFFFF;
	p2 =	slt.u32 s8, $0xFFFFF086  }
0x1c: {  	p1 =	slt.u32 s9, $0xF7A;
	s5 =	simm.s32 @!p2 $0x0  }
0x1d: {  	s5 =	simm.s32 @p1 $0x1;
	p0 =	seq.s32 s7, s2  }
0x1e: {  	s7 =	smul.u32 @!p0 $0xF7A, s2;
	p2 =	seq.s32 @!p0 s5, $0x0  }
0x1f: {  	s9 =	smul.u32 $0xF7A, s1;
	s8 =	simm.s32 @!p0 $0x1BF5;
	p2 =	por !p2, p0  }
0x20: {  	[sflag:s8] =	ssyncset.s32 @!p0 $0xFFFFF086;
	s6 =	sadd.s32 @!p0 s3, s7;
	s7 =	simm.s32 @!p0 $0x108  }
0x21: {  	s3 =	sadd.s32 s3, s9;
	s6 =	sadd.s32 @!p0 $0x88, s6;
	s7 =	simm.s32 @p2 $0x1082  }
0x22: {  	[simem:s7], [sflag:s8] =	dma.local @!p0 [hbm:s6], $0xF7A  }
0x23: {  	s9 =	sor.u32 $0xD0000000, s2;
	s6 =	simm.s32 $0x108;
	_ =	swait.ge @!p0 [sflag:s8], $0x0  }
0x24: {  	s3 =	sadd.s32 $0x88, s3;
	s6 =	simm.s32 @!p1 $0x1082;
	[sflag:s4] =	ssyncset.s32 $0xFFFFF086  }
0x25: {  	[simem:s6], [sflag:s4] =	dma.local [hbm:s3], $0xF7A  }
0x26: {  	[smem:$0x3F9D] =	sst s1;
	(tag) =	ssettag s2;
	_ =	strace s9  }
0x27: {  	s1 =	sld [smem:$0x3FAD]  }
0x28: {  	s2 =	sld [smem:$0x3FAE]  }
0x29: {  	s4 =	sld [smem:$0x3FB0]  }
0x2a: {  	p0 =	seq.s32 s5, $0x0;
	s5 =	sld [smem:$0x3FB1]  }
0x2b: {  	s6 =	sld [smem:$0x3FB2]  }
0x2c: {  	s7 =	sld [smem:$0x3FB3]  }
0x2d: {  	s3 =	simm.s32 $0x108;
	s8 =	sld [smem:$0x3FB4]  }
0x2e: {  	s3 =	simm.s32 @!p0 $0x1082;
	s9 =	sld [smem:$0x3FB5]  }
0x2f: {  	lr =	sadd.s32 s0, s3;
	s0 =	sld [smem:$0x3FAC]  }
0x30: {  	s3 =	sld [smem:$0x3FAF]  }
0x31: {  	[smem:$0x3FB8] =	sst s10  }
0x32: {  	s10 =	sld [smem:$0x3FB6];
	_ =	sdelay $0x3  }
0x33: {  	p0 =	seq.s32 s10, $0x1;
	s10 =	sld [smem:$0x3FB8];
	_ =	sdelay $0x3  }
0x34: {  	[smem:$0x3FB8] =	sst s10  }
0x35: {  	s10 =	sld [smem:$0x3FB7];
	_ =	sdelay $0x3  }
0x36: {  	p1 =	seq.s32 s10, $0x1;
	s10 =	sld [smem:$0x3FB8];
	_ =	sdelay $0x3  }
0x37: {  	[smem:$0x3FB8] =	sst s10  }
0x38: {  	s10 =	sld [smem:$0x3FB9]  }
0x39: {  	_ = 	snop;
	(pc) =	sbr.ind lr, $3  }
0x3a: {  	_ = 	snop  }
0x3b: {  	_ = 	snop  }
0x3c: {  	p2 =	seq.s32 s10, $0x1;
	s10 =	sld [smem:$0x3FB8]  }
0x3d: {  	_ =	shalt  }
0x3e: {  	_ =	shalt  }
0x3f: {  	_ =	shalt  }
0x40: {  	_ =	shalt  }
0x41: {  	_ =	shalt  }
0x42: {  	_ =	shalt  }
0x43: {  	_ =	shalt  }
0x44: {  	_ =	shalt  }
0x45: {  	_ =	shalt  }
0x46: {  	_ =	shalt  }
0x47: {  	_ =	shalt  }
0x48: {  	_ =	shalt  }
0x49: {  	_ =	shalt  }
0x4a: {  	_ =	shalt  }
0x4b: {  	_ =	shalt  }
0x4c: {  	_ =	shalt  }
0x4d: {  	_ =	shalt  }
0x4e: {  	_ =	shalt  }
0x4f: {  	_ =	shalt  }
0x50: {  	_ =	shalt  }
0x51: {  	_ =	shalt  }
0x52: {  	_ =	shalt  }
0x53: {  	_ =	shalt  }
0x54: {  	_ =	shalt  }
0x55: {  	_ =	shalt  }
0x56: {  	_ =	shalt  }
0x57: {  	_ =	shalt  }
0x58: {  	_ =	shalt  }
0x59: {  	_ =	shalt  }
0x5a: {  	_ =	shalt  }
0x5b: {  	_ =	shalt  }
0x5c: {  	_ =	shalt  }
0x5d: {  	_ =	shalt  }
0x5e: {  	_ =	shalt  }
0x5f: {  	_ =	shalt  }
0x60: {  	_ =	shalt  }
0x61: {  	_ =	shalt  }
0x62: {  	_ =	shalt  }
0x63: {  	_ =	shalt  }
0x64: {  	_ =	shalt  }
0x65: {  	_ =	shalt  }
0x66: {  	_ =	shalt  }
0x67: {  	_ =	shalt  }
0x68: {  	_ =	shalt  }
0x69: {  	_ =	shalt  }
0x6a: {  	_ =	shalt  }
0x6b: {  	_ =	shalt  }
0x6c: {  	_ =	shalt  }
0x6d: {  	_ =	shalt  }
0x6e: {  	_ =	shalt  }
0x6f: {  	_ =	shalt  }
0x70: {  	_ =	shalt  }
0x71: {  	_ =	shalt  }
0x72: {  	_ =	shalt  }
0x73: {  	_ =	shalt  }
0x74: {  	_ =	shalt  }
0x75: {  	_ =	shalt  }
0x76: {  	_ =	shalt  }
0x77: {  	_ =	shalt  }
0x78: {  	_ =	shalt  }
0x79: {  	_ =	shalt  }
0x7a: {  	_ =	shalt  }
0x7b: {  	_ =	shalt  }
0x7c: {  	_ =	shalt  }
0x7d: {  	_ =	shalt  }
0x7e: {  	_ =	shalt  }
0x7f: {  	_ =	shalt  }
0x80: {  	_ =	shalt  }
0x81: {  	_ =	shalt  }
0x82: {  	_ =	shalt  }
0x83: {  	_ =	shalt  }
0x84: {  	_ =	shalt  }
0x85: {  	_ =	shalt  }
0x86: {  	_ =	shalt  }
0x87: {  	_ =	shalt  }
.Lfunc_end0:
.L_simem_size_0:
called_computation_lowered:
.L_overlay_start_0:
0x88: {  	s2 =	sld [smem:$0x3FD9]  }
0x89: {  	s3 =	sld [smem:$0x3FFE];
	_ =	sdelay $0x1  }
0x8a: {  	s1 =	srdreg.scid  }
0x8b: {  	s0 =	sand.u32 $0x1, s1  }
0x8c: {  	s17 =	sshll.u32 s0, $0xA;
	s2 =	sadd.s32 s3, s2  }
0x8d: {  	s2 =	sadd.s32 s2, s17  }
0x8e: {  	[smem:$0x3FC4] =	sst s2  }
0x8f: {  	_ = 	snop  }
0x90: {  	s2 =	sld [smem:$0x3FC6]  }
0x91: {  	s18 =	sld [smem:$0x3FD0];
	(tm) =	ssettm $0x1  }
0x92: {  	s4 =	sld [smem:$0x3FFB];
	_ =	sdelay $0x3  }
0x93: {  	_ =	strace s4  }
0x94: {  	s4 =	sld [smem:$0x3FFC];
	_ =	sdelay $0x3  }
0x95: {  	_ =	strace s4  }
0x96: {  	s4 =	sld [smem:$0x3FFD];
	_ =	sdelay $0x3  }
0x97: {  	_ =	strace s4  }
0x98: {  	_ =	strace $0x8FFFFFFF  }
0x99: {  	s19 =	sld [smem:$0x3FDB];
	_ =	sdelay $0x1  }
0x9a: {  	s5 =	simm.s32 $_scs_section_size  }
0x9b: {  	s6 =	simm.s32 $_size__tile_overlayer_lowered;
	s7 =	simm.s32 $_tile_overlayer_lowered  }
0x9c: {  	s22 =	simm.s32 $0x1BFF;
	s21 =	sshll.u32 s7, $0x1;
	s4 =	sadd.s32 s5, s19  }
0x9d: {  	s8 =	simm.s32 $0x0;
	s20 =	sshll.u32 s6, $0x1;
	s6 =	sadd.s32 s21, s4  }
0x9e: {  	[timem:s8], [sflag:s22] =	dma.local [hbm:s6], s20  }
0x9f: {  	_ =	swait.ge [sflag:s22], s20  }
0xa0: {  	s5 =	ssub.s32 $0x0, s20;
	[sflag:s22] =	ssyncset.done $0x0  }
0xa1: {  	[sflag:s22] =	ssyncadd.s32 s5;
	_ =	sdelay $0x1  }
0xa2: {  	s23 =	simm.s32 $0x1B8B  }
0xa3: {  	_ =	swait.ge [sflag:s23], $0x1  }
0xa4: {  	[sflag:s23] =	ssyncset.done $0x0  }
0xa5: {  	s25 =	simm.s32 $0x1B8E;
	s24 =	sld [smem:$0x3FFE];
	[sflag:s23] =	ssyncadd.s32 $0xFFFFFFFF  }
0xa6: {  	s26 =	simm.s32 $execute0_lowered;
	[smem:$0x3FD2] =	sst s25  }
0xa7: {  	s6 =	sshll.u32 s26, $0x1;
	_ =	strace $0x80000046;
	[dreg:$0x1] =	wrdreg $0xFFFFFFFF  }
0xa8: {  	s28 =	simm.s32 $_size_execute0_lowered;
	s4 =	sadd.s32 s4, s6;
	[dreg:$0x0] =	wrdreg $0x0  }
0xa9: {  	s6 =	sshll.u32 s28, $0x1;
	[dreg:$0x2] =	wrdreg s4  }
0xaa: {  	[dreg:$0x3] =	wrdreg s6  }
0xab: {  	[dreg:$0x4] =	wrdreg $0xC0  }
0xac: {  	_ =	task [dreg:s8], $0x5FFFF  }
0xad: {  	[dreg:$0x1] =	wrdreg $0xFFFFFFFF  }
0xae: {  	[dreg:$0x0] =	wrdreg $0x60  }
0xaf: {  	[dreg:$0x2] =	wrdreg s18  }
0xb0: {  	[dreg:$0x3] =	wrdreg s24  }
0xb1: {  	[dreg:$0x4] =	wrdreg s2  }
0xb2: {  	[dreg:$0x5] =	wrdreg $0x9  }
0xb3: {  	_ =	task.clear_ibuf [dreg:s8], $0x6FFFF;
	_ =	strace $0x90000046  }
0xb4: {  	s29 =	simm.s32 $0x9;
	_ =	strace $0x80000048  }
0xb5: {  	_ =	swait.ge [sflag:s29], $0x1  }
0xb6: {  	[sflag:s29] =	ssyncadd.s32 $0xFFFFFFFF  }
0xb7: {  	_ =	strace $0x90000048  }
0xb8: {  	_ =	sfence  }
0xb9: {  	s30 =	sld [smem:$0x0];
	_ =	sdelay $0x2  }
0xba: {  	s31 =	sshll.u32 s1, $0xD;
	s1 =	sshrl.u32 s1, $0x2  }
0xbb: {  	s3 =	sand.u32 $0x4000, s31;
	s1 =	sadd.s32 s1, s30  }
0xbc: {  	s0 =	sor.u32 s3, s0;
	s1 =	sshll.u32 s1, $0x11  }
0xbd: {  	s0 =	sor.u32 s1, s0  }
0xbe: {  	s0 =	sadd.s32 $0x8F2B, s0  }
0xbf: {  	[sflag:s0] =	ssyncadd.remote.s32 $0x1  }
0xc0: {  	_ =	sfence.sel $0xFFFF  }
0xc1: {  	[dreg:$0x0] =	wrdreg $0xFFFFFFFF;
	(pc) =	sbr.abs _section_cstart, $3  }
0xc2: {  	[dreg:$0x1] =	wrdreg $0xFFFFFFFF  }
0xc3: {  	_ =	task.clear_ibuf [dreg:s8], $0x2FFFF;
	_ =	strace $0x9FFFFFFF  }
0xc4: {  	(tm) =	ssettm $0x7FFFFFFF  }
0xc5: {  	_ =	shalt  }
tec
execute0_lowered:
.L_overlay_start_1:
0x0: {  	(tag) =	ssettag $0x1  }
0x1: {  	s0 =	rddreg [dreg:$0x1];
	s1 =	simm.s32 $0x0  }
0x2: {  	s2 =	srdreg.scid;
	s4 =	stileid.u32;
	s12 =	simm.s32 $0x2  }
0x3: {  	[smem:$0x7FF] =	sst s1;
	s2 =	sand.u32 $0x1, s2;
	s3 =	sadd.s32 $0x600, s0  }
0x4: {  	s28 =	sadd.s32 $0xD600, s0;
	s0 =	sadd.s32 $0x1FD600, s0;
	s31 =	sshll.u32 s4, $0x7  }
0x5: {  	_ =	strace $0x80000047;
	[dreg:$0x5] =	wrdreg s3;
	s29 =	ssub.s32 $0x2, s2  }
0x6: {  	v0 =	vlaneseq.u32;
	[dreg:$0x6] =	wrdreg s28;
	s2 =	sshll.u32 s2, $0x6;
	s30 =	sshrl.u32 s29, $0x1  }
0x7: {  	v0 =	vmul.u32 $0x80, v0;
	[dreg:$0x7] =	wrdreg s0;
	s2 =	sor.u32 s2, s31;
	s0 =	ssub.s32 s29, s30  }
0x8: {  	s16 =	simm.s32 $0x10400;
	[dreg:$0x8] =	wrdreg s2;
	s0 =	smax.u32 s0, $0x1  }
0x9: {  	s3 =	simm.s32 $0x80;
	v0 =	vadd.s32 $0xD00, v0;
	s2 =	simm.s32 $0x1A00;
	[dreg:$0x9] =	wrdreg s0  }
.LBB2_1:
0xa: {  	[dreg:$0x4] =	wrdreg s1;
	s1 =	simm.s32 $0x0  }
.LBB2_2:
0xb: {  	s0 =	sshll.u32 s1, $0x4;
	s14 =	rddreg [dreg:$0x8]  }
0xc: {  	s5 =	rddreg [dreg:$0x5];
	s4 =	sadd.s32 s14, s0  }
0xd: {  	s21 =	simm.s32 $0x0;
	s0 =	sadd.s32 s5, s4;
	s22 =	sor.u32 $0x800, s4  }
0xe: {  	[tilespmem:s21], [sflag:$0x2] =	stream.linear.gather [hbm4b:s0+s21], $0x80, $0x38;
	[tilespmem:$0x11900] =	vst v63  }
0xf: {  	s17 =	sor.u32 $0x1000, s4;
	s15 =	sadd.s32 s5, s22  }
0x10: {  	[tilespmem:s3], [sflag:$0x2] =	stream.linear.gather [hbm4b:s15+s21], $0x80, $0x38;
	[tilespmem:$0x11900] =	vst v63  }
0x11: {  	s18 =	simm.s32 $0x100;
	s24 =	sor.u32 $0x1800, s4;
	s0 =	sadd.s32 s5, s17  }
0x12: {  	[tilespmem:s18], [sflag:$0x2] =	stream.linear.gather [hbm4b:s0+s21], $0x80, $0x38;
	[tilespmem:$0x11900] =	vst v63  }
0x13: {  	s20 =	simm.s32 $0x180;
	s25 =	sor.u32 $0x2000, s4;
	s19 =	sadd.s32 s5, s24  }
0x14: {  	[tilespmem:s20], [sflag:$0x2] =	stream.linear.gather [hbm4b:s19+s21], $0x80, $0x38;
	[tilespmem:$0x11900] =	vst v63  }
0x15: {  	s26 =	simm.s32 $0x200;
	s23 =	sadd.s32 s5, s25  }
0x16: {  	[tilespmem:s26], [sflag:$0x2] =	stream.linear.gather [hbm4b:s23+s21], $0x80, $0x38;
	[tilespmem:$0x11900] =	vst v63  }
0x17: {  	s26 =	sor.u32 $0x2800, s4  }
0x18: {  	s29 =	simm.s32 $0x280;
	s28 =	sadd.s32 s5, s26  }
0x19: {  	[tilespmem:s29], [sflag:$0x2] =	stream.linear.gather [hbm4b:s28+s21], $0x80, $0x38;
	[tilespmem:$0x11900] =	vst v63  }
0x1a: {  	s31 =	simm.s32 $0x300;
	s28 =	sor.u32 $0x3000, s4  }
0x1b: {  	s6 =	simm.s32 $0x380;
	s29 =	sor.u32 $0x3800, s4;
	s30 =	sadd.s32 s5, s28  }
0x1c: {  	[tilespmem:s31], [sflag:$0x2] =	stream.linear.gather [hbm4b:s30+s21], $0x80, $0x38;
	[tilespmem:$0x11900] =	vst v63  }
0x1d: {  	s8 =	simm.s32 $0x400;
	s3 =	sadd.s32 s5, s29;
	s30 =	sor.u32 $0x4000, s4  }
0x1e: {  	[tilespmem:s6], [sflag:$0x2] =	stream.linear.gather [hbm4b:s3+s21], $0x80, $0x38;
	[tilespmem:$0x11900] =	vst v63  }
0x1f: {  	s10 =	simm.s32 $0x480;
	s31 =	sor.u32 $0x4800, s4;
	s7 =	sadd.s32 s5, s30  }
0x20: {  	[tilespmem:s8], [sflag:$0x2] =	stream.linear.gather [hbm4b:s7+s21], $0x80, $0x38;
	[tilespmem:$0x11900] =	vst v63  }
0x21: {  	s13 =	simm.s32 $0x500;
	s0 =	sor.u32 $0x5000, s4;
	s9 =	sadd.s32 s5, s31  }
0x22: {  	[tilespmem:s10], [sflag:$0x2] =	stream.linear.gather [hbm4b:s9+s21], $0x80, $0x38;
	[tilespmem:$0x11900] =	vst v63  }
0x23: {  	[dreg:$0xc] =	wrdreg s17;
	s11 =	sadd.s32 s5, s0;
	s23 =	sor.u32 $0x5800, s4  }
0x24: {  	[tilespmem:s13], [sflag:$0x2] =	stream.linear.gather [hbm4b:s11+s21], $0x80, $0x38;
	[tilespmem:$0x11900] =	vst v63  }
0x25: {  	s15 =	simm.s32 $0x580;
	s14 =	sadd.s32 s5, s23;
	s9 =	sor.u32 $0x6000, s4  }
0x26: {  	[tilespmem:s15], [sflag:$0x2] =	stream.linear.gather [hbm4b:s14+s21], $0x80, $0x38;
	[tilespmem:$0x11900] =	vst v63  }
0x27: {  	s18 =	simm.s32 $0x600;
	s3 =	sor.u32 $0x6800, s4;
	s17 =	sadd.s32 s5, s9  }
0x28: {  	[tilespmem:s18], [sflag:$0x2] =	stream.linear.gather [hbm4b:s17+s21], $0x80, $0x38;
	[tilespmem:$0x11900] =	vst v63  }
0x29: {  	s19 =	simm.s32 $0x680;
	s11 =	sadd.s32 s5, s3  }
0x2a: {  	[tilespmem:s19], [sflag:$0x2] =	stream.linear.gather [hbm4b:s11+s21], $0x80, $0x38;
	[tilespmem:$0x11900] =	vst v63  }
0x2b: {  	s11 =	sor.u32 $0x7000, s4  }
0x2c: {  	s20 =	simm.s32 $0x700;
	s14 =	sadd.s32 s5, s11  }
0x2d: {  	[tilespmem:s20], [sflag:$0x2] =	stream.linear.gather [hbm4b:s14+s21], $0x80, $0x38;
	[tilespmem:$0x11900] =	vst v63  }
0x2e: {  	s14 =	sor.u32 $0x7800, s4  }
0x2f: {  	s6 =	simm.s32 $0x780;
	s17 =	sadd.s32 s5, s14  }
0x30: {  	[tilespmem:s6], [sflag:$0x2] =	stream.linear.gather [hbm4b:s17+s21], $0x80, $0x38;
	[tilespmem:$0x11900] =	vst v63  }
0x31: {  	s17 =	sor.u32 $0x8000, s4  }
0x32: {  	s7 =	simm.s32 $0x800;
	s6 =	sadd.s32 s5, s17  }
0x33: {  	[tilespmem:s7], [sflag:$0x2] =	stream.linear.gather [hbm4b:s6+s21], $0x80, $0x38;
	[tilespmem:$0x11900] =	vst v63  }
0x34: {  	s6 =	sor.u32 $0x8800, s4  }
0x35: {  	s8 =	simm.s32 $0x880;
	s7 =	sadd.s32 s5, s6  }
0x36: {  	[tilespmem:s8], [sflag:$0x2] =	stream.linear.gather [hbm4b:s7+s21], $0x80, $0x38;
	[tilespmem:$0x11900] =	vst v63  }
0x37: {  	s7 =	sor.u32 $0x9000, s4  }
0x38: {  	s10 =	simm.s32 $0x900;
	s8 =	sadd.s32 s5, s7  }
0x39: {  	[tilespmem:s10], [sflag:$0x2] =	stream.linear.gather [hbm4b:s8+s21], $0x80, $0x38;
	[tilespmem:$0x11900] =	vst v63  }
0x3a: {  	s8 =	sor.u32 $0x9800, s4  }
0x3b: {  	s13 =	simm.s32 $0x980;
	s10 =	sadd.s32 s5, s8  }
0x3c: {  	[tilespmem:s13], [sflag:$0x2] =	stream.linear.gather [hbm4b:s10+s21], $0x80, $0x38;
	[tilespmem:$0x11900] =	vst v63  }
0x3d: {  	s10 =	sor.u32 $0xA000, s4  }
0x3e: {  	s15 =	simm.s32 $0xA00;
	s13 =	sadd.s32 s5, s10  }
0x3f: {  	[tilespmem:s15], [sflag:$0x2] =	stream.linear.gather [hbm4b:s13+s21], $0x80, $0x38;
	[tilespmem:$0x11900] =	vst v63  }
0x40: {  	s13 =	sor.u32 $0xA800, s4  }
0x41: {  	s18 =	simm.s32 $0xA80;
	s15 =	sadd.s32 s5, s13  }
0x42: {  	[tilespmem:s18], [sflag:$0x2] =	stream.linear.gather [hbm4b:s15+s21], $0x80, $0x38;
	[tilespmem:$0x11900] =	vst v63  }
0x43: {  	s15 =	sor.u32 $0xB000, s4  }
0x44: {  	s19 =	simm.s32 $0xB00;
	s18 =	sadd.s32 s5, s15  }
0x45: {  	[tilespmem:s19], [sflag:$0x2] =	stream.linear.gather [hbm4b:s18+s21], $0x80, $0x38;
	[tilespmem:$0x11900] =	vst v63  }
0x46: {  	s18 =	sor.u32 $0xB800, s4  }
0x47: {  	s20 =	simm.s32 $0xB80;
	s19 =	sadd.s32 s5, s18  }
0x48: {  	[tilespmem:s20], [sflag:$0x2] =	stream.linear.gather [hbm4b:s19+s21], $0x80, $0x38;
	[tilespmem:$0x11900] =	vst v63  }
0x49: {  	s19 =	sor.u32 $0xC000, s4  }
0x4a: {  	[dreg:$0xa] =	wrdreg s1;
	s20 =	simm.s32 $0xC00;
	s1 =	sadd.s32 s5, s19  }
0x4b: {  	[tilespmem:s20], [sflag:$0x2] =	stream.linear.gather [hbm4b:s1+s21], $0x80, $0x38;
	[tilespmem:$0x11900] =	vst v63  }
0x4c: {  	s1 =	sor.u32 $0xC800, s4  }
0x4d: {  	s20 =	simm.s32 $0xC80;
	s5 =	sadd.s32 s5, s1  }
0x4e: {  	[tilespmem:s20], [sflag:$0x2] =	stream.linear.gather [hbm4b:s5+s21], $0x80, $0x38;
	[tilespmem:$0x11900] =	vst v63  }
0x4f: {  	s20 =	rddreg [dreg:$0x0]  }
0x50: {  	[dreg:$0xb] =	wrdreg s4;
	s4 =	sadd.s32 s20, s4  }
0x51: {  	[tilespmem:s2], [sflag:$0x2] =	stream.linear.gather [hbm4b:s4+s21], $0x80, $0x38;
	[tilespmem:$0x11900] =	vst v63  }
0x52: {  	s5 =	rddreg [dreg:$0xc];
	s22 =	sadd.s32 s20, s22;
	s4 =	simm.s32 $0x1A80  }
0x53: {  	[tilespmem:s4], [sflag:$0x2] =	stream.linear.gather [hbm4b:s22+s21], $0x80, $0x38;
	[tilespmem:$0x11900] =	vst v63  }
0x54: {  	s22 =	sadd.s32 s20, s5;
	s4 =	simm.s32 $0x1B00  }
0x55: {  	[tilespmem:s4], [sflag:$0x2] =	stream.linear.gather [hbm4b:s22+s21], $0x80, $0x38;
	[tilespmem:$0x11900] =	vst v63  }
0x56: {  	s24 =	sadd.s32 s20, s24;
	s4 =	simm.s32 $0x1B80  }
0x57: {  	[tilespmem:s4], [sflag:$0x2] =	stream.linear.gather [hbm4b:s24+s21], $0x80, $0x38;
	[tilespmem:$0x11900] =	vst v63  }
0x58: {  	s22 =	sadd.s32 s20, s25;
	s24 =	simm.s32 $0x1C00  }
0x59: {  	[tilespmem:s24], [sflag:$0x2] =	stream.linear.gather [hbm4b:s22+s21], $0x80, $0x38;
	[tilespmem:$0x11900] =	vst v63  }
0x5a: {  	s25 =	sadd.s32 s20, s26;
	s26 =	simm.s32 $0x1C80  }
0x5b: {  	[tilespmem:s26], [sflag:$0x2] =	stream.linear.gather [hbm4b:s25+s21], $0x80, $0x38;
	[tilespmem:$0x11900] =	vst v63  }
0x5c: {  	s28 =	sadd.s32 s20, s28;
	s4 =	simm.s32 $0x1D00  }
0x5d: {  	[tilespmem:s4], [sflag:$0x2] =	stream.linear.gather [hbm4b:s28+s21], $0x80, $0x38;
	[tilespmem:$0x11900] =	vst v63  }
0x5e: {  	s24 =	sadd.s32 s20, s29;
	s25 =	simm.s32 $0x1D80  }
0x5f: {  	[tilespmem:s25], [sflag:$0x2] =	stream.linear.gather [hbm4b:s24+s21], $0x80, $0x38;
	[tilespmem:$0x11900] =	vst v63  }
0x60: {  	s26 =	sadd.s32 s20, s30;
	s28 =	simm.s32 $0x1E00  }
0x61: {  	[tilespmem:s28], [sflag:$0x2] =	stream.linear.gather [hbm4b:s26+s21], $0x80, $0x38;
	[tilespmem:$0x11900] =	vst v63  }
0x62: {  	s29 =	sadd.s32 s20, s31;
	s30 =	simm.s32 $0x1E80  }
0x63: {  	[tilespmem:s30], [sflag:$0x2] =	stream.linear.gather [hbm4b:s29+s21], $0x80, $0x38;
	[tilespmem:$0x11900] =	vst v63  }
0x64: {  	s0 =	sadd.s32 s20, s0;
	s31 =	simm.s32 $0x1F00  }
0x65: {  	[tilespmem:s31], [sflag:$0x2] =	stream.linear.gather [hbm4b:s0+s21], $0x80, $0x38;
	[tilespmem:$0x11900] =	vst v63  }
0x66: {  	s5 =	simm.s32 $0x1F80;
	s4 =	sadd.s32 s20, s23  }
0x67: {  	[tilespmem:s5], [sflag:$0x2] =	stream.linear.gather [hbm4b:s4+s21], $0x80, $0x38;
	[tilespmem:$0x11900] =	vst v63  }
0x68: {  	s9 =	sadd.s32 s20, s9;
	s22 =	simm.s32 $0x2000  }
0x69: {  	[tilespmem:s22], [sflag:$0x2] =	stream.linear.gather [hbm4b:s9+s21], $0x80, $0x38;
	[tilespmem:$0x11900] =	vst v63  }
0x6a: {  	s23 =	sadd.s32 s20, s3;
	s24 =	simm.s32 $0x2080  }
0x6b: {  	[tilespmem:s24], [sflag:$0x2] =	stream.linear.gather [hbm4b:s23+s21], $0x80, $0x38;
	[tilespmem:$0x11900] =	vst v63  }
0x6c: {  	s25 =	sadd.s32 s20, s11;
	s26 =	simm.s32 $0x2100  }
0x6d: {  	[tilespmem:s26], [sflag:$0x2] =	stream.linear.gather [hbm4b:s25+s21], $0x80, $0x38;
	[tilespmem:$0x11900] =	vst v63  }
0x6e: {  	s28 =	sadd.s32 s20, s14;
	s29 =	simm.s32 $0x2180  }
0x6f: {  	[tilespmem:s29], [sflag:$0x2] =	stream.linear.gather [hbm4b:s28+s21], $0x80, $0x38;
	[tilespmem:$0x11900] =	vst v63  }
0x70: {  	s30 =	sadd.s32 s20, s17;
	s31 =	simm.s32 $0x2200  }
0x71: {  	[tilespmem:s31], [sflag:$0x2] =	stream.linear.gather [hbm4b:s30+s21], $0x80, $0x38;
	[tilespmem:$0x11900] =	vst v63  }
0x72: {  	s4 =	sadd.s32 s20, s6;
	s5 =	simm.s32 $0x2280  }
0x73: {  	[tilespmem:s5], [sflag:$0x2] =	stream.linear.gather [hbm4b:s4+s21], $0x80, $0x38;
	[tilespmem:$0x11900] =	vst v63  }
0x74: {  	s6 =	sadd.s32 s20, s7;
	s7 =	simm.s32 $0x2300  }
0x75: {  	[tilespmem:s7], [sflag:$0x2] =	stream.linear.gather [hbm4b:s6+s21], $0x80, $0x38;
	[tilespmem:$0x11900] =	vst v63  }
0x76: {  	s8 =	sadd.s32 s20, s8;
	s9 =	simm.s32 $0x2380  }
0x77: {  	[tilespmem:s9], [sflag:$0x2] =	stream.linear.gather [hbm4b:s8+s21], $0x80, $0x38;
	[tilespmem:$0x11900] =	vst v63  }
0x78: {  	s11 =	sadd.s32 s20, s10;
	s14 =	simm.s32 $0x2400  }
0x79: {  	[tilespmem:s14], [sflag:$0x2] =	stream.linear.gather [hbm4b:s11+s21], $0x80, $0x38;
	[tilespmem:$0x11900] =	vst v63  }
0x7a: {  	s17 =	sadd.s32 s20, s13;
	s22 =	simm.s32 $0x2480  }
0x7b: {  	[tilespmem:s22], [sflag:$0x2] =	stream.linear.gather [hbm4b:s17+s21], $0x80, $0x38;
	[tilespmem:$0x11900] =	vst v63  }
0x7c: {  	s23 =	sadd.s32 s20, s15;
	s24 =	simm.s32 $0x2500  }
0x7d: {  	[tilespmem:s24], [sflag:$0x2] =	stream.linear.gather [hbm4b:s23+s21], $0x80, $0x38;
	[tilespmem:$0x11900] =	vst v63  }
0x7e: {  	s25 =	sadd.s32 s20, s18;
	s26 =	simm.s32 $0x2580  }
0x7f: {  	[tilespmem:s26], [sflag:$0x2] =	stream.linear.gather [hbm4b:s25+s21], $0x80, $0x38;
	[tilespmem:$0x11900] =	vst v63  }
0x80: {  	s28 =	sadd.s32 s20, s19;
	s29 =	simm.s32 $0x2600  }
0x81: {  	[tilespmem:s29], [sflag:$0x2] =	stream.linear.gather [hbm4b:s28+s21], $0x80, $0x38;
	[tilespmem:$0x11900] =	vst v63  }
0x82: {  	s30 =	sadd.s32 s20, s1;
	s31 =	simm.s32 $0x2680  }
0x83: {  	[tilespmem:s31], [sflag:$0x2] =	stream.linear.gather [hbm4b:s30+s21], $0x80, $0x38;
	[tilespmem:$0x11900] =	vst v63  }
0x84: {  	_ =	swait.ge [sflag:s12], $0x80  }
0x85: {  	[sflag:s12] =	ssyncset.done $0x0  }
0x86: {  	[sflag:s12] =	ssyncadd.s32 $0xFFFFFF80  }
0x87: {  	_ =	swait.ge [sflag:s12], $0x80  }
0x88: {  	[sflag:s12] =	ssyncset.done $0x0  }
0x89: {  	[sflag:s12] =	ssyncadd.s32 $0xFFFFFF80  }
0x8a: {  	_ =	swait.ge [sflag:s12], $0x80  }
0x8b: {  	[sflag:s12] =	ssyncset.done $0x0  }
0x8c: {  	[sflag:s12] =	ssyncadd.s32 $0xFFFFFF80  }
0x8d: {  	_ =	swait.ge [sflag:s12], $0x80  }
0x8e: {  	[sflag:s12] =	ssyncset.done $0x0  }
0x8f: {  	[sflag:s12] =	ssyncadd.s32 $0xFFFFFF80  }
0x90: {  	_ =	swait.ge [sflag:s12], $0x80  }
0x91: {  	[sflag:s12] =	ssyncset.done $0x0  }
0x92: {  	[sflag:s12] =	ssyncadd.s32 $0xFFFFFF80  }
0x93: {  	_ =	swait.ge [sflag:s12], $0x80  }
0x94: {  	[sflag:s12] =	ssyncset.done $0x0  }
0x95: {  	[sflag:s12] =	ssyncadd.s32 $0xFFFFFF80  }
0x96: {  	_ =	swait.ge [sflag:s12], $0x80  }
0x97: {  	[sflag:s12] =	ssyncset.done $0x0  }
0x98: {  	[sflag:s12] =	ssyncadd.s32 $0xFFFFFF80  }
0x99: {  	_ =	swait.ge [sflag:s12], $0x80  }
0x9a: {  	[sflag:s12] =	ssyncset.done $0x0  }
0x9b: {  	[sflag:s12] =	ssyncadd.s32 $0xFFFFFF80  }
0x9c: {  	_ =	swait.ge [sflag:s12], $0x80  }
0x9d: {  	[sflag:s12] =	ssyncset.done $0x0  }
0x9e: {  	[sflag:s12] =	ssyncadd.s32 $0xFFFFFF80  }
0x9f: {  	_ =	swait.ge [sflag:s12], $0x80  }
0xa0: {  	[sflag:s12] =	ssyncset.done $0x0  }
0xa1: {  	[sflag:s12] =	ssyncadd.s32 $0xFFFFFF80  }
0xa2: {  	_ =	swait.ge [sflag:s12], $0x80  }
0xa3: {  	[sflag:s12] =	ssyncset.done $0x0  }
0xa4: {  	[sflag:s12] =	ssyncadd.s32 $0xFFFFFF80  }
0xa5: {  	_ =	swait.ge [sflag:s12], $0x80  }
0xa6: {  	[sflag:s12] =	ssyncset.done $0x0  }
0xa7: {  	[sflag:s12] =	ssyncadd.s32 $0xFFFFFF80  }
0xa8: {  	_ =	swait.ge [sflag:s12], $0x80  }
0xa9: {  	[sflag:s12] =	ssyncset.done $0x0  }
0xaa: {  	[sflag:s12] =	ssyncadd.s32 $0xFFFFFF80  }
0xab: {  	_ =	swait.ge [sflag:s12], $0x80  }
0xac: {  	[sflag:s12] =	ssyncset.done $0x0  }
0xad: {  	[sflag:s12] =	ssyncadd.s32 $0xFFFFFF80  }
0xae: {  	_ =	swait.ge [sflag:s12], $0x80  }
0xaf: {  	[sflag:s12] =	ssyncset.done $0x0  }
0xb0: {  	[sflag:s12] =	ssyncadd.s32 $0xFFFFFF80  }
0xb1: {  	_ =	swait.ge [sflag:s12], $0x80  }
0xb2: {  	[sflag:s12] =	ssyncset.done $0x0  }
0xb3: {  	[sflag:s12] =	ssyncadd.s32 $0xFFFFFF80  }
0xb4: {  	_ =	swait.ge [sflag:s12], $0x80  }
0xb5: {  	[sflag:s12] =	ssyncset.done $0x0  }
0xb6: {  	[sflag:s12] =	ssyncadd.s32 $0xFFFFFF80  }
0xb7: {  	_ =	swait.ge [sflag:s12], $0x80  }
0xb8: {  	[sflag:s12] =	ssyncset.done $0x0  }
0xb9: {  	[sflag:s12] =	ssyncadd.s32 $0xFFFFFF80  }
0xba: {  	_ =	swait.ge [sflag:s12], $0x80  }
0xbb: {  	[sflag:s12] =	ssyncset.done $0x0  }
0xbc: {  	[sflag:s12] =	ssyncadd.s32 $0xFFFFFF80  }
0xbd: {  	_ =	swait.ge [sflag:s12], $0x80  }
0xbe: {  	[sflag:s12] =	ssyncset.done $0x0  }
0xbf: {  	[sflag:s12] =	ssyncadd.s32 $0xFFFFFF80  }
0xc0: {  	_ =	swait.ge [sflag:s12], $0x80  }
0xc1: {  	[sflag:s12] =	ssyncset.done $0x0  }
0xc2: {  	[sflag:s12] =	ssyncadd.s32 $0xFFFFFF80  }
0xc3: {  	_ =	swait.ge [sflag:s12], $0x80  }
0xc4: {  	[sflag:s12] =	ssyncset.done $0x0  }
0xc5: {  	[sflag:s12] =	ssyncadd.s32 $0xFFFFFF80  }
0xc6: {  	_ =	swait.ge [sflag:s12], $0x80  }
0xc7: {  	[sflag:s12] =	ssyncset.done $0x0  }
0xc8: {  	[sflag:s12] =	ssyncadd.s32 $0xFFFFFF80  }
0xc9: {  	_ =	swait.ge [sflag:s12], $0x80  }
0xca: {  	[sflag:s12] =	ssyncset.done $0x0  }
0xcb: {  	[sflag:s12] =	ssyncadd.s32 $0xFFFFFF80  }
0xcc: {  	_ =	swait.ge [sflag:s12], $0x80  }
0xcd: {  	[sflag:s12] =	ssyncset.done $0x0  }
0xce: {  	[sflag:s12] =	ssyncadd.s32 $0xFFFFFF80  }
0xcf: {  	_ =	swait.ge [sflag:s12], $0x80  }
0xd0: {  	[sflag:s12] =	ssyncset.done $0x0  }
0xd1: {  	[sflag:s12] =	ssyncadd.s32 $0xFFFFFF80  }
0xd2: {  	_ =	swait.ge [sflag:s12], $0x80  }
0xd3: {  	[sflag:s12] =	ssyncset.done $0x0  }
0xd4: {  	[sflag:s12] =	ssyncadd.s32 $0xFFFFFF80  }
0xd5: {  	_ =	swait.ge [sflag:s12], $0x80  }
0xd6: {  	[sflag:s12] =	ssyncset.done $0x0  }
0xd7: {  	[sflag:s12] =	ssyncadd.s32 $0xFFFFFF80  }
0xd8: {  	_ =	swait.ge [sflag:s12], $0x80  }
0xd9: {  	[sflag:s12] =	ssyncset.done $0x0  }
0xda: {  	[sflag:s12] =	ssyncadd.s32 $0xFFFFFF80  }
0xdb: {  	_ =	swait.ge [sflag:s12], $0x80  }
0xdc: {  	[sflag:s12] =	ssyncset.done $0x0  }
0xdd: {  	[sflag:s12] =	ssyncadd.s32 $0xFFFFFF80  }
0xde: {  	_ =	swait.ge [sflag:s12], $0x80  }
0xdf: {  	[sflag:s12] =	ssyncset.done $0x0  }
0xe0: {  	[sflag:s12] =	ssyncadd.s32 $0xFFFFFF80  }
0xe1: {  	_ =	swait.ge [sflag:s12], $0x80  }
0xe2: {  	[sflag:s12] =	ssyncset.done $0x0  }
0xe3: {  	[sflag:s12] =	ssyncadd.s32 $0xFFFFFF80  }
0xe4: {  	_ =	swait.ge [sflag:s12], $0x80  }
0xe5: {  	[sflag:s12] =	ssyncset.done $0x0  }
0xe6: {  	[sflag:s12] =	ssyncadd.s32 $0xFFFFFF80  }
0xe7: {  	_ =	swait.ge [sflag:s12], $0x80  }
0xe8: {  	[sflag:s12] =	ssyncset.done $0x0  }
0xe9: {  	[sflag:s12] =	ssyncadd.s32 $0xFFFFFF80  }
0xea: {  	_ =	swait.ge [sflag:s12], $0x80  }
0xeb: {  	[sflag:s12] =	ssyncset.done $0x0  }
0xec: {  	[sflag:s12] =	ssyncadd.s32 $0xFFFFFF80  }
0xed: {  	_ =	swait.ge [sflag:s12], $0x80  }
0xee: {  	[sflag:s12] =	ssyncset.done $0x0  }
0xef: {  	[sflag:s12] =	ssyncadd.s32 $0xFFFFFF80  }
0xf0: {  	_ =	swait.ge [sflag:s12], $0x80  }
0xf1: {  	[sflag:s12] =	ssyncset.done $0x0  }
0xf2: {  	[sflag:s12] =	ssyncadd.s32 $0xFFFFFF80  }
0xf3: {  	_ =	swait.ge [sflag:s12], $0x80  }
0xf4: {  	[sflag:s12] =	ssyncset.done $0x0  }
0xf5: {  	[sflag:s12] =	ssyncadd.s32 $0xFFFFFF80  }
0xf6: {  	_ =	swait.ge [sflag:s12], $0x80  }
0xf7: {  	[sflag:s12] =	ssyncset.done $0x0  }
0xf8: {  	[sflag:s12] =	ssyncadd.s32 $0xFFFFFF80  }
0xf9: {  	_ =	swait.ge [sflag:s12], $0x80  }
0xfa: {  	[sflag:s12] =	ssyncset.done $0x0  }
0xfb: {  	[sflag:s12] =	ssyncadd.s32 $0xFFFFFF80  }
0xfc: {  	_ =	swait.ge [sflag:s12], $0x80  }
0xfd: {  	[sflag:s12] =	ssyncset.done $0x0  }
0xfe: {  	[sflag:s12] =	ssyncadd.s32 $0xFFFFFF80  }
0xff: {  	_ =	swait.ge [sflag:s12], $0x80  }
0x100: {  	[sflag:s12] =	ssyncset.done $0x0  }
0x101: {  	[sflag:s12] =	ssyncadd.s32 $0xFFFFFF80  }
0x102: {  	_ =	swait.ge [sflag:s12], $0x80  }
0x103: {  	[sflag:s12] =	ssyncset.done $0x0  }
0x104: {  	[sflag:s12] =	ssyncadd.s32 $0xFFFFFF80  }
0x105: {  	_ =	swait.ge [sflag:s12], $0x80  }
0x106: {  	[sflag:s12] =	ssyncset.done $0x0  }
0x107: {  	[sflag:s12] =	ssyncadd.s32 $0xFFFFFF80  }
0x108: {  	_ =	swait.ge [sflag:s12], $0x80  }
0x109: {  	[sflag:s12] =	ssyncset.done $0x0  }
0x10a: {  	[sflag:s12] =	ssyncadd.s32 $0xFFFFFF80  }
0x10b: {  	_ =	swait.ge [sflag:s12], $0x80  }
0x10c: {  	[sflag:s12] =	ssyncset.done $0x0  }
0x10d: {  	[sflag:s12] =	ssyncadd.s32 $0xFFFFFF80  }
0x10e: {  	_ =	swait.ge [sflag:s12], $0x80  }
0x10f: {  	[sflag:s12] =	ssyncset.done $0x0  }
0x110: {  	[sflag:s12] =	ssyncadd.s32 $0xFFFFFF80  }
0x111: {  	_ =	swait.ge [sflag:s12], $0x80  }
0x112: {  	[sflag:s12] =	ssyncset.done $0x0  }
0x113: {  	[sflag:s12] =	ssyncadd.s32 $0xFFFFFF80  }
0x114: {  	_ =	swait.ge [sflag:s12], $0x80  }
0x115: {  	[sflag:s12] =	ssyncset.done $0x0  }
0x116: {  	[sflag:s12] =	ssyncadd.s32 $0xFFFFFF80  }
0x117: {  	_ =	swait.ge [sflag:s12], $0x80  }
0x118: {  	[sflag:s12] =	ssyncset.done $0x0  }
0x119: {  	[sflag:s12] =	ssyncadd.s32 $0xFFFFFF80  }
0x11a: {  	_ =	swait.ge [sflag:s12], $0x80  }
0x11b: {  	[sflag:s12] =	ssyncset.done $0x0  }
0x11c: {  	[sflag:s12] =	ssyncadd.s32 $0xFFFFFF80  }
0x11d: {  	_ =	swait.ge [sflag:s12], $0x80  }
0x11e: {  	[sflag:s12] =	ssyncset.done $0x0  }
0x11f: {  	s0 =	simm.s32 $0x0;
	[sflag:s12] =	ssyncadd.s32 $0xFFFFFF80  }
0x120: {  	v1 =	vld [tilespmem:s0+$0x0];
	_ =	sdelay $0x2  }
0x121: {  	s3 =	simm.s32 $0x40  }
.LBB2_3:
0x122: {  	p0 =	sne.s32 s3, $0x33C0  }
.Ltmp0:
0x123: {  	s1 =	sshra.s32 s3, $0x2;
	s3 =	sadd.s32 $0x40, s3;
	v2 =	vshll.u32 v1, $0x3;
	(pc) =	sbr.rel @p0 .LBB2_3-.Ltmp0, $4  }
0x124: {  	v3 =	vand.u32 $0xFFFFC000, v1;
	v4 =	vshrl.u32 v1, $0xB;
	v2 =	vand.u32 $0x3FF8, v2;
	v1 =	vld [tilespmem:s1+$0x0]  }
0x125: {  	v2 =	vor.u32 v3, v2;
	v3 =	vand.u32 $0x7, v4  }
0x126: {  	v2 =	vor.u32 v3, v2  }
0x127: {  	[tilespmem:s0+$0xD00] =	vst v2;
	s0 =	smov.u32 s1  }
0x128: {  	_ = 	snop  }
0x129: {  	v2 =	vshll.u32 v1, $0x3  }
0x12a: {  	v3 =	vand.u32 $0xFFFFC000, v1;
	v1 =	vshrl.u32 v1, $0xB;
	v2 =	vand.u32 $0x3FF8, v2  }
0x12b: {  	v1 =	vand.u32 $0x7, v1;
	v2 =	vor.u32 v3, v2  }
0x12c: {  	s29 =	rddreg [dreg:$0x6];
	v1 =	vor.u32 v1, v2  }
0x12d: {  	s3 =	simm.s32 $0xD00;
	s1 =	simm.s32 $0x2700;
	s21 =	simm.s32 $0x0;
	[tilespmem:s0+$0xD00] =	vst v1  }
0x12e: {  	[tilespmem:s1], [sflag:$0x1] =	stream.indirect.gather [hbm4b:s29+s3], $0x10, s3, s3, $0xb8;
	[tilespmem:$0x11900] =	vst v63  }
0x12f: {  	s30 =	rddreg [dreg:$0x2];
	s31 =	simm.s32 $0x1;
	s0 =	simm.s32 $0xF700  }
0x130: {  	[tilespmem:s0], [sflag:$0x2] =	stream.indirect.gather [hbm4b:s30+s3], $0x1, s21, s3, $0xb8;
	[tilespmem:$0x11900] =	vst v63  }
0x131: {  	_ =	swait.ge [sflag:s31], $0xD000  }
0x132: {  	[sflag:s31] =	ssyncset.done $0x0  }
0x133: {  	[sflag:s31] =	ssyncadd.s32 $0xFFFF3000  }
0x134: {  	_ =	swait.ge [sflag:s12], $0xD00  }
0x135: {  	[sflag:s12] =	ssyncset.done $0x0  }
0x136: {  	s3 =	simm.s32 $0x1A00;
	[sflag:s12] =	ssyncadd.s32 $0xFFFFF300  }
0x137: {  	v1 =	vld [tilespmem:s3+$0x0]  }
0x138: {  	s9 =	simm.s32 $0x10;
	s4 =	simm.s32 $0x0;
	v2 =	vld [tilespmem:s0+$0x0]  }
.LBB2_5:
0x139: {  	p0 =	sne.s32 s9, $0xCF0;
	_ =	sdelay $0x3  }
.Ltmp1:
0x13a: {  	v1 =	vmul.f32 v1, v2;
	(pc) =	sbr.rel @p0 .LBB2_5-.Ltmp1, $4  }
0x13b: {  	s1 =	sand.u32 $0xFF0, s4;
	s4 =	smov.u32 s9  }
0x13c: {  	s3 =	sadd.s32 $0x10, s3;
	[tilespmem:s1+$0x10400] =	vst v1  }
0x13d: {  	s0 =	sadd.s32 $0x10, s0;
	v1 =	vld [tilespmem:s3+$0x0]  }
0x13e: {  	s9 =	sadd.s32 $0x10, s9;
	v2 =	vld [tilespmem:s0+$0x0]  }
0x13f: {  	_ =	sdelay $0x3  }
0x140: {  	v1 =	vmul.f32 v1, v2  }
0x141: {  	s0 =	sand.u32 $0xFF0, s4  }
0x142: {  	[tilespmem:s0+$0x10400] =	vst v1  }
.LBB2_7:
0x143: {  	s25 =	sshll.u32 s21, $0x2;
	s0 =	sshll.u32 s21, $0x6;
	s24 =	sshllo.u32 s21, $0x2  }
0x144: {  	s23 =	sor.u32 $0x1, s25;
	s22 =	sor.u32 $0x2, s25;
	s0 =	sand.u32 $0x3FFFFFC0, s0  }
0x145: {  	s1 =	sor.u32 $0x80, s25;
	s4 =	sor.u32 $0x82, s25;
	s19 =	sshll.u32 s23, $0x4  }
0x146: {  	s11 =	sor.u32 $0x180, s25;
	v4 =	vld [tilespmem:s0+$0x2700];
	v6 =	vmov s1;
	s1 =	sshll.u32 s1, $0x4;
	s0 =	sand.u32 $0x3FFFFFD0, s19  }
0x147: {  	v1 =	vmov s25;
	v10 =	vmov s4;
	s5 =	sshll.u32 s4, $0x4;
	s4 =	sshll.u32 s11, $0x4;
	s28 =	sand.u32 $0x3FFFFFC0, s1;
	v7 =	vld [tilespmem:s0+$0x2700]  }
0x148: {  	v5 =	vmov s24;
	s30 =	sor.u32 $0x83, s25;
	s20 =	sshll.u32 s22, $0x4;
	s17 =	sand.u32 $0x3FFFFFC0, s4;
	v12 =	vld [tilespmem:s28+$0x2700]  }
0x149: {  	s1 =	sshll.u32 s30, $0x4;
	s0 =	sand.u32 $0x3FFFFFE0, s20;
	v28 =	vld [tilespmem:s17+$0x2700]  }
0x14a: {  	s1 =	sand.u32 $0x3FFFFFF0, s1;
	v9 =	vld [tilespmem:s0+$0x2700]  }
0x14b: {  	v2 =	vmov s23;
	v19 =	vld [tilespmem:s1+$0x2700]  }
0x14c: {  	s26 =	sshll.u32 s24, $0x4;
	s31 =	sor.u32 $0x100, s25;
	v3 =	vmov s22;
	v1 =	vld.idx.msk [tilespmem:v1+s2+$0x0], $0xffff  }
0x14d: {  	s8 =	sshll.u32 s31, $0x4;
	s0 =	sand.u32 $0x3FFFFFF0, s26;
	v5 =	vld.idx.msk [tilespmem:v5+s2+$0x0], $0xffff  }
0x14e: {  	v13 =	vmov s30;
	s1 =	sand.u32 $0x3FFFFFC0, s8;
	v11 =	vld [tilespmem:s0+$0x2700]  }
0x14f: {  	s3 =	sor.u32 $0x81, s25;
	s9 =	sor.u32 $0x103, s25;
	v20 =	vld [tilespmem:s1+$0x2700]  }
0x150: {  	s29 =	sshll.u32 s3, $0x4;
	v21 =	vmov s9;
	v2 =	vld.idx.msk [tilespmem:v2+s2+$0x0], $0xffff  }
0x151: {  	s6 =	sor.u32 $0x101, s25;
	v8 =	vmov s3;
	v6 =	vbroadcast v6, $0x0;
	s0 =	sand.u32 $0x3FFFFFD0, s29;
	v3 =	vld.idx.msk [tilespmem:v3+s2+$0x0], $0xffff  }
0x152: {  	s10 =	sshll.u32 s6, $0x4;
	v8 =	vbroadcast v8, $0x0;
	v15 =	vld [tilespmem:s0+$0x2700]  }
0x153: {  	v14 =	vmov s31;
	v10 =	vbroadcast v10, $0x0;
	s1 =	sand.u32 $0x3FFFFFD0, s10;
	v13 =	vld.idx.msk [tilespmem:v13+s2+$0x0], $0xffff  }
0x154: {  	s7 =	sor.u32 $0x102, s25;
	v16 =	vmov s6;
	v14 =	vbroadcast v14, $0x0;
	v23 =	vld [tilespmem:s1+$0x2700]  }
0x155: {  	v18 =	vmov s7;
	v16 =	vbroadcast v16, $0x0;
	s0 =	sand.u32 $0x3FFFFFE0, s5;
	v21 =	vld.idx.msk [tilespmem:v21+s2+$0x0], $0xffff  }
0x156: {  	s13 =	sor.u32 $0x181, s25;
	v22 =	vmov s11;
	v18 =	vbroadcast v18, $0x0;
	v17 =	vld [tilespmem:s0+$0x2700]  }
0x157: {  	v24 =	vmov s13;
	v22 =	vbroadcast v22, $0x0;
	v6 =	vld.idx.msk [tilespmem:v6+s2+$0x0], $0xffff  }
0x158: {  	v24 =	vbroadcast v24, $0x0;
	v8 =	vld.idx.msk [tilespmem:v8+s2+$0x0], $0xffff  }
0x159: {  	v10 =	vld.idx.msk [tilespmem:v10+s2+$0x0], $0xffff  }
0x15a: {  	v14 =	vld.idx.msk [tilespmem:v14+s2+$0x0], $0xffff  }
0x15b: {  	v16 =	vld.idx.msk [tilespmem:v16+s2+$0x0], $0xffff  }
0x15c: {  	s19 =	sor.u32 $0x183, s25;
	v18 =	vld.idx.msk [tilespmem:v18+s2+$0x0], $0xffff  }
0x15d: {  	s15 =	sor.u32 $0x182, s25;
	s20 =	sor.u32 $0x200, s25;
	s1 =	sshll.u32 s19, $0x4;
	v22 =	vld.idx.msk [tilespmem:v22+s2+$0x0], $0xffff  }
0x15e: {  	v26 =	vmov s15;
	v29 =	vmov s19;
	s28 =	sor.u32 $0x201, s25;
	s0 =	sshll.u32 s7, $0x4;
	s1 =	sand.u32 $0x3FFFFFF0, s1;
	v24 =	vld.idx.msk [tilespmem:v24+s2+$0x0], $0xffff  }
0x15f: {  	v26 =	vbroadcast v26, $0x0;
	v31 =	vmov s28;
	s30 =	sshll.u32 s20, $0x4;
	s0 =	sand.u32 $0x3FFFFFE0, s0;
	v44 =	vld [tilespmem:s1+$0x2700]  }
0x160: {  	s14 =	sshll.u32 s9, $0x4;
	s8 =	sor.u32 $0x282, s25;
	v31 =	vbroadcast v31, $0x0;
	s1 =	sand.u32 $0x3FFFFFC0, s30;
	v25 =	vld [tilespmem:s0+$0x2700]  }
0x161: {  	v51 =	vmov s8;
	s0 =	sand.u32 $0x3FFFFFF0, s14;
	v35 =	vld [tilespmem:s1+$0x2700]  }
0x162: {  	s18 =	sshll.u32 s13, $0x4;
	v30 =	vmov s20;
	v52 =	vbroadcast v51, $0x0;
	v27 =	vld [tilespmem:s0+$0x2700]  }
0x163: {  	s31 =	sor.u32 $0x203, s25;
	v30 =	vbroadcast v30, $0x0;
	s0 =	sand.u32 $0x3FFFFFD0, s18;
	v5 =	vmul.f32 v11, v5;
	v11 =	vld.idx.msk [tilespmem:v29+s2+$0x0], $0xffff  }
0x164: {  	s6 =	sor.u32 $0x281, s25;
	s13 =	sor.u32 $0x300, s25;
	v36 =	vmov s31;
	v41 =	vld [tilespmem:s0+$0x2700]  }
0x165: {  	s11 =	sor.u32 $0x283, s25;
	v48 =	vmov s6;
	v55 =	vmov s13;
	s26 =	sshll.u32 s15, $0x4;
	s5 =	sor.u32 $0x280, s25;
	v3 =	vmul.f32 v9, v3;
	v9 =	vld.idx.msk [tilespmem:v26+s2+$0x0], $0xffff  }
0x166: {  	v54 =	vmov s11;
	v56 =	vbroadcast v55, $0x0;
	s29 =	sor.u32 $0x202, s25;
	v37 =	vmov s5;
	s0 =	sand.u32 $0x3FFFFFE0, s26;
	v31 =	vld.idx.msk [tilespmem:v31+s2+$0x0], $0xffff  }
0x167: {  	s15 =	sor.u32 $0x301, s25;
	v42 =	vmov s29;
	v47 =	vbroadcast v37, $0x0;
	v2 =	vmul.f32 v7, v2;
	v7 =	vld [tilespmem:s0+$0x2700]  }
0x168: {  	s3 =	sshll.u32 s28, $0x4;
	s10 =	sshll.u32 s6, $0x4;
	v58 =	vmov s15;
	s6 =	sor.u32 $0x400, s25;
	v1 =	vmul.f32 v4, v1;
	v26 =	vbroadcast v42, $0x0;
	v61 =	vld.idx.msk [tilespmem:v52+s2+$0x0], $0xffff  }
0x169: {  	v51 =	vmov s6;
	s1 =	sand.u32 $0x3FFFFFD0, s3;
	v13 =	vmul.f32 v19, v13;
	v8 =	vmul.f32 v15, v8;
	v15 =	vld.idx.msk [tilespmem:v30+s2+$0x0], $0xffff  }
0x16a: {  	s3 =	sshll.u32 s5, $0x4;
	v32 =	vadd.f32 $0.0e+00, v1;
	v1 =	vmul.f32 v1, v1;
	v10 =	vmul.f32 v17, v10;
	v17 =	vld [tilespmem:s1+$0x2700]  }
0x16b: {  	s9 =	sand.u32 $0x3FFFFFC0, s3;
	v34 =	vadd.f32 $0.0e+00, v5;
	v5 =	vmul.f32 v5, v5;
	v14 =	vmul.f32 v20, v14;
	v20 =	vld.idx.msk [tilespmem:v36+s2+$0x0], $0xffff  }
0x16c: {  	v33 =	vadd.f32 $0.0e+00, v2;
	v2 =	vmul.f32 v2, v2;
	v6 =	vmul.f32 v12, v6;
	v36 =	vld [tilespmem:s9+$0x2700]  }
0x16d: {  	s14 =	sshll.u32 s8, $0x4;
	s26 =	sor.u32 $0x380, s25;
	s0 =	sshll.u32 s29, $0x4;
	v43 =	vadd.f32 $0.0e+00, v3;
	v3 =	vmul.f32 v3, v3;
	v50 =	vmul.f32 v13, v13;
	v30 =	vld.idx.msk [tilespmem:v54+s2+$0x0], $0xffff  }
0x16e: {  	s8 =	sor.u32 $0x401, s25;
	v42 =	vmov s26;
	s0 =	sand.u32 $0x3FFFFFE0, s0;
	v16 =	vmul.f32 v23, v16;
	v22 =	vmul.f32 v28, v22;
	s1 =	sshll.u32 s11, $0x4;
	v23 =	vld.idx.msk [tilespmem:v47+s2+$0x0], $0xffff  }
0x16f: {  	s7 =	sshll.u32 s31, $0x4;
	v54 =	vmov s8;
	s1 =	sand.u32 $0x3FFFFFF0, s1;
	v46 =	vmul.f32 v8, v8;
	v8 =	vadd.f32 v8, v33;
	v33 =	vld [tilespmem:s0+$0x2700]  }
0x170: {  	v13 =	vadd.f32 v13, v34;
	v18 =	vmul.f32 v25, v18;
	v45 =	vmul.f32 v6, v6;
	s0 =	sand.u32 $0x3FFFFFF0, s7;
	v40 =	vld [tilespmem:s1+$0x2700]  }
0x171: {  	v6 =	vadd.f32 v6, v32;
	v49 =	vmul.f32 v10, v10;
	v10 =	vadd.f32 v10, v43;
	v29 =	vld [tilespmem:s0+$0x2700]  }
0x172: {  	v5 =	vadd.f32 v50, v5;
	v53 =	vmul.f32 v14, v14;
	v57 =	vmul.f32 v16, v16;
	s0 =	sand.u32 $0x3FFFFFD0, s10;
	v19 =	vld.idx.msk [tilespmem:v26+s2+$0x0], $0xffff  }
0x173: {  	s5 =	sor.u32 $0x383, s25;
	s18 =	sshll.u32 s13, $0x4;
	v59 =	vmul.f32 v27, v21;
	v39 =	vmul.f32 v22, v22;
	v6 =	vadd.f32 v14, v6;
	v14 =	vld [tilespmem:s0+$0x2700]  }
0x174: {  	s17 =	sor.u32 $0x302, s25;
	s1 =	sand.u32 $0x3FFFFFC0, s18;
	v43 =	vmul.f32 v44, v11;
	v50 =	vmov s5;
	v8 =	vadd.f32 v16, v8;
	v16 =	vld.idx.msk [tilespmem:v56+s2+$0x0], $0xffff  }
0x175: {  	s20 =	sshll.u32 s15, $0x4;
	s19 =	sor.u32 $0x303, s25;
	v44 =	vbroadcast v42, $0x0;
	v60 =	vmul.f32 v18, v18;
	s0 =	sand.u32 $0x3FFFFFE0, s14;
	v10 =	vadd.f32 v18, v10;
	v18 =	vld [tilespmem:s1+$0x2700]  }
0x176: {  	v4 =	vmul.f32 v41, v24;
	v41 =	vmov s19;
	v1 =	vadd.f32 v45, v1;
	s1 =	sand.u32 $0x3FFFFFD0, s20;
	v21 =	vld [tilespmem:s0+$0x2700];
	s0 =	sshll.u32 s17, $0x4  }
0x177: {  	v2 =	vadd.f32 v46, v2;
	v26 =	vbroadcast v48, $0x0;
	v63 =	vmul.f32 v59, v59;
	s14 =	sor.u32 $0x480, s25;
	v11 =	vld [tilespmem:s1+$0x2700];
	s0 =	sand.u32 $0x3FFFFFE0, s0  }
0x178: {  	v3 =	vadd.f32 v49, v3;
	v7 =	vmul.f32 v7, v9;
	v47 =	vmul.f32 v43, v43;
	s3 =	sshll.u32 s14, $0x4;
	v34 =	vld [tilespmem:s0+$0x2700]  }
0x179: {  	s30 =	sor.u32 $0x382, s25;
	s29 =	sshll.u32 s19, $0x4;
	v13 =	vadd.f32 v59, v13;
	v56 =	vbroadcast v54, $0x0;
	v17 =	vmul.f32 v17, v31;
	s19 =	sand.u32 $0x3FFFFFC0, s3;
	v31 =	vld.idx.msk [tilespmem:v50+s2+$0x0], $0xffff  }
0x17a: {  	v48 =	vmov s30;
	v24 =	vmul.f32 v4, v4;
	v15 =	vmul.f32 v35, v15;
	v28 =	vld [tilespmem:s19+$0x2700]  }
0x17b: {  	s4 =	sshll.u32 s26, $0x4;
	v49 =	vbroadcast v48, $0x0;
	v2 =	vadd.f32 v57, v2;
	v6 =	vadd.f32 v22, v6;
	s0 =	sand.u32 $0x3FFFFFF0, s29;
	v22 =	vld.idx.msk [tilespmem:v41+s2+$0x0], $0xffff  }
0x17c: {  	s28 =	sor.u32 $0x381, s25;
	s31 =	sand.u32 $0x3FFFFFC0, s4;
	v1 =	vadd.f32 v53, v1;
	v45 =	vmul.f32 v7, v7;
	v7 =	vadd.f32 v7, v10;
	v10 =	vld [tilespmem:s0+$0x2700]  }
0x17d: {  	s4 =	sshll.u32 s28, $0x4;
	s11 =	sor.u32 $0x403, s25;
	v38 =	vmov s14;
	v3 =	vadd.f32 v60, v3;
	v2 =	vadd.f32 v24, v2;
	v24 =	vld [tilespmem:s31+$0x2700]  }
0x17e: {  	v5 =	vadd.f32 v63, v5;
	v57 =	vmul.f32 v36, v23;
	v36 =	vmov s11;
	v12 =	vld.idx.msk [tilespmem:v44+s2+$0x0], $0xffff;
	s0 =	sand.u32 $0x3FFFFFD0, s4  }
0x17f: {  	s7 =	sshll.u32 s30, $0x4;
	v1 =	vadd.f32 v39, v1;
	v39 =	vmul.f32 v40, v30;
	v40 =	vbroadcast v38, $0x0;
	v35 =	vld [tilespmem:s0+$0x2700]  }
0x180: {  	s15 =	sor.u32 $0x481, s25;
	v4 =	vadd.f32 v4, v8;
	v3 =	vadd.f32 v45, v3;
	v55 =	vmul.f32 v29, v20;
	s0 =	sand.u32 $0x3FFFFFE0, s7;
	v25 =	vld.idx.msk [tilespmem:v26+s2+$0x0], $0xffff  }
0x181: {  	s18 =	sor.u32 $0x482, s25;
	v41 =	vmov s15;
	v19 =	vmul.f32 v33, v19;
	v33 =	vbroadcast v51, $0x0;
	v20 =	vld [tilespmem:s0+$0x2700]  }
0x182: {  	v45 =	vmov s18;
	v16 =	vmul.f32 v18, v16;
	v18 =	vbroadcast v41, $0x0;
	v29 =	vld.idx.msk [tilespmem:v56+s2+$0x0], $0xffff  }
0x183: {  	v8 =	vadd.f32 v43, v13;
	v5 =	vadd.f32 v47, v5;
	v47 =	vbroadcast v45, $0x0;
	v13 =	vld.idx.msk [tilespmem:v49+s2+$0x0], $0xffff  }
0x184: {  	v62 =	vmov s17;
	v46 =	vmov s28;
	s28 =	sor.u32 $0x500, s25;
	s1 =	sshll.u32 s5, $0x4;
	v26 =	vbroadcast v58, $0x0;
	v44 =	vld.idx.msk [tilespmem:v36+s2+$0x0], $0xffff  }
0x185: {  	v32 =	vbroadcast v62, $0x0;
	s1 =	sand.u32 $0x3FFFFFF0, s1;
	v52 =	vmul.f32 v17, v17;
	v50 =	vmov s28;
	v30 =	vld.idx.msk [tilespmem:v40+s2+$0x0], $0xffff  }
0x186: {  	v6 =	vadd.f32 v15, v6;
	v15 =	vmul.f32 v15, v15;
	v14 =	vmul.f32 v14, v25;
	v25 =	vld [tilespmem:s1+$0x2700]  }
0x187: {  	s26 =	sor.u32 $0x483, s25;
	v4 =	vadd.f32 v17, v4;
	v53 =	vmul.f32 v19, v19;
	v7 =	vadd.f32 v19, v7;
	v19 =	vld.idx.msk [tilespmem:v33+s2+$0x0], $0xffff  }
0x188: {  	s17 =	sshll.u32 s11, $0x4;
	s11 =	sor.u32 $0x582, s25;
	v60 =	vmul.f32 v57, v57;
	v51 =	vbroadcast v50, $0x0;
	v49 =	vmov s26;
	v18 =	vld.idx.msk [tilespmem:v18+s2+$0x0], $0xffff  }
0x189: {  	s9 =	sor.u32 $0x402, s25;
	v41 =	vmov s11;
	v1 =	vadd.f32 v15, v1;
	v2 =	vadd.f32 v52, v2;
	v15 =	vld.idx.msk [tilespmem:v47+s2+$0x0], $0xffff  }
0x18a: {  	s10 =	sshll.u32 s6, $0x4;
	v58 =	vmov s9;
	v59 =	vmul.f32 v55, v55;
	v8 =	vadd.f32 v55, v8;
	v9 =	vld.idx.msk [tilespmem:v26+s2+$0x0], $0xffff  }
0x18b: {  	s30 =	sor.u32 $0x501, s25;
	v6 =	vadd.f32 v57, v6;
	v61 =	vmul.f32 v21, v61;
	v23 =	vbroadcast v58, $0x0;
	s1 =	sand.u32 $0x3FFFFFC0, s10;
	v26 =	vld.idx.msk [tilespmem:v32+s2+$0x0], $0xffff  }
0x18c: {  	s31 =	sor.u32 $0x502, s25;
	s7 =	sshll.u32 s30, $0x4;
	v42 =	vmul.f32 v39, v39;
	v3 =	vadd.f32 v53, v3;
	v53 =	vmov s30;
	s30 =	sor.u32 $0x680, s25;
	v63 =	vld [tilespmem:s1+$0x2700]  }
0x18d: {  	s6 =	sor.u32 $0x503, s25;
	v55 =	vmov s31;
	v43 =	vmul.f32 v16, v16;
	v1 =	vadd.f32 v60, v1;
	s3 =	sshll.u32 s30, $0x4;
	v33 =	vld.idx.msk [tilespmem:v49+s2+$0x0], $0xffff  }
0x18e: {  	s13 =	sshll.u32 s8, $0x4;
	v5 =	vadd.f32 v59, v5;
	v60 =	vmov s6;
	s10 =	sshll.u32 s6, $0x4;
	s6 =	sand.u32 $0x3FFFFFC0, s3;
	v59 =	vmul.f32 v20, v13;
	v13 =	vld.idx.msk [tilespmem:v51+s2+$0x0], $0xffff  }
0x18f: {  	v37 =	vmul.f32 v61, v61;
	v1 =	vadd.f32 v43, v1;
	v43 =	vbroadcast v41, $0x0;
	s1 =	sand.u32 $0x3FFFFFD0, s13;
	v41 =	vld [tilespmem:s6+$0x2700]  }
0x190: {  	s0 =	sshll.u32 s9, $0x4;
	v8 =	vadd.f32 v39, v8;
	v6 =	vadd.f32 v16, v6;
	v10 =	vmul.f32 v10, v22;
	v27 =	vld [tilespmem:s1+$0x2700]  }
0x191: {  	s8 =	sor.u32 $0x580, s25;
	s0 =	sand.u32 $0x3FFFFFE0, s0;
	v7 =	vadd.f32 v61, v7;
	v12 =	vmul.f32 v24, v12;
	v22 =	vbroadcast v53, $0x0;
	v17 =	vld.idx.msk [tilespmem:v23+s2+$0x0], $0xffff  }
0x192: {  	v61 =	vmov s8;
	v5 =	vadd.f32 v42, v5;
	v3 =	vadd.f32 v37, v3;
	v23 =	vld [tilespmem:s0+$0x2700]  }
0x193: {  	s9 =	sor.u32 $0x581, s25;
	v54 =	vmul.f32 v10, v10;
	v56 =	vmul.f32 v12, v12;
	v8 =	vadd.f32 v10, v8;
	s0 =	sand.u32 $0x3FFFFFF0, s17;
	s1 =	sshll.u32 s26, $0x4;
	v16 =	vld.idx.msk [tilespmem:v60+s2+$0x0], $0xffff  }
0x194: {  	s5 =	sshll.u32 s28, $0x4;
	v6 =	vadd.f32 v12, v6;
	v37 =	vmov s9;
	v32 =	vbroadcast v46, $0x0;
	v46 =	vld [tilespmem:s0+$0x2700];
	s1 =	sand.u32 $0x3FFFFFF0, s1  }
0x195: {  	v62 =	vmul.f32 v14, v14;
	v4 =	vadd.f32 v14, v4;
	v5 =	vadd.f32 v54, v5;
	v58 =	vld [tilespmem:s1+$0x2700];
	s1 =	sand.u32 $0x3FFFFFC0, s5  }
0x196: {  	v1 =	vadd.f32 v56, v1;
	v20 =	vmul.f32 v59, v59;
	v49 =	vmul.f32 v28, v30;
	v10 =	vld [tilespmem:s1+$0x2700]  }
0x197: {  	v60 =	vmov s30;
	v25 =	vmul.f32 v25, v31;
	v22 =	vld.idx.msk [tilespmem:v22+s2+$0x0], $0xffff;
	v9 =	vmul.f32 v11, v9  }
0x198: {  	s17 =	sor.u32 $0x600, s25;
	v2 =	vadd.f32 v62, v2;
	s1 =	sand.u32 $0x3FFFFFD0, s7;
	v51 =	vld.idx.msk [tilespmem:v43+s2+$0x0], $0xffff;
	v26 =	vmul.f32 v34, v26;
	v62 =	vmul.f32 v63, v19  }
0x199: {  	s20 =	sshll.u32 s15, $0x4;
	s4 =	sshll.u32 s8, $0x4;
	s8 =	sor.u32 $0x683, s25;
	v45 =	vmov s17;
	v19 =	vld [tilespmem:s1+$0x2700];
	v63 =	vbroadcast v61, $0x0;
	v53 =	vmul.f32 v49, v49  }
0x19a: {  	s29 =	sshll.u32 s18, $0x4;
	s0 =	sand.u32 $0x3FFFFFD0, s20;
	v43 =	vmov s8;
	v32 =	vld.idx.msk [tilespmem:v32+s2+$0x0], $0xffff;
	v36 =	vmul.f32 v25, v25;
	v40 =	vmul.f32 v27, v29  }
0x19b: {  	v17 =	vmul.f32 v23, v17;
	v48 =	vmul.f32 v9, v9;
	v4 =	vadd.f32 v9, v4;
	v9 =	vld [tilespmem:s0+$0x2700];
	s0 =	sand.u32 $0x3FFFFFE0, s29  }
0x19c: {  	s13 =	sand.u32 $0x3FFFFFC0, s4;
	v8 =	vadd.f32 v25, v8;
	v27 =	vbroadcast v45, $0x0;
	v52 =	vmul.f32 v26, v26;
	v24 =	vld [tilespmem:s0+$0x2700];
	s0 =	sshll.u32 s31, $0x4  }
0x19d: {  	s15 =	sor.u32 $0x583, s25;
	v23 =	vld [tilespmem:s13+$0x2700];
	v7 =	vadd.f32 v26, v7;
	v38 =	vmul.f32 v62, v62;
	v6 =	vadd.f32 v62, v6;
	s0 =	sand.u32 $0x3FFFFFE0, s0  }
0x19e: {  	v11 =	vmul.f32 v46, v44;
	v44 =	vmov s15;
	v62 =	vbroadcast v60, $0x0;
	v39 =	vld [tilespmem:s0+$0x2700];
	s0 =	sand.u32 $0x3FFFFFF0, s10  }
0x19f: {  	s28 =	sor.u32 $0x603, s25;
	s1 =	sshll.u32 s15, $0x4;
	v5 =	vadd.f32 v36, v5;
	v46 =	vmul.f32 v17, v17;
	v56 =	vmul.f32 v58, v33;
	v42 =	vld [tilespmem:s0+$0x2700]  }
0x1a0: {  	s14 =	sshll.u32 s9, $0x4;
	s1 =	sand.u32 $0x3FFFFFF0, s1;
	v58 =	vmov s28;
	v2 =	vadd.f32 v48, v2;
	v3 =	vadd.f32 v52, v3;
	v14 =	vld.idx.msk [tilespmem:v63+s2+$0x0], $0xffff  }
0x1a1: {  	s19 =	sor.u32 $0x601, s25;
	v7 =	vadd.f32 v59, v7;
	v32 =	vmul.f32 v35, v32;
	v35 =	vbroadcast v55, $0x0;
	s0 =	sand.u32 $0x3FFFFFD0, s14;
	v55 =	vld [tilespmem:s1+$0x2700]  }
0x1a2: {  	s20 =	sor.u32 $0x602, s25;
	v1 =	vadd.f32 v38, v1;
	v47 =	vmul.f32 v11, v11;
	v48 =	vmov s19;
	v29 =	vld [tilespmem:s0+$0x2700]  }
0x1a3: {  	s26 =	sshll.u32 s17, $0x4;
	v8 =	vadd.f32 v11, v8;
	v52 =	vmov s20;
	v6 =	vadd.f32 v49, v6;
	v21 =	vld.idx.msk [tilespmem:v44+s2+$0x0], $0xffff  }
0x1a4: {  	s18 =	sshll.u32 s11, $0x4;
	s5 =	sor.u32 $0x682, s25;
	v10 =	vmul.f32 v10, v13;
	v50 =	vbroadcast v48, $0x0;
	v7 =	vadd.f32 v17, v7;
	s1 =	sand.u32 $0x3FFFFFC0, s26;
	v17 =	vld.idx.msk [tilespmem:v27+s2+$0x0], $0xffff  }
0x1a5: {  	s29 =	sshll.u32 s19, $0x4;
	v38 =	vmov s5;
	v59 =	vmul.f32 v56, v56;
	v3 =	vadd.f32 v20, v3;
	s0 =	sand.u32 $0x3FFFFFE0, s18;
	v25 =	vld [tilespmem:s1+$0x2700]  }
0x1a6: {  	v20 =	vmul.f32 v40, v40;
	v5 =	vadd.f32 v47, v5;
	v1 =	vadd.f32 v53, v1;
	s1 =	sand.u32 $0x3FFFFFD0, s29;
	v28 =	vld [tilespmem:s0+$0x2700]  }
0x1a7: {  	s11 =	sor.u32 $0x701, s25;
	v8 =	vadd.f32 v56, v8;
	v63 =	vmul.f32 v19, v22;
	v36 =	vmul.f32 v10, v10;
	v61 =	vld [tilespmem:s1+$0x2700];
	s0 =	sshll.u32 s20, $0x4  }
0x1a8: {  	s9 =	sor.u32 $0x700, s25;
	v6 =	vadd.f32 v10, v6;
	v47 =	vmov s11;
	v9 =	vmul.f32 v9, v18;
	v26 =	vld.idx.msk [tilespmem:v58+s2+$0x0], $0xffff;
	s0 =	sand.u32 $0x3FFFFFE0, s0  }
0x1a9: {  	s4 =	sshll.u32 s28, $0x4;
	v18 =	vbroadcast v52, $0x0;
	v44 =	vmov s9;
	v57 =	vmul.f32 v32, v32;
	v22 =	vld [tilespmem:s0+$0x2700]  }
0x1aa: {  	v4 =	vadd.f32 v32, v4;
	v32 =	vbroadcast v37, $0x0;
	v3 =	vadd.f32 v46, v3;
	s0 =	sand.u32 $0x3FFFFFF0, s4;
	v27 =	vld.idx.msk [tilespmem:v50+s2+$0x0], $0xffff  }
0x1ab: {  	s31 =	sor.u32 $0x681, s25;
	v15 =	vmul.f32 v24, v15;
	v5 =	vadd.f32 v59, v5;
	v37 =	vmul.f32 v63, v63;
	v10 =	vld [tilespmem:s0+$0x2700]  }
0x1ac: {  	s15 =	sor.u32 $0x703, s25;
	s7 =	sshll.u32 s31, $0x4;
	v1 =	vadd.f32 v36, v1;
	v4 =	vadd.f32 v40, v4;
	v12 =	vmul.f32 v42, v16;
	v42 =	vld.idx.msk [tilespmem:v62+s2+$0x0], $0xffff  }
0x1ad: {  	v45 =	vbroadcast v44, $0x0;
	v58 =	vmov s15;
	v2 =	vadd.f32 v57, v2;
	s0 =	sand.u32 $0x3FFFFFD0, s7;
	v31 =	vld.idx.msk [tilespmem:v35+s2+$0x0], $0xffff  }
0x1ae: {  	s18 =	sor.u32 $0x780, s25;
	v54 =	vmul.f32 v9, v9;
	v57 =	vmul.f32 v15, v15;
	v4 =	vadd.f32 v9, v4;
	v9 =	vld [tilespmem:s0+$0x2700]  }
0x1af: {  	s10 =	sshll.u32 s5, $0x4;
	v59 =	vmov s18;
	v7 =	vadd.f32 v15, v7;
	v2 =	vadd.f32 v20, v2;
	v20 =	vld.idx.msk [tilespmem:v43+s2+$0x0], $0xffff  }
0x1b0: {  	v14 =	vmul.f32 v23, v14;
	v23 =	vbroadcast v47, $0x0;
	v3 =	vadd.f32 v57, v3;
	s0 =	sand.u32 $0x3FFFFFE0, s10;
	v18 =	vld.idx.msk [tilespmem:v18+s2+$0x0], $0xffff  }
0x1b1: {  	v35 =	vmov s31;
	v55 =	vmul.f32 v55, v21;
	v17 =	vmul.f32 v25, v17;
	v49 =	vld [tilespmem:s0+$0x2700]  }
0x1b2: {  	s1 =	sshll.u32 s8, $0x4;
	v25 =	vbroadcast v59, $0x0;
	v50 =	vmul.f32 v14, v14;
	v6 =	vadd.f32 v14, v6;
	v14 =	vld.idx.msk [tilespmem:v58+s2+$0x0], $0xffff  }
0x1b3: {  	s13 =	sor.u32 $0x702, s25;
	s1 =	sand.u32 $0x3FFFFFF0, s1;
	v19 =	vbroadcast v35, $0x0;
	v46 =	vmul.f32 v12, v12;
	v8 =	vadd.f32 v12, v8;
	v32 =	vld.idx.msk [tilespmem:v32+s2+$0x0], $0xffff  }
0x1b4: {  	s19 =	sor.u32 $0x781, s25;
	s14 =	sshll.u32 s9, $0x4;
	v11 =	vmul.f32 v28, v51;
	v51 =	vmov s13;
	v2 =	vadd.f32 v54, v2;
	v54 =	vld [tilespmem:s1+$0x2700]  }
0x1b5: {  	s6 =	sor.u32 $0x801, s25;
	s17 =	sshll.u32 s11, $0x4;
	v35 =	vmov s19;
	v4 =	vadd.f32 v63, v4;
	v28 =	vbroadcast v51, $0x0;
	v56 =	vld.idx.msk [tilespmem:v45+s2+$0x0], $0xffff;
	s1 =	sand.u32 $0x3FFFFFC0, s14  }
0x1b6: {  	s0 =	sshll.u32 s13, $0x4;
	v24 =	vmul.f32 v55, v55;
	v62 =	vmul.f32 v17, v17;
	v45 =	vmov s6;
	v57 =	vld [tilespmem:s1+$0x2700];
	s1 =	sand.u32 $0x3FFFFFD0, s17  }
0x1b7: {  	s0 =	sand.u32 $0x3FFFFFE0, s0;
	v5 =	vadd.f32 v46, v5;
	v1 =	vadd.f32 v50, v1;
	v60 =	vmul.f32 v61, v27;
	v61 =	vld [tilespmem:s1+$0x2700]  }
0x1b8: {  	s4 =	sshll.u32 s18, $0x4;
	v53 =	vmul.f32 v11, v11;
	v8 =	vadd.f32 v55, v8;
	v2 =	vadd.f32 v37, v2;
	v37 =	vld [tilespmem:s0+$0x2700]  }
0x1b9: {  	s30 =	sor.u32 $0x783, s25;
	s9 =	sor.u32 $0x803, s25;
	s28 =	sand.u32 $0x3FFFFFC0, s4;
	v6 =	vadd.f32 v17, v6;
	v46 =	vbroadcast v45, $0x0;
	v10 =	vmul.f32 v10, v26;
	v23 =	vld.idx.msk [tilespmem:v23+s2+$0x0], $0xffff  }
0x1ba: {  	s31 =	sor.u32 $0x800, s25;
	v55 =	vmov s9;
	v16 =	vmul.f32 v41, v42;
	s1 =	sshll.u32 s30, $0x4;
	v18 =	vmul.f32 v22, v18;
	v22 =	vld [tilespmem:s28+$0x2700]  }
0x1bb: {  	v41 =	vmov s30;
	v42 =	vmov s31;
	v5 =	vadd.f32 v24, v5;
	s1 =	sand.u32 $0x3FFFFFF0, s1;
	v24 =	vld.idx.msk [tilespmem:v25+s2+$0x0], $0xffff  }
0x1bc: {  	s26 =	sor.u32 $0x782, s25;
	s8 =	sshll.u32 s31, $0x4;
	v31 =	vmul.f32 v39, v31;
	v39 =	vbroadcast v38, $0x0;
	v1 =	vadd.f32 v62, v1;
	v51 =	vld [tilespmem:s1+$0x2700]  }
0x1bd: {  	v38 =	vmov s26;
	v26 =	vbroadcast v42, $0x0;
	v36 =	vmul.f32 v60, v60;
	s1 =	sand.u32 $0x3FFFFFC0, s8;
	v19 =	vld.idx.msk [tilespmem:v19+s2+$0x0], $0xffff  }
0x1be: {  	s10 =	sshll.u32 s6, $0x4;
	v43 =	vmul.f32 v10, v10;
	v8 =	vadd.f32 v10, v8;
	v20 =	vmul.f32 v54, v20;
	v54 =	vld [tilespmem:s1+$0x2700]  }
0x1bf: {  	v44 =	vmul.f32 v16, v16;
	v6 =	vadd.f32 v16, v6;
	s28 =	sor.u32 $0x901, s25;
	v40 =	vmul.f32 v31, v31;
	s1 =	sand.u32 $0x3FFFFFD0, s10;
	v63 =	vld.idx.msk [tilespmem:v28+s2+$0x0], $0xffff  }
0x1c0: {  	s6 =	sor.u32 $0x981, s25;
	v7 =	vadd.f32 v31, v7;
	v48 =	vmul.f32 v29, v32;
	v45 =	vmov s28;
	v13 =	vld [tilespmem:s1+$0x2700]  }
0x1c1: {  	s31 =	sor.u32 $0x903, s25;
	v32 =	vmov s6;
	v28 =	vbroadcast v35, $0x0;
	v5 =	vadd.f32 v43, v5;
	v21 =	vld.idx.msk [tilespmem:v55+s2+$0x0], $0xffff  }
0x1c2: {  	s20 =	sshll.u32 s15, $0x4;
	v1 =	vadd.f32 v44, v1;
	v55 =	vmov s31;
	v3 =	vadd.f32 v40, v3;
	v25 =	vld.idx.msk [tilespmem:v41+s2+$0x0], $0xffff  }
0x1c3: {  	s7 =	sor.u32 $0x802, s25;
	s0 =	sand.u32 $0x3FFFFFF0, s20;
	v52 =	vmul.f32 v48, v48;
	v4 =	vadd.f32 v48, v4;
	v7 =	vadd.f32 v11, v7;
	v15 =	vld.idx.msk [tilespmem:v39+s2+$0x0], $0xffff  }
0x1c4: {  	s29 =	sshll.u32 s19, $0x4;
	s20 =	sor.u32 $0x900, s25;
	v40 =	vbroadcast v38, $0x0;
	v48 =	vmov s7;
	v8 =	vadd.f32 v20, v8;
	v39 =	vld [tilespmem:s0+$0x2700]  }
0x1c5: {  	v41 =	vmov s20;
	v17 =	vbroadcast v48, $0x0;
	v58 =	vmul.f32 v61, v23;
	s0 =	sand.u32 $0x3FFFFFD0, s29;
	v11 =	vld.idx.msk [tilespmem:v26+s2+$0x0], $0xffff  }
0x1c6: {  	s5 =	sshll.u32 s26, $0x4;
	s13 =	sor.u32 $0x881, s25;
	v3 =	vadd.f32 v53, v3;
	v7 =	vadd.f32 v18, v7;
	v18 =	vmul.f32 v18, v18;
	v30 =	vld [tilespmem:s0+$0x2700]  }
0x1c7: {  	s19 =	sor.u32 $0x883, s25;
	v61 =	vmov s13;
	v43 =	vbroadcast v41, $0x0;
	s0 =	sand.u32 $0x3FFFFFE0, s5;
	v9 =	vmul.f32 v9, v19;
	v19 =	vld.idx.msk [tilespmem:v46+s2+$0x0], $0xffff  }
0x1c8: {  	s1 =	sshll.u32 s19, $0x4;
	v2 =	vadd.f32 v52, v2;
	v52 =	vmul.f32 v57, v56;
	v3 =	vadd.f32 v18, v3;
	v18 =	vld [tilespmem:s0+$0x2700]  }
0x1c9: {  	s11 =	sor.u32 $0x880, s25;
	s1 =	sand.u32 $0x3FFFFFF0, s1;
	v4 =	vadd.f32 v60, v4;
	v53 =	vmul.f32 v20, v20;
	v26 =	vbroadcast v61, $0x0;
	v28 =	vld.idx.msk [tilespmem:v28+s2+$0x0], $0xffff  }
0x1ca: {  	s3 =	sshll.u32 s11, $0x4;
	v57 =	vmov s11;
	v42 =	vmul.f32 v22, v24;
	s11 =	sor.u32 $0x983, s25;
	s0 =	sshll.u32 s7, $0x4;
	v48 =	vmul.f32 v51, v25;
	v51 =	vld [tilespmem:s1+$0x2700]  }
0x1cb: {  	v59 =	vbroadcast v57, $0x0;
	v62 =	vmul.f32 v58, v58;
	v41 =	vmov s11;
	s0 =	sand.u32 $0x3FFFFFE0, s0;
	v47 =	vld.idx.msk [tilespmem:v40+s2+$0x0], $0xffff  }
0x1cc: {  	s15 =	sor.u32 $0x882, s25;
	s14 =	sshll.u32 s9, $0x4;
	v2 =	vadd.f32 v36, v2;
	v56 =	vmul.f32 v52, v52;
	v60 =	vmul.f32 v37, v63;
	v63 =	vld [tilespmem:s0+$0x2700]  }
0x1cd: {  	v5 =	vadd.f32 v53, v5;
	v6 =	vadd.f32 v52, v6;
	v36 =	vmov s15;
	s0 =	sand.u32 $0x3FFFFFF0, s14;
	v17 =	vld.idx.msk [tilespmem:v17+s2+$0x0], $0xffff  }
0x1ce: {  	s17 =	sand.u32 $0x3FFFFFC0, s3;
	v4 =	vadd.f32 v9, v4;
	v38 =	vbroadcast v36, $0x0;
	v35 =	vmul.f32 v60, v60;
	v37 =	vld [tilespmem:s0+$0x2700]  }
0x1cf: {  	s30 =	sshll.u32 s20, $0x4;
	v1 =	vadd.f32 v56, v1;
	v15 =	vmul.f32 v49, v15;
	v49 =	vmul.f32 v9, v9;
	v9 =	vld [tilespmem:s17+$0x2700]  }
0x1d0: {  	s18 =	sshll.u32 s13, $0x4;
	s5 =	sor.u32 $0x980, s25;
	s1 =	sand.u32 $0x3FFFFFC0, s30;
	v40 =	vmov s19;
	v4 =	vadd.f32 v58, v4;
	v12 =	vmul.f32 v39, v14;
	v53 =	vld.idx.msk [tilespmem:v43+s2+$0x0], $0xffff  }
0x1d1: {  	s0 =	sand.u32 $0x3FFFFFD0, s18;
	v52 =	vmul.f32 v48, v48;
	v11 =	vmul.f32 v54, v11;
	v54 =	vld [tilespmem:s1+$0x2700];
	v58 =	vmov s5  }
0x1d2: {  	v6 =	vadd.f32 v42, v6;
	v22 =	vld [tilespmem:s0+$0x2700];
	v61 =	vbroadcast v58, $0x0;
	v50 =	vmul.f32 v15, v15  }
0x1d3: {  	v26 =	vld.idx.msk [tilespmem:v26+s2+$0x0], $0xffff;
	v2 =	vadd.f32 v49, v2;
	v7 =	vadd.f32 v15, v7;
	v39 =	vmul.f32 v12, v12  }
0x1d4: {  	s26 =	sshll.u32 s15, $0x4;
	s13 =	sor.u32 $0xA00, s25;
	v23 =	vld.idx.msk [tilespmem:v59+s2+$0x0], $0xffff;
	v8 =	vadd.f32 v12, v8;
	v12 =	vmul.f32 v42, v42;
	v56 =	vmul.f32 v11, v11  }
0x1d5: {  	s0 =	sand.u32 $0x3FFFFFE0, s26;
	v6 =	vadd.f32 v11, v6;
	v59 =	vmul.f32 v13, v19;
	v42 =	vmov s13;
	v19 =	vld.idx.msk [tilespmem:v41+s2+$0x0], $0xffff  }
0x1d6: {  	v44 =	vmul.f32 v30, v28;
	v30 =	vld [tilespmem:s0+$0x2700];
	v28 =	vbroadcast v45, $0x0;
	v3 =	vadd.f32 v50, v3  }
0x1d7: {  	s4 =	sshll.u32 s28, $0x4;
	s29 =	sor.u32 $0x902, s25;
	v2 =	vadd.f32 v62, v2;
	v7 =	vadd.f32 v60, v7;
	v16 =	vmul.f32 v18, v47;
	v18 =	vld.idx.msk [tilespmem:v38+s2+$0x0], $0xffff  }
0x1d8: {  	s1 =	sand.u32 $0x3FFFFFD0, s4;
	v5 =	vadd.f32 v39, v5;
	v47 =	vmov s29;
	v1 =	vadd.f32 v12, v1;
	v49 =	vld.idx.msk [tilespmem:v40+s2+$0x0], $0xffff  }
0x1d9: {  	s4 =	sshll.u32 s5, $0x4;
	s17 =	sor.u32 $0xA02, s25;
	v8 =	vadd.f32 v48, v8;
	v60 =	vld [tilespmem:s1+$0x2700];
	v11 =	vmul.f32 v59, v59;
	v46 =	vmul.f32 v44, v44  }
0x1da: {  	s9 =	sand.u32 $0x3FFFFFC0, s4;
	s0 =	sshll.u32 s29, $0x4;
	v12 =	vld.idx.msk [tilespmem:v55+s2+$0x0], $0xffff;
	v48 =	vmov s17;
	v20 =	vbroadcast v47, $0x0;
	v62 =	vmul.f32 v63, v17  }
0x1db: {  	s7 =	sshll.u32 s31, $0x4;
	s0 =	sand.u32 $0x3FFFFFE0, s0;
	v39 =	vld [tilespmem:s9+$0x2700];
	v4 =	vadd.f32 v44, v4;
	v14 =	vmul.f32 v37, v21;
	v29 =	vbroadcast v48, $0x0  }
0x1dc: {  	v33 =	vld [tilespmem:s0+$0x2700];
	s0 =	sand.u32 $0x3FFFFFF0, s7;
	v10 =	vmul.f32 v54, v53;
	v3 =	vadd.f32 v35, v3;
	v7 =	vadd.f32 v16, v7  }
0x1dd: {  	s8 =	sor.u32 $0x982, s25;
	s10 =	sshll.u32 s6, $0x4;
	s28 =	sor.u32 $0xA80, s25;
	v50 =	vmul.f32 v16, v16;
	v5 =	vadd.f32 v52, v5;
	v1 =	vadd.f32 v56, v1;
	v36 =	vld [tilespmem:s0+$0x2700]  }
0x1de: {  	s30 =	sshll.u32 s28, $0x4;
	v35 =	vmov s8;
	s0 =	sand.u32 $0x3FFFFFD0, s10;
	v45 =	vmul.f32 v22, v26;
	v2 =	vadd.f32 v46, v2;
	v40 =	vld.idx.msk [tilespmem:v61+s2+$0x0], $0xffff  }
0x1df: {  	s14 =	sshll.u32 s8, $0x4;
	s5 =	sand.u32 $0x3FFFFFC0, s30;
	v4 =	vadd.f32 v59, v4;
	v34 =	vmul.f32 v62, v62;
	v37 =	vbroadcast v35, $0x0;
	v44 =	vld [tilespmem:s0+$0x2700]  }
0x1e0: {  	s20 =	sor.u32 $0xA03, s25;
	s15 =	sor.u32 $0xA01, s25;
	v38 =	vmul.f32 v14, v14;
	v9 =	vmul.f32 v9, v23;
	v8 =	vadd.f32 v14, v8;
	s0 =	sand.u32 $0x3FFFFFE0, s14;
	v35 =	vld [tilespmem:s5+$0x2700]  }
0x1e1: {  	s1 =	sshll.u32 s11, $0x4;
	v46 =	vmov s15;
	v54 =	vmul.f32 v10, v10;
	v61 =	vmov s20;
	v47 =	vld [tilespmem:s0+$0x2700]  }
0x1e2: {  	s18 =	sshll.u32 s13, $0x4;
	s1 =	sand.u32 $0x3FFFFFF0, s1;
	s14 =	sor.u32 $0xB00, s25;
	v3 =	vadd.f32 v50, v3;
	v7 =	vadd.f32 v62, v7;
	v22 =	vbroadcast v46, $0x0;
	v57 =	vld.idx.msk [tilespmem:v28+s2+$0x0], $0xffff  }
0x1e3: {  	s19 =	sshll.u32 s15, $0x4;
	v26 =	vmul.f32 v45, v45;
	s15 =	sshll.u32 s14, $0x4;
	v2 =	vadd.f32 v11, v2;
	v25 =	vmul.f32 v51, v49;
	v51 =	vld [tilespmem:s1+$0x2700];
	s1 =	sand.u32 $0x3FFFFFC0, s18  }
0x1e4: {  	s0 =	sshll.u32 s17, $0x4;
	v5 =	vadd.f32 v38, v5;
	v43 =	vmul.f32 v9, v9;
	v28 =	vbroadcast v42, $0x0;
	s17 =	sand.u32 $0x3FFFFFC0, s15;
	v55 =	vld [tilespmem:s1+$0x2700]  }
0x1e5: {  	s11 =	sor.u32 $0xA83, s25;
	s7 =	sor.u32 $0xA82, s25;
	v6 =	vadd.f32 v9, v6;
	v18 =	vmul.f32 v30, v18;
	v4 =	vadd.f32 v45, v4;
	v46 =	vld [tilespmem:s17+$0x2700]  }
0x1e6: {  	s9 =	sshll.u32 s7, $0x4;
	v42 =	vmov s11;
	s18 =	sor.u32 $0xB01, s25;
	v45 =	vmov s14;
	v3 =	vadd.f32 v34, v3;
	v63 =	vld.idx.msk [tilespmem:v20+s2+$0x0], $0xffff  }
0x1e7: {  	s10 =	sand.u32 $0x3FFFFFE0, s9;
	v48 =	vmov s18;
	v20 =	vbroadcast v32, $0x0;
	v1 =	vadd.f32 v43, v1;
	v59 =	vld.idx.msk [tilespmem:v29+s2+$0x0], $0xffff  }
0x1e8: {  	s31 =	sor.u32 $0xA81, s25;
	v49 =	vmul.f32 v18, v18;
	v2 =	vadd.f32 v26, v2;
	v14 =	vmul.f32 v39, v40;
	v40 =	vld [tilespmem:s10+$0x2700]  }
0x1e9: {  	s6 =	sshll.u32 s31, $0x4;
	v50 =	vmul.f32 v25, v25;
	v7 =	vadd.f32 v18, v7;
	v8 =	vadd.f32 v25, v8;
	v18 =	vld.idx.msk [tilespmem:v61+s2+$0x0], $0xffff  }
0x1ea: {  	s8 =	sand.u32 $0x3FFFFFD0, s6;
	v6 =	vadd.f32 v10, v6;
	v11 =	vmul.f32 v36, v12;
	v36 =	vmov s31;
	v16 =	vld.idx.msk [tilespmem:v37+s2+$0x0], $0xffff  }
0x1eb: {  	v39 =	vmov s7;
	v41 =	vbroadcast v36, $0x0;
	v3 =	vadd.f32 v49, v3;
	v37 =	vld [tilespmem:s8+$0x2700]  }
0x1ec: {  	s26 =	sshll.u32 s20, $0x4;
	s20 =	sor.u32 $0xB02, s25;
	s1 =	sand.u32 $0x3FFFFFD0, s19;
	v5 =	vadd.f32 v50, v5;
	v1 =	vadd.f32 v54, v1;
	v62 =	vmul.f32 v11, v11;
	v22 =	vld.idx.msk [tilespmem:v22+s2+$0x0], $0xffff  }
0x1ed: {  	s0 =	sand.u32 $0x3FFFFFE0, s0;
	v8 =	vadd.f32 v11, v8;
	v50 =	vmov s20;
	v52 =	vmul.f32 v60, v57;
	v57 =	vld [tilespmem:s1+$0x2700]  }
0x1ee: {  	s13 =	sshll.u32 s11, $0x4;
	s19 =	sshll.u32 s18, $0x4;
	s18 =	sor.u32 $0xC03, s25;
	v60 =	vld [tilespmem:s0+$0x2700];
	v34 =	vmul.f32 v14, v14;
	v6 =	vadd.f32 v14, v6;
	v15 =	vmul.f32 v51, v19  }
0x1ef: {  	s0 =	sand.u32 $0x3FFFFFF0, s13;
	v14 =	vbroadcast v39, $0x0;
	v24 =	vbroadcast v50, $0x0;
	v50 =	vmov s18;
	v53 =	vld.idx.msk [tilespmem:v28+s2+$0x0], $0xffff  }
0x1f0: {  	s29 =	sand.u32 $0x3FFFFFF0, s26;
	v5 =	vadd.f32 v62, v5;
	v43 =	vld [tilespmem:s0+$0x2700];
	v56 =	vmul.f32 v52, v52;
	v17 =	vmul.f32 v33, v63  }
0x1f1: {  	s0 =	sand.u32 $0x3FFFFFD0, s19;
	v4 =	vadd.f32 v52, v4;
	v63 =	vld [tilespmem:s29+$0x2700];
	v33 =	vmov s28;
	v1 =	vadd.f32 v34, v1;
	s29 =	sor.u32 $0xB03, s25  }
0x1f2: {  	s26 =	sshll.u32 s20, $0x4;
	s8 =	sor.u32 $0xB83, s25;
	v49 =	vld [tilespmem:s0+$0x2700];
	v8 =	vadd.f32 v15, v8;
	v25 =	vbroadcast v33, $0x0;
	v54 =	vmov s29  }
0x1f3: {  	s28 =	sand.u32 $0x3FFFFFE0, s26;
	v20 =	vld.idx.msk [tilespmem:v20+s2+$0x0], $0xffff;
	v33 =	vmov s8;
	v2 =	vadd.f32 v56, v2;
	v58 =	vmul.f32 v17, v17  }
0x1f4: {  	s31 =	sor.u32 $0xB80, s25;
	s13 =	sor.u32 $0xC01, s25;
	v51 =	vld [tilespmem:s28+$0x2700];
	v7 =	vadd.f32 v17, v7;
	v16 =	vmul.f32 v47, v16;
	v47 =	vmul.f32 v15, v15  }
0x1f5: {  	s4 =	sor.u32 $0xB81, s25;
	v21 =	vld.idx.msk [tilespmem:v41+s2+$0x0], $0xffff;
	v56 =	vmov s31;
	v41 =	vmov s13;
	v9 =	vmul.f32 v57, v22  }
0x1f6: {  	s30 =	sshll.u32 s29, $0x4;
	v12 =	vmul.f32 v60, v59;
	v59 =	vmov s4;
	v13 =	vmul.f32 v55, v53;
	v14 =	vld.idx.msk [tilespmem:v14+s2+$0x0], $0xffff  }
0x1f7: {  	s0 =	sand.u32 $0x3FFFFFF0, s30;
	v17 =	vbroadcast v56, $0x0;
	v3 =	vadd.f32 v58, v3;
	v7 =	vadd.f32 v16, v7;
	v58 =	vld.idx.msk [tilespmem:v42+s2+$0x0], $0xffff  }
0x1f8: {  	v53 =	vbroadcast v45, $0x0;
	v52 =	vmul.f32 v13, v13;
	v6 =	vadd.f32 v13, v6;
	v13 =	vld [tilespmem:s0+$0x2700]  }
0x1f9: {  	s15 =	sor.u32 $0xC02, s25;
	s3 =	sshll.u32 s31, $0x4;
	v5 =	vadd.f32 v47, v5;
	v55 =	vbroadcast v48, $0x0;
	v36 =	vbroadcast v59, $0x0;
	v59 =	vld.idx.msk [tilespmem:v33+s2+$0x0], $0xffff  }
0x1fa: {  	s6 =	sor.u32 $0xB82, s25;
	s5 =	sshll.u32 s4, $0x4;
	v45 =	vmov s15;
	v57 =	vmul.f32 v12, v12;
	v18 =	vmul.f32 v63, v18;
	s0 =	sand.u32 $0x3FFFFFC0, s3;
	v25 =	vld.idx.msk [tilespmem:v25+s2+$0x0], $0xffff  }
0x1fb: {  	s7 =	sshll.u32 s6, $0x4;
	v63 =	vmov s6;
	v56 =	vbroadcast v45, $0x0;
	v38 =	vmul.f32 v44, v20;
	v31 =	vld [tilespmem:s0+$0x2700];
	s0 =	sand.u32 $0x3FFFFFD0, s5  }
0x1fc: {  	s30 =	sor.u32 $0xC82, s25;
	v44 =	vmul.f32 v16, v16;
	v7 =	vadd.f32 v12, v7;
	v26 =	vbroadcast v63, $0x0;
	v12 =	vld [tilespmem:s0+$0x2700];
	s0 =	sand.u32 $0x3FFFFFE0, s7  }
0x1fd: {  	s10 =	sor.u32 $0xC00, s25;
	v63 =	vmov s30;
	v61 =	vmul.f32 v18, v18;
	v10 =	vmul.f32 v37, v21;
	v21 =	vld [tilespmem:s0+$0x2700]  }
0x1fe: {  	v8 =	vadd.f32 v18, v8;
	v37 =	vmov s10;
	v14 =	vmul.f32 v40, v14;
	v40 =	vld.idx.msk [tilespmem:v54+s2+$0x0], $0xffff  }
0x1ff: {  	v4 =	vadd.f32 v38, v4;
	v11 =	vmul.f32 v38, v38;
	v3 =	vadd.f32 v44, v3;
	v44 =	vld.idx.msk [tilespmem:v17+s2+$0x0], $0xffff  }
0x200: {  	s9 =	sshll.u32 s8, $0x4;
	s28 =	sor.u32 $0xC81, s25;
	v1 =	vadd.f32 v52, v1;
	v5 =	vadd.f32 v61, v5;
	v34 =	vmul.f32 v10, v10;
	v62 =	vld.idx.msk [tilespmem:v53+s2+$0x0], $0xffff  }
0x201: {  	s0 =	sand.u32 $0x3FFFFFF0, s9;
	v38 =	vmul.f32 v43, v58;
	v58 =	vmov s28;
	v2 =	vadd.f32 v11, v2;
	v15 =	vld.idx.msk [tilespmem:v55+s2+$0x0], $0xffff  }
0x202: {  	s20 =	sor.u32 $0xC80, s25;
	v4 =	vadd.f32 v9, v4;
	v9 =	vmul.f32 v9, v9;
	v3 =	vadd.f32 v57, v3;
	v18 =	vld [tilespmem:s0+$0x2700]  }
0x203: {  	s11 =	sshll.u32 s10, $0x4;
	v48 =	vld.idx.msk [tilespmem:v36+s2+$0x0], $0xffff;
	v55 =	vmov s20;
	v23 =	vbroadcast v58, $0x0;
	v39 =	vmul.f32 v14, v14  }
0x204: {  	s0 =	sand.u32 $0x3FFFFFC0, s11;
	v7 =	vadd.f32 v14, v7;
	v42 =	vmul.f32 v38, v38;
	v60 =	vmul.f32 v35, v25;
	v35 =	vld.idx.msk [tilespmem:v24+s2+$0x0], $0xffff  }
0x205: {  	s14 =	sshll.u32 s13, $0x4;
	v8 =	vadd.f32 v38, v8;
	v61 =	vbroadcast v55, $0x0;
	v4 =	vadd.f32 v10, v4;
	v10 =	vld [tilespmem:s0+$0x2700]  }
0x206: {  	v2 =	vadd.f32 v9, v2;
	s0 =	sand.u32 $0x3FFFFFD0, s14;
	v26 =	vld.idx.msk [tilespmem:v26+s2+$0x0], $0xffff;
	v3 =	vadd.f32 v39, v3;
	v32 =	vmul.f32 v60, v60  }
0x207: {  	s17 =	sshll.u32 s15, $0x4;
	v43 =	vld [tilespmem:s0+$0x2700];
	v5 =	vadd.f32 v42, v5;
	v13 =	vmul.f32 v13, v40;
	v9 =	vmul.f32 v31, v44  }
0x208: {  	s19 =	sshll.u32 s18, $0x4;
	s0 =	sand.u32 $0x3FFFFFE0, s17;
	v39 =	vld.idx.msk [tilespmem:v50+s2+$0x0], $0xffff;
	v2 =	vadd.f32 v34, v2;
	v34 =	vbroadcast v63, $0x0;
	v25 =	vmul.f32 v46, v62  }
0x209: {  	s26 =	sshll.u32 s20, $0x4;
	s31 =	sor.u32 $0xC83, s25;
	v6 =	vadd.f32 v60, v6;
	v47 =	vld [tilespmem:s0+$0x2700];
	s0 =	sand.u32 $0x3FFFFFF0, s19;
	v15 =	vmul.f32 v49, v15;
	v49 =	vbroadcast v37, $0x0  }
0x20a: {  	s29 =	sshll.u32 s28, $0x4;
	v52 =	vld [tilespmem:s0+$0x2700];
	s0 =	sand.u32 $0x3FFFFFC0, s26;
	v12 =	vmul.f32 v12, v48;
	v37 =	vmov s31;
	v38 =	vmul.f32 v18, v59  }
0x20b: {  	v1 =	vadd.f32 v32, v1;
	v57 =	vld [tilespmem:s0+$0x2700];
	s0 =	sand.u32 $0x3FFFFFD0, s29;
	v11 =	vmul.f32 v51, v35;
	v51 =	vbroadcast v41, $0x0  }
0x20c: {  	v60 =	vmul.f32 v13, v13;
	v8 =	vadd.f32 v13, v8;
	v46 =	vmul.f32 v25, v25;
	v62 =	vld [tilespmem:s0+$0x2700]  }
0x20d: {  	v53 =	vmul.f32 v15, v15;
	v4 =	vadd.f32 v15, v4;
	s0 =	sshll.u32 s30, $0x4;
	v36 =	vmul.f32 v12, v12;
	v15 =	vld.idx.msk [tilespmem:v56+s2+$0x0], $0xffff  }
0x20e: {  	v6 =	vadd.f32 v25, v6;
	v21 =	vmul.f32 v21, v26;
	v41 =	vld.idx.msk [tilespmem:v61+s2+$0x0], $0xffff;
	v42 =	vmul.f32 v38, v38;
	s0 =	sand.u32 $0x3FFFFFE0, s0  }
0x20f: {  	v61 =	vor.u32 s23, v0;
	v5 =	vadd.f32 v60, v5;
	v8 =	vadd.f32 v38, v8;
	v35 =	vld [tilespmem:s0+$0x2700]  }
0x210: {  	v60 =	vor.u32 s25, v0;
	v1 =	vadd.f32 v46, v1;
	v2 =	vadd.f32 v53, v2;
	v45 =	vld.idx.msk [tilespmem:v34+s2+$0x0], $0xffff  }
0x211: {  	v54 =	vmul.f32 v11, v11;
	v7 =	vadd.f32 v11, v7;
	v6 =	vadd.f32 v9, v6;
	v33 =	vld.idx.msk [tilespmem:v51+s2+$0x0], $0xffff  }
0x212: {  	v9 =	vmul.f32 v9, v9;
	v4 =	vadd.f32 v12, v4;
	v40 =	vmul.f32 v21, v21  }
0x213: {  	v5 =	vadd.f32 v42, v5;
	v3 =	vadd.f32 v54, v3;
	v20 =	vld.idx.msk [tilespmem:v49+s2+$0x0], $0xffff;
	v46 =	vmul.f32 v47, v15  }
0x214: {  	v1 =	vadd.f32 v9, v1;
	v2 =	vadd.f32 v36, v2;
	v49 =	vmul.f32 v52, v39  }
0x215: {  	s0 =	sshll.u32 s31, $0x4;
	v48 =	vld.idx.msk [tilespmem:v37+s2+$0x0], $0xffff;
	v7 =	vadd.f32 v21, v7;
	v52 =	vmul.f32 v57, v41;
	v51 =	vmul.f32 v46, v46  }
0x216: {  	s0 =	sand.u32 $0x3FFFFFF0, s0;
	v3 =	vadd.f32 v40, v3;
	v55 =	vmul.f32 v35, v45;
	v13 =	vmul.f32 v43, v33;
	v43 =	vld.idx.msk [tilespmem:v23+s2+$0x0], $0xffff  }
0x217: {  	v50 =	vld [tilespmem:s0+$0x2700];
	v53 =	vmul.f32 v49, v49;
	v8 =	vadd.f32 v49, v8;
	v7 =	vadd.f32 v46, v7  }
0x218: {  	v10 =	vmul.f32 v10, v20;
	v3 =	vadd.f32 v51, v3;
	v58 =	vmul.f32 v55, v55  }
0x219: {  	v56 =	vmul.f32 v52, v52;
	v5 =	vadd.f32 v53, v5;
	v7 =	vadd.f32 v55, v7  }
0x21a: {  	v44 =	vmul.f32 v10, v10;
	v6 =	vadd.f32 v10, v6;
	v3 =	vadd.f32 v58, v3  }
0x21b: {  	v47 =	vmul.f32 v13, v13;
	v4 =	vadd.f32 v13, v4;
	v54 =	vmul.f32 v62, v43  }
0x21c: {  	v10 =	vmul.f32 v50, v48;
	v1 =	vadd.f32 v44, v1;
	v6 =	vadd.f32 v52, v6  }
0x21d: {  	v2 =	vadd.f32 v47, v2;
	v57 =	vmul.f32 v54, v54;
	v4 =	vadd.f32 v54, v4  }
0x21e: {  	v59 =	vmul.f32 v10, v10;
	v1 =	vadd.f32 v56, v1;
	v6 =	vmul.f32 v6, v6  }
0x21f: {  	v8 =	vadd.f32 v10, v8;
	v2 =	vadd.f32 v57, v2;
	v4 =	vmul.f32 v4, v4  }
0x220: {  	v7 =	vmul.f32 v7, v7;
	v5 =	vadd.f32 v59, v5;
	v1 =	vsub.f32 v6, v1  }
0x221: {  	v8 =	vmul.f32 v8, v8;
	v62 =	vor.u32 s22, v0;
	v2 =	vsub.f32 v4, v2  }
0x222: {  	p0 =	sne.s32 s21, $0x1F;
	v63 =	vor.u32 s24, v0;
	v3 =	vsub.f32 v7, v3;
	v1 =	vmul.f32 $5.000000000e-01, v1  }
.Ltmp2:
0x223: {  	v5 =	vsub.f32 v8, v5;
	v2 =	vmul.f32 $5.000000000e-01, v2;
	(pc) =	sbr.rel @p0 .LBB2_7-.Ltmp2, $4  }
0x224: {  	[tilespmem:v60+s16+$0x0] =	vst.idx.msk $0xffff, v1;
	v1 =	vmul.f32 $5.000000000e-01, v3  }
0x225: {  	[tilespmem:v61+s16+$0x0] =	vst.idx.msk $0xffff, v2;
	v2 =	vmul.f32 $5.000000000e-01, v5  }
0x226: {  	[tilespmem:v62+s16+$0x0] =	vst.idx.msk $0xffff, v1  }
0x227: {  	s21 =	sadd.s32 $0x1, s21;
	[tilespmem:v63+s16+$0x0] =	vst.idx.msk $0xffff, v2  }
0x228: {  	s0 =	rddreg [dreg:$0x7]  }
0x229: {  	s1 =	rddreg [dreg:$0xb];
	s3 =	simm.s32 $0x80  }
0x22a: {  	s29 =	simm.s32 $0x4000;
	s30 =	simm.s32 $0x3;
	s0 =	sadd.s32 s0, s1  }
0x22b: {  	[hbm4b:s0+s3] =	stream.strided.scatter [tilespmem:s16], [sflag:$0x3], $0x1500, s29, s3, $0x38;
	[tilespmem:$0x11900] =	vst v63  }
0x22c: {  	_ =	swait.ge [sflag:s30], $0x1500  }
0x22d: {  	s31 =	rddreg [dreg:$0xa]  }
0x22e: {  	s1 =	sadd.s32 $0x1, s31  }
0x22f: {  	p0 =	sne.s32 s1, $0x4  }
.Ltmp3:
0x230: {  	_ = 	snop;
	(pc) =	sbr.rel @p0 .LBB2_2-.Ltmp3, $3  }
0x231: {  	_ =	sdelay $0x1  }
0x232: {  	[sflag:s30] =	ssyncset.done $0x0  }
0x233: {  	[sflag:s30] =	ssyncadd.s32 $0xFFFFEB00  }
0x234: {  	s1 =	rddreg [dreg:$0x4]  }
0x235: {  	s0 =	rddreg [dreg:$0x9];
	s1 =	sadd.s32 $0x1, s1  }
0x236: {  	p0 =	sne.s32 s1, s0  }
.Ltmp4:
0x237: {  	_ = 	snop;
	(pc) =	sbr.rel @p0 .LBB2_1-.Ltmp4, $1  }
0x238: {  	_ =	sdelay $0x3  }
0x239: {  	_ =	sfence.sel $0x180000  }
0x23a: {  	[bflag:$0x0] =	sbarrier.arrive $0xFFFF  }
0x23b: {  	_ =	strace $0x90000047  }
0x23c: {  	s0 =	stileid.u32;
	[bflag:$0x2] =	sbarrier.arrive $0xFFFF  }
0x23d: {  	p0 =	sne.s32 s0, $0x0;
	s0 =	rddreg [dreg:$0x3]  }
0x23e: {  	s0 =	sadd.s32 @!p0 $0x100000, s0  }
0x23f: {  	[sflag:s0] =	ssyncadd.tile.s32 @!p0 $0x1;
	_ =	shalt  }
.Lfunc_end2:
_tile_overlayer_lowered:
.L_overlay_start_2:
0x240: {  	(tag) =	ssettag $0x2  }
0x241: {  	s0 =	rddreg [dreg:$0x0];
	s2 =	stileid.u32  }
0x242: {  	s1 =	rddreg [dreg:$0x1];
	p0 =	sne.s32 s2, $0x0  }
0x243: {  	s3 =	rddreg [dreg:$0x2];
	[bflag:$0x3] =	sbarrier.arrive $0xFFFF;
	s2 =	simm.s32 @!p0 $0x1C03  }
0x244: {  	[timem:s3], [sflag:s2] =	dma.local @!p0 [hbm:s0], s1  }
0x245: {  	s0 =	simm.s32 @!p0 $0x3  }
0x246: {  	_ =	swait.ge @!p0 [sflag:s0], s1  }
0x247: {  	s1 =	ssub.s32 @!p0 $0x0, s1;
	[sflag:s0] =	ssyncset.done @!p0 $0x0  }
0x248: {  	[sflag:s0] =	ssyncadd.s32 @!p0 s1  }
0x249: {  	[bflag:$0x3] =	sbarrier.arrive $0xFFFF  }
0x24a: {  	_ =	shalt  }

</sc_bundles>
